<compile_context>
chip_gen: v7x
topology: tpu7x:2x2x1
jax: 0.10.2.dev20260603
libtpu: 0.0.44.dev20260713+nightly
codegen_flags: <defaults>
</compile_context>

<pallas_src>
import functools

import jax
import jax.numpy as jnp
from jax import lax
from jax.experimental import pallas as pl
from jax.experimental.pallas import tpu as pltpu
from jax.experimental.pallas import tpu_sc as plsc

_N = 2048
_E = 8192
_D = 128
_H = 4
_DH = 32
_L = 6
_NC = 8

_SC_CORES = 2
_SC_SUBCORES = 16
_EPS = _E // _SC_SUBCORES
_CHUNK = 128
_NCHUNK = _EPS // _CHUNK
_QROWS = 512
_QWORDS = _QROWS * _N
_ZSPAN = _QWORDS // _SC_SUBCORES
_ZSRC = 16384

_BN_INV = 1.0 / (1.0 + 1e-5) ** 0.5
_ATT_SCALE = 1.0 / float(_DH) ** 0.5


def _sc_mesh():
    return plsc.VectorSubcoreMesh(
        core_axis_name="c", subcore_axis_name="s",
        num_cores=_SC_CORES, num_subcores=_SC_SUBCORES)


def _adj_body(row_hbm, col_hbm, a0_hbm, zsrc, ridx, cidx, fidx, ones, buf):
    c = lax.axis_index("c")
    s = lax.axis_index("s")

    for i in range(_CHUNK // 16):
        ones[pl.ds(i * 16, 16)] = jnp.ones((16,), jnp.float32)

    def _zfill(i, carry):
        zsrc[pl.ds(i * 16, 16)] = jnp.zeros((16,), jnp.float32)
        return carry
    lax.fori_loop(0, _ZSRC // 16, _zfill, 0)

    for j in range(_NCHUNK):
        pltpu.sync_copy(row_hbm.at[pl.ds(s * _EPS + j * _CHUNK, _CHUNK)],
                        ridx.at[j])
        pltpu.sync_copy(col_hbm.at[pl.ds(s * _EPS + j * _CHUNK, _CHUNK)],
                        cidx.at[j])

    for q in range(2):
        qq = c * 2 + q
        lo = qq * _QROWS
        for z in range(_ZSPAN // _ZSRC):
            pltpu.sync_copy(zsrc, buf.at[pl.ds(s * _ZSPAN + z * _ZSRC, _ZSRC)])
        plsc.subcore_barrier()
        for j in range(_NCHUNK):
            for k in range(_CHUNK // 16):
                r = ridx[j, pl.ds(k * 16, 16)]
                cc = cidx[j, pl.ds(k * 16, 16)]
                rel = cc - lo
                ok = (rel >= 0) & (rel < _QROWS)
                fidx[j, pl.ds(k * 16, 16)] = jnp.where(
                    ok, rel * _N + r, jnp.int32(_QWORDS))
        for j in range(_NCHUNK):
            pltpu.sync_copy(ones, buf.at[fidx.at[j]], add=True)
        plsc.subcore_barrier()
        pltpu.sync_copy(
            buf.at[pl.ds(s * _ZSPAN, _ZSPAN)],
            a0_hbm.at[pl.ds(qq * _QWORDS + s * _ZSPAN, _ZSPAN)])
        plsc.subcore_barrier()


_adj_call = functools.partial(
    pl.kernel,
    out_type=jax.ShapeDtypeStruct((_N * _N,), jnp.float32),
    mesh=_sc_mesh(),
    scratch_types=[
        pltpu.VMEM((_ZSRC,), jnp.float32),
        pltpu.VMEM((_NCHUNK, _CHUNK), jnp.int32),
        pltpu.VMEM((_NCHUNK, _CHUNK), jnp.int32),
        pltpu.VMEM((_NCHUNK, _CHUNK), jnp.int32),
        pltpu.VMEM((_CHUNK,), jnp.float32),
        pltpu.VMEM_SHARED((_QWORDS + 16,), jnp.float32),
    ],
)(_adj_body)


def _mm(a, b):
    return lax.dot_general(a, b, (((1,), (0,)), ((), ())),
                           preferred_element_type=jnp.float32)


def _bn(v, g, b):
    return v * (_BN_INV * g) + b


def _net_body(x_ref, embW_ref, embb_ref, a0_ref, gcnW_ref, gcnb_ref,
              Wq_ref, Wk_ref, Wv_ref, bq_ref, bk_ref, bv_ref,
              Wo_ref, outb_ref, bn1g_ref, bn1b_ref, bn2g_ref, bn2b_ref,
              W1_ref, b1_ref, W2_ref, b2_ref, bn3g_ref, bn3b_ref,
              clsW_ref, clsb_ref, logit_ref, h_s, dinv_s, a0b_s):
    li = pl.program_id(0)

    @pl.when(li == 0)
    def _():
        a0 = a0_ref[...]
        deg = jnp.sum(a0, axis=-1, keepdims=True) + 1.0
        dinv_s[...] = lax.rsqrt(deg)
        a0b_s[...] = a0.astype(jnp.bfloat16)
        hx = _mm(x_ref[...], embW_ref[...].T) + embb_ref[...]
        h_s[...] = jnp.where(hx > 0, hx, 0.01 * hx)

    h = h_s[...]
    dinv = dinv_s[...]

    hwf = dinv * _mm(h, gcnW_ref[0].T)
    hwb = hwf.astype(jnp.bfloat16)
    agg = dinv * (_mm(a0b_s[...], hwb) + hwf) + gcnb_ref[0]
    h1 = _bn(agg + h, bn1g_ref[0], bn1b_ref[0])

    att = outb_ref[0]
    ones_col = jnp.ones((_N, 1), jnp.bfloat16)
    for hd in range(_H):
        q = (_mm(h, Wq_ref[0, hd].T) + bq_ref[0, hd]) * _ATT_SCALE
        k = _mm(h, Wk_ref[0, hd].T) + bk_ref[0, hd]
        v = _mm(h, Wv_ref[0, hd].T) + bv_ref[0, hd]
        s = _mm(q.astype(jnp.bfloat16), k.astype(jnp.bfloat16).T)
        pb = jnp.exp(s).astype(jnp.bfloat16)
        vaug = jnp.concatenate(
            [v.astype(jnp.bfloat16), ones_col], axis=1)
        oaug = _mm(pb, vaug)
        o_h = oaug[:, :_DH] / oaug[:, _DH:_DH + 1]
        att = att + _mm(o_h, Wo_ref[0, hd].T)
    h2 = _bn(att + h, bn2g_ref[0], bn2b_ref[0])

    out = h1 + h2
    m0 = _mm(out, W1_ref[0].T) + b1_ref[0]
    m = _mm(jnp.maximum(m0, 0.0), W2_ref[0].T) + b2_ref[0]
    hn = _bn(out + m, bn3g_ref[0], bn3b_ref[0])
    h_s[...] = hn

    @pl.when(li == _L - 1)
    def _():
        pooled = jnp.mean(hn, axis=0, keepdims=True)
        logit_ref[...] = _mm(pooled, clsW_ref[...].T) + clsb_ref[...]


def _const2(shape):
    return pl.BlockSpec(shape, lambda l: (0,) * len(shape))


def _perlayer(shape):
    return pl.BlockSpec((1,) + shape, lambda l: (l,) + (0,) * len(shape))


_net_call = pl.pallas_call(
    _net_body,
    grid=(_L,),
    in_specs=[
        _const2((_N, 2)),
        _const2((_D, 2)),
        _const2((1, _D)),
        _const2((_N, _N)),
        _perlayer((_D, _D)),
        _perlayer((1, _D)),
        _perlayer((_H, _DH, _D)),
        _perlayer((_H, _DH, _D)),
        _perlayer((_H, _DH, _D)),
        _perlayer((_H, 1, _DH)),
        _perlayer((_H, 1, _DH)),
        _perlayer((_H, 1, _DH)),
        _perlayer((_H, _D, _DH)),
        _perlayer((1, _D)),
        _perlayer((1, _D)),
        _perlayer((1, _D)),
        _perlayer((1, _D)),
        _perlayer((1, _D)),
        _perlayer((2 * _D, _D)),
        _perlayer((1, 2 * _D)),
        _perlayer((_D, 2 * _D)),
        _perlayer((1, _D)),
        _perlayer((1, _D)),
        _perlayer((1, _D)),
        _const2((_NC, _D)),
        _const2((1, _NC)),
    ],
    out_specs=pl.BlockSpec((1, _NC), lambda l: (0, 0)),
    out_shape=jax.ShapeDtypeStruct((1, _NC), jnp.float32),
    scratch_shapes=[
        pltpu.VMEM((_N, _D), jnp.float32),
        pltpu.VMEM((_N, 1), jnp.float32),
        pltpu.VMEM((_N, _N), jnp.bfloat16),
    ],
    compiler_params=pltpu.CompilerParams(
        dimension_semantics=("arbitrary",),
        vmem_limit_bytes=110 * 1024 * 1024,
    ),
)


def kernel(x, edge_index, emb_W, emb_b, gcn_W, gcn_b, bn1_g, bn1_b,
           attn_in_W, attn_in_b, attn_out_W, attn_out_b, bn2_g, bn2_b,
           mlp_W1, mlp_b1, mlp_W2, mlp_b2, bn3_g, bn3_b, cls_W, cls_b):
    row = edge_index[0]
    col = edge_index[1]

    a0 = _adj_call(row, col).reshape(_N, _N)

    Wq = attn_in_W[:, :_D].reshape(_L, _H, _DH, _D)
    Wk = attn_in_W[:, _D:2 * _D].reshape(_L, _H, _DH, _D)
    Wv = attn_in_W[:, 2 * _D:].reshape(_L, _H, _DH, _D)
    bq = attn_in_b[:, :_D].reshape(_L, _H, 1, _DH)
    bk = attn_in_b[:, _D:2 * _D].reshape(_L, _H, 1, _DH)
    bv = attn_in_b[:, 2 * _D:].reshape(_L, _H, 1, _DH)
    Wo = attn_out_W.reshape(_L, _D, _H, _DH).transpose(0, 2, 1, 3)

    logits = _net_call(
        x, emb_W, emb_b.reshape(1, _D), a0, gcn_W, gcn_b.reshape(_L, 1, _D),
        Wq, Wk, Wv, bq, bk, bv,
        Wo, attn_out_b.reshape(_L, 1, _D),
        bn1_g.reshape(_L, 1, _D), bn1_b.reshape(_L, 1, _D),
        bn2_g.reshape(_L, 1, _D), bn2_b.reshape(_L, 1, _D),
        mlp_W1, mlp_b1.reshape(_L, 1, 2 * _D),
        mlp_W2, mlp_b2.reshape(_L, 1, _D),
        bn3_g.reshape(_L, 1, _D), bn3_b.reshape(_L, 1, _D),
        cls_W, cls_b.reshape(1, _NC))
    return logits.reshape(_NC)

# --- scband reference (transcript-rebuilt; emitter-appended) ---
"""Pipeline reference for scband-my-model-17179869184056 (READ-ONLY COPY).

The authoritative reference and input builder live on the scoring server;
editing this copy changes nothing except your own understanding.
"""

import jax, jax.numpy as jnp
import numpy as np

N = 2048
E = 8192
D = 128
L = 6
H = 4
DH = D // H
NC = 8

def setup_inputs(seed: int = 0):
    key = jax.random.key(seed)
    ks = jax.random.split(key, 12)
    s = 0.05
    inp = {}
    inp["x"] = jax.random.normal(ks[0], (N, 2), dtype=jnp.float32)
    inp["edge_index"] = jax.random.randint(ks[1], (2, E), 0, N, dtype=jnp.int32)
    inp["emb_W"] = jax.random.normal(ks[2], (D, 2), dtype=jnp.float32) * s
    inp["emb_b"] = jnp.zeros((D,), jnp.float32)
    inp["gcn_W"] = jax.random.normal(ks[3], (L, D, D), dtype=jnp.float32) * s
    inp["gcn_b"] = jnp.zeros((L, D), jnp.float32)
    inp["bn1_g"] = jnp.ones((L, D), jnp.float32)
    inp["bn1_b"] = jnp.zeros((L, D), jnp.float32)
    inp["attn_in_W"] = jax.random.normal(ks[4], (L, 3 * D, D), dtype=jnp.float32) * s
    inp["attn_in_b"] = jnp.zeros((L, 3 * D), jnp.float32)
    inp["attn_out_W"] = jax.random.normal(ks[5], (L, D, D), dtype=jnp.float32) * s
    inp["attn_out_b"] = jnp.zeros((L, D), jnp.float32)
    inp["bn2_g"] = jnp.ones((L, D), jnp.float32)
    inp["bn2_b"] = jnp.zeros((L, D), jnp.float32)
    inp["mlp_W1"] = jax.random.normal(ks[6], (L, 2 * D, D), dtype=jnp.float32) * s
    inp["mlp_b1"] = jnp.zeros((L, 2 * D), jnp.float32)
    inp["mlp_W2"] = jax.random.normal(ks[7], (L, D, 2 * D), dtype=jnp.float32) * s
    inp["mlp_b2"] = jnp.zeros((L, D), jnp.float32)
    inp["bn3_g"] = jnp.ones((L, D), jnp.float32)
    inp["bn3_b"] = jnp.zeros((L, D), jnp.float32)
    inp["cls_W"] = jax.random.normal(ks[8], (NC, D), dtype=jnp.float32) * s
    inp["cls_b"] = jnp.zeros((NC,), jnp.float32)
    return inp

def _bn_eval(h, g, b):
    # BatchNorm in eval mode with fresh running stats (mean=0, var=1)
    return h / jnp.sqrt(1.0 + 1e-5) * g + b

def _gcn(h, W, b, row, col):
    # GCNConv with added self-loops and symmetric normalization
    hw = h @ W.T
    ones = jnp.ones((row.shape[0],), jnp.float32)
    deg = jax.ops.segment_sum(ones, col, num_segments=N) + 1.0
    dinv = 1.0 / jnp.sqrt(deg)
    norm = dinv[row] * dinv[col]
    msg = hw[row] * norm[:, None]
    agg = jax.ops.segment_sum(msg, col, num_segments=N)
    agg = agg + hw * (dinv * dinv)[:, None]
    return agg + b

def _mha(h, inW, inb, outW, outb):
    qkv = h @ inW.T + inb
    q, k, v = jnp.split(qkv, 3, axis=-1)
    q = q.reshape(N, H, DH).transpose(1, 0, 2)
    k = k.reshape(N, H, DH).transpose(1, 0, 2)
    v = v.reshape(N, H, DH).transpose(1, 0, 2)
    att = jnp.einsum('hid,hjd->hij', q, k) / jnp.sqrt(float(DH))
    att = jax.nn.softmax(att, axis=-1)
    o = jnp.einsum('hij,hjd->hid', att, v)
    o = o.transpose(1, 0, 2).reshape(N, D)
    return o @ outW.T + outb

def reference(x, edge_index, emb_W, emb_b, gcn_W, gcn_b, bn1_g, bn1_b, attn_in_W, attn_in_b, attn_out_W, attn_out_b, bn2_g, bn2_b, mlp_W1, mlp_b1, mlp_W2, mlp_b2, bn3_g, bn3_b, cls_W, cls_b):
    row = edge_index[0]
    col = edge_index[1]
    h = jax.nn.leaky_relu(x @ emb_W.T + emb_b, negative_slope=0.01)
    for i in range(L):
        # GPSConv layer (eval mode, dropout disabled)
        h1 = _gcn(h, gcn_W[i], gcn_b[i], row, col)
        h1 = _bn_eval(h1 + h, bn1_g[i], bn1_b[i])
        h2 = _mha(h, attn_in_W[i], attn_in_b[i], attn_out_W[i], attn_out_b[i])
        h2 = _bn_eval(h2 + h, bn2_g[i], bn2_b[i])
        out = h1 + h2
        m = jax.nn.relu(out @ mlp_W1[i].T + mlp_b1[i]) @ mlp_W2[i].T + mlp_b2[i]
        out = _bn_eval(out + m, bn3_g[i], bn3_b[i])
        h = out
    pooled = jnp.mean(h, axis=0)
    return pooled @ cls_W.T + cls_b

if __name__ == "__main__":
    import jax
    _d = setup_inputs()
    print(jax.jit(kernel)(*tuple(_d.values())))

</pallas_src>

<mosaic_0001>
#map = affine_map<(d0, d1) -> (0)>
module attributes {stable_mosaic.version = 14 : i64} {
  func.func @_adj_body(%arg0: i32, %arg1: i32, %arg2: memref<8192xi32, #tpu.memory_space<hbm>>, %arg3: memref<8192xi32, #tpu.memory_space<hbm>>, %arg4: memref<4194304xf32, #tpu.memory_space<hbm>>, %arg5: memref<16384xf32, #tpu.memory_space<vmem>>, %arg6: memref<4x128xi32, #tpu.memory_space<vmem>>, %arg7: memref<4x128xi32, #tpu.memory_space<vmem>>, %arg8: memref<4x128xi32, #tpu.memory_space<vmem>>, %arg9: memref<128xf32, #tpu.memory_space<vmem>>, %arg10: memref<1048592xf32, #tpu.memory_space<vmem_shared>>) attributes {dimension_semantics = [#tpu.dimension_semantics<core_parallel>, #tpu.dimension_semantics<subcore_parallel>], iteration_bounds = array<i64: 2, 16>, scalar_prefetch = 0 : i64, scratch_operands = 6 : i64, tpu.core_type = #tpu.core_type<sc_vector_subcore>, window_params = [{transform_indices = #map}, {transform_indices = #map}, {transform_indices = #map}]} {
    %broadcast_in_dim3A = arith.constant 1.000000e+00 : f32
    %broadcast_in_dim3A_0 = vector.broadcast %broadcast_in_dim3A : f32 to vector<16xf32>
    %swap3A = arith.constant 0 : index
    %swap3A_1 = tpu.vector_load %arg9[%swap3A] {strides = array<i32>} : memref<128xf32, #tpu.memory_space<vmem>>, vector<16xf32>,
    %swap3A_2 = vector.shape_cast %swap3A_1 : vector<16xf32> to vector<16xf32>
    %swap3A_3 = vector.shape_cast %broadcast_in_dim3A_0 : vector<16xf32> to vector<16xf32>
    tpu.vector_store %arg9[%swap3A], %swap3A_3 {strides = array<i32>} : memref<128xf32, #tpu.memory_space<vmem>>, vector<16xf32>,
    %broadcast_in_dim3A_4 = arith.constant 1.000000e+00 : f32
    %broadcast_in_dim3A_5 = vector.broadcast %broadcast_in_dim3A_4 : f32 to vector<16xf32>
    %swap3A_6 = arith.constant 16 : index
    %swap3A_7 = tpu.vector_load %arg9[%swap3A_6] {strides = array<i32>} : memref<128xf32, #tpu.memory_space<vmem>>, vector<16xf32>,
    %swap3A_8 = vector.shape_cast %swap3A_7 : vector<16xf32> to vector<16xf32>
    %swap3A_9 = vector.shape_cast %broadcast_in_dim3A_5 : vector<16xf32> to vector<16xf32>
    tpu.vector_store %arg9[%swap3A_6], %swap3A_9 {strides = array<i32>} : memref<128xf32, #tpu.memory_space<vmem>>, vector<16xf32>,
    %broadcast_in_dim3A_10 = arith.constant 1.000000e+00 : f32
    %broadcast_in_dim3A_11 = vector.broadcast %broadcast_in_dim3A_10 : f32 to vector<16xf32>
    %swap3A_12 = arith.constant 32 : index
    %swap3A_13 = tpu.vector_load %arg9[%swap3A_12] {strides = array<i32>} : memref<128xf32, #tpu.memory_space<vmem>>, vector<16xf32>,
    %swap3A_14 = vector.shape_cast %swap3A_13 : vector<16xf32> to vector<16xf32>
    %swap3A_15 = vector.shape_cast %broadcast_in_dim3A_11 : vector<16xf32> to vector<16xf32>
    tpu.vector_store %arg9[%swap3A_12], %swap3A_15 {strides = array<i32>} : memref<128xf32, #tpu.memory_space<vmem>>, vector<16xf32>,
    %broadcast_in_dim3A_16 = arith.constant 1.000000e+00 : f32
    %broadcast_in_dim3A_17 = vector.broadcast %broadcast_in_dim3A_16 : f32 to vector<16xf32>
    %swap3A_18 = arith.constant 48 : index
    %swap3A_19 = tpu.vector_load %arg9[%swap3A_18] {strides = array<i32>} : memref<128xf32, #tpu.memory_space<vmem>>, vector<16xf32>,
    %swap3A_20 = vector.shape_cast %swap3A_19 : vector<16xf32> to vector<16xf32>
    %swap3A_21 = vector.shape_cast %broadcast_in_dim3A_17 : vector<16xf32> to vector<16xf32>
    tpu.vector_store %arg9[%swap3A_18], %swap3A_21 {strides = array<i32>} : memref<128xf32, #tpu.memory_space<vmem>>, vector<16xf32>,
    %broadcast_in_dim3A_22 = arith.constant 1.000000e+00 : f32
    %broadcast_in_dim3A_23 = vector.broadcast %broadcast_in_dim3A_22 : f32 to vector<16xf32>
    %swap3A_24 = arith.constant 64 : index
    %swap3A_25 = tpu.vector_load %arg9[%swap3A_24] {strides = array<i32>} : memref<128xf32, #tpu.memory_space<vmem>>, vector<16xf32>,
    %swap3A_26 = vector.shape_cast %swap3A_25 : vector<16xf32> to vector<16xf32>
    %swap3A_27 = vector.shape_cast %broadcast_in_dim3A_23 : vector<16xf32> to vector<16xf32>
    tpu.vector_store %arg9[%swap3A_24], %swap3A_27 {strides = array<i32>} : memref<128xf32, #tpu.memory_space<vmem>>, vector<16xf32>,
    %broadcast_in_dim3A_28 = arith.constant 1.000000e+00 : f32
    %broadcast_in_dim3A_29 = vector.broadcast %broadcast_in_dim3A_28 : f32 to vector<16xf32>
    %swap3A_30 = arith.constant 80 : index
    %swap3A_31 = tpu.vector_load %arg9[%swap3A_30] {strides = array<i32>} : memref<128xf32, #tpu.memory_space<vmem>>, vector<16xf32>,
    %swap3A_32 = vector.shape_cast %swap3A_31 : vector<16xf32> to vector<16xf32>
    %swap3A_33 = vector.shape_cast %broadcast_in_dim3A_29 : vector<16xf32> to vector<16xf32>
    tpu.vector_store %arg9[%swap3A_30], %swap3A_33 {strides = array<i32>} : memref<128xf32, #tpu.memory_space<vmem>>, vector<16xf32>,
    %broadcast_in_dim3A_34 = arith.constant 1.000000e+00 : f32
    %broadcast_in_dim3A_35 = vector.broadcast %broadcast_in_dim3A_34 : f32 to vector<16xf32>
    %swap3A_36 = arith.constant 96 : index
    %swap3A_37 = tpu.vector_load %arg9[%swap3A_36] {strides = array<i32>} : memref<128xf32, #tpu.memory_space<vmem>>, vector<16xf32>,
    %swap3A_38 = vector.shape_cast %swap3A_37 : vector<16xf32> to vector<16xf32>
    %swap3A_39 = vector.shape_cast %broadcast_in_dim3A_35 : vector<16xf32> to vector<16xf32>
    tpu.vector_store %arg9[%swap3A_36], %swap3A_39 {strides = array<i32>} : memref<128xf32, #tpu.memory_space<vmem>>, vector<16xf32>,
    %broadcast_in_dim3A_40 = arith.constant 1.000000e+00 : f32
    %broadcast_in_dim3A_41 = vector.broadcast %broadcast_in_dim3A_40 : f32 to vector<16xf32>
    %swap3A_42 = arith.constant 112 : index
    %swap3A_43 = tpu.vector_load %arg9[%swap3A_42] {strides = array<i32>} : memref<128xf32, #tpu.memory_space<vmem>>, vector<16xf32>,
    %swap3A_44 = vector.shape_cast %swap3A_43 : vector<16xf32> to vector<16xf32>
    %swap3A_45 = vector.shape_cast %broadcast_in_dim3A_41 : vector<16xf32> to vector<16xf32>
    tpu.vector_store %arg9[%swap3A_42], %swap3A_45 {strides = array<i32>} : memref<128xf32, #tpu.memory_space<vmem>>, vector<16xf32>,
    %scan3A = arith.constant 0 : i32
    %scan3A_46 = arith.constant 0 : i32
    %scan3A_47 = arith.constant 1024 : i32
    %scan3A_48 = arith.addi %scan3A_46, %scan3A_47 : i32
    %scan3A_49 = arith.constant 1 : i32
    scf.for %scan3A_2200 = %scan3A_46 to %scan3A_48 step %scan3A_49  : i32 {
      %broadcast_in_dim3A_2201 = arith.constant 0.000000e+00 : f32
      %broadcast_in_dim3A_2202 = vector.broadcast %broadcast_in_dim3A_2201 : f32 to vector<16xf32>
      %mul3A_2203 = arith.constant 16 : i32
      %mul3A_2204 = arith.muli %scan3A_2200, %mul3A_2203 : i32
      %swap3A_2205 = arith.index_cast %mul3A_2204 : i32 to index
      %swap3A_2206 = tpu.vector_load %arg5[%swap3A_2205] {strides = array<i32>} : memref<16384xf32, #tpu.memory_space<vmem>>, vector<16xf32>,
      %swap3A_2207 = vector.shape_cast %swap3A_2206 : vector<16xf32> to vector<16xf32>
      %swap3A_2208 = vector.shape_cast %broadcast_in_dim3A_2202 : vector<16xf32> to vector<16xf32>
      tpu.vector_store %arg5[%swap3A_2205], %swap3A_2208 {strides = array<i32>} : memref<16384xf32, #tpu.memory_space<vmem>>, vector<16xf32>,
    }
    %scan3A_50 = arith.constant 1024 : i32
    %mul3A = arith.constant 512 : i32
    %mul3A_51 = arith.muli %arg1, %mul3A : i32
    %add3A = arith.constant 0 : i32
    %add3A_52 = arith.addi %mul3A_51, %add3A : i32
    %run_scoped3A = arith.constant 0 : i32
    "tpu.region"() ({
      %run_scoped3A_2200 = tpu.sem_alloc : memref<!tpu.dma_semaphore, #tpu.memory_space<semaphore_mem>>
      %dma_start3A = arith.constant 0 : i32
      %dma_start3A_2201 = tpu.memref_slice %arg6[%run_scoped3A, %dma_start3A] : memref<4x128xi32, #tpu.memory_space<vmem>> -> memref<1x128xi32, #tpu.memory_space<vmem>>
      %dma_start3A_2202 = tpu.memref_squeeze %dma_start3A_2201 : memref<1x128xi32, #tpu.memory_space<vmem>> -> memref<128xi32, #tpu.memory_space<vmem>>
      %dma_start3A_2203 = tpu.memref_slice %arg2[%add3A_52] : memref<8192xi32, #tpu.memory_space<hbm>> -> memref<128xi32, #tpu.memory_space<hbm>>
      %dma_start3A_2204 = arith.constant 0 : i32
      %dma_start3A_2205 = tpu.memref_slice %arg6[%run_scoped3A, %dma_start3A_2204] : memref<4x128xi32, #tpu.memory_space<vmem>> -> memref<1x128xi32, #tpu.memory_space<vmem>>
      %dma_start3A_2206 = tpu.memref_squeeze %dma_start3A_2205 : memref<1x128xi32, #tpu.memory_space<vmem>> -> memref<128xi32, #tpu.memory_space<vmem>>
      %dma_start3A_2207 = tpu.memref_slice %arg2[%add3A_52] : memref<8192xi32, #tpu.memory_space<hbm>> -> memref<128xi32, #tpu.memory_space<hbm>>
      tpu.enqueue_dma source(%dma_start3A_2207 : memref<128xi32, #tpu.memory_space<hbm>>) target(%dma_start3A_2206 : memref<128xi32, #tpu.memory_space<vmem>>) target_semaphore(%run_scoped3A_2200 : memref<!tpu.dma_semaphore, #tpu.memory_space<semaphore_mem>>)
      %dma_wait3A = arith.constant 0 : i32
      %dma_wait3A_2208 = tpu.memref_slice %arg6[%run_scoped3A, %dma_wait3A] : memref<4x128xi32, #tpu.memory_space<vmem>> -> memref<1x128xi32, #tpu.memory_space<vmem>>
      %dma_wait3A_2209 = tpu.memref_squeeze %dma_wait3A_2208 : memref<1x128xi32, #tpu.memory_space<vmem>> -> memref<128xi32, #tpu.memory_space<vmem>>
      %dma_wait3A_2210 = tpu.memref_slice %arg2[%add3A_52] : memref<8192xi32, #tpu.memory_space<hbm>> -> memref<128xi32, #tpu.memory_space<hbm>>
      %dma_wait3A_2211 = arith.constant 0 : i32
      %dma_wait3A_2212 = tpu.memref_slice %arg6[%run_scoped3A, %dma_wait3A_2211] : memref<4x128xi32, #tpu.memory_space<vmem>> -> memref<1x128xi32, #tpu.memory_space<vmem>>
      %dma_wait3A_2213 = tpu.memref_squeeze %dma_wait3A_2212 : memref<1x128xi32, #tpu.memory_space<vmem>> -> memref<128xi32, #tpu.memory_space<vmem>>
      %dma_wait3A_2214 = tpu.memref_slice %arg2[%add3A_52] : memref<8192xi32, #tpu.memory_space<hbm>> -> memref<128xi32, #tpu.memory_space<hbm>>
      tpu.wait_dma2 semaphore(%run_scoped3A_2200 : memref<!tpu.dma_semaphore, #tpu.memory_space<semaphore_mem>>) src(%dma_wait3A_2214 : memref<128xi32, #tpu.memory_space<hbm>>) dst(%dma_wait3A_2213 : memref<128xi32, #tpu.memory_space<vmem>>)
      tpu.yield
    }) : () -> ()
    %mul3A_53 = arith.constant 512 : i32
    %mul3A_54 = arith.muli %arg1, %mul3A_53 : i32
    %add3A_55 = arith.constant 0 : i32
    %add3A_56 = arith.addi %mul3A_54, %add3A_55 : i32
    %run_scoped3A_57 = arith.constant 0 : i32
    "tpu.region"() ({
      %run_scoped3A_2200 = tpu.sem_alloc : memref<!tpu.dma_semaphore, #tpu.memory_space<semaphore_mem>>
      %dma_start3A = arith.constant 0 : i32
      %dma_start3A_2201 = tpu.memref_slice %arg7[%run_scoped3A_57, %dma_start3A] : memref<4x128xi32, #tpu.memory_space<vmem>> -> memref<1x128xi32, #tpu.memory_space<vmem>>
      %dma_start3A_2202 = tpu.memref_squeeze %dma_start3A_2201 : memref<1x128xi32, #tpu.memory_space<vmem>> -> memref<128xi32, #tpu.memory_space<vmem>>
      %dma_start3A_2203 = tpu.memref_slice %arg3[%add3A_56] : memref<8192xi32, #tpu.memory_space<hbm>> -> memref<128xi32, #tpu.memory_space<hbm>>
      %dma_start3A_2204 = arith.constant 0 : i32
      %dma_start3A_2205 = tpu.memref_slice %arg7[%run_scoped3A_57, %dma_start3A_2204] : memref<4x128xi32, #tpu.memory_space<vmem>> -> memref<1x128xi32, #tpu.memory_space<vmem>>
      %dma_start3A_2206 = tpu.memref_squeeze %dma_start3A_2205 : memref<1x128xi32, #tpu.memory_space<vmem>> -> memref<128xi32, #tpu.memory_space<vmem>>
      %dma_start3A_2207 = tpu.memref_slice %arg3[%add3A_56] : memref<8192xi32, #tpu.memory_space<hbm>> -> memref<128xi32, #tpu.memory_space<hbm>>
      tpu.enqueue_dma source(%dma_start3A_2207 : memref<128xi32, #tpu.memory_space<hbm>>) target(%dma_start3A_2206 : memref<128xi32, #tpu.memory_space<vmem>>) target_semaphore(%run_scoped3A_2200 : memref<!tpu.dma_semaphore, #tpu.memory_space<semaphore_mem>>)
      %dma_wait3A = arith.constant 0 : i32
      %dma_wait3A_2208 = tpu.memref_slice %arg7[%run_scoped3A_57, %dma_wait3A] : memref<4x128xi32, #tpu.memory_space<vmem>> -> memref<1x128xi32, #tpu.memory_space<vmem>>
      %dma_wait3A_2209 = tpu.memref_squeeze %dma_wait3A_2208 : memref<1x128xi32, #tpu.memory_space<vmem>> -> memref<128xi32, #tpu.memory_space<vmem>>
      %dma_wait3A_2210 = tpu.memref_slice %arg3[%add3A_56] : memref<8192xi32, #tpu.memory_space<hbm>> -> memref<128xi32, #tpu.memory_space<hbm>>
      %dma_wait3A_2211 = arith.constant 0 : i32
      %dma_wait3A_2212 = tpu.memref_slice %arg7[%run_scoped3A_57, %dma_wait3A_2211] : memref<4x128xi32, #tpu.memory_space<vmem>> -> memref<1x128xi32, #tpu.memory_space<vmem>>
      %dma_wait3A_2213 = tpu.memref_squeeze %dma_wait3A_2212 : memref<1x128xi32, #tpu.memory_space<vmem>> -> memref<128xi32, #tpu.memory_space<vmem>>
      %dma_wait3A_2214 = tpu.memref_slice %arg3[%add3A_56] : memref<8192xi32, #tpu.memory_space<hbm>> -> memref<128xi32, #tpu.memory_space<hbm>>
      tpu.wait_dma2 semaphore(%run_scoped3A_2200 : memref<!tpu.dma_semaphore, #tpu.memory_space<semaphore_mem>>) src(%dma_wait3A_2214 : memref<128xi32, #tpu.memory_space<hbm>>) dst(%dma_wait3A_2213 : memref<128xi32, #tpu.memory_space<vmem>>)
      tpu.yield
    }) : () -> ()
    %mul3A_58 = arith.constant 512 : i32
    %mul3A_59 = arith.muli %arg1, %mul3A_58 : i32
    %add3A_60 = arith.constant 128 : i32
    %add3A_61 = arith.addi %mul3A_59, %add3A_60 : i32
    %run_scoped3A_62 = arith.constant 1 : i32
    "tpu.region"() ({
      %run_scoped3A_2200 = tpu.sem_alloc : memref<!tpu.dma_semaphore, #tpu.memory_space<semaphore_mem>>
      %dma_start3A = arith.constant 0 : i32
      %dma_start3A_2201 = tpu.memref_slice %arg6[%run_scoped3A_62, %dma_start3A] : memref<4x128xi32, #tpu.memory_space<vmem>> -> memref<1x128xi32, #tpu.memory_space<vmem>>
      %dma_start3A_2202 = tpu.memref_squeeze %dma_start3A_2201 : memref<1x128xi32, #tpu.memory_space<vmem>> -> memref<128xi32, #tpu.memory_space<vmem>>
      %dma_start3A_2203 = tpu.memref_slice %arg2[%add3A_61] : memref<8192xi32, #tpu.memory_space<hbm>> -> memref<128xi32, #tpu.memory_space<hbm>>
      %dma_start3A_2204 = arith.constant 0 : i32
      %dma_start3A_2205 = tpu.memref_slice %arg6[%run_scoped3A_62, %dma_start3A_2204] : memref<4x128xi32, #tpu.memory_space<vmem>> -> memref<1x128xi32, #tpu.memory_space<vmem>>
      %dma_start3A_2206 = tpu.memref_squeeze %dma_start3A_2205 : memref<1x128xi32, #tpu.memory_space<vmem>> -> memref<128xi32, #tpu.memory_space<vmem>>
      %dma_start3A_2207 = tpu.memref_slice %arg2[%add3A_61] : memref<8192xi32, #tpu.memory_space<hbm>> -> memref<128xi32, #tpu.memory_space<hbm>>
      tpu.enqueue_dma source(%dma_start3A_2207 : memref<128xi32, #tpu.memory_space<hbm>>) target(%dma_start3A_2206 : memref<128xi32, #tpu.memory_space<vmem>>) target_semaphore(%run_scoped3A_2200 : memref<!tpu.dma_semaphore, #tpu.memory_space<semaphore_mem>>)
      %dma_wait3A = arith.constant 0 : i32
      %dma_wait3A_2208 = tpu.memref_slice %arg6[%run_scoped3A_62, %dma_wait3A] : memref<4x128xi32, #tpu.memory_space<vmem>> -> memref<1x128xi32, #tpu.memory_space<vmem>>
      %dma_wait3A_2209 = tpu.memref_squeeze %dma_wait3A_2208 : memref<1x128xi32, #tpu.memory_space<vmem>> -> memref<128xi32, #tpu.memory_space<vmem>>
      %dma_wait3A_2210 = tpu.memref_slice %arg2[%add3A_61] : memref<8192xi32, #tpu.memory_space<hbm>> -> memref<128xi32, #tpu.memory_space<hbm>>
      %dma_wait3A_2211 = arith.constant 0 : i32
      %dma_wait3A_2212 = tpu.memref_slice %arg6[%run_scoped3A_62, %dma_wait3A_2211] : memref<4x128xi32, #tpu.memory_space<vmem>> -> memref<1x128xi32, #tpu.memory_space<vmem>>
      %dma_wait3A_2213 = tpu.memref_squeeze %dma_wait3A_2212 : memref<1x128xi32, #tpu.memory_space<vmem>> -> memref<128xi32, #tpu.memory_space<vmem>>
      %dma_wait3A_2214 = tpu.memref_slice %arg2[%add3A_61] : memref<8192xi32, #tpu.memory_space<hbm>> -> memref<128xi32, #tpu.memory_space<hbm>>
      tpu.wait_dma2 semaphore(%run_scoped3A_2200 : memref<!tpu.dma_semaphore, #tpu.memory_space<semaphore_mem>>) src(%dma_wait3A_2214 : memref<128xi32, #tpu.memory_space<hbm>>) dst(%dma_wait3A_2213 : memref<128xi32, #tpu.memory_space<vmem>>)
      tpu.yield
    }) : () -> ()
    %mul3A_63 = arith.constant 512 : i32
    %mul3A_64 = arith.muli %arg1, %mul3A_63 : i32
    %add3A_65 = arith.constant 128 : i32
    %add3A_66 = arith.addi %mul3A_64, %add3A_65 : i32
    %run_scoped3A_67 = arith.constant 1 : i32
    "tpu.region"() ({
      %run_scoped3A_2200 = tpu.sem_alloc : memref<!tpu.dma_semaphore, #tpu.memory_space<semaphore_mem>>
      %dma_start3A = arith.constant 0 : i32
      %dma_start3A_2201 = tpu.memref_slice %arg7[%run_scoped3A_67, %dma_start3A] : memref<4x128xi32, #tpu.memory_space<vmem>> -> memref<1x128xi32, #tpu.memory_space<vmem>>
      %dma_start3A_2202 = tpu.memref_squeeze %dma_start3A_2201 : memref<1x128xi32, #tpu.memory_space<vmem>> -> memref<128xi32, #tpu.memory_space<vmem>>
      %dma_start3A_2203 = tpu.memref_slice %arg3[%add3A_66] : memref<8192xi32, #tpu.memory_space<hbm>> -> memref<128xi32, #tpu.memory_space<hbm>>
      %dma_start3A_2204 = arith.constant 0 : i32
      %dma_start3A_2205 = tpu.memref_slice %arg7[%run_scoped3A_67, %dma_start3A_2204] : memref<4x128xi32, #tpu.memory_space<vmem>> -> memref<1x128xi32, #tpu.memory_space<vmem>>
      %dma_start3A_2206 = tpu.memref_squeeze %dma_start3A_2205 : memref<1x128xi32, #tpu.memory_space<vmem>> -> memref<128xi32, #tpu.memory_space<vmem>>
      %dma_start3A_2207 = tpu.memref_slice %arg3[%add3A_66] : memref<8192xi32, #tpu.memory_space<hbm>> -> memref<128xi32, #tpu.memory_space<hbm>>
      tpu.enqueue_dma source(%dma_start3A_2207 : memref<128xi32, #tpu.memory_space<hbm>>) target(%dma_start3A_2206 : memref<128xi32, #tpu.memory_space<vmem>>) target_semaphore(%run_scoped3A_2200 : memref<!tpu.dma_semaphore, #tpu.memory_space<semaphore_mem>>)
      %dma_wait3A = arith.constant 0 : i32
      %dma_wait3A_2208 = tpu.memref_slice %arg7[%run_scoped3A_67, %dma_wait3A] : memref<4x128xi32, #tpu.memory_space<vmem>> -> memref<1x128xi32, #tpu.memory_space<vmem>>
      %dma_wait3A_2209 = tpu.memref_squeeze %dma_wait3A_2208 : memref<1x128xi32, #tpu.memory_space<vmem>> -> memref<128xi32, #tpu.memory_space<vmem>>
      %dma_wait3A_2210 = tpu.memref_slice %arg3[%add3A_66] : memref<8192xi32, #tpu.memory_space<hbm>> -> memref<128xi32, #tpu.memory_space<hbm>>
      %dma_wait3A_2211 = arith.constant 0 : i32
      %dma_wait3A_2212 = tpu.memref_slice %arg7[%run_scoped3A_67, %dma_wait3A_2211] : memref<4x128xi32, #tpu.memory_space<vmem>> -> memref<1x128xi32, #tpu.memory_space<vmem>>
      %dma_wait3A_2213 = tpu.memref_squeeze %dma_wait3A_2212 : memref<1x128xi32, #tpu.memory_space<vmem>> -> memref<128xi32, #tpu.memory_space<vmem>>
      %dma_wait3A_2214 = tpu.memref_slice %arg3[%add3A_66] : memref<8192xi32, #tpu.memory_space<hbm>> -> memref<128xi32, #tpu.memory_space<hbm>>
      tpu.wait_dma2 semaphore(%run_scoped3A_2200 : memref<!tpu.dma_semaphore, #tpu.memory_space<semaphore_mem>>) src(%dma_wait3A_2214 : memref<128xi32, #tpu.memory_space<hbm>>) dst(%dma_wait3A_2213 : memref<128xi32, #tpu.memory_space<vmem>>)
      tpu.yield
    }) : () -> ()
    %mul3A_68 = arith.constant 512 : i32
    %mul3A_69 = arith.muli %arg1, %mul3A_68 : i32
    %add3A_70 = arith.constant 256 : i32
    %add3A_71 = arith.addi %mul3A_69, %add3A_70 : i32
    %run_scoped3A_72 = arith.constant 2 : i32
    "tpu.region"() ({
      %run_scoped3A_2200 = tpu.sem_alloc : memref<!tpu.dma_semaphore, #tpu.memory_space<semaphore_mem>>
      %dma_start3A = arith.constant 0 : i32
      %dma_start3A_2201 = tpu.memref_slice %arg6[%run_scoped3A_72, %dma_start3A] : memref<4x128xi32, #tpu.memory_space<vmem>> -> memref<1x128xi32, #tpu.memory_space<vmem>>
      %dma_start3A_2202 = tpu.memref_squeeze %dma_start3A_2201 : memref<1x128xi32, #tpu.memory_space<vmem>> -> memref<128xi32, #tpu.memory_space<vmem>>
      %dma_start3A_2203 = tpu.memref_slice %arg2[%add3A_71] : memref<8192xi32, #tpu.memory_space<hbm>> -> memref<128xi32, #tpu.memory_space<hbm>>
      %dma_start3A_2204 = arith.constant 0 : i32
      %dma_start3A_2205 = tpu.memref_slice %arg6[%run_scoped3A_72, %dma_start3A_2204] : memref<4x128xi32, #tpu.memory_space<vmem>> -> memref<1x128xi32, #tpu.memory_space<vmem>>
      %dma_start3A_2206 = tpu.memref_squeeze %dma_start3A_2205 : memref<1x128xi32, #tpu.memory_space<vmem>> -> memref<128xi32, #tpu.memory_space<vmem>>
      %dma_start3A_2207 = tpu.memref_slice %arg2[%add3A_71] : memref<8192xi32, #tpu.memory_space<hbm>> -> memref<128xi32, #tpu.memory_space<hbm>>
      tpu.enqueue_dma source(%dma_start3A_2207 : memref<128xi32, #tpu.memory_space<hbm>>) target(%dma_start3A_2206 : memref<128xi32, #tpu.memory_space<vmem>>) target_semaphore(%run_scoped3A_2200 : memref<!tpu.dma_semaphore, #tpu.memory_space<semaphore_mem>>)
      %dma_wait3A = arith.constant 0 : i32
      %dma_wait3A_2208 = tpu.memref_slice %arg6[%run_scoped3A_72, %dma_wait3A] : memref<4x128xi32, #tpu.memory_space<vmem>> -> memref<1x128xi32, #tpu.memory_space<vmem>>
      %dma_wait3A_2209 = tpu.memref_squeeze %dma_wait3A_2208 : memref<1x128xi32, #tpu.memory_space<vmem>> -> memref<128xi32, #tpu.memory_space<vmem>>
      %dma_wait3A_2210 = tpu.memref_slice %arg2[%add3A_71] : memref<8192xi32, #tpu.memory_space<hbm>> -> memref<128xi32, #tpu.memory_space<hbm>>
      %dma_wait3A_2211 = arith.constant 0 : i32
      %dma_wait3A_2212 = tpu.memref_slice %arg6[%run_scoped3A_72, %dma_wait3A_2211] : memref<4x128xi32, #tpu.memory_space<vmem>> -> memref<1x128xi32, #tpu.memory_space<vmem>>
      %dma_wait3A_2213 = tpu.memref_squeeze %dma_wait3A_2212 : memref<1x128xi32, #tpu.memory_space<vmem>> -> memref<128xi32, #tpu.memory_space<vmem>>
      %dma_wait3A_2214 = tpu.memref_slice %arg2[%add3A_71] : memref<8192xi32, #tpu.memory_space<hbm>> -> memref<128xi32, #tpu.memory_space<hbm>>
      tpu.wait_dma2 semaphore(%run_scoped3A_2200 : memref<!tpu.dma_semaphore, #tpu.memory_space<semaphore_mem>>) src(%dma_wait3A_2214 : memref<128xi32, #tpu.memory_space<hbm>>) dst(%dma_wait3A_2213 : memref<128xi32, #tpu.memory_space<vmem>>)
      tpu.yield
    }) : () -> ()
    %mul3A_73 = arith.constant 512 : i32
    %mul3A_74 = arith.muli %arg1, %mul3A_73 : i32
    %add3A_75 = arith.constant 256 : i32
    %add3A_76 = arith.addi %mul3A_74, %add3A_75 : i32
    %run_scoped3A_77 = arith.constant 2 : i32
    "tpu.region"() ({
      %run_scoped3A_2200 = tpu.sem_alloc : memref<!tpu.dma_semaphore, #tpu.memory_space<semaphore_mem>>
      %dma_start3A = arith.constant 0 : i32
      %dma_start3A_2201 = tpu.memref_slice %arg7[%run_scoped3A_77, %dma_start3A] : memref<4x128xi32, #tpu.memory_space<vmem>> -> memref<1x128xi32, #tpu.memory_space<vmem>>
      %dma_start3A_2202 = tpu.memref_squeeze %dma_start3A_2201 : memref<1x128xi32, #tpu.memory_space<vmem>> -> memref<128xi32, #tpu.memory_space<vmem>>
      %dma_start3A_2203 = tpu.memref_slice %arg3[%add3A_76] : memref<8192xi32, #tpu.memory_space<hbm>> -> memref<128xi32, #tpu.memory_space<hbm>>
      %dma_start3A_2204 = arith.constant 0 : i32
      %dma_start3A_2205 = tpu.memref_slice %arg7[%run_scoped3A_77, %dma_start3A_2204] : memref<4x128xi32, #tpu.memory_space<vmem>> -> memref<1x128xi32, #tpu.memory_space<vmem>>
      %dma_start3A_2206 = tpu.memref_squeeze %dma_start3A_2205 : memref<1x128xi32, #tpu.memory_space<vmem>> -> memref<128xi32, #tpu.memory_space<vmem>>
      %dma_start3A_2207 = tpu.memref_slice %arg3[%add3A_76] : memref<8192xi32, #tpu.memory_space<hbm>> -> memref<128xi32, #tpu.memory_space<hbm>>
      tpu.enqueue_dma source(%dma_start3A_2207 : memref<128xi32, #tpu.memory_space<hbm>>) target(%dma_start3A_2206 : memref<128xi32, #tpu.memory_space<vmem>>) target_semaphore(%run_scoped3A_2200 : memref<!tpu.dma_semaphore, #tpu.memory_space<semaphore_mem>>)
      %dma_wait3A = arith.constant 0 : i32
      %dma_wait3A_2208 = tpu.memref_slice %arg7[%run_scoped3A_77, %dma_wait3A] : memref<4x128xi32, #tpu.memory_space<vmem>> -> memref<1x128xi32, #tpu.memory_space<vmem>>
      %dma_wait3A_2209 = tpu.memref_squeeze %dma_wait3A_2208 : memref<1x128xi32, #tpu.memory_space<vmem>> -> memref<128xi32, #tpu.memory_space<vmem>>
      %dma_wait3A_2210 = tpu.memref_slice %arg3[%add3A_76] : memref<8192xi32, #tpu.memory_space<hbm>> -> memref<128xi32, #tpu.memory_space<hbm>>
      %dma_wait3A_2211 = arith.constant 0 : i32
      %dma_wait3A_2212 = tpu.memref_slice %arg7[%run_scoped3A_77, %dma_wait3A_2211] : memref<4x128xi32, #tpu.memory_space<vmem>> -> memref<1x128xi32, #tpu.memory_space<vmem>>
      %dma_wait3A_2213 = tpu.memref_squeeze %dma_wait3A_2212 : memref<1x128xi32, #tpu.memory_space<vmem>> -> memref<128xi32, #tpu.memory_space<vmem>>
      %dma_wait3A_2214 = tpu.memref_slice %arg3[%add3A_76] : memref<8192xi32, #tpu.memory_space<hbm>> -> memref<128xi32, #tpu.memory_space<hbm>>
      tpu.wait_dma2 semaphore(%run_scoped3A_2200 : memref<!tpu.dma_semaphore, #tpu.memory_space<semaphore_mem>>) src(%dma_wait3A_2214 : memref<128xi32, #tpu.memory_space<hbm>>) dst(%dma_wait3A_2213 : memref<128xi32, #tpu.memory_space<vmem>>)
      tpu.yield
    }) : () -> ()
    %mul3A_78 = arith.constant 512 : i32
    %mul3A_79 = arith.muli %arg1, %mul3A_78 : i32
    %add3A_80 = arith.constant 384 : i32
    %add3A_81 = arith.addi %mul3A_79, %add3A_80 : i32
    %run_scoped3A_82 = arith.constant 3 : i32
    "tpu.region"() ({
      %run_scoped3A_2200 = tpu.sem_alloc : memref<!tpu.dma_semaphore, #tpu.memory_space<semaphore_mem>>
      %dma_start3A = arith.constant 0 : i32
      %dma_start3A_2201 = tpu.memref_slice %arg6[%run_scoped3A_82, %dma_start3A] : memref<4x128xi32, #tpu.memory_space<vmem>> -> memref<1x128xi32, #tpu.memory_space<vmem>>
      %dma_start3A_2202 = tpu.memref_squeeze %dma_start3A_2201 : memref<1x128xi32, #tpu.memory_space<vmem>> -> memref<128xi32, #tpu.memory_space<vmem>>
      %dma_start3A_2203 = tpu.memref_slice %arg2[%add3A_81] : memref<8192xi32, #tpu.memory_space<hbm>> -> memref<128xi32, #tpu.memory_space<hbm>>
      %dma_start3A_2204 = arith.constant 0 : i32
      %dma_start3A_2205 = tpu.memref_slice %arg6[%run_scoped3A_82, %dma_start3A_2204] : memref<4x128xi32, #tpu.memory_space<vmem>> -> memref<1x128xi32, #tpu.memory_space<vmem>>
      %dma_start3A_2206 = tpu.memref_squeeze %dma_start3A_2205 : memref<1x128xi32, #tpu.memory_space<vmem>> -> memref<128xi32, #tpu.memory_space<vmem>>
      %dma_start3A_2207 = tpu.memref_slice %arg2[%add3A_81] : memref<8192xi32, #tpu.memory_space<hbm>> -> memref<128xi32, #tpu.memory_space<hbm>>
      tpu.enqueue_dma source(%dma_start3A_2207 : memref<128xi32, #tpu.memory_space<hbm>>) target(%dma_start3A_2206 : memref<128xi32, #tpu.memory_space<vmem>>) target_semaphore(%run_scoped3A_2200 : memref<!tpu.dma_semaphore, #tpu.memory_space<semaphore_mem>>)
      %dma_wait3A = arith.constant 0 : i32
      %dma_wait3A_2208 = tpu.memref_slice %arg6[%run_scoped3A_82, %dma_wait3A] : memref<4x128xi32, #tpu.memory_space<vmem>> -> memref<1x128xi32, #tpu.memory_space<vmem>>
      %dma_wait3A_2209 = tpu.memref_squeeze %dma_wait3A_2208 : memref<1x128xi32, #tpu.memory_space<vmem>> -> memref<128xi32, #tpu.memory_space<vmem>>
      %dma_wait3A_2210 = tpu.memref_slice %arg2[%add3A_81] : memref<8192xi32, #tpu.memory_space<hbm>> -> memref<128xi32, #tpu.memory_space<hbm>>
      %dma_wait3A_2211 = arith.constant 0 : i32
      %dma_wait3A_2212 = tpu.memref_slice %arg6[%run_scoped3A_82, %dma_wait3A_2211] : memref<4x128xi32, #tpu.memory_space<vmem>> -> memref<1x128xi32, #tpu.memory_space<vmem>>
      %dma_wait3A_2213 = tpu.memref_squeeze %dma_wait3A_2212 : memref<1x128xi32, #tpu.memory_space<vmem>> -> memref<128xi32, #tpu.memory_space<vmem>>
      %dma_wait3A_2214 = tpu.memref_slice %arg2[%add3A_81] : memref<8192xi32, #tpu.memory_space<hbm>> -> memref<128xi32, #tpu.memory_space<hbm>>
      tpu.wait_dma2 semaphore(%run_scoped3A_2200 : memref<!tpu.dma_semaphore, #tpu.memory_space<semaphore_mem>>) src(%dma_wait3A_2214 : memref<128xi32, #tpu.memory_space<hbm>>) dst(%dma_wait3A_2213 : memref<128xi32, #tpu.memory_space<vmem>>)
      tpu.yield
    }) : () -> ()
    %mul3A_83 = arith.constant 512 : i32
    %mul3A_84 = arith.muli %arg1, %mul3A_83 : i32
    %add3A_85 = arith.constant 384 : i32
    %add3A_86 = arith.addi %mul3A_84, %add3A_85 : i32
    %run_scoped3A_87 = arith.constant 3 : i32
    "tpu.region"() ({
      %run_scoped3A_2200 = tpu.sem_alloc : memref<!tpu.dma_semaphore, #tpu.memory_space<semaphore_mem>>
      %dma_start3A = arith.constant 0 : i32
      %dma_start3A_2201 = tpu.memref_slice %arg7[%run_scoped3A_87, %dma_start3A] : memref<4x128xi32, #tpu.memory_space<vmem>> -> memref<1x128xi32, #tpu.memory_space<vmem>>
      %dma_start3A_2202 = tpu.memref_squeeze %dma_start3A_2201 : memref<1x128xi32, #tpu.memory_space<vmem>> -> memref<128xi32, #tpu.memory_space<vmem>>
      %dma_start3A_2203 = tpu.memref_slice %arg3[%add3A_86] : memref<8192xi32, #tpu.memory_space<hbm>> -> memref<128xi32, #tpu.memory_space<hbm>>
      %dma_start3A_2204 = arith.constant 0 : i32
      %dma_start3A_2205 = tpu.memref_slice %arg7[%run_scoped3A_87, %dma_start3A_2204] : memref<4x128xi32, #tpu.memory_space<vmem>> -> memref<1x128xi32, #tpu.memory_space<vmem>>
      %dma_start3A_2206 = tpu.memref_squeeze %dma_start3A_2205 : memref<1x128xi32, #tpu.memory_space<vmem>> -> memref<128xi32, #tpu.memory_space<vmem>>
      %dma_start3A_2207 = tpu.memref_slice %arg3[%add3A_86] : memref<8192xi32, #tpu.memory_space<hbm>> -> memref<128xi32, #tpu.memory_space<hbm>>
      tpu.enqueue_dma source(%dma_start3A_2207 : memref<128xi32, #tpu.memory_space<hbm>>) target(%dma_start3A_2206 : memref<128xi32, #tpu.memory_space<vmem>>) target_semaphore(%run_scoped3A_2200 : memref<!tpu.dma_semaphore, #tpu.memory_space<semaphore_mem>>)
      %dma_wait3A = arith.constant 0 : i32
      %dma_wait3A_2208 = tpu.memref_slice %arg7[%run_scoped3A_87, %dma_wait3A] : memref<4x128xi32, #tpu.memory_space<vmem>> -> memref<1x128xi32, #tpu.memory_space<vmem>>
      %dma_wait3A_2209 = tpu.memref_squeeze %dma_wait3A_2208 : memref<1x128xi32, #tpu.memory_space<vmem>> -> memref<128xi32, #tpu.memory_space<vmem>>
      %dma_wait3A_2210 = tpu.memref_slice %arg3[%add3A_86] : memref<8192xi32, #tpu.memory_space<hbm>> -> memref<128xi32, #tpu.memory_space<hbm>>
      %dma_wait3A_2211 = arith.constant 0 : i32
      %dma_wait3A_2212 = tpu.memref_slice %arg7[%run_scoped3A_87, %dma_wait3A_2211] : memref<4x128xi32, #tpu.memory_space<vmem>> -> memref<1x128xi32, #tpu.memory_space<vmem>>
      %dma_wait3A_2213 = tpu.memref_squeeze %dma_wait3A_2212 : memref<1x128xi32, #tpu.memory_space<vmem>> -> memref<128xi32, #tpu.memory_space<vmem>>
      %dma_wait3A_2214 = tpu.memref_slice %arg3[%add3A_86] : memref<8192xi32, #tpu.memory_space<hbm>> -> memref<128xi32, #tpu.memory_space<hbm>>
      tpu.wait_dma2 semaphore(%run_scoped3A_2200 : memref<!tpu.dma_semaphore, #tpu.memory_space<semaphore_mem>>) src(%dma_wait3A_2214 : memref<128xi32, #tpu.memory_space<hbm>>) dst(%dma_wait3A_2213 : memref<128xi32, #tpu.memory_space<vmem>>)
      tpu.yield
    }) : () -> ()
    %mul3A_88 = arith.constant 2 : i32
    %mul3A_89 = arith.muli %arg0, %mul3A_88 : i32
    %add3A_90 = arith.constant 0 : i32
    %add3A_91 = arith.addi %mul3A_89, %add3A_90 : i32
    %mul3A_92 = arith.constant 512 : i32
    %mul3A_93 = arith.muli %add3A_91, %mul3A_92 : i32
    %mul3A_94 = arith.constant 65536 : i32
    %mul3A_95 = arith.muli %arg1, %mul3A_94 : i32
    %add3A_96 = arith.constant 0 : i32
    %add3A_97 = arith.addi %mul3A_95, %add3A_96 : i32
    "tpu.region"() ({
      %run_scoped3A_2200 = tpu.sem_alloc : memref<!tpu.dma_semaphore, #tpu.memory_space<semaphore_mem>>
      %dma_start3A = tpu.memref_slice %arg10[%add3A_97] : memref<1048592xf32, #tpu.memory_space<vmem_shared>> -> memref<16384xf32, #tpu.memory_space<vmem_shared>>
      %dma_start3A_2201 = tpu.memref_slice %arg10[%add3A_97] : memref<1048592xf32, #tpu.memory_space<vmem_shared>> -> memref<16384xf32, #tpu.memory_space<vmem_shared>>
      tpu.enqueue_dma source(%arg5 : memref<16384xf32, #tpu.memory_space<vmem>>) target(%dma_start3A_2201 : memref<16384xf32, #tpu.memory_space<vmem_shared>>) target_semaphore(%run_scoped3A_2200 : memref<!tpu.dma_semaphore, #tpu.memory_space<semaphore_mem>>)
      %dma_wait3A = tpu.memref_slice %arg10[%add3A_97] : memref<1048592xf32, #tpu.memory_space<vmem_shared>> -> memref<16384xf32, #tpu.memory_space<vmem_shared>>
      %dma_wait3A_2202 = tpu.memref_slice %arg10[%add3A_97] : memref<1048592xf32, #tpu.memory_space<vmem_shared>> -> memref<16384xf32, #tpu.memory_space<vmem_shared>>
      tpu.wait_dma2 semaphore(%run_scoped3A_2200 : memref<!tpu.dma_semaphore, #tpu.memory_space<semaphore_mem>>) src(%arg5 : memref<16384xf32, #tpu.memory_space<vmem>>) dst(%dma_wait3A_2202 : memref<16384xf32, #tpu.memory_space<vmem_shared>>)
      tpu.yield
    }) : () -> ()
    %mul3A_98 = arith.constant 65536 : i32
    %mul3A_99 = arith.muli %arg1, %mul3A_98 : i32
    %add3A_100 = arith.constant 16384 : i32
    %add3A_101 = arith.addi %mul3A_99, %add3A_100 : i32
    "tpu.region"() ({
      %run_scoped3A_2200 = tpu.sem_alloc : memref<!tpu.dma_semaphore, #tpu.memory_space<semaphore_mem>>
      %dma_start3A = tpu.memref_slice %arg10[%add3A_101] : memref<1048592xf32, #tpu.memory_space<vmem_shared>> -> memref<16384xf32, #tpu.memory_space<vmem_shared>>
      %dma_start3A_2201 = tpu.memref_slice %arg10[%add3A_101] : memref<1048592xf32, #tpu.memory_space<vmem_shared>> -> memref<16384xf32, #tpu.memory_space<vmem_shared>>
      tpu.enqueue_dma source(%arg5 : memref<16384xf32, #tpu.memory_space<vmem>>) target(%dma_start3A_2201 : memref<16384xf32, #tpu.memory_space<vmem_shared>>) target_semaphore(%run_scoped3A_2200 : memref<!tpu.dma_semaphore, #tpu.memory_space<semaphore_mem>>)
      %dma_wait3A = tpu.memref_slice %arg10[%add3A_101] : memref<1048592xf32, #tpu.memory_space<vmem_shared>> -> memref<16384xf32, #tpu.memory_space<vmem_shared>>
      %dma_wait3A_2202 = tpu.memref_slice %arg10[%add3A_101] : memref<1048592xf32, #tpu.memory_space<vmem_shared>> -> memref<16384xf32, #tpu.memory_space<vmem_shared>>
      tpu.wait_dma2 semaphore(%run_scoped3A_2200 : memref<!tpu.dma_semaphore, #tpu.memory_space<semaphore_mem>>) src(%arg5 : memref<16384xf32, #tpu.memory_space<vmem>>) dst(%dma_wait3A_2202 : memref<16384xf32, #tpu.memory_space<vmem_shared>>)
      tpu.yield
    }) : () -> ()
    %mul3A_102 = arith.constant 65536 : i32
    %mul3A_103 = arith.muli %arg1, %mul3A_102 : i32
    %add3A_104 = arith.constant 32768 : i32
    %add3A_105 = arith.addi %mul3A_103, %add3A_104 : i32
    "tpu.region"() ({
      %run_scoped3A_2200 = tpu.sem_alloc : memref<!tpu.dma_semaphore, #tpu.memory_space<semaphore_mem>>
      %dma_start3A = tpu.memref_slice %arg10[%add3A_105] : memref<1048592xf32, #tpu.memory_space<vmem_shared>> -> memref<16384xf32, #tpu.memory_space<vmem_shared>>
      %dma_start3A_2201 = tpu.memref_slice %arg10[%add3A_105] : memref<1048592xf32, #tpu.memory_space<vmem_shared>> -> memref<16384xf32, #tpu.memory_space<vmem_shared>>
      tpu.enqueue_dma source(%arg5 : memref<16384xf32, #tpu.memory_space<vmem>>) target(%dma_start3A_2201 : memref<16384xf32, #tpu.memory_space<vmem_shared>>) target_semaphore(%run_scoped3A_2200 : memref<!tpu.dma_semaphore, #tpu.memory_space<semaphore_mem>>)
      %dma_wait3A = tpu.memref_slice %arg10[%add3A_105] : memref<1048592xf32, #tpu.memory_space<vmem_shared>> -> memref<16384xf32, #tpu.memory_space<vmem_shared>>
      %dma_wait3A_2202 = tpu.memref_slice %arg10[%add3A_105] : memref<1048592xf32, #tpu.memory_space<vmem_shared>> -> memref<16384xf32, #tpu.memory_space<vmem_shared>>
      tpu.wait_dma2 semaphore(%run_scoped3A_2200 : memref<!tpu.dma_semaphore, #tpu.memory_space<semaphore_mem>>) src(%arg5 : memref<16384xf32, #tpu.memory_space<vmem>>) dst(%dma_wait3A_2202 : memref<16384xf32, #tpu.memory_space<vmem_shared>>)
      tpu.yield
    }) : () -> ()
    %mul3A_106 = arith.constant 65536 : i32
    %mul3A_107 = arith.muli %arg1, %mul3A_106 : i32
    %add3A_108 = arith.constant 49152 : i32
    %add3A_109 = arith.addi %mul3A_107, %add3A_108 : i32
    "tpu.region"() ({
      %run_scoped3A_2200 = tpu.sem_alloc : memref<!tpu.dma_semaphore, #tpu.memory_space<semaphore_mem>>
      %dma_start3A = tpu.memref_slice %arg10[%add3A_109] : memref<1048592xf32, #tpu.memory_space<vmem_shared>> -> memref<16384xf32, #tpu.memory_space<vmem_shared>>
      %dma_start3A_2201 = tpu.memref_slice %arg10[%add3A_109] : memref<1048592xf32, #tpu.memory_space<vmem_shared>> -> memref<16384xf32, #tpu.memory_space<vmem_shared>>
      tpu.enqueue_dma source(%arg5 : memref<16384xf32, #tpu.memory_space<vmem>>) target(%dma_start3A_2201 : memref<16384xf32, #tpu.memory_space<vmem_shared>>) target_semaphore(%run_scoped3A_2200 : memref<!tpu.dma_semaphore, #tpu.memory_space<semaphore_mem>>)
      %dma_wait3A = tpu.memref_slice %arg10[%add3A_109] : memref<1048592xf32, #tpu.memory_space<vmem_shared>> -> memref<16384xf32, #tpu.memory_space<vmem_shared>>
      %dma_wait3A_2202 = tpu.memref_slice %arg10[%add3A_109] : memref<1048592xf32, #tpu.memory_space<vmem_shared>> -> memref<16384xf32, #tpu.memory_space<vmem_shared>>
      tpu.wait_dma2 semaphore(%run_scoped3A_2200 : memref<!tpu.dma_semaphore, #tpu.memory_space<semaphore_mem>>) src(%arg5 : memref<16384xf32, #tpu.memory_space<vmem>>) dst(%dma_wait3A_2202 : memref<16384xf32, #tpu.memory_space<vmem_shared>>)
      tpu.yield
    }) : () -> ()
    %barrier3A = arith.constant 0 : index
    tpu.barrier barrier_id(%barrier3A)
    %get3A = arith.constant 0 : i32
    %get3A_110 = arith.index_cast %get3A : i32 to index
    %get3A_111 = arith.constant 0 : index
    %get3A_112 = tpu.vector_load %arg6[%get3A_110, %get3A_111] {strides = array<i32>} : memref<4x128xi32, #tpu.memory_space<vmem>>, vector<1x16xi32>,
    %get3A_113 = vector.shape_cast %get3A_112 : vector<1x16xi32> to vector<16xi32>
    %get3A_114 = arith.constant 0 : i32
    %get3A_115 = arith.index_cast %get3A_114 : i32 to index
    %get3A_116 = arith.constant 0 : index
    %get3A_117 = tpu.vector_load %arg7[%get3A_115, %get3A_116] {strides = array<i32>} : memref<4x128xi32, #tpu.memory_space<vmem>>, vector<1x16xi32>,
    %get3A_118 = vector.shape_cast %get3A_117 : vector<1x16xi32> to vector<16xi32>
    %sub3A = vector.broadcast %mul3A_93 : i32 to vector<16xi32>
    %sub3A_119 = arith.subi %get3A_118, %sub3A : vector<16xi32>
    %ge3A = arith.constant 0 : i32
    %ge3A_120 = vector.broadcast %ge3A : i32 to vector<16xi32>
    %ge3A_121 = arith.cmpi sge, %sub3A_119, %ge3A_120 : vector<16xi32>
    %lt3A = arith.constant 512 : i32
    %lt3A_122 = vector.broadcast %lt3A : i32 to vector<16xi32>
    %lt3A_123 = arith.cmpi slt, %sub3A_119, %lt3A_122 : vector<16xi32>
    %and3A = arith.andi %ge3A_121, %lt3A_123 : vector<16xi1>
    %mul3A_124 = arith.constant 2048 : i32
    %mul3A_125 = vector.broadcast %mul3A_124 : i32 to vector<16xi32>
    %mul3A_126 = arith.muli %sub3A_119, %mul3A_125 : vector<16xi32>
    %add3A_127 = arith.addi %mul3A_126, %get3A_113 : vector<16xi32>
    %jit3A = arith.constant 1048576 : i32
    %broadcast_in_dim3A_128 = vector.broadcast %jit3A : i32 to vector<16xi32>
    %select_n3A = arith.select %and3A, %add3A_127, %broadcast_in_dim3A_128 : vector<16xi1>, vector<16xi32>
    %swap3A_129 = arith.constant 0 : i32
    %swap3A_130 = arith.index_cast %swap3A_129 : i32 to index
    %swap3A_131 = arith.constant 0 : index
    %swap3A_132 = tpu.vector_load %arg8[%swap3A_130, %swap3A_131] {strides = array<i32>} : memref<4x128xi32, #tpu.memory_space<vmem>>, vector<1x16xi32>,
    %swap3A_133 = vector.shape_cast %swap3A_132 : vector<1x16xi32> to vector<16xi32>
    %swap3A_134 = vector.shape_cast %select_n3A : vector<16xi32> to vector<1x16xi32>
    tpu.vector_store %arg8[%swap3A_130, %swap3A_131], %swap3A_134 {strides = array<i32>} : memref<4x128xi32, #tpu.memory_space<vmem>>, vector<1x16xi32>,
    %get3A_135 = arith.constant 0 : i32
    %get3A_136 = arith.index_cast %get3A_135 : i32 to index
    %get3A_137 = arith.constant 16 : index
    %get3A_138 = tpu.vector_load %arg6[%get3A_136, %get3A_137] {strides = array<i32>} : memref<4x128xi32, #tpu.memory_space<vmem>>, vector<1x16xi32>,
    %get3A_139 = vector.shape_cast %get3A_138 : vector<1x16xi32> to vector<16xi32>
    %get3A_140 = arith.constant 0 : i32
    %get3A_141 = arith.index_cast %get3A_140 : i32 to index
    %get3A_142 = arith.constant 16 : index
    %get3A_143 = tpu.vector_load %arg7[%get3A_141, %get3A_142] {strides = array<i32>} : memref<4x128xi32, #tpu.memory_space<vmem>>, vector<1x16xi32>,
    %get3A_144 = vector.shape_cast %get3A_143 : vector<1x16xi32> to vector<16xi32>
    %sub3A_145 = vector.broadcast %mul3A_93 : i32 to vector<16xi32>
    %sub3A_146 = arith.subi %get3A_144, %sub3A_145 : vector<16xi32>
    %ge3A_147 = arith.constant 0 : i32
    %ge3A_148 = vector.broadcast %ge3A_147 : i32 to vector<16xi32>
    %ge3A_149 = arith.cmpi sge, %sub3A_146, %ge3A_148 : vector<16xi32>
    %lt3A_150 = arith.constant 512 : i32
    %lt3A_151 = vector.broadcast %lt3A_150 : i32 to vector<16xi32>
    %lt3A_152 = arith.cmpi slt, %sub3A_146, %lt3A_151 : vector<16xi32>
    %and3A_153 = arith.andi %ge3A_149, %lt3A_152 : vector<16xi1>
    %mul3A_154 = arith.constant 2048 : i32
    %mul3A_155 = vector.broadcast %mul3A_154 : i32 to vector<16xi32>
    %mul3A_156 = arith.muli %sub3A_146, %mul3A_155 : vector<16xi32>
    %add3A_157 = arith.addi %mul3A_156, %get3A_139 : vector<16xi32>
    %jit3A_158 = arith.constant 1048576 : i32
    %broadcast_in_dim3A_159 = vector.broadcast %jit3A_158 : i32 to vector<16xi32>
    %select_n3A_160 = arith.select %and3A_153, %add3A_157, %broadcast_in_dim3A_159 : vector<16xi1>, vector<16xi32>
    %swap3A_161 = arith.constant 0 : i32
    %swap3A_162 = arith.index_cast %swap3A_161 : i32 to index
    %swap3A_163 = arith.constant 16 : index
    %swap3A_164 = tpu.vector_load %arg8[%swap3A_162, %swap3A_163] {strides = array<i32>} : memref<4x128xi32, #tpu.memory_space<vmem>>, vector<1x16xi32>,
    %swap3A_165 = vector.shape_cast %swap3A_164 : vector<1x16xi32> to vector<16xi32>
    %swap3A_166 = vector.shape_cast %select_n3A_160 : vector<16xi32> to vector<1x16xi32>
    tpu.vector_store %arg8[%swap3A_162, %swap3A_163], %swap3A_166 {strides = array<i32>} : memref<4x128xi32, #tpu.memory_space<vmem>>, vector<1x16xi32>,
    %get3A_167 = arith.constant 0 : i32
    %get3A_168 = arith.index_cast %get3A_167 : i32 to index
    %get3A_169 = arith.constant 32 : index
    %get3A_170 = tpu.vector_load %arg6[%get3A_168, %get3A_169] {strides = array<i32>} : memref<4x128xi32, #tpu.memory_space<vmem>>, vector<1x16xi32>,
    %get3A_171 = vector.shape_cast %get3A_170 : vector<1x16xi32> to vector<16xi32>
    %get3A_172 = arith.constant 0 : i32
    %get3A_173 = arith.index_cast %get3A_172 : i32 to index
    %get3A_174 = arith.constant 32 : index
    %get3A_175 = tpu.vector_load %arg7[%get3A_173, %get3A_174] {strides = array<i32>} : memref<4x128xi32, #tpu.memory_space<vmem>>, vector<1x16xi32>,
    %get3A_176 = vector.shape_cast %get3A_175 : vector<1x16xi32> to vector<16xi32>
    %sub3A_177 = vector.broadcast %mul3A_93 : i32 to vector<16xi32>
    %sub3A_178 = arith.subi %get3A_176, %sub3A_177 : vector<16xi32>
    %ge3A_179 = arith.constant 0 : i32
    %ge3A_180 = vector.broadcast %ge3A_179 : i32 to vector<16xi32>
    %ge3A_181 = arith.cmpi sge, %sub3A_178, %ge3A_180 : vector<16xi32>
    %lt3A_182 = arith.constant 512 : i32
    %lt3A_183 = vector.broadcast %lt3A_182 : i32 to vector<16xi32>
    %lt3A_184 = arith.cmpi slt, %sub3A_178, %lt3A_183 : vector<16xi32>
    %and3A_185 = arith.andi %ge3A_181, %lt3A_184 : vector<16xi1>
    %mul3A_186 = arith.constant 2048 : i32
    %mul3A_187 = vector.broadcast %mul3A_186 : i32 to vector<16xi32>
    %mul3A_188 = arith.muli %sub3A_178, %mul3A_187 : vector<16xi32>
    %add3A_189 = arith.addi %mul3A_188, %get3A_171 : vector<16xi32>
    %jit3A_190 = arith.constant 1048576 : i32
    %broadcast_in_dim3A_191 = vector.broadcast %jit3A_190 : i32 to vector<16xi32>
    %select_n3A_192 = arith.select %and3A_185, %add3A_189, %broadcast_in_dim3A_191 : vector<16xi1>, vector<16xi32>
    %swap3A_193 = arith.constant 0 : i32
    %swap3A_194 = arith.index_cast %swap3A_193 : i32 to index
    %swap3A_195 = arith.constant 32 : index
    %swap3A_196 = tpu.vector_load %arg8[%swap3A_194, %swap3A_195] {strides = array<i32>} : memref<4x128xi32, #tpu.memory_space<vmem>>, vector<1x16xi32>,
    %swap3A_197 = vector.shape_cast %swap3A_196 : vector<1x16xi32> to vector<16xi32>
    %swap3A_198 = vector.shape_cast %select_n3A_192 : vector<16xi32> to vector<1x16xi32>
    tpu.vector_store %arg8[%swap3A_194, %swap3A_195], %swap3A_198 {strides = array<i32>} : memref<4x128xi32, #tpu.memory_space<vmem>>, vector<1x16xi32>,
    %get3A_199 = arith.constant 0 : i32
    %get3A_200 = arith.index_cast %get3A_199 : i32 to index
    %get3A_201 = arith.constant 48 : index
    %get3A_202 = tpu.vector_load %arg6[%get3A_200, %get3A_201] {strides = array<i32>} : memref<4x128xi32, #tpu.memory_space<vmem>>, vector<1x16xi32>,
    %get3A_203 = vector.shape_cast %get3A_202 : vector<1x16xi32> to vector<16xi32>
    %get3A_204 = arith.constant 0 : i32
    %get3A_205 = arith.index_cast %get3A_204 : i32 to index
    %get3A_206 = arith.constant 48 : index
    %get3A_207 = tpu.vector_load %arg7[%get3A_205, %get3A_206] {strides = array<i32>} : memref<4x128xi32, #tpu.memory_space<vmem>>, vector<1x16xi32>,
    %get3A_208 = vector.shape_cast %get3A_207 : vector<1x16xi32> to vector<16xi32>
    %sub3A_209 = vector.broadcast %mul3A_93 : i32 to vector<16xi32>
    %sub3A_210 = arith.subi %get3A_208, %sub3A_209 : vector<16xi32>
    %ge3A_211 = arith.constant 0 : i32
    %ge3A_212 = vector.broadcast %ge3A_211 : i32 to vector<16xi32>
    %ge3A_213 = arith.cmpi sge, %sub3A_210, %ge3A_212 : vector<16xi32>
    %lt3A_214 = arith.constant 512 : i32
    %lt3A_215 = vector.broadcast %lt3A_214 : i32 to vector<16xi32>
    %lt3A_216 = arith.cmpi slt, %sub3A_210, %lt3A_215 : vector<16xi32>
    %and3A_217 = arith.andi %ge3A_213, %lt3A_216 : vector<16xi1>
    %mul3A_218 = arith.constant 2048 : i32
    %mul3A_219 = vector.broadcast %mul3A_218 : i32 to vector<16xi32>
    %mul3A_220 = arith.muli %sub3A_210, %mul3A_219 : vector<16xi32>
    %add3A_221 = arith.addi %mul3A_220, %get3A_203 : vector<16xi32>
    %jit3A_222 = arith.constant 1048576 : i32
    %broadcast_in_dim3A_223 = vector.broadcast %jit3A_222 : i32 to vector<16xi32>
    %select_n3A_224 = arith.select %and3A_217, %add3A_221, %broadcast_in_dim3A_223 : vector<16xi1>, vector<16xi32>
    %swap3A_225 = arith.constant 0 : i32
    %swap3A_226 = arith.index_cast %swap3A_225 : i32 to index
    %swap3A_227 = arith.constant 48 : index
    %swap3A_228 = tpu.vector_load %arg8[%swap3A_226, %swap3A_227] {strides = array<i32>} : memref<4x128xi32, #tpu.memory_space<vmem>>, vector<1x16xi32>,
    %swap3A_229 = vector.shape_cast %swap3A_228 : vector<1x16xi32> to vector<16xi32>
    %swap3A_230 = vector.shape_cast %select_n3A_224 : vector<16xi32> to vector<1x16xi32>
    tpu.vector_store %arg8[%swap3A_226, %swap3A_227], %swap3A_230 {strides = array<i32>} : memref<4x128xi32, #tpu.memory_space<vmem>>, vector<1x16xi32>,
    %get3A_231 = arith.constant 0 : i32
    %get3A_232 = arith.index_cast %get3A_231 : i32 to index
    %get3A_233 = arith.constant 64 : index
    %get3A_234 = tpu.vector_load %arg6[%get3A_232, %get3A_233] {strides = array<i32>} : memref<4x128xi32, #tpu.memory_space<vmem>>, vector<1x16xi32>,
    %get3A_235 = vector.shape_cast %get3A_234 : vector<1x16xi32> to vector<16xi32>
    %get3A_236 = arith.constant 0 : i32
    %get3A_237 = arith.index_cast %get3A_236 : i32 to index
    %get3A_238 = arith.constant 64 : index
    %get3A_239 = tpu.vector_load %arg7[%get3A_237, %get3A_238] {strides = array<i32>} : memref<4x128xi32, #tpu.memory_space<vmem>>, vector<1x16xi32>,
    %get3A_240 = vector.shape_cast %get3A_239 : vector<1x16xi32> to vector<16xi32>
    %sub3A_241 = vector.broadcast %mul3A_93 : i32 to vector<16xi32>
    %sub3A_242 = arith.subi %get3A_240, %sub3A_241 : vector<16xi32>
    %ge3A_243 = arith.constant 0 : i32
    %ge3A_244 = vector.broadcast %ge3A_243 : i32 to vector<16xi32>
    %ge3A_245 = arith.cmpi sge, %sub3A_242, %ge3A_244 : vector<16xi32>
    %lt3A_246 = arith.constant 512 : i32
    %lt3A_247 = vector.broadcast %lt3A_246 : i32 to vector<16xi32>
    %lt3A_248 = arith.cmpi slt, %sub3A_242, %lt3A_247 : vector<16xi32>
    %and3A_249 = arith.andi %ge3A_245, %lt3A_248 : vector<16xi1>
    %mul3A_250 = arith.constant 2048 : i32
    %mul3A_251 = vector.broadcast %mul3A_250 : i32 to vector<16xi32>
    %mul3A_252 = arith.muli %sub3A_242, %mul3A_251 : vector<16xi32>
    %add3A_253 = arith.addi %mul3A_252, %get3A_235 : vector<16xi32>
    %jit3A_254 = arith.constant 1048576 : i32
    %broadcast_in_dim3A_255 = vector.broadcast %jit3A_254 : i32 to vector<16xi32>
    %select_n3A_256 = arith.select %and3A_249, %add3A_253, %broadcast_in_dim3A_255 : vector<16xi1>, vector<16xi32>
    %swap3A_257 = arith.constant 0 : i32
    %swap3A_258 = arith.index_cast %swap3A_257 : i32 to index
    %swap3A_259 = arith.constant 64 : index
    %swap3A_260 = tpu.vector_load %arg8[%swap3A_258, %swap3A_259] {strides = array<i32>} : memref<4x128xi32, #tpu.memory_space<vmem>>, vector<1x16xi32>,
    %swap3A_261 = vector.shape_cast %swap3A_260 : vector<1x16xi32> to vector<16xi32>
    %swap3A_262 = vector.shape_cast %select_n3A_256 : vector<16xi32> to vector<1x16xi32>
    tpu.vector_store %arg8[%swap3A_258, %swap3A_259], %swap3A_262 {strides = array<i32>} : memref<4x128xi32, #tpu.memory_space<vmem>>, vector<1x16xi32>,
    %get3A_263 = arith.constant 0 : i32
    %get3A_264 = arith.index_cast %get3A_263 : i32 to index
    %get3A_265 = arith.constant 80 : index
    %get3A_266 = tpu.vector_load %arg6[%get3A_264, %get3A_265] {strides = array<i32>} : memref<4x128xi32, #tpu.memory_space<vmem>>, vector<1x16xi32>,
    %get3A_267 = vector.shape_cast %get3A_266 : vector<1x16xi32> to vector<16xi32>
    %get3A_268 = arith.constant 0 : i32
    %get3A_269 = arith.index_cast %get3A_268 : i32 to index
    %get3A_270 = arith.constant 80 : index
    %get3A_271 = tpu.vector_load %arg7[%get3A_269, %get3A_270] {strides = array<i32>} : memref<4x128xi32, #tpu.memory_space<vmem>>, vector<1x16xi32>,
    %get3A_272 = vector.shape_cast %get3A_271 : vector<1x16xi32> to vector<16xi32>
    %sub3A_273 = vector.broadcast %mul3A_93 : i32 to vector<16xi32>
    %sub3A_274 = arith.subi %get3A_272, %sub3A_273 : vector<16xi32>
    %ge3A_275 = arith.constant 0 : i32
    %ge3A_276 = vector.broadcast %ge3A_275 : i32 to vector<16xi32>
    %ge3A_277 = arith.cmpi sge, %sub3A_274, %ge3A_276 : vector<16xi32>
    %lt3A_278 = arith.constant 512 : i32
    %lt3A_279 = vector.broadcast %lt3A_278 : i32 to vector<16xi32>
    %lt3A_280 = arith.cmpi slt, %sub3A_274, %lt3A_279 : vector<16xi32>
    %and3A_281 = arith.andi %ge3A_277, %lt3A_280 : vector<16xi1>
    %mul3A_282 = arith.constant 2048 : i32
    %mul3A_283 = vector.broadcast %mul3A_282 : i32 to vector<16xi32>
    %mul3A_284 = arith.muli %sub3A_274, %mul3A_283 : vector<16xi32>
    %add3A_285 = arith.addi %mul3A_284, %get3A_267 : vector<16xi32>
    %jit3A_286 = arith.constant 1048576 : i32
    %broadcast_in_dim3A_287 = vector.broadcast %jit3A_286 : i32 to vector<16xi32>
    %select_n3A_288 = arith.select %and3A_281, %add3A_285, %broadcast_in_dim3A_287 : vector<16xi1>, vector<16xi32>
    %swap3A_289 = arith.constant 0 : i32
    %swap3A_290 = arith.index_cast %swap3A_289 : i32 to index
    %swap3A_291 = arith.constant 80 : index
    %swap3A_292 = tpu.vector_load %arg8[%swap3A_290, %swap3A_291] {strides = array<i32>} : memref<4x128xi32, #tpu.memory_space<vmem>>, vector<1x16xi32>,
    %swap3A_293 = vector.shape_cast %swap3A_292 : vector<1x16xi32> to vector<16xi32>
    %swap3A_294 = vector.shape_cast %select_n3A_288 : vector<16xi32> to vector<1x16xi32>
    tpu.vector_store %arg8[%swap3A_290, %swap3A_291], %swap3A_294 {strides = array<i32>} : memref<4x128xi32, #tpu.memory_space<vmem>>, vector<1x16xi32>,
    %get3A_295 = arith.constant 0 : i32
    %get3A_296 = arith.index_cast %get3A_295 : i32 to index
    %get3A_297 = arith.constant 96 : index
    %get3A_298 = tpu.vector_load %arg6[%get3A_296, %get3A_297] {strides = array<i32>} : memref<4x128xi32, #tpu.memory_space<vmem>>, vector<1x16xi32>,
    %get3A_299 = vector.shape_cast %get3A_298 : vector<1x16xi32> to vector<16xi32>
    %get3A_300 = arith.constant 0 : i32
    %get3A_301 = arith.index_cast %get3A_300 : i32 to index
    %get3A_302 = arith.constant 96 : index
    %get3A_303 = tpu.vector_load %arg7[%get3A_301, %get3A_302] {strides = array<i32>} : memref<4x128xi32, #tpu.memory_space<vmem>>, vector<1x16xi32>,
    %get3A_304 = vector.shape_cast %get3A_303 : vector<1x16xi32> to vector<16xi32>
    %sub3A_305 = vector.broadcast %mul3A_93 : i32 to vector<16xi32>
    %sub3A_306 = arith.subi %get3A_304, %sub3A_305 : vector<16xi32>
    %ge3A_307 = arith.constant 0 : i32
    %ge3A_308 = vector.broadcast %ge3A_307 : i32 to vector<16xi32>
    %ge3A_309 = arith.cmpi sge, %sub3A_306, %ge3A_308 : vector<16xi32>
    %lt3A_310 = arith.constant 512 : i32
    %lt3A_311 = vector.broadcast %lt3A_310 : i32 to vector<16xi32>
    %lt3A_312 = arith.cmpi slt, %sub3A_306, %lt3A_311 : vector<16xi32>
    %and3A_313 = arith.andi %ge3A_309, %lt3A_312 : vector<16xi1>
    %mul3A_314 = arith.constant 2048 : i32
    %mul3A_315 = vector.broadcast %mul3A_314 : i32 to vector<16xi32>
    %mul3A_316 = arith.muli %sub3A_306, %mul3A_315 : vector<16xi32>
    %add3A_317 = arith.addi %mul3A_316, %get3A_299 : vector<16xi32>
    %jit3A_318 = arith.constant 1048576 : i32
    %broadcast_in_dim3A_319 = vector.broadcast %jit3A_318 : i32 to vector<16xi32>
    %select_n3A_320 = arith.select %and3A_313, %add3A_317, %broadcast_in_dim3A_319 : vector<16xi1>, vector<16xi32>
    %swap3A_321 = arith.constant 0 : i32
    %swap3A_322 = arith.index_cast %swap3A_321 : i32 to index
    %swap3A_323 = arith.constant 96 : index
    %swap3A_324 = tpu.vector_load %arg8[%swap3A_322, %swap3A_323] {strides = array<i32>} : memref<4x128xi32, #tpu.memory_space<vmem>>, vector<1x16xi32>,
    %swap3A_325 = vector.shape_cast %swap3A_324 : vector<1x16xi32> to vector<16xi32>
    %swap3A_326 = vector.shape_cast %select_n3A_320 : vector<16xi32> to vector<1x16xi32>
    tpu.vector_store %arg8[%swap3A_322, %swap3A_323], %swap3A_326 {strides = array<i32>} : memref<4x128xi32, #tpu.memory_space<vmem>>, vector<1x16xi32>,
    %get3A_327 = arith.constant 0 : i32
    %get3A_328 = arith.index_cast %get3A_327 : i32 to index
    %get3A_329 = arith.constant 112 : index
    %get3A_330 = tpu.vector_load %arg6[%get3A_328, %get3A_329] {strides = array<i32>} : memref<4x128xi32, #tpu.memory_space<vmem>>, vector<1x16xi32>,
    %get3A_331 = vector.shape_cast %get3A_330 : vector<1x16xi32> to vector<16xi32>
    %get3A_332 = arith.constant 0 : i32
    %get3A_333 = arith.index_cast %get3A_332 : i32 to index
    %get3A_334 = arith.constant 112 : index
    %get3A_335 = tpu.vector_load %arg7[%get3A_333, %get3A_334] {strides = array<i32>} : memref<4x128xi32, #tpu.memory_space<vmem>>, vector<1x16xi32>,
    %get3A_336 = vector.shape_cast %get3A_335 : vector<1x16xi32> to vector<16xi32>
    %sub3A_337 = vector.broadcast %mul3A_93 : i32 to vector<16xi32>
    %sub3A_338 = arith.subi %get3A_336, %sub3A_337 : vector<16xi32>
    %ge3A_339 = arith.constant 0 : i32
    %ge3A_340 = vector.broadcast %ge3A_339 : i32 to vector<16xi32>
    %ge3A_341 = arith.cmpi sge, %sub3A_338, %ge3A_340 : vector<16xi32>
    %lt3A_342 = arith.constant 512 : i32
    %lt3A_343 = vector.broadcast %lt3A_342 : i32 to vector<16xi32>
    %lt3A_344 = arith.cmpi slt, %sub3A_338, %lt3A_343 : vector<16xi32>
    %and3A_345 = arith.andi %ge3A_341, %lt3A_344 : vector<16xi1>
    %mul3A_346 = arith.constant 2048 : i32
    %mul3A_347 = vector.broadcast %mul3A_346 : i32 to vector<16xi32>
    %mul3A_348 = arith.muli %sub3A_338, %mul3A_347 : vector<16xi32>
    %add3A_349 = arith.addi %mul3A_348, %get3A_331 : vector<16xi32>
    %jit3A_350 = arith.constant 1048576 : i32
    %broadcast_in_dim3A_351 = vector.broadcast %jit3A_350 : i32 to vector<16xi32>
    %select_n3A_352 = arith.select %and3A_345, %add3A_349, %broadcast_in_dim3A_351 : vector<16xi1>, vector<16xi32>
    %swap3A_353 = arith.constant 0 : i32
    %swap3A_354 = arith.index_cast %swap3A_353 : i32 to index
    %swap3A_355 = arith.constant 112 : index
    %swap3A_356 = tpu.vector_load %arg8[%swap3A_354, %swap3A_355] {strides = array<i32>} : memref<4x128xi32, #tpu.memory_space<vmem>>, vector<1x16xi32>,
    %swap3A_357 = vector.shape_cast %swap3A_356 : vector<1x16xi32> to vector<16xi32>
    %swap3A_358 = vector.shape_cast %select_n3A_352 : vector<16xi32> to vector<1x16xi32>
    tpu.vector_store %arg8[%swap3A_354, %swap3A_355], %swap3A_358 {strides = array<i32>} : memref<4x128xi32, #tpu.memory_space<vmem>>, vector<1x16xi32>,
    %get3A_359 = arith.constant 1 : i32
    %get3A_360 = arith.index_cast %get3A_359 : i32 to index
    %get3A_361 = arith.constant 0 : index
    %get3A_362 = tpu.vector_load %arg6[%get3A_360, %get3A_361] {strides = array<i32>} : memref<4x128xi32, #tpu.memory_space<vmem>>, vector<1x16xi32>,
    %get3A_363 = vector.shape_cast %get3A_362 : vector<1x16xi32> to vector<16xi32>
    %get3A_364 = arith.constant 1 : i32
    %get3A_365 = arith.index_cast %get3A_364 : i32 to index
    %get3A_366 = arith.constant 0 : index
    %get3A_367 = tpu.vector_load %arg7[%get3A_365, %get3A_366] {strides = array<i32>} : memref<4x128xi32, #tpu.memory_space<vmem>>, vector<1x16xi32>,
    %get3A_368 = vector.shape_cast %get3A_367 : vector<1x16xi32> to vector<16xi32>
    %sub3A_369 = vector.broadcast %mul3A_93 : i32 to vector<16xi32>
    %sub3A_370 = arith.subi %get3A_368, %sub3A_369 : vector<16xi32>
    %ge3A_371 = arith.constant 0 : i32
    %ge3A_372 = vector.broadcast %ge3A_371 : i32 to vector<16xi32>
    %ge3A_373 = arith.cmpi sge, %sub3A_370, %ge3A_372 : vector<16xi32>
    %lt3A_374 = arith.constant 512 : i32
    %lt3A_375 = vector.broadcast %lt3A_374 : i32 to vector<16xi32>
    %lt3A_376 = arith.cmpi slt, %sub3A_370, %lt3A_375 : vector<16xi32>
    %and3A_377 = arith.andi %ge3A_373, %lt3A_376 : vector<16xi1>
    %mul3A_378 = arith.constant 2048 : i32
    %mul3A_379 = vector.broadcast %mul3A_378 : i32 to vector<16xi32>
    %mul3A_380 = arith.muli %sub3A_370, %mul3A_379 : vector<16xi32>
    %add3A_381 = arith.addi %mul3A_380, %get3A_363 : vector<16xi32>
    %jit3A_382 = arith.constant 1048576 : i32
    %broadcast_in_dim3A_383 = vector.broadcast %jit3A_382 : i32 to vector<16xi32>
    %select_n3A_384 = arith.select %and3A_377, %add3A_381, %broadcast_in_dim3A_383 : vector<16xi1>, vector<16xi32>
    %swap3A_385 = arith.constant 1 : i32
    %swap3A_386 = arith.index_cast %swap3A_385 : i32 to index
    %swap3A_387 = arith.constant 0 : index
    %swap3A_388 = tpu.vector_load %arg8[%swap3A_386, %swap3A_387] {strides = array<i32>} : memref<4x128xi32, #tpu.memory_space<vmem>>, vector<1x16xi32>,
    %swap3A_389 = vector.shape_cast %swap3A_388 : vector<1x16xi32> to vector<16xi32>
    %swap3A_390 = vector.shape_cast %select_n3A_384 : vector<16xi32> to vector<1x16xi32>
    tpu.vector_store %arg8[%swap3A_386, %swap3A_387], %swap3A_390 {strides = array<i32>} : memref<4x128xi32, #tpu.memory_space<vmem>>, vector<1x16xi32>,
    %get3A_391 = arith.constant 1 : i32
    %get3A_392 = arith.index_cast %get3A_391 : i32 to index
    %get3A_393 = arith.constant 16 : index
    %get3A_394 = tpu.vector_load %arg6[%get3A_392, %get3A_393] {strides = array<i32>} : memref<4x128xi32, #tpu.memory_space<vmem>>, vector<1x16xi32>,
    %get3A_395 = vector.shape_cast %get3A_394 : vector<1x16xi32> to vector<16xi32>
    %get3A_396 = arith.constant 1 : i32
    %get3A_397 = arith.index_cast %get3A_396 : i32 to index
    %get3A_398 = arith.constant 16 : index
    %get3A_399 = tpu.vector_load %arg7[%get3A_397, %get3A_398] {strides = array<i32>} : memref<4x128xi32, #tpu.memory_space<vmem>>, vector<1x16xi32>,
    %get3A_400 = vector.shape_cast %get3A_399 : vector<1x16xi32> to vector<16xi32>
    %sub3A_401 = vector.broadcast %mul3A_93 : i32 to vector<16xi32>
    %sub3A_402 = arith.subi %get3A_400, %sub3A_401 : vector<16xi32>
    %ge3A_403 = arith.constant 0 : i32
    %ge3A_404 = vector.broadcast %ge3A_403 : i32 to vector<16xi32>
    %ge3A_405 = arith.cmpi sge, %sub3A_402, %ge3A_404 : vector<16xi32>
    %lt3A_406 = arith.constant 512 : i32
    %lt3A_407 = vector.broadcast %lt3A_406 : i32 to vector<16xi32>
    %lt3A_408 = arith.cmpi slt, %sub3A_402, %lt3A_407 : vector<16xi32>
    %and3A_409 = arith.andi %ge3A_405, %lt3A_408 : vector<16xi1>
    %mul3A_410 = arith.constant 2048 : i32
    %mul3A_411 = vector.broadcast %mul3A_410 : i32 to vector<16xi32>
    %mul3A_412 = arith.muli %sub3A_402, %mul3A_411 : vector<16xi32>
    %add3A_413 = arith.addi %mul3A_412, %get3A_395 : vector<16xi32>
    %jit3A_414 = arith.constant 1048576 : i32
    %broadcast_in_dim3A_415 = vector.broadcast %jit3A_414 : i32 to vector<16xi32>
    %select_n3A_416 = arith.select %and3A_409, %add3A_413, %broadcast_in_dim3A_415 : vector<16xi1>, vector<16xi32>
    %swap3A_417 = arith.constant 1 : i32
    %swap3A_418 = arith.index_cast %swap3A_417 : i32 to index
    %swap3A_419 = arith.constant 16 : index
    %swap3A_420 = tpu.vector_load %arg8[%swap3A_418, %swap3A_419] {strides = array<i32>} : memref<4x128xi32, #tpu.memory_space<vmem>>, vector<1x16xi32>,
    %swap3A_421 = vector.shape_cast %swap3A_420 : vector<1x16xi32> to vector<16xi32>
    %swap3A_422 = vector.shape_cast %select_n3A_416 : vector<16xi32> to vector<1x16xi32>
    tpu.vector_store %arg8[%swap3A_418, %swap3A_419], %swap3A_422 {strides = array<i32>} : memref<4x128xi32, #tpu.memory_space<vmem>>, vector<1x16xi32>,
    %get3A_423 = arith.constant 1 : i32
    %get3A_424 = arith.index_cast %get3A_423 : i32 to index
    %get3A_425 = arith.constant 32 : index
    %get3A_426 = tpu.vector_load %arg6[%get3A_424, %get3A_425] {strides = array<i32>} : memref<4x128xi32, #tpu.memory_space<vmem>>, vector<1x16xi32>,
    %get3A_427 = vector.shape_cast %get3A_426 : vector<1x16xi32> to vector<16xi32>
    %get3A_428 = arith.constant 1 : i32
    %get3A_429 = arith.index_cast %get3A_428 : i32 to index
    %get3A_430 = arith.constant 32 : index
    %get3A_431 = tpu.vector_load %arg7[%get3A_429, %get3A_430] {strides = array<i32>} : memref<4x128xi32, #tpu.memory_space<vmem>>, vector<1x16xi32>,
    %get3A_432 = vector.shape_cast %get3A_431 : vector<1x16xi32> to vector<16xi32>
    %sub3A_433 = vector.broadcast %mul3A_93 : i32 to vector<16xi32>
    %sub3A_434 = arith.subi %get3A_432, %sub3A_433 : vector<16xi32>
    %ge3A_435 = arith.constant 0 : i32
    %ge3A_436 = vector.broadcast %ge3A_435 : i32 to vector<16xi32>
    %ge3A_437 = arith.cmpi sge, %sub3A_434, %ge3A_436 : vector<16xi32>
    %lt3A_438 = arith.constant 512 : i32
    %lt3A_439 = vector.broadcast %lt3A_438 : i32 to vector<16xi32>
    %lt3A_440 = arith.cmpi slt, %sub3A_434, %lt3A_439 : vector<16xi32>
    %and3A_441 = arith.andi %ge3A_437, %lt3A_440 : vector<16xi1>
    %mul3A_442 = arith.constant 2048 : i32
    %mul3A_443 = vector.broadcast %mul3A_442 : i32 to vector<16xi32>
    %mul3A_444 = arith.muli %sub3A_434, %mul3A_443 : vector<16xi32>
    %add3A_445 = arith.addi %mul3A_444, %get3A_427 : vector<16xi32>
    %jit3A_446 = arith.constant 1048576 : i32
    %broadcast_in_dim3A_447 = vector.broadcast %jit3A_446 : i32 to vector<16xi32>
    %select_n3A_448 = arith.select %and3A_441, %add3A_445, %broadcast_in_dim3A_447 : vector<16xi1>, vector<16xi32>
    %swap3A_449 = arith.constant 1 : i32
    %swap3A_450 = arith.index_cast %swap3A_449 : i32 to index
    %swap3A_451 = arith.constant 32 : index
    %swap3A_452 = tpu.vector_load %arg8[%swap3A_450, %swap3A_451] {strides = array<i32>} : memref<4x128xi32, #tpu.memory_space<vmem>>, vector<1x16xi32>,
    %swap3A_453 = vector.shape_cast %swap3A_452 : vector<1x16xi32> to vector<16xi32>
    %swap3A_454 = vector.shape_cast %select_n3A_448 : vector<16xi32> to vector<1x16xi32>
    tpu.vector_store %arg8[%swap3A_450, %swap3A_451], %swap3A_454 {strides = array<i32>} : memref<4x128xi32, #tpu.memory_space<vmem>>, vector<1x16xi32>,
    %get3A_455 = arith.constant 1 : i32
    %get3A_456 = arith.index_cast %get3A_455 : i32 to index
    %get3A_457 = arith.constant 48 : index
    %get3A_458 = tpu.vector_load %arg6[%get3A_456, %get3A_457] {strides = array<i32>} : memref<4x128xi32, #tpu.memory_space<vmem>>, vector<1x16xi32>,
    %get3A_459 = vector.shape_cast %get3A_458 : vector<1x16xi32> to vector<16xi32>
    %get3A_460 = arith.constant 1 : i32
    %get3A_461 = arith.index_cast %get3A_460 : i32 to index
    %get3A_462 = arith.constant 48 : index
    %get3A_463 = tpu.vector_load %arg7[%get3A_461, %get3A_462] {strides = array<i32>} : memref<4x128xi32, #tpu.memory_space<vmem>>, vector<1x16xi32>,
    %get3A_464 = vector.shape_cast %get3A_463 : vector<1x16xi32> to vector<16xi32>
    %sub3A_465 = vector.broadcast %mul3A_93 : i32 to vector<16xi32>
    %sub3A_466 = arith.subi %get3A_464, %sub3A_465 : vector<16xi32>
    %ge3A_467 = arith.constant 0 : i32
    %ge3A_468 = vector.broadcast %ge3A_467 : i32 to vector<16xi32>
    %ge3A_469 = arith.cmpi sge, %sub3A_466, %ge3A_468 : vector<16xi32>
    %lt3A_470 = arith.constant 512 : i32
    %lt3A_471 = vector.broadcast %lt3A_470 : i32 to vector<16xi32>
    %lt3A_472 = arith.cmpi slt, %sub3A_466, %lt3A_471 : vector<16xi32>
    %and3A_473 = arith.andi %ge3A_469, %lt3A_472 : vector<16xi1>
    %mul3A_474 = arith.constant 2048 : i32
    %mul3A_475 = vector.broadcast %mul3A_474 : i32 to vector<16xi32>
    %mul3A_476 = arith.muli %sub3A_466, %mul3A_475 : vector<16xi32>
    %add3A_477 = arith.addi %mul3A_476, %get3A_459 : vector<16xi32>
    %jit3A_478 = arith.constant 1048576 : i32
    %broadcast_in_dim3A_479 = vector.broadcast %jit3A_478 : i32 to vector<16xi32>
    %select_n3A_480 = arith.select %and3A_473, %add3A_477, %broadcast_in_dim3A_479 : vector<16xi1>, vector<16xi32>
    %swap3A_481 = arith.constant 1 : i32
    %swap3A_482 = arith.index_cast %swap3A_481 : i32 to index
    %swap3A_483 = arith.constant 48 : index
    %swap3A_484 = tpu.vector_load %arg8[%swap3A_482, %swap3A_483] {strides = array<i32>} : memref<4x128xi32, #tpu.memory_space<vmem>>, vector<1x16xi32>,
    %swap3A_485 = vector.shape_cast %swap3A_484 : vector<1x16xi32> to vector<16xi32>
    %swap3A_486 = vector.shape_cast %select_n3A_480 : vector<16xi32> to vector<1x16xi32>
    tpu.vector_store %arg8[%swap3A_482, %swap3A_483], %swap3A_486 {strides = array<i32>} : memref<4x128xi32, #tpu.memory_space<vmem>>, vector<1x16xi32>,
    %get3A_487 = arith.constant 1 : i32
    %get3A_488 = arith.index_cast %get3A_487 : i32 to index
    %get3A_489 = arith.constant 64 : index
    %get3A_490 = tpu.vector_load %arg6[%get3A_488, %get3A_489] {strides = array<i32>} : memref<4x128xi32, #tpu.memory_space<vmem>>, vector<1x16xi32>,
    %get3A_491 = vector.shape_cast %get3A_490 : vector<1x16xi32> to vector<16xi32>
    %get3A_492 = arith.constant 1 : i32
    %get3A_493 = arith.index_cast %get3A_492 : i32 to index
    %get3A_494 = arith.constant 64 : index
    %get3A_495 = tpu.vector_load %arg7[%get3A_493, %get3A_494] {strides = array<i32>} : memref<4x128xi32, #tpu.memory_space<vmem>>, vector<1x16xi32>,
    %get3A_496 = vector.shape_cast %get3A_495 : vector<1x16xi32> to vector<16xi32>
    %sub3A_497 = vector.broadcast %mul3A_93 : i32 to vector<16xi32>
    %sub3A_498 = arith.subi %get3A_496, %sub3A_497 : vector<16xi32>
    %ge3A_499 = arith.constant 0 : i32
    %ge3A_500 = vector.broadcast %ge3A_499 : i32 to vector<16xi32>
    %ge3A_501 = arith.cmpi sge, %sub3A_498, %ge3A_500 : vector<16xi32>
    %lt3A_502 = arith.constant 512 : i32
    %lt3A_503 = vector.broadcast %lt3A_502 : i32 to vector<16xi32>
    %lt3A_504 = arith.cmpi slt, %sub3A_498, %lt3A_503 : vector<16xi32>
    %and3A_505 = arith.andi %ge3A_501, %lt3A_504 : vector<16xi1>
    %mul3A_506 = arith.constant 2048 : i32
    %mul3A_507 = vector.broadcast %mul3A_506 : i32 to vector<16xi32>
    %mul3A_508 = arith.muli %sub3A_498, %mul3A_507 : vector<16xi32>
    %add3A_509 = arith.addi %mul3A_508, %get3A_491 : vector<16xi32>
    %jit3A_510 = arith.constant 1048576 : i32
    %broadcast_in_dim3A_511 = vector.broadcast %jit3A_510 : i32 to vector<16xi32>
    %select_n3A_512 = arith.select %and3A_505, %add3A_509, %broadcast_in_dim3A_511 : vector<16xi1>, vector<16xi32>
    %swap3A_513 = arith.constant 1 : i32
    %swap3A_514 = arith.index_cast %swap3A_513 : i32 to index
    %swap3A_515 = arith.constant 64 : index
    %swap3A_516 = tpu.vector_load %arg8[%swap3A_514, %swap3A_515] {strides = array<i32>} : memref<4x128xi32, #tpu.memory_space<vmem>>, vector<1x16xi32>,
    %swap3A_517 = vector.shape_cast %swap3A_516 : vector<1x16xi32> to vector<16xi32>
    %swap3A_518 = vector.shape_cast %select_n3A_512 : vector<16xi32> to vector<1x16xi32>
    tpu.vector_store %arg8[%swap3A_514, %swap3A_515], %swap3A_518 {strides = array<i32>} : memref<4x128xi32, #tpu.memory_space<vmem>>, vector<1x16xi32>,
    %get3A_519 = arith.constant 1 : i32
    %get3A_520 = arith.index_cast %get3A_519 : i32 to index
    %get3A_521 = arith.constant 80 : index
    %get3A_522 = tpu.vector_load %arg6[%get3A_520, %get3A_521] {strides = array<i32>} : memref<4x128xi32, #tpu.memory_space<vmem>>, vector<1x16xi32>,
    %get3A_523 = vector.shape_cast %get3A_522 : vector<1x16xi32> to vector<16xi32>
    %get3A_524 = arith.constant 1 : i32
    %get3A_525 = arith.index_cast %get3A_524 : i32 to index
    %get3A_526 = arith.constant 80 : index
    %get3A_527 = tpu.vector_load %arg7[%get3A_525, %get3A_526] {strides = array<i32>} : memref<4x128xi32, #tpu.memory_space<vmem>>, vector<1x16xi32>,
    %get3A_528 = vector.shape_cast %get3A_527 : vector<1x16xi32> to vector<16xi32>
    %sub3A_529 = vector.broadcast %mul3A_93 : i32 to vector<16xi32>
    %sub3A_530 = arith.subi %get3A_528, %sub3A_529 : vector<16xi32>
    %ge3A_531 = arith.constant 0 : i32
    %ge3A_532 = vector.broadcast %ge3A_531 : i32 to vector<16xi32>
    %ge3A_533 = arith.cmpi sge, %sub3A_530, %ge3A_532 : vector<16xi32>
    %lt3A_534 = arith.constant 512 : i32
    %lt3A_535 = vector.broadcast %lt3A_534 : i32 to vector<16xi32>
    %lt3A_536 = arith.cmpi slt, %sub3A_530, %lt3A_535 : vector<16xi32>
    %and3A_537 = arith.andi %ge3A_533, %lt3A_536 : vector<16xi1>
    %mul3A_538 = arith.constant 2048 : i32
    %mul3A_539 = vector.broadcast %mul3A_538 : i32 to vector<16xi32>
    %mul3A_540 = arith.muli %sub3A_530, %mul3A_539 : vector<16xi32>
    %add3A_541 = arith.addi %mul3A_540, %get3A_523 : vector<16xi32>
    %jit3A_542 = arith.constant 1048576 : i32
    %broadcast_in_dim3A_543 = vector.broadcast %jit3A_542 : i32 to vector<16xi32>
    %select_n3A_544 = arith.select %and3A_537, %add3A_541, %broadcast_in_dim3A_543 : vector<16xi1>, vector<16xi32>
    %swap3A_545 = arith.constant 1 : i32
    %swap3A_546 = arith.index_cast %swap3A_545 : i32 to index
    %swap3A_547 = arith.constant 80 : index
    %swap3A_548 = tpu.vector_load %arg8[%swap3A_546, %swap3A_547] {strides = array<i32>} : memref<4x128xi32, #tpu.memory_space<vmem>>, vector<1x16xi32>,
    %swap3A_549 = vector.shape_cast %swap3A_548 : vector<1x16xi32> to vector<16xi32>
    %swap3A_550 = vector.shape_cast %select_n3A_544 : vector<16xi32> to vector<1x16xi32>
    tpu.vector_store %arg8[%swap3A_546, %swap3A_547], %swap3A_550 {strides = array<i32>} : memref<4x128xi32, #tpu.memory_space<vmem>>, vector<1x16xi32>,
    %get3A_551 = arith.constant 1 : i32
    %get3A_552 = arith.index_cast %get3A_551 : i32 to index
    %get3A_553 = arith.constant 96 : index
    %get3A_554 = tpu.vector_load %arg6[%get3A_552, %get3A_553] {strides = array<i32>} : memref<4x128xi32, #tpu.memory_space<vmem>>, vector<1x16xi32>,
    %get3A_555 = vector.shape_cast %get3A_554 : vector<1x16xi32> to vector<16xi32>
    %get3A_556 = arith.constant 1 : i32
    %get3A_557 = arith.index_cast %get3A_556 : i32 to index
    %get3A_558 = arith.constant 96 : index
    %get3A_559 = tpu.vector_load %arg7[%get3A_557, %get3A_558] {strides = array<i32>} : memref<4x128xi32, #tpu.memory_space<vmem>>, vector<1x16xi32>,
    %get3A_560 = vector.shape_cast %get3A_559 : vector<1x16xi32> to vector<16xi32>
    %sub3A_561 = vector.broadcast %mul3A_93 : i32 to vector<16xi32>
    %sub3A_562 = arith.subi %get3A_560, %sub3A_561 : vector<16xi32>
    %ge3A_563 = arith.constant 0 : i32
    %ge3A_564 = vector.broadcast %ge3A_563 : i32 to vector<16xi32>
    %ge3A_565 = arith.cmpi sge, %sub3A_562, %ge3A_564 : vector<16xi32>
    %lt3A_566 = arith.constant 512 : i32
    %lt3A_567 = vector.broadcast %lt3A_566 : i32 to vector<16xi32>
    %lt3A_568 = arith.cmpi slt, %sub3A_562, %lt3A_567 : vector<16xi32>
    %and3A_569 = arith.andi %ge3A_565, %lt3A_568 : vector<16xi1>
    %mul3A_570 = arith.constant 2048 : i32
    %mul3A_571 = vector.broadcast %mul3A_570 : i32 to vector<16xi32>
    %mul3A_572 = arith.muli %sub3A_562, %mul3A_571 : vector<16xi32>
    %add3A_573 = arith.addi %mul3A_572, %get3A_555 : vector<16xi32>
    %jit3A_574 = arith.constant 1048576 : i32
    %broadcast_in_dim3A_575 = vector.broadcast %jit3A_574 : i32 to vector<16xi32>
    %select_n3A_576 = arith.select %and3A_569, %add3A_573, %broadcast_in_dim3A_575 : vector<16xi1>, vector<16xi32>
    %swap3A_577 = arith.constant 1 : i32
    %swap3A_578 = arith.index_cast %swap3A_577 : i32 to index
    %swap3A_579 = arith.constant 96 : index
    %swap3A_580 = tpu.vector_load %arg8[%swap3A_578, %swap3A_579] {strides = array<i32>} : memref<4x128xi32, #tpu.memory_space<vmem>>, vector<1x16xi32>,
    %swap3A_581 = vector.shape_cast %swap3A_580 : vector<1x16xi32> to vector<16xi32>
    %swap3A_582 = vector.shape_cast %select_n3A_576 : vector<16xi32> to vector<1x16xi32>
    tpu.vector_store %arg8[%swap3A_578, %swap3A_579], %swap3A_582 {strides = array<i32>} : memref<4x128xi32, #tpu.memory_space<vmem>>, vector<1x16xi32>,
    %get3A_583 = arith.constant 1 : i32
    %get3A_584 = arith.index_cast %get3A_583 : i32 to index
    %get3A_585 = arith.constant 112 : index
    %get3A_586 = tpu.vector_load %arg6[%get3A_584, %get3A_585] {strides = array<i32>} : memref<4x128xi32, #tpu.memory_space<vmem>>, vector<1x16xi32>,
    %get3A_587 = vector.shape_cast %get3A_586 : vector<1x16xi32> to vector<16xi32>
    %get3A_588 = arith.constant 1 : i32
    %get3A_589 = arith.index_cast %get3A_588 : i32 to index
    %get3A_590 = arith.constant 112 : index
    %get3A_591 = tpu.vector_load %arg7[%get3A_589, %get3A_590] {strides = array<i32>} : memref<4x128xi32, #tpu.memory_space<vmem>>, vector<1x16xi32>,
    %get3A_592 = vector.shape_cast %get3A_591 : vector<1x16xi32> to vector<16xi32>
    %sub3A_593 = vector.broadcast %mul3A_93 : i32 to vector<16xi32>
    %sub3A_594 = arith.subi %get3A_592, %sub3A_593 : vector<16xi32>
    %ge3A_595 = arith.constant 0 : i32
    %ge3A_596 = vector.broadcast %ge3A_595 : i32 to vector<16xi32>
    %ge3A_597 = arith.cmpi sge, %sub3A_594, %ge3A_596 : vector<16xi32>
    %lt3A_598 = arith.constant 512 : i32
    %lt3A_599 = vector.broadcast %lt3A_598 : i32 to vector<16xi32>
    %lt3A_600 = arith.cmpi slt, %sub3A_594, %lt3A_599 : vector<16xi32>
    %and3A_601 = arith.andi %ge3A_597, %lt3A_600 : vector<16xi1>
    %mul3A_602 = arith.constant 2048 : i32
    %mul3A_603 = vector.broadcast %mul3A_602 : i32 to vector<16xi32>
    %mul3A_604 = arith.muli %sub3A_594, %mul3A_603 : vector<16xi32>
    %add3A_605 = arith.addi %mul3A_604, %get3A_587 : vector<16xi32>
    %jit3A_606 = arith.constant 1048576 : i32
    %broadcast_in_dim3A_607 = vector.broadcast %jit3A_606 : i32 to vector<16xi32>
    %select_n3A_608 = arith.select %and3A_601, %add3A_605, %broadcast_in_dim3A_607 : vector<16xi1>, vector<16xi32>
    %swap3A_609 = arith.constant 1 : i32
    %swap3A_610 = arith.index_cast %swap3A_609 : i32 to index
    %swap3A_611 = arith.constant 112 : index
    %swap3A_612 = tpu.vector_load %arg8[%swap3A_610, %swap3A_611] {strides = array<i32>} : memref<4x128xi32, #tpu.memory_space<vmem>>, vector<1x16xi32>,
    %swap3A_613 = vector.shape_cast %swap3A_612 : vector<1x16xi32> to vector<16xi32>
    %swap3A_614 = vector.shape_cast %select_n3A_608 : vector<16xi32> to vector<1x16xi32>
    tpu.vector_store %arg8[%swap3A_610, %swap3A_611], %swap3A_614 {strides = array<i32>} : memref<4x128xi32, #tpu.memory_space<vmem>>, vector<1x16xi32>,
    %get3A_615 = arith.constant 2 : i32
    %get3A_616 = arith.index_cast %get3A_615 : i32 to index
    %get3A_617 = arith.constant 0 : index
    %get3A_618 = tpu.vector_load %arg6[%get3A_616, %get3A_617] {strides = array<i32>} : memref<4x128xi32, #tpu.memory_space<vmem>>, vector<1x16xi32>,
    %get3A_619 = vector.shape_cast %get3A_618 : vector<1x16xi32> to vector<16xi32>
    %get3A_620 = arith.constant 2 : i32
    %get3A_621 = arith.index_cast %get3A_620 : i32 to index
    %get3A_622 = arith.constant 0 : index
    %get3A_623 = tpu.vector_load %arg7[%get3A_621, %get3A_622] {strides = array<i32>} : memref<4x128xi32, #tpu.memory_space<vmem>>, vector<1x16xi32>,
    %get3A_624 = vector.shape_cast %get3A_623 : vector<1x16xi32> to vector<16xi32>
    %sub3A_625 = vector.broadcast %mul3A_93 : i32 to vector<16xi32>
    %sub3A_626 = arith.subi %get3A_624, %sub3A_625 : vector<16xi32>
    %ge3A_627 = arith.constant 0 : i32
    %ge3A_628 = vector.broadcast %ge3A_627 : i32 to vector<16xi32>
    %ge3A_629 = arith.cmpi sge, %sub3A_626, %ge3A_628 : vector<16xi32>
    %lt3A_630 = arith.constant 512 : i32
    %lt3A_631 = vector.broadcast %lt3A_630 : i32 to vector<16xi32>
    %lt3A_632 = arith.cmpi slt, %sub3A_626, %lt3A_631 : vector<16xi32>
    %and3A_633 = arith.andi %ge3A_629, %lt3A_632 : vector<16xi1>
    %mul3A_634 = arith.constant 2048 : i32
    %mul3A_635 = vector.broadcast %mul3A_634 : i32 to vector<16xi32>
    %mul3A_636 = arith.muli %sub3A_626, %mul3A_635 : vector<16xi32>
    %add3A_637 = arith.addi %mul3A_636, %get3A_619 : vector<16xi32>
    %jit3A_638 = arith.constant 1048576 : i32
    %broadcast_in_dim3A_639 = vector.broadcast %jit3A_638 : i32 to vector<16xi32>
    %select_n3A_640 = arith.select %and3A_633, %add3A_637, %broadcast_in_dim3A_639 : vector<16xi1>, vector<16xi32>
    %swap3A_641 = arith.constant 2 : i32
    %swap3A_642 = arith.index_cast %swap3A_641 : i32 to index
    %swap3A_643 = arith.constant 0 : index
    %swap3A_644 = tpu.vector_load %arg8[%swap3A_642, %swap3A_643] {strides = array<i32>} : memref<4x128xi32, #tpu.memory_space<vmem>>, vector<1x16xi32>,
    %swap3A_645 = vector.shape_cast %swap3A_644 : vector<1x16xi32> to vector<16xi32>
    %swap3A_646 = vector.shape_cast %select_n3A_640 : vector<16xi32> to vector<1x16xi32>
    tpu.vector_store %arg8[%swap3A_642, %swap3A_643], %swap3A_646 {strides = array<i32>} : memref<4x128xi32, #tpu.memory_space<vmem>>, vector<1x16xi32>,
    %get3A_647 = arith.constant 2 : i32
    %get3A_648 = arith.index_cast %get3A_647 : i32 to index
    %get3A_649 = arith.constant 16 : index
    %get3A_650 = tpu.vector_load %arg6[%get3A_648, %get3A_649] {strides = array<i32>} : memref<4x128xi32, #tpu.memory_space<vmem>>, vector<1x16xi32>,
    %get3A_651 = vector.shape_cast %get3A_650 : vector<1x16xi32> to vector<16xi32>
    %get3A_652 = arith.constant 2 : i32
    %get3A_653 = arith.index_cast %get3A_652 : i32 to index
    %get3A_654 = arith.constant 16 : index
    %get3A_655 = tpu.vector_load %arg7[%get3A_653, %get3A_654] {strides = array<i32>} : memref<4x128xi32, #tpu.memory_space<vmem>>, vector<1x16xi32>,
    %get3A_656 = vector.shape_cast %get3A_655 : vector<1x16xi32> to vector<16xi32>
    %sub3A_657 = vector.broadcast %mul3A_93 : i32 to vector<16xi32>
    %sub3A_658 = arith.subi %get3A_656, %sub3A_657 : vector<16xi32>
    %ge3A_659 = arith.constant 0 : i32
    %ge3A_660 = vector.broadcast %ge3A_659 : i32 to vector<16xi32>
    %ge3A_661 = arith.cmpi sge, %sub3A_658, %ge3A_660 : vector<16xi32>
    %lt3A_662 = arith.constant 512 : i32
    %lt3A_663 = vector.broadcast %lt3A_662 : i32 to vector<16xi32>
    %lt3A_664 = arith.cmpi slt, %sub3A_658, %lt3A_663 : vector<16xi32>
    %and3A_665 = arith.andi %ge3A_661, %lt3A_664 : vector<16xi1>
    %mul3A_666 = arith.constant 2048 : i32
    %mul3A_667 = vector.broadcast %mul3A_666 : i32 to vector<16xi32>
    %mul3A_668 = arith.muli %sub3A_658, %mul3A_667 : vector<16xi32>
    %add3A_669 = arith.addi %mul3A_668, %get3A_651 : vector<16xi32>
    %jit3A_670 = arith.constant 1048576 : i32
    %broadcast_in_dim3A_671 = vector.broadcast %jit3A_670 : i32 to vector<16xi32>
    %select_n3A_672 = arith.select %and3A_665, %add3A_669, %broadcast_in_dim3A_671 : vector<16xi1>, vector<16xi32>
    %swap3A_673 = arith.constant 2 : i32
    %swap3A_674 = arith.index_cast %swap3A_673 : i32 to index
    %swap3A_675 = arith.constant 16 : index
    %swap3A_676 = tpu.vector_load %arg8[%swap3A_674, %swap3A_675] {strides = array<i32>} : memref<4x128xi32, #tpu.memory_space<vmem>>, vector<1x16xi32>,
    %swap3A_677 = vector.shape_cast %swap3A_676 : vector<1x16xi32> to vector<16xi32>
    %swap3A_678 = vector.shape_cast %select_n3A_672 : vector<16xi32> to vector<1x16xi32>
    tpu.vector_store %arg8[%swap3A_674, %swap3A_675], %swap3A_678 {strides = array<i32>} : memref<4x128xi32, #tpu.memory_space<vmem>>, vector<1x16xi32>,
    %get3A_679 = arith.constant 2 : i32
    %get3A_680 = arith.index_cast %get3A_679 : i32 to index
    %get3A_681 = arith.constant 32 : index
    %get3A_682 = tpu.vector_load %arg6[%get3A_680, %get3A_681] {strides = array<i32>} : memref<4x128xi32, #tpu.memory_space<vmem>>, vector<1x16xi32>,
    %get3A_683 = vector.shape_cast %get3A_682 : vector<1x16xi32> to vector<16xi32>
    %get3A_684 = arith.constant 2 : i32
    %get3A_685 = arith.index_cast %get3A_684 : i32 to index
    %get3A_686 = arith.constant 32 : index
    %get3A_687 = tpu.vector_load %arg7[%get3A_685, %get3A_686] {strides = array<i32>} : memref<4x128xi32, #tpu.memory_space<vmem>>, vector<1x16xi32>,
    %get3A_688 = vector.shape_cast %get3A_687 : vector<1x16xi32> to vector<16xi32>
    %sub3A_689 = vector.broadcast %mul3A_93 : i32 to vector<16xi32>
    %sub3A_690 = arith.subi %get3A_688, %sub3A_689 : vector<16xi32>
    %ge3A_691 = arith.constant 0 : i32
    %ge3A_692 = vector.broadcast %ge3A_691 : i32 to vector<16xi32>
    %ge3A_693 = arith.cmpi sge, %sub3A_690, %ge3A_692 : vector<16xi32>
    %lt3A_694 = arith.constant 512 : i32
    %lt3A_695 = vector.broadcast %lt3A_694 : i32 to vector<16xi32>
    %lt3A_696 = arith.cmpi slt, %sub3A_690, %lt3A_695 : vector<16xi32>
    %and3A_697 = arith.andi %ge3A_693, %lt3A_696 : vector<16xi1>
    %mul3A_698 = arith.constant 2048 : i32
    %mul3A_699 = vector.broadcast %mul3A_698 : i32 to vector<16xi32>
    %mul3A_700 = arith.muli %sub3A_690, %mul3A_699 : vector<16xi32>
    %add3A_701 = arith.addi %mul3A_700, %get3A_683 : vector<16xi32>
    %jit3A_702 = arith.constant 1048576 : i32
    %broadcast_in_dim3A_703 = vector.broadcast %jit3A_702 : i32 to vector<16xi32>
    %select_n3A_704 = arith.select %and3A_697, %add3A_701, %broadcast_in_dim3A_703 : vector<16xi1>, vector<16xi32>
    %swap3A_705 = arith.constant 2 : i32
    %swap3A_706 = arith.index_cast %swap3A_705 : i32 to index
    %swap3A_707 = arith.constant 32 : index
    %swap3A_708 = tpu.vector_load %arg8[%swap3A_706, %swap3A_707] {strides = array<i32>} : memref<4x128xi32, #tpu.memory_space<vmem>>, vector<1x16xi32>,
    %swap3A_709 = vector.shape_cast %swap3A_708 : vector<1x16xi32> to vector<16xi32>
    %swap3A_710 = vector.shape_cast %select_n3A_704 : vector<16xi32> to vector<1x16xi32>
    tpu.vector_store %arg8[%swap3A_706, %swap3A_707], %swap3A_710 {strides = array<i32>} : memref<4x128xi32, #tpu.memory_space<vmem>>, vector<1x16xi32>,
    %get3A_711 = arith.constant 2 : i32
    %get3A_712 = arith.index_cast %get3A_711 : i32 to index
    %get3A_713 = arith.constant 48 : index
    %get3A_714 = tpu.vector_load %arg6[%get3A_712, %get3A_713] {strides = array<i32>} : memref<4x128xi32, #tpu.memory_space<vmem>>, vector<1x16xi32>,
    %get3A_715 = vector.shape_cast %get3A_714 : vector<1x16xi32> to vector<16xi32>
    %get3A_716 = arith.constant 2 : i32
    %get3A_717 = arith.index_cast %get3A_716 : i32 to index
    %get3A_718 = arith.constant 48 : index
    %get3A_719 = tpu.vector_load %arg7[%get3A_717, %get3A_718] {strides = array<i32>} : memref<4x128xi32, #tpu.memory_space<vmem>>, vector<1x16xi32>,
    %get3A_720 = vector.shape_cast %get3A_719 : vector<1x16xi32> to vector<16xi32>
    %sub3A_721 = vector.broadcast %mul3A_93 : i32 to vector<16xi32>
    %sub3A_722 = arith.subi %get3A_720, %sub3A_721 : vector<16xi32>
    %ge3A_723 = arith.constant 0 : i32
    %ge3A_724 = vector.broadcast %ge3A_723 : i32 to vector<16xi32>
    %ge3A_725 = arith.cmpi sge, %sub3A_722, %ge3A_724 : vector<16xi32>
    %lt3A_726 = arith.constant 512 : i32
    %lt3A_727 = vector.broadcast %lt3A_726 : i32 to vector<16xi32>
    %lt3A_728 = arith.cmpi slt, %sub3A_722, %lt3A_727 : vector<16xi32>
    %and3A_729 = arith.andi %ge3A_725, %lt3A_728 : vector<16xi1>
    %mul3A_730 = arith.constant 2048 : i32
    %mul3A_731 = vector.broadcast %mul3A_730 : i32 to vector<16xi32>
    %mul3A_732 = arith.muli %sub3A_722, %mul3A_731 : vector<16xi32>
    %add3A_733 = arith.addi %mul3A_732, %get3A_715 : vector<16xi32>
    %jit3A_734 = arith.constant 1048576 : i32
    %broadcast_in_dim3A_735 = vector.broadcast %jit3A_734 : i32 to vector<16xi32>
    %select_n3A_736 = arith.select %and3A_729, %add3A_733, %broadcast_in_dim3A_735 : vector<16xi1>, vector<16xi32>
    %swap3A_737 = arith.constant 2 : i32
    %swap3A_738 = arith.index_cast %swap3A_737 : i32 to index
    %swap3A_739 = arith.constant 48 : index
    %swap3A_740 = tpu.vector_load %arg8[%swap3A_738, %swap3A_739] {strides = array<i32>} : memref<4x128xi32, #tpu.memory_space<vmem>>, vector<1x16xi32>,
    %swap3A_741 = vector.shape_cast %swap3A_740 : vector<1x16xi32> to vector<16xi32>
    %swap3A_742 = vector.shape_cast %select_n3A_736 : vector<16xi32> to vector<1x16xi32>
    tpu.vector_store %arg8[%swap3A_738, %swap3A_739], %swap3A_742 {strides = array<i32>} : memref<4x128xi32, #tpu.memory_space<vmem>>, vector<1x16xi32>,
    %get3A_743 = arith.constant 2 : i32
    %get3A_744 = arith.index_cast %get3A_743 : i32 to index
    %get3A_745 = arith.constant 64 : index
    %get3A_746 = tpu.vector_load %arg6[%get3A_744, %get3A_745] {strides = array<i32>} : memref<4x128xi32, #tpu.memory_space<vmem>>, vector<1x16xi32>,
    %get3A_747 = vector.shape_cast %get3A_746 : vector<1x16xi32> to vector<16xi32>
    %get3A_748 = arith.constant 2 : i32
    %get3A_749 = arith.index_cast %get3A_748 : i32 to index
    %get3A_750 = arith.constant 64 : index
    %get3A_751 = tpu.vector_load %arg7[%get3A_749, %get3A_750] {strides = array<i32>} : memref<4x128xi32, #tpu.memory_space<vmem>>, vector<1x16xi32>,
    %get3A_752 = vector.shape_cast %get3A_751 : vector<1x16xi32> to vector<16xi32>
    %sub3A_753 = vector.broadcast %mul3A_93 : i32 to vector<16xi32>
    %sub3A_754 = arith.subi %get3A_752, %sub3A_753 : vector<16xi32>
    %ge3A_755 = arith.constant 0 : i32
    %ge3A_756 = vector.broadcast %ge3A_755 : i32 to vector<16xi32>
    %ge3A_757 = arith.cmpi sge, %sub3A_754, %ge3A_756 : vector<16xi32>
    %lt3A_758 = arith.constant 512 : i32
    %lt3A_759 = vector.broadcast %lt3A_758 : i32 to vector<16xi32>
    %lt3A_760 = arith.cmpi slt, %sub3A_754, %lt3A_759 : vector<16xi32>
    %and3A_761 = arith.andi %ge3A_757, %lt3A_760 : vector<16xi1>
    %mul3A_762 = arith.constant 2048 : i32
    %mul3A_763 = vector.broadcast %mul3A_762 : i32 to vector<16xi32>
    %mul3A_764 = arith.muli %sub3A_754, %mul3A_763 : vector<16xi32>
    %add3A_765 = arith.addi %mul3A_764, %get3A_747 : vector<16xi32>
    %jit3A_766 = arith.constant 1048576 : i32
    %broadcast_in_dim3A_767 = vector.broadcast %jit3A_766 : i32 to vector<16xi32>
    %select_n3A_768 = arith.select %and3A_761, %add3A_765, %broadcast_in_dim3A_767 : vector<16xi1>, vector<16xi32>
    %swap3A_769 = arith.constant 2 : i32
    %swap3A_770 = arith.index_cast %swap3A_769 : i32 to index
    %swap3A_771 = arith.constant 64 : index
    %swap3A_772 = tpu.vector_load %arg8[%swap3A_770, %swap3A_771] {strides = array<i32>} : memref<4x128xi32, #tpu.memory_space<vmem>>, vector<1x16xi32>,
    %swap3A_773 = vector.shape_cast %swap3A_772 : vector<1x16xi32> to vector<16xi32>
    %swap3A_774 = vector.shape_cast %select_n3A_768 : vector<16xi32> to vector<1x16xi32>
    tpu.vector_store %arg8[%swap3A_770, %swap3A_771], %swap3A_774 {strides = array<i32>} : memref<4x128xi32, #tpu.memory_space<vmem>>, vector<1x16xi32>,
    %get3A_775 = arith.constant 2 : i32
    %get3A_776 = arith.index_cast %get3A_775 : i32 to index
    %get3A_777 = arith.constant 80 : index
    %get3A_778 = tpu.vector_load %arg6[%get3A_776, %get3A_777] {strides = array<i32>} : memref<4x128xi32, #tpu.memory_space<vmem>>, vector<1x16xi32>,
    %get3A_779 = vector.shape_cast %get3A_778 : vector<1x16xi32> to vector<16xi32>
    %get3A_780 = arith.constant 2 : i32
    %get3A_781 = arith.index_cast %get3A_780 : i32 to index
    %get3A_782 = arith.constant 80 : index
    %get3A_783 = tpu.vector_load %arg7[%get3A_781, %get3A_782] {strides = array<i32>} : memref<4x128xi32, #tpu.memory_space<vmem>>, vector<1x16xi32>,
    %get3A_784 = vector.shape_cast %get3A_783 : vector<1x16xi32> to vector<16xi32>
    %sub3A_785 = vector.broadcast %mul3A_93 : i32 to vector<16xi32>
    %sub3A_786 = arith.subi %get3A_784, %sub3A_785 : vector<16xi32>
    %ge3A_787 = arith.constant 0 : i32
    %ge3A_788 = vector.broadcast %ge3A_787 : i32 to vector<16xi32>
    %ge3A_789 = arith.cmpi sge, %sub3A_786, %ge3A_788 : vector<16xi32>
    %lt3A_790 = arith.constant 512 : i32
    %lt3A_791 = vector.broadcast %lt3A_790 : i32 to vector<16xi32>
    %lt3A_792 = arith.cmpi slt, %sub3A_786, %lt3A_791 : vector<16xi32>
    %and3A_793 = arith.andi %ge3A_789, %lt3A_792 : vector<16xi1>
    %mul3A_794 = arith.constant 2048 : i32
    %mul3A_795 = vector.broadcast %mul3A_794 : i32 to vector<16xi32>
    %mul3A_796 = arith.muli %sub3A_786, %mul3A_795 : vector<16xi32>
    %add3A_797 = arith.addi %mul3A_796, %get3A_779 : vector<16xi32>
    %jit3A_798 = arith.constant 1048576 : i32
    %broadcast_in_dim3A_799 = vector.broadcast %jit3A_798 : i32 to vector<16xi32>
    %select_n3A_800 = arith.select %and3A_793, %add3A_797, %broadcast_in_dim3A_799 : vector<16xi1>, vector<16xi32>
    %swap3A_801 = arith.constant 2 : i32
    %swap3A_802 = arith.index_cast %swap3A_801 : i32 to index
    %swap3A_803 = arith.constant 80 : index
    %swap3A_804 = tpu.vector_load %arg8[%swap3A_802, %swap3A_803] {strides = array<i32>} : memref<4x128xi32, #tpu.memory_space<vmem>>, vector<1x16xi32>,
    %swap3A_805 = vector.shape_cast %swap3A_804 : vector<1x16xi32> to vector<16xi32>
    %swap3A_806 = vector.shape_cast %select_n3A_800 : vector<16xi32> to vector<1x16xi32>
    tpu.vector_store %arg8[%swap3A_802, %swap3A_803], %swap3A_806 {strides = array<i32>} : memref<4x128xi32, #tpu.memory_space<vmem>>, vector<1x16xi32>,
    %get3A_807 = arith.constant 2 : i32
    %get3A_808 = arith.index_cast %get3A_807 : i32 to index
    %get3A_809 = arith.constant 96 : index
    %get3A_810 = tpu.vector_load %arg6[%get3A_808, %get3A_809] {strides = array<i32>} : memref<4x128xi32, #tpu.memory_space<vmem>>, vector<1x16xi32>,
    %get3A_811 = vector.shape_cast %get3A_810 : vector<1x16xi32> to vector<16xi32>
    %get3A_812 = arith.constant 2 : i32
    %get3A_813 = arith.index_cast %get3A_812 : i32 to index
    %get3A_814 = arith.constant 96 : index
    %get3A_815 = tpu.vector_load %arg7[%get3A_813, %get3A_814] {strides = array<i32>} : memref<4x128xi32, #tpu.memory_space<vmem>>, vector<1x16xi32>,
    %get3A_816 = vector.shape_cast %get3A_815 : vector<1x16xi32> to vector<16xi32>
    %sub3A_817 = vector.broadcast %mul3A_93 : i32 to vector<16xi32>
    %sub3A_818 = arith.subi %get3A_816, %sub3A_817 : vector<16xi32>
    %ge3A_819 = arith.constant 0 : i32
    %ge3A_820 = vector.broadcast %ge3A_819 : i32 to vector<16xi32>
    %ge3A_821 = arith.cmpi sge, %sub3A_818, %ge3A_820 : vector<16xi32>
    %lt3A_822 = arith.constant 512 : i32
    %lt3A_823 = vector.broadcast %lt3A_822 : i32 to vector<16xi32>
    %lt3A_824 = arith.cmpi slt, %sub3A_818, %lt3A_823 : vector<16xi32>
    %and3A_825 = arith.andi %ge3A_821, %lt3A_824 : vector<16xi1>
    %mul3A_826 = arith.constant 2048 : i32
    %mul3A_827 = vector.broadcast %mul3A_826 : i32 to vector<16xi32>
    %mul3A_828 = arith.muli %sub3A_818, %mul3A_827 : vector<16xi32>
    %add3A_829 = arith.addi %mul3A_828, %get3A_811 : vector<16xi32>
    %jit3A_830 = arith.constant 1048576 : i32
    %broadcast_in_dim3A_831 = vector.broadcast %jit3A_830 : i32 to vector<16xi32>
    %select_n3A_832 = arith.select %and3A_825, %add3A_829, %broadcast_in_dim3A_831 : vector<16xi1>, vector<16xi32>
    %swap3A_833 = arith.constant 2 : i32
    %swap3A_834 = arith.index_cast %swap3A_833 : i32 to index
    %swap3A_835 = arith.constant 96 : index
    %swap3A_836 = tpu.vector_load %arg8[%swap3A_834, %swap3A_835] {strides = array<i32>} : memref<4x128xi32, #tpu.memory_space<vmem>>, vector<1x16xi32>,
    %swap3A_837 = vector.shape_cast %swap3A_836 : vector<1x16xi32> to vector<16xi32>
    %swap3A_838 = vector.shape_cast %select_n3A_832 : vector<16xi32> to vector<1x16xi32>
    tpu.vector_store %arg8[%swap3A_834, %swap3A_835], %swap3A_838 {strides = array<i32>} : memref<4x128xi32, #tpu.memory_space<vmem>>, vector<1x16xi32>,
    %get3A_839 = arith.constant 2 : i32
    %get3A_840 = arith.index_cast %get3A_839 : i32 to index
    %get3A_841 = arith.constant 112 : index
    %get3A_842 = tpu.vector_load %arg6[%get3A_840, %get3A_841] {strides = array<i32>} : memref<4x128xi32, #tpu.memory_space<vmem>>, vector<1x16xi32>,
    %get3A_843 = vector.shape_cast %get3A_842 : vector<1x16xi32> to vector<16xi32>
    %get3A_844 = arith.constant 2 : i32
    %get3A_845 = arith.index_cast %get3A_844 : i32 to index
    %get3A_846 = arith.constant 112 : index
    %get3A_847 = tpu.vector_load %arg7[%get3A_845, %get3A_846] {strides = array<i32>} : memref<4x128xi32, #tpu.memory_space<vmem>>, vector<1x16xi32>,
    %get3A_848 = vector.shape_cast %get3A_847 : vector<1x16xi32> to vector<16xi32>
    %sub3A_849 = vector.broadcast %mul3A_93 : i32 to vector<16xi32>
    %sub3A_850 = arith.subi %get3A_848, %sub3A_849 : vector<16xi32>
    %ge3A_851 = arith.constant 0 : i32
    %ge3A_852 = vector.broadcast %ge3A_851 : i32 to vector<16xi32>
    %ge3A_853 = arith.cmpi sge, %sub3A_850, %ge3A_852 : vector<16xi32>
    %lt3A_854 = arith.constant 512 : i32
    %lt3A_855 = vector.broadcast %lt3A_854 : i32 to vector<16xi32>
    %lt3A_856 = arith.cmpi slt, %sub3A_850, %lt3A_855 : vector<16xi32>
    %and3A_857 = arith.andi %ge3A_853, %lt3A_856 : vector<16xi1>
    %mul3A_858 = arith.constant 2048 : i32
    %mul3A_859 = vector.broadcast %mul3A_858 : i32 to vector<16xi32>
    %mul3A_860 = arith.muli %sub3A_850, %mul3A_859 : vector<16xi32>
    %add3A_861 = arith.addi %mul3A_860, %get3A_843 : vector<16xi32>
    %jit3A_862 = arith.constant 1048576 : i32
    %broadcast_in_dim3A_863 = vector.broadcast %jit3A_862 : i32 to vector<16xi32>
    %select_n3A_864 = arith.select %and3A_857, %add3A_861, %broadcast_in_dim3A_863 : vector<16xi1>, vector<16xi32>
    %swap3A_865 = arith.constant 2 : i32
    %swap3A_866 = arith.index_cast %swap3A_865 : i32 to index
    %swap3A_867 = arith.constant 112 : index
    %swap3A_868 = tpu.vector_load %arg8[%swap3A_866, %swap3A_867] {strides = array<i32>} : memref<4x128xi32, #tpu.memory_space<vmem>>, vector<1x16xi32>,
    %swap3A_869 = vector.shape_cast %swap3A_868 : vector<1x16xi32> to vector<16xi32>
    %swap3A_870 = vector.shape_cast %select_n3A_864 : vector<16xi32> to vector<1x16xi32>
    tpu.vector_store %arg8[%swap3A_866, %swap3A_867], %swap3A_870 {strides = array<i32>} : memref<4x128xi32, #tpu.memory_space<vmem>>, vector<1x16xi32>,
    %get3A_871 = arith.constant 3 : i32
    %get3A_872 = arith.index_cast %get3A_871 : i32 to index
    %get3A_873 = arith.constant 0 : index
    %get3A_874 = tpu.vector_load %arg6[%get3A_872, %get3A_873] {strides = array<i32>} : memref<4x128xi32, #tpu.memory_space<vmem>>, vector<1x16xi32>,
    %get3A_875 = vector.shape_cast %get3A_874 : vector<1x16xi32> to vector<16xi32>
    %get3A_876 = arith.constant 3 : i32
    %get3A_877 = arith.index_cast %get3A_876 : i32 to index
    %get3A_878 = arith.constant 0 : index
    %get3A_879 = tpu.vector_load %arg7[%get3A_877, %get3A_878] {strides = array<i32>} : memref<4x128xi32, #tpu.memory_space<vmem>>, vector<1x16xi32>,
    %get3A_880 = vector.shape_cast %get3A_879 : vector<1x16xi32> to vector<16xi32>
    %sub3A_881 = vector.broadcast %mul3A_93 : i32 to vector<16xi32>
    %sub3A_882 = arith.subi %get3A_880, %sub3A_881 : vector<16xi32>
    %ge3A_883 = arith.constant 0 : i32
    %ge3A_884 = vector.broadcast %ge3A_883 : i32 to vector<16xi32>
    %ge3A_885 = arith.cmpi sge, %sub3A_882, %ge3A_884 : vector<16xi32>
    %lt3A_886 = arith.constant 512 : i32
    %lt3A_887 = vector.broadcast %lt3A_886 : i32 to vector<16xi32>
    %lt3A_888 = arith.cmpi slt, %sub3A_882, %lt3A_887 : vector<16xi32>
    %and3A_889 = arith.andi %ge3A_885, %lt3A_888 : vector<16xi1>
    %mul3A_890 = arith.constant 2048 : i32
    %mul3A_891 = vector.broadcast %mul3A_890 : i32 to vector<16xi32>
    %mul3A_892 = arith.muli %sub3A_882, %mul3A_891 : vector<16xi32>
    %add3A_893 = arith.addi %mul3A_892, %get3A_875 : vector<16xi32>
    %jit3A_894 = arith.constant 1048576 : i32
    %broadcast_in_dim3A_895 = vector.broadcast %jit3A_894 : i32 to vector<16xi32>
    %select_n3A_896 = arith.select %and3A_889, %add3A_893, %broadcast_in_dim3A_895 : vector<16xi1>, vector<16xi32>
    %swap3A_897 = arith.constant 3 : i32
    %swap3A_898 = arith.index_cast %swap3A_897 : i32 to index
    %swap3A_899 = arith.constant 0 : index
    %swap3A_900 = tpu.vector_load %arg8[%swap3A_898, %swap3A_899] {strides = array<i32>} : memref<4x128xi32, #tpu.memory_space<vmem>>, vector<1x16xi32>,
    %swap3A_901 = vector.shape_cast %swap3A_900 : vector<1x16xi32> to vector<16xi32>
    %swap3A_902 = vector.shape_cast %select_n3A_896 : vector<16xi32> to vector<1x16xi32>
    tpu.vector_store %arg8[%swap3A_898, %swap3A_899], %swap3A_902 {strides = array<i32>} : memref<4x128xi32, #tpu.memory_space<vmem>>, vector<1x16xi32>,
    %get3A_903 = arith.constant 3 : i32
    %get3A_904 = arith.index_cast %get3A_903 : i32 to index
    %get3A_905 = arith.constant 16 : index
    %get3A_906 = tpu.vector_load %arg6[%get3A_904, %get3A_905] {strides = array<i32>} : memref<4x128xi32, #tpu.memory_space<vmem>>, vector<1x16xi32>,
    %get3A_907 = vector.shape_cast %get3A_906 : vector<1x16xi32> to vector<16xi32>
    %get3A_908 = arith.constant 3 : i32
    %get3A_909 = arith.index_cast %get3A_908 : i32 to index
    %get3A_910 = arith.constant 16 : index
    %get3A_911 = tpu.vector_load %arg7[%get3A_909, %get3A_910] {strides = array<i32>} : memref<4x128xi32, #tpu.memory_space<vmem>>, vector<1x16xi32>,
    %get3A_912 = vector.shape_cast %get3A_911 : vector<1x16xi32> to vector<16xi32>
    %sub3A_913 = vector.broadcast %mul3A_93 : i32 to vector<16xi32>
    %sub3A_914 = arith.subi %get3A_912, %sub3A_913 : vector<16xi32>
    %ge3A_915 = arith.constant 0 : i32
    %ge3A_916 = vector.broadcast %ge3A_915 : i32 to vector<16xi32>
    %ge3A_917 = arith.cmpi sge, %sub3A_914, %ge3A_916 : vector<16xi32>
    %lt3A_918 = arith.constant 512 : i32
    %lt3A_919 = vector.broadcast %lt3A_918 : i32 to vector<16xi32>
    %lt3A_920 = arith.cmpi slt, %sub3A_914, %lt3A_919 : vector<16xi32>
    %and3A_921 = arith.andi %ge3A_917, %lt3A_920 : vector<16xi1>
    %mul3A_922 = arith.constant 2048 : i32
    %mul3A_923 = vector.broadcast %mul3A_922 : i32 to vector<16xi32>
    %mul3A_924 = arith.muli %sub3A_914, %mul3A_923 : vector<16xi32>
    %add3A_925 = arith.addi %mul3A_924, %get3A_907 : vector<16xi32>
    %jit3A_926 = arith.constant 1048576 : i32
    %broadcast_in_dim3A_927 = vector.broadcast %jit3A_926 : i32 to vector<16xi32>
    %select_n3A_928 = arith.select %and3A_921, %add3A_925, %broadcast_in_dim3A_927 : vector<16xi1>, vector<16xi32>
    %swap3A_929 = arith.constant 3 : i32
    %swap3A_930 = arith.index_cast %swap3A_929 : i32 to index
    %swap3A_931 = arith.constant 16 : index
    %swap3A_932 = tpu.vector_load %arg8[%swap3A_930, %swap3A_931] {strides = array<i32>} : memref<4x128xi32, #tpu.memory_space<vmem>>, vector<1x16xi32>,
    %swap3A_933 = vector.shape_cast %swap3A_932 : vector<1x16xi32> to vector<16xi32>
    %swap3A_934 = vector.shape_cast %select_n3A_928 : vector<16xi32> to vector<1x16xi32>
    tpu.vector_store %arg8[%swap3A_930, %swap3A_931], %swap3A_934 {strides = array<i32>} : memref<4x128xi32, #tpu.memory_space<vmem>>, vector<1x16xi32>,
    %get3A_935 = arith.constant 3 : i32
    %get3A_936 = arith.index_cast %get3A_935 : i32 to index
    %get3A_937 = arith.constant 32 : index
    %get3A_938 = tpu.vector_load %arg6[%get3A_936, %get3A_937] {strides = array<i32>} : memref<4x128xi32, #tpu.memory_space<vmem>>, vector<1x16xi32>,
    %get3A_939 = vector.shape_cast %get3A_938 : vector<1x16xi32> to vector<16xi32>
    %get3A_940 = arith.constant 3 : i32
    %get3A_941 = arith.index_cast %get3A_940 : i32 to index
    %get3A_942 = arith.constant 32 : index
    %get3A_943 = tpu.vector_load %arg7[%get3A_941, %get3A_942] {strides = array<i32>} : memref<4x128xi32, #tpu.memory_space<vmem>>, vector<1x16xi32>,
    %get3A_944 = vector.shape_cast %get3A_943 : vector<1x16xi32> to vector<16xi32>
    %sub3A_945 = vector.broadcast %mul3A_93 : i32 to vector<16xi32>
    %sub3A_946 = arith.subi %get3A_944, %sub3A_945 : vector<16xi32>
    %ge3A_947 = arith.constant 0 : i32
    %ge3A_948 = vector.broadcast %ge3A_947 : i32 to vector<16xi32>
    %ge3A_949 = arith.cmpi sge, %sub3A_946, %ge3A_948 : vector<16xi32>
    %lt3A_950 = arith.constant 512 : i32
    %lt3A_951 = vector.broadcast %lt3A_950 : i32 to vector<16xi32>
    %lt3A_952 = arith.cmpi slt, %sub3A_946, %lt3A_951 : vector<16xi32>
    %and3A_953 = arith.andi %ge3A_949, %lt3A_952 : vector<16xi1>
    %mul3A_954 = arith.constant 2048 : i32
    %mul3A_955 = vector.broadcast %mul3A_954 : i32 to vector<16xi32>
    %mul3A_956 = arith.muli %sub3A_946, %mul3A_955 : vector<16xi32>
    %add3A_957 = arith.addi %mul3A_956, %get3A_939 : vector<16xi32>
    %jit3A_958 = arith.constant 1048576 : i32
    %broadcast_in_dim3A_959 = vector.broadcast %jit3A_958 : i32 to vector<16xi32>
    %select_n3A_960 = arith.select %and3A_953, %add3A_957, %broadcast_in_dim3A_959 : vector<16xi1>, vector<16xi32>
    %swap3A_961 = arith.constant 3 : i32
    %swap3A_962 = arith.index_cast %swap3A_961 : i32 to index
    %swap3A_963 = arith.constant 32 : index
    %swap3A_964 = tpu.vector_load %arg8[%swap3A_962, %swap3A_963] {strides = array<i32>} : memref<4x128xi32, #tpu.memory_space<vmem>>, vector<1x16xi32>,
    %swap3A_965 = vector.shape_cast %swap3A_964 : vector<1x16xi32> to vector<16xi32>
    %swap3A_966 = vector.shape_cast %select_n3A_960 : vector<16xi32> to vector<1x16xi32>
    tpu.vector_store %arg8[%swap3A_962, %swap3A_963], %swap3A_966 {strides = array<i32>} : memref<4x128xi32, #tpu.memory_space<vmem>>, vector<1x16xi32>,
    %get3A_967 = arith.constant 3 : i32
    %get3A_968 = arith.index_cast %get3A_967 : i32 to index
    %get3A_969 = arith.constant 48 : index
    %get3A_970 = tpu.vector_load %arg6[%get3A_968, %get3A_969] {strides = array<i32>} : memref<4x128xi32, #tpu.memory_space<vmem>>, vector<1x16xi32>,
    %get3A_971 = vector.shape_cast %get3A_970 : vector<1x16xi32> to vector<16xi32>
    %get3A_972 = arith.constant 3 : i32
    %get3A_973 = arith.index_cast %get3A_972 : i32 to index
    %get3A_974 = arith.constant 48 : index
    %get3A_975 = tpu.vector_load %arg7[%get3A_973, %get3A_974] {strides = array<i32>} : memref<4x128xi32, #tpu.memory_space<vmem>>, vector<1x16xi32>,
    %get3A_976 = vector.shape_cast %get3A_975 : vector<1x16xi32> to vector<16xi32>
    %sub3A_977 = vector.broadcast %mul3A_93 : i32 to vector<16xi32>
    %sub3A_978 = arith.subi %get3A_976, %sub3A_977 : vector<16xi32>
    %ge3A_979 = arith.constant 0 : i32
    %ge3A_980 = vector.broadcast %ge3A_979 : i32 to vector<16xi32>
    %ge3A_981 = arith.cmpi sge, %sub3A_978, %ge3A_980 : vector<16xi32>
    %lt3A_982 = arith.constant 512 : i32
    %lt3A_983 = vector.broadcast %lt3A_982 : i32 to vector<16xi32>
    %lt3A_984 = arith.cmpi slt, %sub3A_978, %lt3A_983 : vector<16xi32>
    %and3A_985 = arith.andi %ge3A_981, %lt3A_984 : vector<16xi1>
    %mul3A_986 = arith.constant 2048 : i32
    %mul3A_987 = vector.broadcast %mul3A_986 : i32 to vector<16xi32>
    %mul3A_988 = arith.muli %sub3A_978, %mul3A_987 : vector<16xi32>
    %add3A_989 = arith.addi %mul3A_988, %get3A_971 : vector<16xi32>
    %jit3A_990 = arith.constant 1048576 : i32
    %broadcast_in_dim3A_991 = vector.broadcast %jit3A_990 : i32 to vector<16xi32>
    %select_n3A_992 = arith.select %and3A_985, %add3A_989, %broadcast_in_dim3A_991 : vector<16xi1>, vector<16xi32>
    %swap3A_993 = arith.constant 3 : i32
    %swap3A_994 = arith.index_cast %swap3A_993 : i32 to index
    %swap3A_995 = arith.constant 48 : index
    %swap3A_996 = tpu.vector_load %arg8[%swap3A_994, %swap3A_995] {strides = array<i32>} : memref<4x128xi32, #tpu.memory_space<vmem>>, vector<1x16xi32>,
    %swap3A_997 = vector.shape_cast %swap3A_996 : vector<1x16xi32> to vector<16xi32>
    %swap3A_998 = vector.shape_cast %select_n3A_992 : vector<16xi32> to vector<1x16xi32>
    tpu.vector_store %arg8[%swap3A_994, %swap3A_995], %swap3A_998 {strides = array<i32>} : memref<4x128xi32, #tpu.memory_space<vmem>>, vector<1x16xi32>,
    %get3A_999 = arith.constant 3 : i32
    %get3A_1000 = arith.index_cast %get3A_999 : i32 to index
    %get3A_1001 = arith.constant 64 : index
    %get3A_1002 = tpu.vector_load %arg6[%get3A_1000, %get3A_1001] {strides = array<i32>} : memref<4x128xi32, #tpu.memory_space<vmem>>, vector<1x16xi32>,
    %get3A_1003 = vector.shape_cast %get3A_1002 : vector<1x16xi32> to vector<16xi32>
    %get3A_1004 = arith.constant 3 : i32
    %get3A_1005 = arith.index_cast %get3A_1004 : i32 to index
    %get3A_1006 = arith.constant 64 : index
    %get3A_1007 = tpu.vector_load %arg7[%get3A_1005, %get3A_1006] {strides = array<i32>} : memref<4x128xi32, #tpu.memory_space<vmem>>, vector<1x16xi32>,
    %get3A_1008 = vector.shape_cast %get3A_1007 : vector<1x16xi32> to vector<16xi32>
    %sub3A_1009 = vector.broadcast %mul3A_93 : i32 to vector<16xi32>
    %sub3A_1010 = arith.subi %get3A_1008, %sub3A_1009 : vector<16xi32>
    %ge3A_1011 = arith.constant 0 : i32
    %ge3A_1012 = vector.broadcast %ge3A_1011 : i32 to vector<16xi32>
    %ge3A_1013 = arith.cmpi sge, %sub3A_1010, %ge3A_1012 : vector<16xi32>
    %lt3A_1014 = arith.constant 512 : i32
    %lt3A_1015 = vector.broadcast %lt3A_1014 : i32 to vector<16xi32>
    %lt3A_1016 = arith.cmpi slt, %sub3A_1010, %lt3A_1015 : vector<16xi32>
    %and3A_1017 = arith.andi %ge3A_1013, %lt3A_1016 : vector<16xi1>
    %mul3A_1018 = arith.constant 2048 : i32
    %mul3A_1019 = vector.broadcast %mul3A_1018 : i32 to vector<16xi32>
    %mul3A_1020 = arith.muli %sub3A_1010, %mul3A_1019 : vector<16xi32>
    %add3A_1021 = arith.addi %mul3A_1020, %get3A_1003 : vector<16xi32>
    %jit3A_1022 = arith.constant 1048576 : i32
    %broadcast_in_dim3A_1023 = vector.broadcast %jit3A_1022 : i32 to vector<16xi32>
    %select_n3A_1024 = arith.select %and3A_1017, %add3A_1021, %broadcast_in_dim3A_1023 : vector<16xi1>, vector<16xi32>
    %swap3A_1025 = arith.constant 3 : i32
    %swap3A_1026 = arith.index_cast %swap3A_1025 : i32 to index
    %swap3A_1027 = arith.constant 64 : index
    %swap3A_1028 = tpu.vector_load %arg8[%swap3A_1026, %swap3A_1027] {strides = array<i32>} : memref<4x128xi32, #tpu.memory_space<vmem>>, vector<1x16xi32>,
    %swap3A_1029 = vector.shape_cast %swap3A_1028 : vector<1x16xi32> to vector<16xi32>
    %swap3A_1030 = vector.shape_cast %select_n3A_1024 : vector<16xi32> to vector<1x16xi32>
    tpu.vector_store %arg8[%swap3A_1026, %swap3A_1027], %swap3A_1030 {strides = array<i32>} : memref<4x128xi32, #tpu.memory_space<vmem>>, vector<1x16xi32>,
    %get3A_1031 = arith.constant 3 : i32
    %get3A_1032 = arith.index_cast %get3A_1031 : i32 to index
    %get3A_1033 = arith.constant 80 : index
    %get3A_1034 = tpu.vector_load %arg6[%get3A_1032, %get3A_1033] {strides = array<i32>} : memref<4x128xi32, #tpu.memory_space<vmem>>, vector<1x16xi32>,
    %get3A_1035 = vector.shape_cast %get3A_1034 : vector<1x16xi32> to vector<16xi32>
    %get3A_1036 = arith.constant 3 : i32
    %get3A_1037 = arith.index_cast %get3A_1036 : i32 to index
    %get3A_1038 = arith.constant 80 : index
    %get3A_1039 = tpu.vector_load %arg7[%get3A_1037, %get3A_1038] {strides = array<i32>} : memref<4x128xi32, #tpu.memory_space<vmem>>, vector<1x16xi32>,
    %get3A_1040 = vector.shape_cast %get3A_1039 : vector<1x16xi32> to vector<16xi32>
    %sub3A_1041 = vector.broadcast %mul3A_93 : i32 to vector<16xi32>
    %sub3A_1042 = arith.subi %get3A_1040, %sub3A_1041 : vector<16xi32>
    %ge3A_1043 = arith.constant 0 : i32
    %ge3A_1044 = vector.broadcast %ge3A_1043 : i32 to vector<16xi32>
    %ge3A_1045 = arith.cmpi sge, %sub3A_1042, %ge3A_1044 : vector<16xi32>
    %lt3A_1046 = arith.constant 512 : i32
    %lt3A_1047 = vector.broadcast %lt3A_1046 : i32 to vector<16xi32>
    %lt3A_1048 = arith.cmpi slt, %sub3A_1042, %lt3A_1047 : vector<16xi32>
    %and3A_1049 = arith.andi %ge3A_1045, %lt3A_1048 : vector<16xi1>
    %mul3A_1050 = arith.constant 2048 : i32
    %mul3A_1051 = vector.broadcast %mul3A_1050 : i32 to vector<16xi32>
    %mul3A_1052 = arith.muli %sub3A_1042, %mul3A_1051 : vector<16xi32>
    %add3A_1053 = arith.addi %mul3A_1052, %get3A_1035 : vector<16xi32>
    %jit3A_1054 = arith.constant 1048576 : i32
    %broadcast_in_dim3A_1055 = vector.broadcast %jit3A_1054 : i32 to vector<16xi32>
    %select_n3A_1056 = arith.select %and3A_1049, %add3A_1053, %broadcast_in_dim3A_1055 : vector<16xi1>, vector<16xi32>
    %swap3A_1057 = arith.constant 3 : i32
    %swap3A_1058 = arith.index_cast %swap3A_1057 : i32 to index
    %swap3A_1059 = arith.constant 80 : index
    %swap3A_1060 = tpu.vector_load %arg8[%swap3A_1058, %swap3A_1059] {strides = array<i32>} : memref<4x128xi32, #tpu.memory_space<vmem>>, vector<1x16xi32>,
    %swap3A_1061 = vector.shape_cast %swap3A_1060 : vector<1x16xi32> to vector<16xi32>
    %swap3A_1062 = vector.shape_cast %select_n3A_1056 : vector<16xi32> to vector<1x16xi32>
    tpu.vector_store %arg8[%swap3A_1058, %swap3A_1059], %swap3A_1062 {strides = array<i32>} : memref<4x128xi32, #tpu.memory_space<vmem>>, vector<1x16xi32>,
    %get3A_1063 = arith.constant 3 : i32
    %get3A_1064 = arith.index_cast %get3A_1063 : i32 to index
    %get3A_1065 = arith.constant 96 : index
    %get3A_1066 = tpu.vector_load %arg6[%get3A_1064, %get3A_1065] {strides = array<i32>} : memref<4x128xi32, #tpu.memory_space<vmem>>, vector<1x16xi32>,
    %get3A_1067 = vector.shape_cast %get3A_1066 : vector<1x16xi32> to vector<16xi32>
    %get3A_1068 = arith.constant 3 : i32
    %get3A_1069 = arith.index_cast %get3A_1068 : i32 to index
    %get3A_1070 = arith.constant 96 : index
    %get3A_1071 = tpu.vector_load %arg7[%get3A_1069, %get3A_1070] {strides = array<i32>} : memref<4x128xi32, #tpu.memory_space<vmem>>, vector<1x16xi32>,
    %get3A_1072 = vector.shape_cast %get3A_1071 : vector<1x16xi32> to vector<16xi32>
    %sub3A_1073 = vector.broadcast %mul3A_93 : i32 to vector<16xi32>
    %sub3A_1074 = arith.subi %get3A_1072, %sub3A_1073 : vector<16xi32>
    %ge3A_1075 = arith.constant 0 : i32
    %ge3A_1076 = vector.broadcast %ge3A_1075 : i32 to vector<16xi32>
    %ge3A_1077 = arith.cmpi sge, %sub3A_1074, %ge3A_1076 : vector<16xi32>
    %lt3A_1078 = arith.constant 512 : i32
    %lt3A_1079 = vector.broadcast %lt3A_1078 : i32 to vector<16xi32>
    %lt3A_1080 = arith.cmpi slt, %sub3A_1074, %lt3A_1079 : vector<16xi32>
    %and3A_1081 = arith.andi %ge3A_1077, %lt3A_1080 : vector<16xi1>
    %mul3A_1082 = arith.constant 2048 : i32
    %mul3A_1083 = vector.broadcast %mul3A_1082 : i32 to vector<16xi32>
    %mul3A_1084 = arith.muli %sub3A_1074, %mul3A_1083 : vector<16xi32>
    %add3A_1085 = arith.addi %mul3A_1084, %get3A_1067 : vector<16xi32>
    %jit3A_1086 = arith.constant 1048576 : i32
    %broadcast_in_dim3A_1087 = vector.broadcast %jit3A_1086 : i32 to vector<16xi32>
    %select_n3A_1088 = arith.select %and3A_1081, %add3A_1085, %broadcast_in_dim3A_1087 : vector<16xi1>, vector<16xi32>
    %swap3A_1089 = arith.constant 3 : i32
    %swap3A_1090 = arith.index_cast %swap3A_1089 : i32 to index
    %swap3A_1091 = arith.constant 96 : index
    %swap3A_1092 = tpu.vector_load %arg8[%swap3A_1090, %swap3A_1091] {strides = array<i32>} : memref<4x128xi32, #tpu.memory_space<vmem>>, vector<1x16xi32>,
    %swap3A_1093 = vector.shape_cast %swap3A_1092 : vector<1x16xi32> to vector<16xi32>
    %swap3A_1094 = vector.shape_cast %select_n3A_1088 : vector<16xi32> to vector<1x16xi32>
    tpu.vector_store %arg8[%swap3A_1090, %swap3A_1091], %swap3A_1094 {strides = array<i32>} : memref<4x128xi32, #tpu.memory_space<vmem>>, vector<1x16xi32>,
    %get3A_1095 = arith.constant 3 : i32
    %get3A_1096 = arith.index_cast %get3A_1095 : i32 to index
    %get3A_1097 = arith.constant 112 : index
    %get3A_1098 = tpu.vector_load %arg6[%get3A_1096, %get3A_1097] {strides = array<i32>} : memref<4x128xi32, #tpu.memory_space<vmem>>, vector<1x16xi32>,
    %get3A_1099 = vector.shape_cast %get3A_1098 : vector<1x16xi32> to vector<16xi32>
    %get3A_1100 = arith.constant 3 : i32
    %get3A_1101 = arith.index_cast %get3A_1100 : i32 to index
    %get3A_1102 = arith.constant 112 : index
    %get3A_1103 = tpu.vector_load %arg7[%get3A_1101, %get3A_1102] {strides = array<i32>} : memref<4x128xi32, #tpu.memory_space<vmem>>, vector<1x16xi32>,
    %get3A_1104 = vector.shape_cast %get3A_1103 : vector<1x16xi32> to vector<16xi32>
    %sub3A_1105 = vector.broadcast %mul3A_93 : i32 to vector<16xi32>
    %sub3A_1106 = arith.subi %get3A_1104, %sub3A_1105 : vector<16xi32>
    %ge3A_1107 = arith.constant 0 : i32
    %ge3A_1108 = vector.broadcast %ge3A_1107 : i32 to vector<16xi32>
    %ge3A_1109 = arith.cmpi sge, %sub3A_1106, %ge3A_1108 : vector<16xi32>
    %lt3A_1110 = arith.constant 512 : i32
    %lt3A_1111 = vector.broadcast %lt3A_1110 : i32 to vector<16xi32>
    %lt3A_1112 = arith.cmpi slt, %sub3A_1106, %lt3A_1111 : vector<16xi32>
    %and3A_1113 = arith.andi %ge3A_1109, %lt3A_1112 : vector<16xi1>
    %mul3A_1114 = arith.constant 2048 : i32
    %mul3A_1115 = vector.broadcast %mul3A_1114 : i32 to vector<16xi32>
    %mul3A_1116 = arith.muli %sub3A_1106, %mul3A_1115 : vector<16xi32>
    %add3A_1117 = arith.addi %mul3A_1116, %get3A_1099 : vector<16xi32>
    %jit3A_1118 = arith.constant 1048576 : i32
    %broadcast_in_dim3A_1119 = vector.broadcast %jit3A_1118 : i32 to vector<16xi32>
    %select_n3A_1120 = arith.select %and3A_1113, %add3A_1117, %broadcast_in_dim3A_1119 : vector<16xi1>, vector<16xi32>
    %swap3A_1121 = arith.constant 3 : i32
    %swap3A_1122 = arith.index_cast %swap3A_1121 : i32 to index
    %swap3A_1123 = arith.constant 112 : index
    %swap3A_1124 = tpu.vector_load %arg8[%swap3A_1122, %swap3A_1123] {strides = array<i32>} : memref<4x128xi32, #tpu.memory_space<vmem>>, vector<1x16xi32>,
    %swap3A_1125 = vector.shape_cast %swap3A_1124 : vector<1x16xi32> to vector<16xi32>
    %swap3A_1126 = vector.shape_cast %select_n3A_1120 : vector<16xi32> to vector<1x16xi32>
    tpu.vector_store %arg8[%swap3A_1122, %swap3A_1123], %swap3A_1126 {strides = array<i32>} : memref<4x128xi32, #tpu.memory_space<vmem>>, vector<1x16xi32>,
    %run_scoped3A_1127 = arith.constant 0 : i32
    "tpu.region"() ({
      %run_scoped3A_2200 = tpu.sem_alloc : memref<!tpu.dma_semaphore, #tpu.memory_space<semaphore_mem>>
      %dma_start3A = arith.constant 0 : i32
      %dma_start3A_2201 = tpu.memref_slice %arg8[%run_scoped3A_1127, %dma_start3A] : memref<4x128xi32, #tpu.memory_space<vmem>> -> memref<1x128xi32, #tpu.memory_space<vmem>>
      %dma_start3A_2202 = tpu.memref_squeeze %dma_start3A_2201 : memref<1x128xi32, #tpu.memory_space<vmem>> -> memref<128xi32, #tpu.memory_space<vmem>>
      %dma_start3A_2203 = arith.constant 0 : i32
      %dma_start3A_2204 = tpu.memref_slice %arg10[%dma_start3A_2203] : memref<1048592xf32, #tpu.memory_space<vmem_shared>> -> memref<1048592xf32, #tpu.memory_space<vmem_shared>>
      tpu.enqueue_indirect_dma source(%arg9 : memref<128xf32, #tpu.memory_space<vmem>>) target(%dma_start3A_2204 : memref<1048592xf32, #tpu.memory_space<vmem_shared>>) offsets(%dma_start3A_2202 : memref<128xi32, #tpu.memory_space<vmem>>) semaphore(%run_scoped3A_2200 : memref<!tpu.dma_semaphore, #tpu.memory_space<semaphore_mem>>) {add = true}
      %dma_wait3A = arith.constant 0 : i32
      %dma_wait3A_2205 = tpu.memref_slice %arg8[%run_scoped3A_1127, %dma_wait3A] : memref<4x128xi32, #tpu.memory_space<vmem>> -> memref<1x128xi32, #tpu.memory_space<vmem>>
      %dma_wait3A_2206 = tpu.memref_squeeze %dma_wait3A_2205 : memref<1x128xi32, #tpu.memory_space<vmem>> -> memref<128xi32, #tpu.memory_space<vmem>>
      %dma_wait3A_2207 = arith.constant 0 : i32
      %dma_wait3A_2208 = tpu.memref_slice %arg10[%dma_wait3A_2207] : memref<1048592xf32, #tpu.memory_space<vmem_shared>> -> memref<1048592xf32, #tpu.memory_space<vmem_shared>>
      tpu.wait_indirect_dma semaphore(%run_scoped3A_2200 : memref<!tpu.dma_semaphore, #tpu.memory_space<semaphore_mem>>) src(%arg9 : memref<128xf32, #tpu.memory_space<vmem>>) dst(%dma_wait3A_2208 : memref<1048592xf32, #tpu.memory_space<vmem_shared>>)
      tpu.yield
    }) : () -> ()
    %run_scoped3A_1128 = arith.constant 1 : i32
    "tpu.region"() ({
      %run_scoped3A_2200 = tpu.sem_alloc : memref<!tpu.dma_semaphore, #tpu.memory_space<semaphore_mem>>
      %dma_start3A = arith.constant 0 : i32
      %dma_start3A_2201 = tpu.memref_slice %arg8[%run_scoped3A_1128, %dma_start3A] : memref<4x128xi32, #tpu.memory_space<vmem>> -> memref<1x128xi32, #tpu.memory_space<vmem>>
      %dma_start3A_2202 = tpu.memref_squeeze %dma_start3A_2201 : memref<1x128xi32, #tpu.memory_space<vmem>> -> memref<128xi32, #tpu.memory_space<vmem>>
      %dma_start3A_2203 = arith.constant 0 : i32
      %dma_start3A_2204 = tpu.memref_slice %arg10[%dma_start3A_2203] : memref<1048592xf32, #tpu.memory_space<vmem_shared>> -> memref<1048592xf32, #tpu.memory_space<vmem_shared>>
      tpu.enqueue_indirect_dma source(%arg9 : memref<128xf32, #tpu.memory_space<vmem>>) target(%dma_start3A_2204 : memref<1048592xf32, #tpu.memory_space<vmem_shared>>) offsets(%dma_start3A_2202 : memref<128xi32, #tpu.memory_space<vmem>>) semaphore(%run_scoped3A_2200 : memref<!tpu.dma_semaphore, #tpu.memory_space<semaphore_mem>>) {add = true}
      %dma_wait3A = arith.constant 0 : i32
      %dma_wait3A_2205 = tpu.memref_slice %arg8[%run_scoped3A_1128, %dma_wait3A] : memref<4x128xi32, #tpu.memory_space<vmem>> -> memref<1x128xi32, #tpu.memory_space<vmem>>
      %dma_wait3A_2206 = tpu.memref_squeeze %dma_wait3A_2205 : memref<1x128xi32, #tpu.memory_space<vmem>> -> memref<128xi32, #tpu.memory_space<vmem>>
      %dma_wait3A_2207 = arith.constant 0 : i32
      %dma_wait3A_2208 = tpu.memref_slice %arg10[%dma_wait3A_2207] : memref<1048592xf32, #tpu.memory_space<vmem_shared>> -> memref<1048592xf32, #tpu.memory_space<vmem_shared>>
      tpu.wait_indirect_dma semaphore(%run_scoped3A_2200 : memref<!tpu.dma_semaphore, #tpu.memory_space<semaphore_mem>>) src(%arg9 : memref<128xf32, #tpu.memory_space<vmem>>) dst(%dma_wait3A_2208 : memref<1048592xf32, #tpu.memory_space<vmem_shared>>)
      tpu.yield
    }) : () -> ()
    %run_scoped3A_1129 = arith.constant 2 : i32
    "tpu.region"() ({
      %run_scoped3A_2200 = tpu.sem_alloc : memref<!tpu.dma_semaphore, #tpu.memory_space<semaphore_mem>>
      %dma_start3A = arith.constant 0 : i32
      %dma_start3A_2201 = tpu.memref_slice %arg8[%run_scoped3A_1129, %dma_start3A] : memref<4x128xi32, #tpu.memory_space<vmem>> -> memref<1x128xi32, #tpu.memory_space<vmem>>
      %dma_start3A_2202 = tpu.memref_squeeze %dma_start3A_2201 : memref<1x128xi32, #tpu.memory_space<vmem>> -> memref<128xi32, #tpu.memory_space<vmem>>
      %dma_start3A_2203 = arith.constant 0 : i32
      %dma_start3A_2204 = tpu.memref_slice %arg10[%dma_start3A_2203] : memref<1048592xf32, #tpu.memory_space<vmem_shared>> -> memref<1048592xf32, #tpu.memory_space<vmem_shared>>
      tpu.enqueue_indirect_dma source(%arg9 : memref<128xf32, #tpu.memory_space<vmem>>) target(%dma_start3A_2204 : memref<1048592xf32, #tpu.memory_space<vmem_shared>>) offsets(%dma_start3A_2202 : memref<128xi32, #tpu.memory_space<vmem>>) semaphore(%run_scoped3A_2200 : memref<!tpu.dma_semaphore, #tpu.memory_space<semaphore_mem>>) {add = true}
      %dma_wait3A = arith.constant 0 : i32
      %dma_wait3A_2205 = tpu.memref_slice %arg8[%run_scoped3A_1129, %dma_wait3A] : memref<4x128xi32, #tpu.memory_space<vmem>> -> memref<1x128xi32, #tpu.memory_space<vmem>>
      %dma_wait3A_2206 = tpu.memref_squeeze %dma_wait3A_2205 : memref<1x128xi32, #tpu.memory_space<vmem>> -> memref<128xi32, #tpu.memory_space<vmem>>
      %dma_wait3A_2207 = arith.constant 0 : i32
      %dma_wait3A_2208 = tpu.memref_slice %arg10[%dma_wait3A_2207] : memref<1048592xf32, #tpu.memory_space<vmem_shared>> -> memref<1048592xf32, #tpu.memory_space<vmem_shared>>
      tpu.wait_indirect_dma semaphore(%run_scoped3A_2200 : memref<!tpu.dma_semaphore, #tpu.memory_space<semaphore_mem>>) src(%arg9 : memref<128xf32, #tpu.memory_space<vmem>>) dst(%dma_wait3A_2208 : memref<1048592xf32, #tpu.memory_space<vmem_shared>>)
      tpu.yield
    }) : () -> ()
    %run_scoped3A_1130 = arith.constant 3 : i32
    "tpu.region"() ({
      %run_scoped3A_2200 = tpu.sem_alloc : memref<!tpu.dma_semaphore, #tpu.memory_space<semaphore_mem>>
      %dma_start3A = arith.constant 0 : i32
      %dma_start3A_2201 = tpu.memref_slice %arg8[%run_scoped3A_1130, %dma_start3A] : memref<4x128xi32, #tpu.memory_space<vmem>> -> memref<1x128xi32, #tpu.memory_space<vmem>>
      %dma_start3A_2202 = tpu.memref_squeeze %dma_start3A_2201 : memref<1x128xi32, #tpu.memory_space<vmem>> -> memref<128xi32, #tpu.memory_space<vmem>>
      %dma_start3A_2203 = arith.constant 0 : i32
      %dma_start3A_2204 = tpu.memref_slice %arg10[%dma_start3A_2203] : memref<1048592xf32, #tpu.memory_space<vmem_shared>> -> memref<1048592xf32, #tpu.memory_space<vmem_shared>>
      tpu.enqueue_indirect_dma source(%arg9 : memref<128xf32, #tpu.memory_space<vmem>>) target(%dma_start3A_2204 : memref<1048592xf32, #tpu.memory_space<vmem_shared>>) offsets(%dma_start3A_2202 : memref<128xi32, #tpu.memory_space<vmem>>) semaphore(%run_scoped3A_2200 : memref<!tpu.dma_semaphore, #tpu.memory_space<semaphore_mem>>) {add = true}
      %dma_wait3A = arith.constant 0 : i32
      %dma_wait3A_2205 = tpu.memref_slice %arg8[%run_scoped3A_1130, %dma_wait3A] : memref<4x128xi32, #tpu.memory_space<vmem>> -> memref<1x128xi32, #tpu.memory_space<vmem>>
      %dma_wait3A_2206 = tpu.memref_squeeze %dma_wait3A_2205 : memref<1x128xi32, #tpu.memory_space<vmem>> -> memref<128xi32, #tpu.memory_space<vmem>>
      %dma_wait3A_2207 = arith.constant 0 : i32
      %dma_wait3A_2208 = tpu.memref_slice %arg10[%dma_wait3A_2207] : memref<1048592xf32, #tpu.memory_space<vmem_shared>> -> memref<1048592xf32, #tpu.memory_space<vmem_shared>>
      tpu.wait_indirect_dma semaphore(%run_scoped3A_2200 : memref<!tpu.dma_semaphore, #tpu.memory_space<semaphore_mem>>) src(%arg9 : memref<128xf32, #tpu.memory_space<vmem>>) dst(%dma_wait3A_2208 : memref<1048592xf32, #tpu.memory_space<vmem_shared>>)
      tpu.yield
    }) : () -> ()
    %barrier3A_1131 = arith.constant 0 : index
    tpu.barrier barrier_id(%barrier3A_1131)
    %mul3A_1132 = arith.constant 65536 : i32
    %mul3A_1133 = arith.muli %arg1, %mul3A_1132 : i32
    %mul3A_1134 = arith.constant 1048576 : i32
    %mul3A_1135 = arith.muli %add3A_91, %mul3A_1134 : i32
    %mul3A_1136 = arith.constant 65536 : i32
    %mul3A_1137 = arith.muli %arg1, %mul3A_1136 : i32
    %add3A_1138 = arith.addi %mul3A_1135, %mul3A_1137 : i32
    "tpu.region"() ({
      %run_scoped3A_2200 = tpu.sem_alloc : memref<!tpu.dma_semaphore, #tpu.memory_space<semaphore_mem>>
      %dma_start3A = tpu.memref_slice %arg4[%add3A_1138] : memref<4194304xf32, #tpu.memory_space<hbm>> -> memref<65536xf32, #tpu.memory_space<hbm>>
      %dma_start3A_2201 = tpu.memref_slice %arg10[%mul3A_1133] : memref<1048592xf32, #tpu.memory_space<vmem_shared>> -> memref<65536xf32, #tpu.memory_space<vmem_shared>>
      tpu.enqueue_dma source(%dma_start3A_2201 : memref<65536xf32, #tpu.memory_space<vmem_shared>>) target(%dma_start3A : memref<65536xf32, #tpu.memory_space<hbm>>) target_semaphore(%run_scoped3A_2200 : memref<!tpu.dma_semaphore, #tpu.memory_space<semaphore_mem>>)
      %dma_wait3A = tpu.memref_slice %arg4[%add3A_1138] : memref<4194304xf32, #tpu.memory_space<hbm>> -> memref<65536xf32, #tpu.memory_space<hbm>>
      %dma_wait3A_2202 = tpu.memref_slice %arg10[%mul3A_1133] : memref<1048592xf32, #tpu.memory_space<vmem_shared>> -> memref<65536xf32, #tpu.memory_space<vmem_shared>>
      tpu.wait_dma2 semaphore(%run_scoped3A_2200 : memref<!tpu.dma_semaphore, #tpu.memory_space<semaphore_mem>>) src(%dma_wait3A_2202 : memref<65536xf32, #tpu.memory_space<vmem_shared>>) dst(%dma_wait3A : memref<65536xf32, #tpu.memory_space<hbm>>)
      tpu.yield
    }) : () -> ()
    %barrier3A_1139 = arith.constant 0 : index
    tpu.barrier barrier_id(%barrier3A_1139)
    %mul3A_1140 = arith.constant 2 : i32
    %mul3A_1141 = arith.muli %arg0, %mul3A_1140 : i32
    %add3A_1142 = arith.constant 1 : i32
    %add3A_1143 = arith.addi %mul3A_1141, %add3A_1142 : i32
    %mul3A_1144 = arith.constant 512 : i32
    %mul3A_1145 = arith.muli %add3A_1143, %mul3A_1144 : i32
    %mul3A_1146 = arith.constant 65536 : i32
    %mul3A_1147 = arith.muli %arg1, %mul3A_1146 : i32
    %add3A_1148 = arith.constant 0 : i32
    %add3A_1149 = arith.addi %mul3A_1147, %add3A_1148 : i32
    "tpu.region"() ({
      %run_scoped3A_2200 = tpu.sem_alloc : memref<!tpu.dma_semaphore, #tpu.memory_space<semaphore_mem>>
      %dma_start3A = tpu.memref_slice %arg10[%add3A_1149] : memref<1048592xf32, #tpu.memory_space<vmem_shared>> -> memref<16384xf32, #tpu.memory_space<vmem_shared>>
      %dma_start3A_2201 = tpu.memref_slice %arg10[%add3A_1149] : memref<1048592xf32, #tpu.memory_space<vmem_shared>> -> memref<16384xf32, #tpu.memory_space<vmem_shared>>
      tpu.enqueue_dma source(%arg5 : memref<16384xf32, #tpu.memory_space<vmem>>) target(%dma_start3A_2201 : memref<16384xf32, #tpu.memory_space<vmem_shared>>) target_semaphore(%run_scoped3A_2200 : memref<!tpu.dma_semaphore, #tpu.memory_space<semaphore_mem>>)
      %dma_wait3A = tpu.memref_slice %arg10[%add3A_1149] : memref<1048592xf32, #tpu.memory_space<vmem_shared>> -> memref<16384xf32, #tpu.memory_space<vmem_shared>>
      %dma_wait3A_2202 = tpu.memref_slice %arg10[%add3A_1149] : memref<1048592xf32, #tpu.memory_space<vmem_shared>> -> memref<16384xf32, #tpu.memory_space<vmem_shared>>
      tpu.wait_dma2 semaphore(%run_scoped3A_2200 : memref<!tpu.dma_semaphore, #tpu.memory_space<semaphore_mem>>) src(%arg5 : memref<16384xf32, #tpu.memory_space<vmem>>) dst(%dma_wait3A_2202 : memref<16384xf32, #tpu.memory_space<vmem_shared>>)
      tpu.yield
    }) : () -> ()
    %mul3A_1150 = arith.constant 65536 : i32
    %mul3A_1151 = arith.muli %arg1, %mul3A_1150 : i32
    %add3A_1152 = arith.constant 16384 : i32
    %add3A_1153 = arith.addi %mul3A_1151, %add3A_1152 : i32
    "tpu.region"() ({
      %run_scoped3A_2200 = tpu.sem_alloc : memref<!tpu.dma_semaphore, #tpu.memory_space<semaphore_mem>>
      %dma_start3A = tpu.memref_slice %arg10[%add3A_1153] : memref<1048592xf32, #tpu.memory_space<vmem_shared>> -> memref<16384xf32, #tpu.memory_space<vmem_shared>>
      %dma_start3A_2201 = tpu.memref_slice %arg10[%add3A_1153] : memref<1048592xf32, #tpu.memory_space<vmem_shared>> -> memref<16384xf32, #tpu.memory_space<vmem_shared>>
      tpu.enqueue_dma source(%arg5 : memref<16384xf32, #tpu.memory_space<vmem>>) target(%dma_start3A_2201 : memref<16384xf32, #tpu.memory_space<vmem_shared>>) target_semaphore(%run_scoped3A_2200 : memref<!tpu.dma_semaphore, #tpu.memory_space<semaphore_mem>>)
      %dma_wait3A = tpu.memref_slice %arg10[%add3A_1153] : memref<1048592xf32, #tpu.memory_space<vmem_shared>> -> memref<16384xf32, #tpu.memory_space<vmem_shared>>
      %dma_wait3A_2202 = tpu.memref_slice %arg10[%add3A_1153] : memref<1048592xf32, #tpu.memory_space<vmem_shared>> -> memref<16384xf32, #tpu.memory_space<vmem_shared>>
      tpu.wait_dma2 semaphore(%run_scoped3A_2200 : memref<!tpu.dma_semaphore, #tpu.memory_space<semaphore_mem>>) src(%arg5 : memref<16384xf32, #tpu.memory_space<vmem>>) dst(%dma_wait3A_2202 : memref<16384xf32, #tpu.memory_space<vmem_shared>>)
      tpu.yield
    }) : () -> ()
    %mul3A_1154 = arith.constant 65536 : i32
    %mul3A_1155 = arith.muli %arg1, %mul3A_1154 : i32
    %add3A_1156 = arith.constant 32768 : i32
    %add3A_1157 = arith.addi %mul3A_1155, %add3A_1156 : i32
    "tpu.region"() ({
      %run_scoped3A_2200 = tpu.sem_alloc : memref<!tpu.dma_semaphore, #tpu.memory_space<semaphore_mem>>
      %dma_start3A = tpu.memref_slice %arg10[%add3A_1157] : memref<1048592xf32, #tpu.memory_space<vmem_shared>> -> memref<16384xf32, #tpu.memory_space<vmem_shared>>
      %dma_start3A_2201 = tpu.memref_slice %arg10[%add3A_1157] : memref<1048592xf32, #tpu.memory_space<vmem_shared>> -> memref<16384xf32, #tpu.memory_space<vmem_shared>>
      tpu.enqueue_dma source(%arg5 : memref<16384xf32, #tpu.memory_space<vmem>>) target(%dma_start3A_2201 : memref<16384xf32, #tpu.memory_space<vmem_shared>>) target_semaphore(%run_scoped3A_2200 : memref<!tpu.dma_semaphore, #tpu.memory_space<semaphore_mem>>)
      %dma_wait3A = tpu.memref_slice %arg10[%add3A_1157] : memref<1048592xf32, #tpu.memory_space<vmem_shared>> -> memref<16384xf32, #tpu.memory_space<vmem_shared>>
      %dma_wait3A_2202 = tpu.memref_slice %arg10[%add3A_1157] : memref<1048592xf32, #tpu.memory_space<vmem_shared>> -> memref<16384xf32, #tpu.memory_space<vmem_shared>>
      tpu.wait_dma2 semaphore(%run_scoped3A_2200 : memref<!tpu.dma_semaphore, #tpu.memory_space<semaphore_mem>>) src(%arg5 : memref<16384xf32, #tpu.memory_space<vmem>>) dst(%dma_wait3A_2202 : memref<16384xf32, #tpu.memory_space<vmem_shared>>)
      tpu.yield
    }) : () -> ()
    %mul3A_1158 = arith.constant 65536 : i32
    %mul3A_1159 = arith.muli %arg1, %mul3A_1158 : i32
    %add3A_1160 = arith.constant 49152 : i32
    %add3A_1161 = arith.addi %mul3A_1159, %add3A_1160 : i32
    "tpu.region"() ({
      %run_scoped3A_2200 = tpu.sem_alloc : memref<!tpu.dma_semaphore, #tpu.memory_space<semaphore_mem>>
      %dma_start3A = tpu.memref_slice %arg10[%add3A_1161] : memref<1048592xf32, #tpu.memory_space<vmem_shared>> -> memref<16384xf32, #tpu.memory_space<vmem_shared>>
      %dma_start3A_2201 = tpu.memref_slice %arg10[%add3A_1161] : memref<1048592xf32, #tpu.memory_space<vmem_shared>> -> memref<16384xf32, #tpu.memory_space<vmem_shared>>
      tpu.enqueue_dma source(%arg5 : memref<16384xf32, #tpu.memory_space<vmem>>) target(%dma_start3A_2201 : memref<16384xf32, #tpu.memory_space<vmem_shared>>) target_semaphore(%run_scoped3A_2200 : memref<!tpu.dma_semaphore, #tpu.memory_space<semaphore_mem>>)
      %dma_wait3A = tpu.memref_slice %arg10[%add3A_1161] : memref<1048592xf32, #tpu.memory_space<vmem_shared>> -> memref<16384xf32, #tpu.memory_space<vmem_shared>>
      %dma_wait3A_2202 = tpu.memref_slice %arg10[%add3A_1161] : memref<1048592xf32, #tpu.memory_space<vmem_shared>> -> memref<16384xf32, #tpu.memory_space<vmem_shared>>
      tpu.wait_dma2 semaphore(%run_scoped3A_2200 : memref<!tpu.dma_semaphore, #tpu.memory_space<semaphore_mem>>) src(%arg5 : memref<16384xf32, #tpu.memory_space<vmem>>) dst(%dma_wait3A_2202 : memref<16384xf32, #tpu.memory_space<vmem_shared>>)
      tpu.yield
    }) : () -> ()
    %barrier3A_1162 = arith.constant 0 : index
    tpu.barrier barrier_id(%barrier3A_1162)
    %get3A_1163 = arith.constant 0 : i32
    %get3A_1164 = arith.index_cast %get3A_1163 : i32 to index
    %get3A_1165 = arith.constant 0 : index
    %get3A_1166 = tpu.vector_load %arg6[%get3A_1164, %get3A_1165] {strides = array<i32>} : memref<4x128xi32, #tpu.memory_space<vmem>>, vector<1x16xi32>,
    %get3A_1167 = vector.shape_cast %get3A_1166 : vector<1x16xi32> to vector<16xi32>
    %get3A_1168 = arith.constant 0 : i32
    %get3A_1169 = arith.index_cast %get3A_1168 : i32 to index
    %get3A_1170 = arith.constant 0 : index
    %get3A_1171 = tpu.vector_load %arg7[%get3A_1169, %get3A_1170] {strides = array<i32>} : memref<4x128xi32, #tpu.memory_space<vmem>>, vector<1x16xi32>,
    %get3A_1172 = vector.shape_cast %get3A_1171 : vector<1x16xi32> to vector<16xi32>
    %sub3A_1173 = vector.broadcast %mul3A_1145 : i32 to vector<16xi32>
    %sub3A_1174 = arith.subi %get3A_1172, %sub3A_1173 : vector<16xi32>
    %ge3A_1175 = arith.constant 0 : i32
    %ge3A_1176 = vector.broadcast %ge3A_1175 : i32 to vector<16xi32>
    %ge3A_1177 = arith.cmpi sge, %sub3A_1174, %ge3A_1176 : vector<16xi32>
    %lt3A_1178 = arith.constant 512 : i32
    %lt3A_1179 = vector.broadcast %lt3A_1178 : i32 to vector<16xi32>
    %lt3A_1180 = arith.cmpi slt, %sub3A_1174, %lt3A_1179 : vector<16xi32>
    %and3A_1181 = arith.andi %ge3A_1177, %lt3A_1180 : vector<16xi1>
    %mul3A_1182 = arith.constant 2048 : i32
    %mul3A_1183 = vector.broadcast %mul3A_1182 : i32 to vector<16xi32>
    %mul3A_1184 = arith.muli %sub3A_1174, %mul3A_1183 : vector<16xi32>
    %add3A_1185 = arith.addi %mul3A_1184, %get3A_1167 : vector<16xi32>
    %jit3A_1186 = arith.constant 1048576 : i32
    %broadcast_in_dim3A_1187 = vector.broadcast %jit3A_1186 : i32 to vector<16xi32>
    %select_n3A_1188 = arith.select %and3A_1181, %add3A_1185, %broadcast_in_dim3A_1187 : vector<16xi1>, vector<16xi32>
    %swap3A_1189 = arith.constant 0 : i32
    %swap3A_1190 = arith.index_cast %swap3A_1189 : i32 to index
    %swap3A_1191 = arith.constant 0 : index
    %swap3A_1192 = tpu.vector_load %arg8[%swap3A_1190, %swap3A_1191] {strides = array<i32>} : memref<4x128xi32, #tpu.memory_space<vmem>>, vector<1x16xi32>,
    %swap3A_1193 = vector.shape_cast %swap3A_1192 : vector<1x16xi32> to vector<16xi32>
    %swap3A_1194 = vector.shape_cast %select_n3A_1188 : vector<16xi32> to vector<1x16xi32>
    tpu.vector_store %arg8[%swap3A_1190, %swap3A_1191], %swap3A_1194 {strides = array<i32>} : memref<4x128xi32, #tpu.memory_space<vmem>>, vector<1x16xi32>,
    %get3A_1195 = arith.constant 0 : i32
    %get3A_1196 = arith.index_cast %get3A_1195 : i32 to index
    %get3A_1197 = arith.constant 16 : index
    %get3A_1198 = tpu.vector_load %arg6[%get3A_1196, %get3A_1197] {strides = array<i32>} : memref<4x128xi32, #tpu.memory_space<vmem>>, vector<1x16xi32>,
    %get3A_1199 = vector.shape_cast %get3A_1198 : vector<1x16xi32> to vector<16xi32>
    %get3A_1200 = arith.constant 0 : i32
    %get3A_1201 = arith.index_cast %get3A_1200 : i32 to index
    %get3A_1202 = arith.constant 16 : index
    %get3A_1203 = tpu.vector_load %arg7[%get3A_1201, %get3A_1202] {strides = array<i32>} : memref<4x128xi32, #tpu.memory_space<vmem>>, vector<1x16xi32>,
    %get3A_1204 = vector.shape_cast %get3A_1203 : vector<1x16xi32> to vector<16xi32>
    %sub3A_1205 = vector.broadcast %mul3A_1145 : i32 to vector<16xi32>
    %sub3A_1206 = arith.subi %get3A_1204, %sub3A_1205 : vector<16xi32>
    %ge3A_1207 = arith.constant 0 : i32
    %ge3A_1208 = vector.broadcast %ge3A_1207 : i32 to vector<16xi32>
    %ge3A_1209 = arith.cmpi sge, %sub3A_1206, %ge3A_1208 : vector<16xi32>
    %lt3A_1210 = arith.constant 512 : i32
    %lt3A_1211 = vector.broadcast %lt3A_1210 : i32 to vector<16xi32>
    %lt3A_1212 = arith.cmpi slt, %sub3A_1206, %lt3A_1211 : vector<16xi32>
    %and3A_1213 = arith.andi %ge3A_1209, %lt3A_1212 : vector<16xi1>
    %mul3A_1214 = arith.constant 2048 : i32
    %mul3A_1215 = vector.broadcast %mul3A_1214 : i32 to vector<16xi32>
    %mul3A_1216 = arith.muli %sub3A_1206, %mul3A_1215 : vector<16xi32>
    %add3A_1217 = arith.addi %mul3A_1216, %get3A_1199 : vector<16xi32>
    %jit3A_1218 = arith.constant 1048576 : i32
    %broadcast_in_dim3A_1219 = vector.broadcast %jit3A_1218 : i32 to vector<16xi32>
    %select_n3A_1220 = arith.select %and3A_1213, %add3A_1217, %broadcast_in_dim3A_1219 : vector<16xi1>, vector<16xi32>
    %swap3A_1221 = arith.constant 0 : i32
    %swap3A_1222 = arith.index_cast %swap3A_1221 : i32 to index
    %swap3A_1223 = arith.constant 16 : index
    %swap3A_1224 = tpu.vector_load %arg8[%swap3A_1222, %swap3A_1223] {strides = array<i32>} : memref<4x128xi32, #tpu.memory_space<vmem>>, vector<1x16xi32>,
    %swap3A_1225 = vector.shape_cast %swap3A_1224 : vector<1x16xi32> to vector<16xi32>
    %swap3A_1226 = vector.shape_cast %select_n3A_1220 : vector<16xi32> to vector<1x16xi32>
    tpu.vector_store %arg8[%swap3A_1222, %swap3A_1223], %swap3A_1226 {strides = array<i32>} : memref<4x128xi32, #tpu.memory_space<vmem>>, vector<1x16xi32>,
    %get3A_1227 = arith.constant 0 : i32
    %get3A_1228 = arith.index_cast %get3A_1227 : i32 to index
    %get3A_1229 = arith.constant 32 : index
    %get3A_1230 = tpu.vector_load %arg6[%get3A_1228, %get3A_1229] {strides = array<i32>} : memref<4x128xi32, #tpu.memory_space<vmem>>, vector<1x16xi32>,
    %get3A_1231 = vector.shape_cast %get3A_1230 : vector<1x16xi32> to vector<16xi32>
    %get3A_1232 = arith.constant 0 : i32
    %get3A_1233 = arith.index_cast %get3A_1232 : i32 to index
    %get3A_1234 = arith.constant 32 : index
    %get3A_1235 = tpu.vector_load %arg7[%get3A_1233, %get3A_1234] {strides = array<i32>} : memref<4x128xi32, #tpu.memory_space<vmem>>, vector<1x16xi32>,
    %get3A_1236 = vector.shape_cast %get3A_1235 : vector<1x16xi32> to vector<16xi32>
    %sub3A_1237 = vector.broadcast %mul3A_1145 : i32 to vector<16xi32>
    %sub3A_1238 = arith.subi %get3A_1236, %sub3A_1237 : vector<16xi32>
    %ge3A_1239 = arith.constant 0 : i32
    %ge3A_1240 = vector.broadcast %ge3A_1239 : i32 to vector<16xi32>
    %ge3A_1241 = arith.cmpi sge, %sub3A_1238, %ge3A_1240 : vector<16xi32>
    %lt3A_1242 = arith.constant 512 : i32
    %lt3A_1243 = vector.broadcast %lt3A_1242 : i32 to vector<16xi32>
    %lt3A_1244 = arith.cmpi slt, %sub3A_1238, %lt3A_1243 : vector<16xi32>
    %and3A_1245 = arith.andi %ge3A_1241, %lt3A_1244 : vector<16xi1>
    %mul3A_1246 = arith.constant 2048 : i32
    %mul3A_1247 = vector.broadcast %mul3A_1246 : i32 to vector<16xi32>
    %mul3A_1248 = arith.muli %sub3A_1238, %mul3A_1247 : vector<16xi32>
    %add3A_1249 = arith.addi %mul3A_1248, %get3A_1231 : vector<16xi32>
    %jit3A_1250 = arith.constant 1048576 : i32
    %broadcast_in_dim3A_1251 = vector.broadcast %jit3A_1250 : i32 to vector<16xi32>
    %select_n3A_1252 = arith.select %and3A_1245, %add3A_1249, %broadcast_in_dim3A_1251 : vector<16xi1>, vector<16xi32>
    %swap3A_1253 = arith.constant 0 : i32
    %swap3A_1254 = arith.index_cast %swap3A_1253 : i32 to index
    %swap3A_1255 = arith.constant 32 : index
    %swap3A_1256 = tpu.vector_load %arg8[%swap3A_1254, %swap3A_1255] {strides = array<i32>} : memref<4x128xi32, #tpu.memory_space<vmem>>, vector<1x16xi32>,
    %swap3A_1257 = vector.shape_cast %swap3A_1256 : vector<1x16xi32> to vector<16xi32>
    %swap3A_1258 = vector.shape_cast %select_n3A_1252 : vector<16xi32> to vector<1x16xi32>
    tpu.vector_store %arg8[%swap3A_1254, %swap3A_1255], %swap3A_1258 {strides = array<i32>} : memref<4x128xi32, #tpu.memory_space<vmem>>, vector<1x16xi32>,
    %get3A_1259 = arith.constant 0 : i32
    %get3A_1260 = arith.index_cast %get3A_1259 : i32 to index
    %get3A_1261 = arith.constant 48 : index
    %get3A_1262 = tpu.vector_load %arg6[%get3A_1260, %get3A_1261] {strides = array<i32>} : memref<4x128xi32, #tpu.memory_space<vmem>>, vector<1x16xi32>,
    %get3A_1263 = vector.shape_cast %get3A_1262 : vector<1x16xi32> to vector<16xi32>
    %get3A_1264 = arith.constant 0 : i32
    %get3A_1265 = arith.index_cast %get3A_1264 : i32 to index
    %get3A_1266 = arith.constant 48 : index
    %get3A_1267 = tpu.vector_load %arg7[%get3A_1265, %get3A_1266] {strides = array<i32>} : memref<4x128xi32, #tpu.memory_space<vmem>>, vector<1x16xi32>,
    %get3A_1268 = vector.shape_cast %get3A_1267 : vector<1x16xi32> to vector<16xi32>
    %sub3A_1269 = vector.broadcast %mul3A_1145 : i32 to vector<16xi32>
    %sub3A_1270 = arith.subi %get3A_1268, %sub3A_1269 : vector<16xi32>
    %ge3A_1271 = arith.constant 0 : i32
    %ge3A_1272 = vector.broadcast %ge3A_1271 : i32 to vector<16xi32>
    %ge3A_1273 = arith.cmpi sge, %sub3A_1270, %ge3A_1272 : vector<16xi32>
    %lt3A_1274 = arith.constant 512 : i32
    %lt3A_1275 = vector.broadcast %lt3A_1274 : i32 to vector<16xi32>
    %lt3A_1276 = arith.cmpi slt, %sub3A_1270, %lt3A_1275 : vector<16xi32>
    %and3A_1277 = arith.andi %ge3A_1273, %lt3A_1276 : vector<16xi1>
    %mul3A_1278 = arith.constant 2048 : i32
    %mul3A_1279 = vector.broadcast %mul3A_1278 : i32 to vector<16xi32>
    %mul3A_1280 = arith.muli %sub3A_1270, %mul3A_1279 : vector<16xi32>
    %add3A_1281 = arith.addi %mul3A_1280, %get3A_1263 : vector<16xi32>
    %jit3A_1282 = arith.constant 1048576 : i32
    %broadcast_in_dim3A_1283 = vector.broadcast %jit3A_1282 : i32 to vector<16xi32>
    %select_n3A_1284 = arith.select %and3A_1277, %add3A_1281, %broadcast_in_dim3A_1283 : vector<16xi1>, vector<16xi32>
    %swap3A_1285 = arith.constant 0 : i32
    %swap3A_1286 = arith.index_cast %swap3A_1285 : i32 to index
    %swap3A_1287 = arith.constant 48 : index
    %swap3A_1288 = tpu.vector_load %arg8[%swap3A_1286, %swap3A_1287] {strides = array<i32>} : memref<4x128xi32, #tpu.memory_space<vmem>>, vector<1x16xi32>,
    %swap3A_1289 = vector.shape_cast %swap3A_1288 : vector<1x16xi32> to vector<16xi32>
    %swap3A_1290 = vector.shape_cast %select_n3A_1284 : vector<16xi32> to vector<1x16xi32>
    tpu.vector_store %arg8[%swap3A_1286, %swap3A_1287], %swap3A_1290 {strides = array<i32>} : memref<4x128xi32, #tpu.memory_space<vmem>>, vector<1x16xi32>,
    %get3A_1291 = arith.constant 0 : i32
    %get3A_1292 = arith.index_cast %get3A_1291 : i32 to index
    %get3A_1293 = arith.constant 64 : index
    %get3A_1294 = tpu.vector_load %arg6[%get3A_1292, %get3A_1293] {strides = array<i32>} : memref<4x128xi32, #tpu.memory_space<vmem>>, vector<1x16xi32>,
    %get3A_1295 = vector.shape_cast %get3A_1294 : vector<1x16xi32> to vector<16xi32>
    %get3A_1296 = arith.constant 0 : i32
    %get3A_1297 = arith.index_cast %get3A_1296 : i32 to index
    %get3A_1298 = arith.constant 64 : index
    %get3A_1299 = tpu.vector_load %arg7[%get3A_1297, %get3A_1298] {strides = array<i32>} : memref<4x128xi32, #tpu.memory_space<vmem>>, vector<1x16xi32>,
    %get3A_1300 = vector.shape_cast %get3A_1299 : vector<1x16xi32> to vector<16xi32>
    %sub3A_1301 = vector.broadcast %mul3A_1145 : i32 to vector<16xi32>
    %sub3A_1302 = arith.subi %get3A_1300, %sub3A_1301 : vector<16xi32>
    %ge3A_1303 = arith.constant 0 : i32
    %ge3A_1304 = vector.broadcast %ge3A_1303 : i32 to vector<16xi32>
    %ge3A_1305 = arith.cmpi sge, %sub3A_1302, %ge3A_1304 : vector<16xi32>
    %lt3A_1306 = arith.constant 512 : i32
    %lt3A_1307 = vector.broadcast %lt3A_1306 : i32 to vector<16xi32>
    %lt3A_1308 = arith.cmpi slt, %sub3A_1302, %lt3A_1307 : vector<16xi32>
    %and3A_1309 = arith.andi %ge3A_1305, %lt3A_1308 : vector<16xi1>
    %mul3A_1310 = arith.constant 2048 : i32
    %mul3A_1311 = vector.broadcast %mul3A_1310 : i32 to vector<16xi32>
    %mul3A_1312 = arith.muli %sub3A_1302, %mul3A_1311 : vector<16xi32>
    %add3A_1313 = arith.addi %mul3A_1312, %get3A_1295 : vector<16xi32>
    %jit3A_1314 = arith.constant 1048576 : i32
    %broadcast_in_dim3A_1315 = vector.broadcast %jit3A_1314 : i32 to vector<16xi32>
    %select_n3A_1316 = arith.select %and3A_1309, %add3A_1313, %broadcast_in_dim3A_1315 : vector<16xi1>, vector<16xi32>
    %swap3A_1317 = arith.constant 0 : i32
    %swap3A_1318 = arith.index_cast %swap3A_1317 : i32 to index
    %swap3A_1319 = arith.constant 64 : index
    %swap3A_1320 = tpu.vector_load %arg8[%swap3A_1318, %swap3A_1319] {strides = array<i32>} : memref<4x128xi32, #tpu.memory_space<vmem>>, vector<1x16xi32>,
    %swap3A_1321 = vector.shape_cast %swap3A_1320 : vector<1x16xi32> to vector<16xi32>
    %swap3A_1322 = vector.shape_cast %select_n3A_1316 : vector<16xi32> to vector<1x16xi32>
    tpu.vector_store %arg8[%swap3A_1318, %swap3A_1319], %swap3A_1322 {strides = array<i32>} : memref<4x128xi32, #tpu.memory_space<vmem>>, vector<1x16xi32>,
    %get3A_1323 = arith.constant 0 : i32
    %get3A_1324 = arith.index_cast %get3A_1323 : i32 to index
    %get3A_1325 = arith.constant 80 : index
    %get3A_1326 = tpu.vector_load %arg6[%get3A_1324, %get3A_1325] {strides = array<i32>} : memref<4x128xi32, #tpu.memory_space<vmem>>, vector<1x16xi32>,
    %get3A_1327 = vector.shape_cast %get3A_1326 : vector<1x16xi32> to vector<16xi32>
    %get3A_1328 = arith.constant 0 : i32
    %get3A_1329 = arith.index_cast %get3A_1328 : i32 to index
    %get3A_1330 = arith.constant 80 : index
    %get3A_1331 = tpu.vector_load %arg7[%get3A_1329, %get3A_1330] {strides = array<i32>} : memref<4x128xi32, #tpu.memory_space<vmem>>, vector<1x16xi32>,
    %get3A_1332 = vector.shape_cast %get3A_1331 : vector<1x16xi32> to vector<16xi32>
    %sub3A_1333 = vector.broadcast %mul3A_1145 : i32 to vector<16xi32>
    %sub3A_1334 = arith.subi %get3A_1332, %sub3A_1333 : vector<16xi32>
    %ge3A_1335 = arith.constant 0 : i32
    %ge3A_1336 = vector.broadcast %ge3A_1335 : i32 to vector<16xi32>
    %ge3A_1337 = arith.cmpi sge, %sub3A_1334, %ge3A_1336 : vector<16xi32>
    %lt3A_1338 = arith.constant 512 : i32
    %lt3A_1339 = vector.broadcast %lt3A_1338 : i32 to vector<16xi32>
    %lt3A_1340 = arith.cmpi slt, %sub3A_1334, %lt3A_1339 : vector<16xi32>
    %and3A_1341 = arith.andi %ge3A_1337, %lt3A_1340 : vector<16xi1>
    %mul3A_1342 = arith.constant 2048 : i32
    %mul3A_1343 = vector.broadcast %mul3A_1342 : i32 to vector<16xi32>
    %mul3A_1344 = arith.muli %sub3A_1334, %mul3A_1343 : vector<16xi32>
    %add3A_1345 = arith.addi %mul3A_1344, %get3A_1327 : vector<16xi32>
    %jit3A_1346 = arith.constant 1048576 : i32
    %broadcast_in_dim3A_1347 = vector.broadcast %jit3A_1346 : i32 to vector<16xi32>
    %select_n3A_1348 = arith.select %and3A_1341, %add3A_1345, %broadcast_in_dim3A_1347 : vector<16xi1>, vector<16xi32>
    %swap3A_1349 = arith.constant 0 : i32
    %swap3A_1350 = arith.index_cast %swap3A_1349 : i32 to index
    %swap3A_1351 = arith.constant 80 : index
    %swap3A_1352 = tpu.vector_load %arg8[%swap3A_1350, %swap3A_1351] {strides = array<i32>} : memref<4x128xi32, #tpu.memory_space<vmem>>, vector<1x16xi32>,
    %swap3A_1353 = vector.shape_cast %swap3A_1352 : vector<1x16xi32> to vector<16xi32>
    %swap3A_1354 = vector.shape_cast %select_n3A_1348 : vector<16xi32> to vector<1x16xi32>
    tpu.vector_store %arg8[%swap3A_1350, %swap3A_1351], %swap3A_1354 {strides = array<i32>} : memref<4x128xi32, #tpu.memory_space<vmem>>, vector<1x16xi32>,
    %get3A_1355 = arith.constant 0 : i32
    %get3A_1356 = arith.index_cast %get3A_1355 : i32 to index
    %get3A_1357 = arith.constant 96 : index
    %get3A_1358 = tpu.vector_load %arg6[%get3A_1356, %get3A_1357] {strides = array<i32>} : memref<4x128xi32, #tpu.memory_space<vmem>>, vector<1x16xi32>,
    %get3A_1359 = vector.shape_cast %get3A_1358 : vector<1x16xi32> to vector<16xi32>
    %get3A_1360 = arith.constant 0 : i32
    %get3A_1361 = arith.index_cast %get3A_1360 : i32 to index
    %get3A_1362 = arith.constant 96 : index
    %get3A_1363 = tpu.vector_load %arg7[%get3A_1361, %get3A_1362] {strides = array<i32>} : memref<4x128xi32, #tpu.memory_space<vmem>>, vector<1x16xi32>,
    %get3A_1364 = vector.shape_cast %get3A_1363 : vector<1x16xi32> to vector<16xi32>
    %sub3A_1365 = vector.broadcast %mul3A_1145 : i32 to vector<16xi32>
    %sub3A_1366 = arith.subi %get3A_1364, %sub3A_1365 : vector<16xi32>
    %ge3A_1367 = arith.constant 0 : i32
    %ge3A_1368 = vector.broadcast %ge3A_1367 : i32 to vector<16xi32>
    %ge3A_1369 = arith.cmpi sge, %sub3A_1366, %ge3A_1368 : vector<16xi32>
    %lt3A_1370 = arith.constant 512 : i32
    %lt3A_1371 = vector.broadcast %lt3A_1370 : i32 to vector<16xi32>
    %lt3A_1372 = arith.cmpi slt, %sub3A_1366, %lt3A_1371 : vector<16xi32>
    %and3A_1373 = arith.andi %ge3A_1369, %lt3A_1372 : vector<16xi1>
    %mul3A_1374 = arith.constant 2048 : i32
    %mul3A_1375 = vector.broadcast %mul3A_1374 : i32 to vector<16xi32>
    %mul3A_1376 = arith.muli %sub3A_1366, %mul3A_1375 : vector<16xi32>
    %add3A_1377 = arith.addi %mul3A_1376, %get3A_1359 : vector<16xi32>
    %jit3A_1378 = arith.constant 1048576 : i32
    %broadcast_in_dim3A_1379 = vector.broadcast %jit3A_1378 : i32 to vector<16xi32>
    %select_n3A_1380 = arith.select %and3A_1373, %add3A_1377, %broadcast_in_dim3A_1379 : vector<16xi1>, vector<16xi32>
    %swap3A_1381 = arith.constant 0 : i32
    %swap3A_1382 = arith.index_cast %swap3A_1381 : i32 to index
    %swap3A_1383 = arith.constant 96 : index
    %swap3A_1384 = tpu.vector_load %arg8[%swap3A_1382, %swap3A_1383] {strides = array<i32>} : memref<4x128xi32, #tpu.memory_space<vmem>>, vector<1x16xi32>,
    %swap3A_1385 = vector.shape_cast %swap3A_1384 : vector<1x16xi32> to vector<16xi32>
    %swap3A_1386 = vector.shape_cast %select_n3A_1380 : vector<16xi32> to vector<1x16xi32>
    tpu.vector_store %arg8[%swap3A_1382, %swap3A_1383], %swap3A_1386 {strides = array<i32>} : memref<4x128xi32, #tpu.memory_space<vmem>>, vector<1x16xi32>,
    %get3A_1387 = arith.constant 0 : i32
    %get3A_1388 = arith.index_cast %get3A_1387 : i32 to index
    %get3A_1389 = arith.constant 112 : index
    %get3A_1390 = tpu.vector_load %arg6[%get3A_1388, %get3A_1389] {strides = array<i32>} : memref<4x128xi32, #tpu.memory_space<vmem>>, vector<1x16xi32>,
    %get3A_1391 = vector.shape_cast %get3A_1390 : vector<1x16xi32> to vector<16xi32>
    %get3A_1392 = arith.constant 0 : i32
    %get3A_1393 = arith.index_cast %get3A_1392 : i32 to index
    %get3A_1394 = arith.constant 112 : index
    %get3A_1395 = tpu.vector_load %arg7[%get3A_1393, %get3A_1394] {strides = array<i32>} : memref<4x128xi32, #tpu.memory_space<vmem>>, vector<1x16xi32>,
    %get3A_1396 = vector.shape_cast %get3A_1395 : vector<1x16xi32> to vector<16xi32>
    %sub3A_1397 = vector.broadcast %mul3A_1145 : i32 to vector<16xi32>
    %sub3A_1398 = arith.subi %get3A_1396, %sub3A_1397 : vector<16xi32>
    %ge3A_1399 = arith.constant 0 : i32
    %ge3A_1400 = vector.broadcast %ge3A_1399 : i32 to vector<16xi32>
    %ge3A_1401 = arith.cmpi sge, %sub3A_1398, %ge3A_1400 : vector<16xi32>
    %lt3A_1402 = arith.constant 512 : i32
    %lt3A_1403 = vector.broadcast %lt3A_1402 : i32 to vector<16xi32>
    %lt3A_1404 = arith.cmpi slt, %sub3A_1398, %lt3A_1403 : vector<16xi32>
    %and3A_1405 = arith.andi %ge3A_1401, %lt3A_1404 : vector<16xi1>
    %mul3A_1406 = arith.constant 2048 : i32
    %mul3A_1407 = vector.broadcast %mul3A_1406 : i32 to vector<16xi32>
    %mul3A_1408 = arith.muli %sub3A_1398, %mul3A_1407 : vector<16xi32>
    %add3A_1409 = arith.addi %mul3A_1408, %get3A_1391 : vector<16xi32>
    %jit3A_1410 = arith.constant 1048576 : i32
    %broadcast_in_dim3A_1411 = vector.broadcast %jit3A_1410 : i32 to vector<16xi32>
    %select_n3A_1412 = arith.select %and3A_1405, %add3A_1409, %broadcast_in_dim3A_1411 : vector<16xi1>, vector<16xi32>
    %swap3A_1413 = arith.constant 0 : i32
    %swap3A_1414 = arith.index_cast %swap3A_1413 : i32 to index
    %swap3A_1415 = arith.constant 112 : index
    %swap3A_1416 = tpu.vector_load %arg8[%swap3A_1414, %swap3A_1415] {strides = array<i32>} : memref<4x128xi32, #tpu.memory_space<vmem>>, vector<1x16xi32>,
    %swap3A_1417 = vector.shape_cast %swap3A_1416 : vector<1x16xi32> to vector<16xi32>
    %swap3A_1418 = vector.shape_cast %select_n3A_1412 : vector<16xi32> to vector<1x16xi32>
    tpu.vector_store %arg8[%swap3A_1414, %swap3A_1415], %swap3A_1418 {strides = array<i32>} : memref<4x128xi32, #tpu.memory_space<vmem>>, vector<1x16xi32>,
    %get3A_1419 = arith.constant 1 : i32
    %get3A_1420 = arith.index_cast %get3A_1419 : i32 to index
    %get3A_1421 = arith.constant 0 : index
    %get3A_1422 = tpu.vector_load %arg6[%get3A_1420, %get3A_1421] {strides = array<i32>} : memref<4x128xi32, #tpu.memory_space<vmem>>, vector<1x16xi32>,
    %get3A_1423 = vector.shape_cast %get3A_1422 : vector<1x16xi32> to vector<16xi32>
    %get3A_1424 = arith.constant 1 : i32
    %get3A_1425 = arith.index_cast %get3A_1424 : i32 to index
    %get3A_1426 = arith.constant 0 : index
    %get3A_1427 = tpu.vector_load %arg7[%get3A_1425, %get3A_1426] {strides = array<i32>} : memref<4x128xi32, #tpu.memory_space<vmem>>, vector<1x16xi32>,
    %get3A_1428 = vector.shape_cast %get3A_1427 : vector<1x16xi32> to vector<16xi32>
    %sub3A_1429 = vector.broadcast %mul3A_1145 : i32 to vector<16xi32>
    %sub3A_1430 = arith.subi %get3A_1428, %sub3A_1429 : vector<16xi32>
    %ge3A_1431 = arith.constant 0 : i32
    %ge3A_1432 = vector.broadcast %ge3A_1431 : i32 to vector<16xi32>
    %ge3A_1433 = arith.cmpi sge, %sub3A_1430, %ge3A_1432 : vector<16xi32>
    %lt3A_1434 = arith.constant 512 : i32
    %lt3A_1435 = vector.broadcast %lt3A_1434 : i32 to vector<16xi32>
    %lt3A_1436 = arith.cmpi slt, %sub3A_1430, %lt3A_1435 : vector<16xi32>
    %and3A_1437 = arith.andi %ge3A_1433, %lt3A_1436 : vector<16xi1>
    %mul3A_1438 = arith.constant 2048 : i32
    %mul3A_1439 = vector.broadcast %mul3A_1438 : i32 to vector<16xi32>
    %mul3A_1440 = arith.muli %sub3A_1430, %mul3A_1439 : vector<16xi32>
    %add3A_1441 = arith.addi %mul3A_1440, %get3A_1423 : vector<16xi32>
    %jit3A_1442 = arith.constant 1048576 : i32
    %broadcast_in_dim3A_1443 = vector.broadcast %jit3A_1442 : i32 to vector<16xi32>
    %select_n3A_1444 = arith.select %and3A_1437, %add3A_1441, %broadcast_in_dim3A_1443 : vector<16xi1>, vector<16xi32>
    %swap3A_1445 = arith.constant 1 : i32
    %swap3A_1446 = arith.index_cast %swap3A_1445 : i32 to index
    %swap3A_1447 = arith.constant 0 : index
    %swap3A_1448 = tpu.vector_load %arg8[%swap3A_1446, %swap3A_1447] {strides = array<i32>} : memref<4x128xi32, #tpu.memory_space<vmem>>, vector<1x16xi32>,
    %swap3A_1449 = vector.shape_cast %swap3A_1448 : vector<1x16xi32> to vector<16xi32>
    %swap3A_1450 = vector.shape_cast %select_n3A_1444 : vector<16xi32> to vector<1x16xi32>
    tpu.vector_store %arg8[%swap3A_1446, %swap3A_1447], %swap3A_1450 {strides = array<i32>} : memref<4x128xi32, #tpu.memory_space<vmem>>, vector<1x16xi32>,
    %get3A_1451 = arith.constant 1 : i32
    %get3A_1452 = arith.index_cast %get3A_1451 : i32 to index
    %get3A_1453 = arith.constant 16 : index
    %get3A_1454 = tpu.vector_load %arg6[%get3A_1452, %get3A_1453] {strides = array<i32>} : memref<4x128xi32, #tpu.memory_space<vmem>>, vector<1x16xi32>,
    %get3A_1455 = vector.shape_cast %get3A_1454 : vector<1x16xi32> to vector<16xi32>
    %get3A_1456 = arith.constant 1 : i32
    %get3A_1457 = arith.index_cast %get3A_1456 : i32 to index
    %get3A_1458 = arith.constant 16 : index
    %get3A_1459 = tpu.vector_load %arg7[%get3A_1457, %get3A_1458] {strides = array<i32>} : memref<4x128xi32, #tpu.memory_space<vmem>>, vector<1x16xi32>,
    %get3A_1460 = vector.shape_cast %get3A_1459 : vector<1x16xi32> to vector<16xi32>
    %sub3A_1461 = vector.broadcast %mul3A_1145 : i32 to vector<16xi32>
    %sub3A_1462 = arith.subi %get3A_1460, %sub3A_1461 : vector<16xi32>
    %ge3A_1463 = arith.constant 0 : i32
    %ge3A_1464 = vector.broadcast %ge3A_1463 : i32 to vector<16xi32>
    %ge3A_1465 = arith.cmpi sge, %sub3A_1462, %ge3A_1464 : vector<16xi32>
    %lt3A_1466 = arith.constant 512 : i32
    %lt3A_1467 = vector.broadcast %lt3A_1466 : i32 to vector<16xi32>
    %lt3A_1468 = arith.cmpi slt, %sub3A_1462, %lt3A_1467 : vector<16xi32>
    %and3A_1469 = arith.andi %ge3A_1465, %lt3A_1468 : vector<16xi1>
    %mul3A_1470 = arith.constant 2048 : i32
    %mul3A_1471 = vector.broadcast %mul3A_1470 : i32 to vector<16xi32>
    %mul3A_1472 = arith.muli %sub3A_1462, %mul3A_1471 : vector<16xi32>
    %add3A_1473 = arith.addi %mul3A_1472, %get3A_1455 : vector<16xi32>
    %jit3A_1474 = arith.constant 1048576 : i32
    %broadcast_in_dim3A_1475 = vector.broadcast %jit3A_1474 : i32 to vector<16xi32>
    %select_n3A_1476 = arith.select %and3A_1469, %add3A_1473, %broadcast_in_dim3A_1475 : vector<16xi1>, vector<16xi32>
    %swap3A_1477 = arith.constant 1 : i32
    %swap3A_1478 = arith.index_cast %swap3A_1477 : i32 to index
    %swap3A_1479 = arith.constant 16 : index
    %swap3A_1480 = tpu.vector_load %arg8[%swap3A_1478, %swap3A_1479] {strides = array<i32>} : memref<4x128xi32, #tpu.memory_space<vmem>>, vector<1x16xi32>,
    %swap3A_1481 = vector.shape_cast %swap3A_1480 : vector<1x16xi32> to vector<16xi32>
    %swap3A_1482 = vector.shape_cast %select_n3A_1476 : vector<16xi32> to vector<1x16xi32>
    tpu.vector_store %arg8[%swap3A_1478, %swap3A_1479], %swap3A_1482 {strides = array<i32>} : memref<4x128xi32, #tpu.memory_space<vmem>>, vector<1x16xi32>,
    %get3A_1483 = arith.constant 1 : i32
    %get3A_1484 = arith.index_cast %get3A_1483 : i32 to index
    %get3A_1485 = arith.constant 32 : index
    %get3A_1486 = tpu.vector_load %arg6[%get3A_1484, %get3A_1485] {strides = array<i32>} : memref<4x128xi32, #tpu.memory_space<vmem>>, vector<1x16xi32>,
    %get3A_1487 = vector.shape_cast %get3A_1486 : vector<1x16xi32> to vector<16xi32>
    %get3A_1488 = arith.constant 1 : i32
    %get3A_1489 = arith.index_cast %get3A_1488 : i32 to index
    %get3A_1490 = arith.constant 32 : index
    %get3A_1491 = tpu.vector_load %arg7[%get3A_1489, %get3A_1490] {strides = array<i32>} : memref<4x128xi32, #tpu.memory_space<vmem>>, vector<1x16xi32>,
    %get3A_1492 = vector.shape_cast %get3A_1491 : vector<1x16xi32> to vector<16xi32>
    %sub3A_1493 = vector.broadcast %mul3A_1145 : i32 to vector<16xi32>
    %sub3A_1494 = arith.subi %get3A_1492, %sub3A_1493 : vector<16xi32>
    %ge3A_1495 = arith.constant 0 : i32
    %ge3A_1496 = vector.broadcast %ge3A_1495 : i32 to vector<16xi32>
    %ge3A_1497 = arith.cmpi sge, %sub3A_1494, %ge3A_1496 : vector<16xi32>
    %lt3A_1498 = arith.constant 512 : i32
    %lt3A_1499 = vector.broadcast %lt3A_1498 : i32 to vector<16xi32>
    %lt3A_1500 = arith.cmpi slt, %sub3A_1494, %lt3A_1499 : vector<16xi32>
    %and3A_1501 = arith.andi %ge3A_1497, %lt3A_1500 : vector<16xi1>
    %mul3A_1502 = arith.constant 2048 : i32
    %mul3A_1503 = vector.broadcast %mul3A_1502 : i32 to vector<16xi32>
    %mul3A_1504 = arith.muli %sub3A_1494, %mul3A_1503 : vector<16xi32>
    %add3A_1505 = arith.addi %mul3A_1504, %get3A_1487 : vector<16xi32>
    %jit3A_1506 = arith.constant 1048576 : i32
    %broadcast_in_dim3A_1507 = vector.broadcast %jit3A_1506 : i32 to vector<16xi32>
    %select_n3A_1508 = arith.select %and3A_1501, %add3A_1505, %broadcast_in_dim3A_1507 : vector<16xi1>, vector<16xi32>
    %swap3A_1509 = arith.constant 1 : i32
    %swap3A_1510 = arith.index_cast %swap3A_1509 : i32 to index
    %swap3A_1511 = arith.constant 32 : index
    %swap3A_1512 = tpu.vector_load %arg8[%swap3A_1510, %swap3A_1511] {strides = array<i32>} : memref<4x128xi32, #tpu.memory_space<vmem>>, vector<1x16xi32>,
    %swap3A_1513 = vector.shape_cast %swap3A_1512 : vector<1x16xi32> to vector<16xi32>
    %swap3A_1514 = vector.shape_cast %select_n3A_1508 : vector<16xi32> to vector<1x16xi32>
    tpu.vector_store %arg8[%swap3A_1510, %swap3A_1511], %swap3A_1514 {strides = array<i32>} : memref<4x128xi32, #tpu.memory_space<vmem>>, vector<1x16xi32>,
    %get3A_1515 = arith.constant 1 : i32
    %get3A_1516 = arith.index_cast %get3A_1515 : i32 to index
    %get3A_1517 = arith.constant 48 : index
    %get3A_1518 = tpu.vector_load %arg6[%get3A_1516, %get3A_1517] {strides = array<i32>} : memref<4x128xi32, #tpu.memory_space<vmem>>, vector<1x16xi32>,
    %get3A_1519 = vector.shape_cast %get3A_1518 : vector<1x16xi32> to vector<16xi32>
    %get3A_1520 = arith.constant 1 : i32
    %get3A_1521 = arith.index_cast %get3A_1520 : i32 to index
    %get3A_1522 = arith.constant 48 : index
    %get3A_1523 = tpu.vector_load %arg7[%get3A_1521, %get3A_1522] {strides = array<i32>} : memref<4x128xi32, #tpu.memory_space<vmem>>, vector<1x16xi32>,
    %get3A_1524 = vector.shape_cast %get3A_1523 : vector<1x16xi32> to vector<16xi32>
    %sub3A_1525 = vector.broadcast %mul3A_1145 : i32 to vector<16xi32>
    %sub3A_1526 = arith.subi %get3A_1524, %sub3A_1525 : vector<16xi32>
    %ge3A_1527 = arith.constant 0 : i32
    %ge3A_1528 = vector.broadcast %ge3A_1527 : i32 to vector<16xi32>
    %ge3A_1529 = arith.cmpi sge, %sub3A_1526, %ge3A_1528 : vector<16xi32>
    %lt3A_1530 = arith.constant 512 : i32
    %lt3A_1531 = vector.broadcast %lt3A_1530 : i32 to vector<16xi32>
    %lt3A_1532 = arith.cmpi slt, %sub3A_1526, %lt3A_1531 : vector<16xi32>
    %and3A_1533 = arith.andi %ge3A_1529, %lt3A_1532 : vector<16xi1>
    %mul3A_1534 = arith.constant 2048 : i32
    %mul3A_1535 = vector.broadcast %mul3A_1534 : i32 to vector<16xi32>
    %mul3A_1536 = arith.muli %sub3A_1526, %mul3A_1535 : vector<16xi32>
    %add3A_1537 = arith.addi %mul3A_1536, %get3A_1519 : vector<16xi32>
    %jit3A_1538 = arith.constant 1048576 : i32
    %broadcast_in_dim3A_1539 = vector.broadcast %jit3A_1538 : i32 to vector<16xi32>
    %select_n3A_1540 = arith.select %and3A_1533, %add3A_1537, %broadcast_in_dim3A_1539 : vector<16xi1>, vector<16xi32>
    %swap3A_1541 = arith.constant 1 : i32
    %swap3A_1542 = arith.index_cast %swap3A_1541 : i32 to index
    %swap3A_1543 = arith.constant 48 : index
    %swap3A_1544 = tpu.vector_load %arg8[%swap3A_1542, %swap3A_1543] {strides = array<i32>} : memref<4x128xi32, #tpu.memory_space<vmem>>, vector<1x16xi32>,
    %swap3A_1545 = vector.shape_cast %swap3A_1544 : vector<1x16xi32> to vector<16xi32>
    %swap3A_1546 = vector.shape_cast %select_n3A_1540 : vector<16xi32> to vector<1x16xi32>
    tpu.vector_store %arg8[%swap3A_1542, %swap3A_1543], %swap3A_1546 {strides = array<i32>} : memref<4x128xi32, #tpu.memory_space<vmem>>, vector<1x16xi32>,
    %get3A_1547 = arith.constant 1 : i32
    %get3A_1548 = arith.index_cast %get3A_1547 : i32 to index
    %get3A_1549 = arith.constant 64 : index
    %get3A_1550 = tpu.vector_load %arg6[%get3A_1548, %get3A_1549] {strides = array<i32>} : memref<4x128xi32, #tpu.memory_space<vmem>>, vector<1x16xi32>,
    %get3A_1551 = vector.shape_cast %get3A_1550 : vector<1x16xi32> to vector<16xi32>
    %get3A_1552 = arith.constant 1 : i32
    %get3A_1553 = arith.index_cast %get3A_1552 : i32 to index
    %get3A_1554 = arith.constant 64 : index
    %get3A_1555 = tpu.vector_load %arg7[%get3A_1553, %get3A_1554] {strides = array<i32>} : memref<4x128xi32, #tpu.memory_space<vmem>>, vector<1x16xi32>,
    %get3A_1556 = vector.shape_cast %get3A_1555 : vector<1x16xi32> to vector<16xi32>
    %sub3A_1557 = vector.broadcast %mul3A_1145 : i32 to vector<16xi32>
    %sub3A_1558 = arith.subi %get3A_1556, %sub3A_1557 : vector<16xi32>
    %ge3A_1559 = arith.constant 0 : i32
    %ge3A_1560 = vector.broadcast %ge3A_1559 : i32 to vector<16xi32>
    %ge3A_1561 = arith.cmpi sge, %sub3A_1558, %ge3A_1560 : vector<16xi32>
    %lt3A_1562 = arith.constant 512 : i32
    %lt3A_1563 = vector.broadcast %lt3A_1562 : i32 to vector<16xi32>
    %lt3A_1564 = arith.cmpi slt, %sub3A_1558, %lt3A_1563 : vector<16xi32>
    %and3A_1565 = arith.andi %ge3A_1561, %lt3A_1564 : vector<16xi1>
    %mul3A_1566 = arith.constant 2048 : i32
    %mul3A_1567 = vector.broadcast %mul3A_1566 : i32 to vector<16xi32>
    %mul3A_1568 = arith.muli %sub3A_1558, %mul3A_1567 : vector<16xi32>
    %add3A_1569 = arith.addi %mul3A_1568, %get3A_1551 : vector<16xi32>
    %jit3A_1570 = arith.constant 1048576 : i32
    %broadcast_in_dim3A_1571 = vector.broadcast %jit3A_1570 : i32 to vector<16xi32>
    %select_n3A_1572 = arith.select %and3A_1565, %add3A_1569, %broadcast_in_dim3A_1571 : vector<16xi1>, vector<16xi32>
    %swap3A_1573 = arith.constant 1 : i32
    %swap3A_1574 = arith.index_cast %swap3A_1573 : i32 to index
    %swap3A_1575 = arith.constant 64 : index
    %swap3A_1576 = tpu.vector_load %arg8[%swap3A_1574, %swap3A_1575] {strides = array<i32>} : memref<4x128xi32, #tpu.memory_space<vmem>>, vector<1x16xi32>,
    %swap3A_1577 = vector.shape_cast %swap3A_1576 : vector<1x16xi32> to vector<16xi32>
    %swap3A_1578 = vector.shape_cast %select_n3A_1572 : vector<16xi32> to vector<1x16xi32>
    tpu.vector_store %arg8[%swap3A_1574, %swap3A_1575], %swap3A_1578 {strides = array<i32>} : memref<4x128xi32, #tpu.memory_space<vmem>>, vector<1x16xi32>,
    %get3A_1579 = arith.constant 1 : i32
    %get3A_1580 = arith.index_cast %get3A_1579 : i32 to index
    %get3A_1581 = arith.constant 80 : index
    %get3A_1582 = tpu.vector_load %arg6[%get3A_1580, %get3A_1581] {strides = array<i32>} : memref<4x128xi32, #tpu.memory_space<vmem>>, vector<1x16xi32>,
    %get3A_1583 = vector.shape_cast %get3A_1582 : vector<1x16xi32> to vector<16xi32>
    %get3A_1584 = arith.constant 1 : i32
    %get3A_1585 = arith.index_cast %get3A_1584 : i32 to index
    %get3A_1586 = arith.constant 80 : index
    %get3A_1587 = tpu.vector_load %arg7[%get3A_1585, %get3A_1586] {strides = array<i32>} : memref<4x128xi32, #tpu.memory_space<vmem>>, vector<1x16xi32>,
    %get3A_1588 = vector.shape_cast %get3A_1587 : vector<1x16xi32> to vector<16xi32>
    %sub3A_1589 = vector.broadcast %mul3A_1145 : i32 to vector<16xi32>
    %sub3A_1590 = arith.subi %get3A_1588, %sub3A_1589 : vector<16xi32>
    %ge3A_1591 = arith.constant 0 : i32
    %ge3A_1592 = vector.broadcast %ge3A_1591 : i32 to vector<16xi32>
    %ge3A_1593 = arith.cmpi sge, %sub3A_1590, %ge3A_1592 : vector<16xi32>
    %lt3A_1594 = arith.constant 512 : i32
    %lt3A_1595 = vector.broadcast %lt3A_1594 : i32 to vector<16xi32>
    %lt3A_1596 = arith.cmpi slt, %sub3A_1590, %lt3A_1595 : vector<16xi32>
    %and3A_1597 = arith.andi %ge3A_1593, %lt3A_1596 : vector<16xi1>
    %mul3A_1598 = arith.constant 2048 : i32
    %mul3A_1599 = vector.broadcast %mul3A_1598 : i32 to vector<16xi32>
    %mul3A_1600 = arith.muli %sub3A_1590, %mul3A_1599 : vector<16xi32>
    %add3A_1601 = arith.addi %mul3A_1600, %get3A_1583 : vector<16xi32>
    %jit3A_1602 = arith.constant 1048576 : i32
    %broadcast_in_dim3A_1603 = vector.broadcast %jit3A_1602 : i32 to vector<16xi32>
    %select_n3A_1604 = arith.select %and3A_1597, %add3A_1601, %broadcast_in_dim3A_1603 : vector<16xi1>, vector<16xi32>
    %swap3A_1605 = arith.constant 1 : i32
    %swap3A_1606 = arith.index_cast %swap3A_1605 : i32 to index
    %swap3A_1607 = arith.constant 80 : index
    %swap3A_1608 = tpu.vector_load %arg8[%swap3A_1606, %swap3A_1607] {strides = array<i32>} : memref<4x128xi32, #tpu.memory_space<vmem>>, vector<1x16xi32>,
    %swap3A_1609 = vector.shape_cast %swap3A_1608 : vector<1x16xi32> to vector<16xi32>
    %swap3A_1610 = vector.shape_cast %select_n3A_1604 : vector<16xi32> to vector<1x16xi32>
    tpu.vector_store %arg8[%swap3A_1606, %swap3A_1607], %swap3A_1610 {strides = array<i32>} : memref<4x128xi32, #tpu.memory_space<vmem>>, vector<1x16xi32>,
    %get3A_1611 = arith.constant 1 : i32
    %get3A_1612 = arith.index_cast %get3A_1611 : i32 to index
    %get3A_1613 = arith.constant 96 : index
    %get3A_1614 = tpu.vector_load %arg6[%get3A_1612, %get3A_1613] {strides = array<i32>} : memref<4x128xi32, #tpu.memory_space<vmem>>, vector<1x16xi32>,
    %get3A_1615 = vector.shape_cast %get3A_1614 : vector<1x16xi32> to vector<16xi32>
    %get3A_1616 = arith.constant 1 : i32
    %get3A_1617 = arith.index_cast %get3A_1616 : i32 to index
    %get3A_1618 = arith.constant 96 : index
    %get3A_1619 = tpu.vector_load %arg7[%get3A_1617, %get3A_1618] {strides = array<i32>} : memref<4x128xi32, #tpu.memory_space<vmem>>, vector<1x16xi32>,
    %get3A_1620 = vector.shape_cast %get3A_1619 : vector<1x16xi32> to vector<16xi32>
    %sub3A_1621 = vector.broadcast %mul3A_1145 : i32 to vector<16xi32>
    %sub3A_1622 = arith.subi %get3A_1620, %sub3A_1621 : vector<16xi32>
    %ge3A_1623 = arith.constant 0 : i32
    %ge3A_1624 = vector.broadcast %ge3A_1623 : i32 to vector<16xi32>
    %ge3A_1625 = arith.cmpi sge, %sub3A_1622, %ge3A_1624 : vector<16xi32>
    %lt3A_1626 = arith.constant 512 : i32
    %lt3A_1627 = vector.broadcast %lt3A_1626 : i32 to vector<16xi32>
    %lt3A_1628 = arith.cmpi slt, %sub3A_1622, %lt3A_1627 : vector<16xi32>
    %and3A_1629 = arith.andi %ge3A_1625, %lt3A_1628 : vector<16xi1>
    %mul3A_1630 = arith.constant 2048 : i32
    %mul3A_1631 = vector.broadcast %mul3A_1630 : i32 to vector<16xi32>
    %mul3A_1632 = arith.muli %sub3A_1622, %mul3A_1631 : vector<16xi32>
    %add3A_1633 = arith.addi %mul3A_1632, %get3A_1615 : vector<16xi32>
    %jit3A_1634 = arith.constant 1048576 : i32
    %broadcast_in_dim3A_1635 = vector.broadcast %jit3A_1634 : i32 to vector<16xi32>
    %select_n3A_1636 = arith.select %and3A_1629, %add3A_1633, %broadcast_in_dim3A_1635 : vector<16xi1>, vector<16xi32>
    %swap3A_1637 = arith.constant 1 : i32
    %swap3A_1638 = arith.index_cast %swap3A_1637 : i32 to index
    %swap3A_1639 = arith.constant 96 : index
    %swap3A_1640 = tpu.vector_load %arg8[%swap3A_1638, %swap3A_1639] {strides = array<i32>} : memref<4x128xi32, #tpu.memory_space<vmem>>, vector<1x16xi32>,
    %swap3A_1641 = vector.shape_cast %swap3A_1640 : vector<1x16xi32> to vector<16xi32>
    %swap3A_1642 = vector.shape_cast %select_n3A_1636 : vector<16xi32> to vector<1x16xi32>
    tpu.vector_store %arg8[%swap3A_1638, %swap3A_1639], %swap3A_1642 {strides = array<i32>} : memref<4x128xi32, #tpu.memory_space<vmem>>, vector<1x16xi32>,
    %get3A_1643 = arith.constant 1 : i32
    %get3A_1644 = arith.index_cast %get3A_1643 : i32 to index
    %get3A_1645 = arith.constant 112 : index
    %get3A_1646 = tpu.vector_load %arg6[%get3A_1644, %get3A_1645] {strides = array<i32>} : memref<4x128xi32, #tpu.memory_space<vmem>>, vector<1x16xi32>,
    %get3A_1647 = vector.shape_cast %get3A_1646 : vector<1x16xi32> to vector<16xi32>
    %get3A_1648 = arith.constant 1 : i32
    %get3A_1649 = arith.index_cast %get3A_1648 : i32 to index
    %get3A_1650 = arith.constant 112 : index
    %get3A_1651 = tpu.vector_load %arg7[%get3A_1649, %get3A_1650] {strides = array<i32>} : memref<4x128xi32, #tpu.memory_space<vmem>>, vector<1x16xi32>,
    %get3A_1652 = vector.shape_cast %get3A_1651 : vector<1x16xi32> to vector<16xi32>
    %sub3A_1653 = vector.broadcast %mul3A_1145 : i32 to vector<16xi32>
    %sub3A_1654 = arith.subi %get3A_1652, %sub3A_1653 : vector<16xi32>
    %ge3A_1655 = arith.constant 0 : i32
    %ge3A_1656 = vector.broadcast %ge3A_1655 : i32 to vector<16xi32>
    %ge3A_1657 = arith.cmpi sge, %sub3A_1654, %ge3A_1656 : vector<16xi32>
    %lt3A_1658 = arith.constant 512 : i32
    %lt3A_1659 = vector.broadcast %lt3A_1658 : i32 to vector<16xi32>
    %lt3A_1660 = arith.cmpi slt, %sub3A_1654, %lt3A_1659 : vector<16xi32>
    %and3A_1661 = arith.andi %ge3A_1657, %lt3A_1660 : vector<16xi1>
    %mul3A_1662 = arith.constant 2048 : i32
    %mul3A_1663 = vector.broadcast %mul3A_1662 : i32 to vector<16xi32>
    %mul3A_1664 = arith.muli %sub3A_1654, %mul3A_1663 : vector<16xi32>
    %add3A_1665 = arith.addi %mul3A_1664, %get3A_1647 : vector<16xi32>
    %jit3A_1666 = arith.constant 1048576 : i32
    %broadcast_in_dim3A_1667 = vector.broadcast %jit3A_1666 : i32 to vector<16xi32>
    %select_n3A_1668 = arith.select %and3A_1661, %add3A_1665, %broadcast_in_dim3A_1667 : vector<16xi1>, vector<16xi32>
    %swap3A_1669 = arith.constant 1 : i32
    %swap3A_1670 = arith.index_cast %swap3A_1669 : i32 to index
    %swap3A_1671 = arith.constant 112 : index
    %swap3A_1672 = tpu.vector_load %arg8[%swap3A_1670, %swap3A_1671] {strides = array<i32>} : memref<4x128xi32, #tpu.memory_space<vmem>>, vector<1x16xi32>,
    %swap3A_1673 = vector.shape_cast %swap3A_1672 : vector<1x16xi32> to vector<16xi32>
    %swap3A_1674 = vector.shape_cast %select_n3A_1668 : vector<16xi32> to vector<1x16xi32>
    tpu.vector_store %arg8[%swap3A_1670, %swap3A_1671], %swap3A_1674 {strides = array<i32>} : memref<4x128xi32, #tpu.memory_space<vmem>>, vector<1x16xi32>,
    %get3A_1675 = arith.constant 2 : i32
    %get3A_1676 = arith.index_cast %get3A_1675 : i32 to index
    %get3A_1677 = arith.constant 0 : index
    %get3A_1678 = tpu.vector_load %arg6[%get3A_1676, %get3A_1677] {strides = array<i32>} : memref<4x128xi32, #tpu.memory_space<vmem>>, vector<1x16xi32>,
    %get3A_1679 = vector.shape_cast %get3A_1678 : vector<1x16xi32> to vector<16xi32>
    %get3A_1680 = arith.constant 2 : i32
    %get3A_1681 = arith.index_cast %get3A_1680 : i32 to index
    %get3A_1682 = arith.constant 0 : index
    %get3A_1683 = tpu.vector_load %arg7[%get3A_1681, %get3A_1682] {strides = array<i32>} : memref<4x128xi32, #tpu.memory_space<vmem>>, vector<1x16xi32>,
    %get3A_1684 = vector.shape_cast %get3A_1683 : vector<1x16xi32> to vector<16xi32>
    %sub3A_1685 = vector.broadcast %mul3A_1145 : i32 to vector<16xi32>
    %sub3A_1686 = arith.subi %get3A_1684, %sub3A_1685 : vector<16xi32>
    %ge3A_1687 = arith.constant 0 : i32
    %ge3A_1688 = vector.broadcast %ge3A_1687 : i32 to vector<16xi32>
    %ge3A_1689 = arith.cmpi sge, %sub3A_1686, %ge3A_1688 : vector<16xi32>
    %lt3A_1690 = arith.constant 512 : i32
    %lt3A_1691 = vector.broadcast %lt3A_1690 : i32 to vector<16xi32>
    %lt3A_1692 = arith.cmpi slt, %sub3A_1686, %lt3A_1691 : vector<16xi32>
    %and3A_1693 = arith.andi %ge3A_1689, %lt3A_1692 : vector<16xi1>
    %mul3A_1694 = arith.constant 2048 : i32
    %mul3A_1695 = vector.broadcast %mul3A_1694 : i32 to vector<16xi32>
    %mul3A_1696 = arith.muli %sub3A_1686, %mul3A_1695 : vector<16xi32>
    %add3A_1697 = arith.addi %mul3A_1696, %get3A_1679 : vector<16xi32>
    %jit3A_1698 = arith.constant 1048576 : i32
    %broadcast_in_dim3A_1699 = vector.broadcast %jit3A_1698 : i32 to vector<16xi32>
    %select_n3A_1700 = arith.select %and3A_1693, %add3A_1697, %broadcast_in_dim3A_1699 : vector<16xi1>, vector<16xi32>
    %swap3A_1701 = arith.constant 2 : i32
    %swap3A_1702 = arith.index_cast %swap3A_1701 : i32 to index
    %swap3A_1703 = arith.constant 0 : index
    %swap3A_1704 = tpu.vector_load %arg8[%swap3A_1702, %swap3A_1703] {strides = array<i32>} : memref<4x128xi32, #tpu.memory_space<vmem>>, vector<1x16xi32>,
    %swap3A_1705 = vector.shape_cast %swap3A_1704 : vector<1x16xi32> to vector<16xi32>
    %swap3A_1706 = vector.shape_cast %select_n3A_1700 : vector<16xi32> to vector<1x16xi32>
    tpu.vector_store %arg8[%swap3A_1702, %swap3A_1703], %swap3A_1706 {strides = array<i32>} : memref<4x128xi32, #tpu.memory_space<vmem>>, vector<1x16xi32>,
    %get3A_1707 = arith.constant 2 : i32
    %get3A_1708 = arith.index_cast %get3A_1707 : i32 to index
    %get3A_1709 = arith.constant 16 : index
    %get3A_1710 = tpu.vector_load %arg6[%get3A_1708, %get3A_1709] {strides = array<i32>} : memref<4x128xi32, #tpu.memory_space<vmem>>, vector<1x16xi32>,
    %get3A_1711 = vector.shape_cast %get3A_1710 : vector<1x16xi32> to vector<16xi32>
    %get3A_1712 = arith.constant 2 : i32
    %get3A_1713 = arith.index_cast %get3A_1712 : i32 to index
    %get3A_1714 = arith.constant 16 : index
    %get3A_1715 = tpu.vector_load %arg7[%get3A_1713, %get3A_1714] {strides = array<i32>} : memref<4x128xi32, #tpu.memory_space<vmem>>, vector<1x16xi32>,
    %get3A_1716 = vector.shape_cast %get3A_1715 : vector<1x16xi32> to vector<16xi32>
    %sub3A_1717 = vector.broadcast %mul3A_1145 : i32 to vector<16xi32>
    %sub3A_1718 = arith.subi %get3A_1716, %sub3A_1717 : vector<16xi32>
    %ge3A_1719 = arith.constant 0 : i32
    %ge3A_1720 = vector.broadcast %ge3A_1719 : i32 to vector<16xi32>
    %ge3A_1721 = arith.cmpi sge, %sub3A_1718, %ge3A_1720 : vector<16xi32>
    %lt3A_1722 = arith.constant 512 : i32
    %lt3A_1723 = vector.broadcast %lt3A_1722 : i32 to vector<16xi32>
    %lt3A_1724 = arith.cmpi slt, %sub3A_1718, %lt3A_1723 : vector<16xi32>
    %and3A_1725 = arith.andi %ge3A_1721, %lt3A_1724 : vector<16xi1>
    %mul3A_1726 = arith.constant 2048 : i32
    %mul3A_1727 = vector.broadcast %mul3A_1726 : i32 to vector<16xi32>
    %mul3A_1728 = arith.muli %sub3A_1718, %mul3A_1727 : vector<16xi32>
    %add3A_1729 = arith.addi %mul3A_1728, %get3A_1711 : vector<16xi32>
    %jit3A_1730 = arith.constant 1048576 : i32
    %broadcast_in_dim3A_1731 = vector.broadcast %jit3A_1730 : i32 to vector<16xi32>
    %select_n3A_1732 = arith.select %and3A_1725, %add3A_1729, %broadcast_in_dim3A_1731 : vector<16xi1>, vector<16xi32>
    %swap3A_1733 = arith.constant 2 : i32
    %swap3A_1734 = arith.index_cast %swap3A_1733 : i32 to index
    %swap3A_1735 = arith.constant 16 : index
    %swap3A_1736 = tpu.vector_load %arg8[%swap3A_1734, %swap3A_1735] {strides = array<i32>} : memref<4x128xi32, #tpu.memory_space<vmem>>, vector<1x16xi32>,
    %swap3A_1737 = vector.shape_cast %swap3A_1736 : vector<1x16xi32> to vector<16xi32>
    %swap3A_1738 = vector.shape_cast %select_n3A_1732 : vector<16xi32> to vector<1x16xi32>
    tpu.vector_store %arg8[%swap3A_1734, %swap3A_1735], %swap3A_1738 {strides = array<i32>} : memref<4x128xi32, #tpu.memory_space<vmem>>, vector<1x16xi32>,
    %get3A_1739 = arith.constant 2 : i32
    %get3A_1740 = arith.index_cast %get3A_1739 : i32 to index
    %get3A_1741 = arith.constant 32 : index
    %get3A_1742 = tpu.vector_load %arg6[%get3A_1740, %get3A_1741] {strides = array<i32>} : memref<4x128xi32, #tpu.memory_space<vmem>>, vector<1x16xi32>,
    %get3A_1743 = vector.shape_cast %get3A_1742 : vector<1x16xi32> to vector<16xi32>
    %get3A_1744 = arith.constant 2 : i32
    %get3A_1745 = arith.index_cast %get3A_1744 : i32 to index
    %get3A_1746 = arith.constant 32 : index
    %get3A_1747 = tpu.vector_load %arg7[%get3A_1745, %get3A_1746] {strides = array<i32>} : memref<4x128xi32, #tpu.memory_space<vmem>>, vector<1x16xi32>,
    %get3A_1748 = vector.shape_cast %get3A_1747 : vector<1x16xi32> to vector<16xi32>
    %sub3A_1749 = vector.broadcast %mul3A_1145 : i32 to vector<16xi32>
    %sub3A_1750 = arith.subi %get3A_1748, %sub3A_1749 : vector<16xi32>
    %ge3A_1751 = arith.constant 0 : i32
    %ge3A_1752 = vector.broadcast %ge3A_1751 : i32 to vector<16xi32>
    %ge3A_1753 = arith.cmpi sge, %sub3A_1750, %ge3A_1752 : vector<16xi32>
    %lt3A_1754 = arith.constant 512 : i32
    %lt3A_1755 = vector.broadcast %lt3A_1754 : i32 to vector<16xi32>
    %lt3A_1756 = arith.cmpi slt, %sub3A_1750, %lt3A_1755 : vector<16xi32>
    %and3A_1757 = arith.andi %ge3A_1753, %lt3A_1756 : vector<16xi1>
    %mul3A_1758 = arith.constant 2048 : i32
    %mul3A_1759 = vector.broadcast %mul3A_1758 : i32 to vector<16xi32>
    %mul3A_1760 = arith.muli %sub3A_1750, %mul3A_1759 : vector<16xi32>
    %add3A_1761 = arith.addi %mul3A_1760, %get3A_1743 : vector<16xi32>
    %jit3A_1762 = arith.constant 1048576 : i32
    %broadcast_in_dim3A_1763 = vector.broadcast %jit3A_1762 : i32 to vector<16xi32>
    %select_n3A_1764 = arith.select %and3A_1757, %add3A_1761, %broadcast_in_dim3A_1763 : vector<16xi1>, vector<16xi32>
    %swap3A_1765 = arith.constant 2 : i32
    %swap3A_1766 = arith.index_cast %swap3A_1765 : i32 to index
    %swap3A_1767 = arith.constant 32 : index
    %swap3A_1768 = tpu.vector_load %arg8[%swap3A_1766, %swap3A_1767] {strides = array<i32>} : memref<4x128xi32, #tpu.memory_space<vmem>>, vector<1x16xi32>,
    %swap3A_1769 = vector.shape_cast %swap3A_1768 : vector<1x16xi32> to vector<16xi32>
    %swap3A_1770 = vector.shape_cast %select_n3A_1764 : vector<16xi32> to vector<1x16xi32>
    tpu.vector_store %arg8[%swap3A_1766, %swap3A_1767], %swap3A_1770 {strides = array<i32>} : memref<4x128xi32, #tpu.memory_space<vmem>>, vector<1x16xi32>,
    %get3A_1771 = arith.constant 2 : i32
    %get3A_1772 = arith.index_cast %get3A_1771 : i32 to index
    %get3A_1773 = arith.constant 48 : index
    %get3A_1774 = tpu.vector_load %arg6[%get3A_1772, %get3A_1773] {strides = array<i32>} : memref<4x128xi32, #tpu.memory_space<vmem>>, vector<1x16xi32>,
    %get3A_1775 = vector.shape_cast %get3A_1774 : vector<1x16xi32> to vector<16xi32>
    %get3A_1776 = arith.constant 2 : i32
    %get3A_1777 = arith.index_cast %get3A_1776 : i32 to index
    %get3A_1778 = arith.constant 48 : index
    %get3A_1779 = tpu.vector_load %arg7[%get3A_1777, %get3A_1778] {strides = array<i32>} : memref<4x128xi32, #tpu.memory_space<vmem>>, vector<1x16xi32>,
    %get3A_1780 = vector.shape_cast %get3A_1779 : vector<1x16xi32> to vector<16xi32>
    %sub3A_1781 = vector.broadcast %mul3A_1145 : i32 to vector<16xi32>
    %sub3A_1782 = arith.subi %get3A_1780, %sub3A_1781 : vector<16xi32>
    %ge3A_1783 = arith.constant 0 : i32
    %ge3A_1784 = vector.broadcast %ge3A_1783 : i32 to vector<16xi32>
    %ge3A_1785 = arith.cmpi sge, %sub3A_1782, %ge3A_1784 : vector<16xi32>
    %lt3A_1786 = arith.constant 512 : i32
    %lt3A_1787 = vector.broadcast %lt3A_1786 : i32 to vector<16xi32>
    %lt3A_1788 = arith.cmpi slt, %sub3A_1782, %lt3A_1787 : vector<16xi32>
    %and3A_1789 = arith.andi %ge3A_1785, %lt3A_1788 : vector<16xi1>
    %mul3A_1790 = arith.constant 2048 : i32
    %mul3A_1791 = vector.broadcast %mul3A_1790 : i32 to vector<16xi32>
    %mul3A_1792 = arith.muli %sub3A_1782, %mul3A_1791 : vector<16xi32>
    %add3A_1793 = arith.addi %mul3A_1792, %get3A_1775 : vector<16xi32>
    %jit3A_1794 = arith.constant 1048576 : i32
    %broadcast_in_dim3A_1795 = vector.broadcast %jit3A_1794 : i32 to vector<16xi32>
    %select_n3A_1796 = arith.select %and3A_1789, %add3A_1793, %broadcast_in_dim3A_1795 : vector<16xi1>, vector<16xi32>
    %swap3A_1797 = arith.constant 2 : i32
    %swap3A_1798 = arith.index_cast %swap3A_1797 : i32 to index
    %swap3A_1799 = arith.constant 48 : index
    %swap3A_1800 = tpu.vector_load %arg8[%swap3A_1798, %swap3A_1799] {strides = array<i32>} : memref<4x128xi32, #tpu.memory_space<vmem>>, vector<1x16xi32>,
    %swap3A_1801 = vector.shape_cast %swap3A_1800 : vector<1x16xi32> to vector<16xi32>
    %swap3A_1802 = vector.shape_cast %select_n3A_1796 : vector<16xi32> to vector<1x16xi32>
    tpu.vector_store %arg8[%swap3A_1798, %swap3A_1799], %swap3A_1802 {strides = array<i32>} : memref<4x128xi32, #tpu.memory_space<vmem>>, vector<1x16xi32>,
    %get3A_1803 = arith.constant 2 : i32
    %get3A_1804 = arith.index_cast %get3A_1803 : i32 to index
    %get3A_1805 = arith.constant 64 : index
    %get3A_1806 = tpu.vector_load %arg6[%get3A_1804, %get3A_1805] {strides = array<i32>} : memref<4x128xi32, #tpu.memory_space<vmem>>, vector<1x16xi32>,
    %get3A_1807 = vector.shape_cast %get3A_1806 : vector<1x16xi32> to vector<16xi32>
    %get3A_1808 = arith.constant 2 : i32
    %get3A_1809 = arith.index_cast %get3A_1808 : i32 to index
    %get3A_1810 = arith.constant 64 : index
    %get3A_1811 = tpu.vector_load %arg7[%get3A_1809, %get3A_1810] {strides = array<i32>} : memref<4x128xi32, #tpu.memory_space<vmem>>, vector<1x16xi32>,
    %get3A_1812 = vector.shape_cast %get3A_1811 : vector<1x16xi32> to vector<16xi32>
    %sub3A_1813 = vector.broadcast %mul3A_1145 : i32 to vector<16xi32>
    %sub3A_1814 = arith.subi %get3A_1812, %sub3A_1813 : vector<16xi32>
    %ge3A_1815 = arith.constant 0 : i32
    %ge3A_1816 = vector.broadcast %ge3A_1815 : i32 to vector<16xi32>
    %ge3A_1817 = arith.cmpi sge, %sub3A_1814, %ge3A_1816 : vector<16xi32>
    %lt3A_1818 = arith.constant 512 : i32
    %lt3A_1819 = vector.broadcast %lt3A_1818 : i32 to vector<16xi32>
    %lt3A_1820 = arith.cmpi slt, %sub3A_1814, %lt3A_1819 : vector<16xi32>
    %and3A_1821 = arith.andi %ge3A_1817, %lt3A_1820 : vector<16xi1>
    %mul3A_1822 = arith.constant 2048 : i32
    %mul3A_1823 = vector.broadcast %mul3A_1822 : i32 to vector<16xi32>
    %mul3A_1824 = arith.muli %sub3A_1814, %mul3A_1823 : vector<16xi32>
    %add3A_1825 = arith.addi %mul3A_1824, %get3A_1807 : vector<16xi32>
    %jit3A_1826 = arith.constant 1048576 : i32
    %broadcast_in_dim3A_1827 = vector.broadcast %jit3A_1826 : i32 to vector<16xi32>
    %select_n3A_1828 = arith.select %and3A_1821, %add3A_1825, %broadcast_in_dim3A_1827 : vector<16xi1>, vector<16xi32>
    %swap3A_1829 = arith.constant 2 : i32
    %swap3A_1830 = arith.index_cast %swap3A_1829 : i32 to index
    %swap3A_1831 = arith.constant 64 : index
    %swap3A_1832 = tpu.vector_load %arg8[%swap3A_1830, %swap3A_1831] {strides = array<i32>} : memref<4x128xi32, #tpu.memory_space<vmem>>, vector<1x16xi32>,
    %swap3A_1833 = vector.shape_cast %swap3A_1832 : vector<1x16xi32> to vector<16xi32>
    %swap3A_1834 = vector.shape_cast %select_n3A_1828 : vector<16xi32> to vector<1x16xi32>
    tpu.vector_store %arg8[%swap3A_1830, %swap3A_1831], %swap3A_1834 {strides = array<i32>} : memref<4x128xi32, #tpu.memory_space<vmem>>, vector<1x16xi32>,
    %get3A_1835 = arith.constant 2 : i32
    %get3A_1836 = arith.index_cast %get3A_1835 : i32 to index
    %get3A_1837 = arith.constant 80 : index
    %get3A_1838 = tpu.vector_load %arg6[%get3A_1836, %get3A_1837] {strides = array<i32>} : memref<4x128xi32, #tpu.memory_space<vmem>>, vector<1x16xi32>,
    %get3A_1839 = vector.shape_cast %get3A_1838 : vector<1x16xi32> to vector<16xi32>
    %get3A_1840 = arith.constant 2 : i32
    %get3A_1841 = arith.index_cast %get3A_1840 : i32 to index
    %get3A_1842 = arith.constant 80 : index
    %get3A_1843 = tpu.vector_load %arg7[%get3A_1841, %get3A_1842] {strides = array<i32>} : memref<4x128xi32, #tpu.memory_space<vmem>>, vector<1x16xi32>,
    %get3A_1844 = vector.shape_cast %get3A_1843 : vector<1x16xi32> to vector<16xi32>
    %sub3A_1845 = vector.broadcast %mul3A_1145 : i32 to vector<16xi32>
    %sub3A_1846 = arith.subi %get3A_1844, %sub3A_1845 : vector<16xi32>
    %ge3A_1847 = arith.constant 0 : i32
    %ge3A_1848 = vector.broadcast %ge3A_1847 : i32 to vector<16xi32>
    %ge3A_1849 = arith.cmpi sge, %sub3A_1846, %ge3A_1848 : vector<16xi32>
    %lt3A_1850 = arith.constant 512 : i32
    %lt3A_1851 = vector.broadcast %lt3A_1850 : i32 to vector<16xi32>
    %lt3A_1852 = arith.cmpi slt, %sub3A_1846, %lt3A_1851 : vector<16xi32>
    %and3A_1853 = arith.andi %ge3A_1849, %lt3A_1852 : vector<16xi1>
    %mul3A_1854 = arith.constant 2048 : i32
    %mul3A_1855 = vector.broadcast %mul3A_1854 : i32 to vector<16xi32>
    %mul3A_1856 = arith.muli %sub3A_1846, %mul3A_1855 : vector<16xi32>
    %add3A_1857 = arith.addi %mul3A_1856, %get3A_1839 : vector<16xi32>
    %jit3A_1858 = arith.constant 1048576 : i32
    %broadcast_in_dim3A_1859 = vector.broadcast %jit3A_1858 : i32 to vector<16xi32>
    %select_n3A_1860 = arith.select %and3A_1853, %add3A_1857, %broadcast_in_dim3A_1859 : vector<16xi1>, vector<16xi32>
    %swap3A_1861 = arith.constant 2 : i32
    %swap3A_1862 = arith.index_cast %swap3A_1861 : i32 to index
    %swap3A_1863 = arith.constant 80 : index
    %swap3A_1864 = tpu.vector_load %arg8[%swap3A_1862, %swap3A_1863] {strides = array<i32>} : memref<4x128xi32, #tpu.memory_space<vmem>>, vector<1x16xi32>,
    %swap3A_1865 = vector.shape_cast %swap3A_1864 : vector<1x16xi32> to vector<16xi32>
    %swap3A_1866 = vector.shape_cast %select_n3A_1860 : vector<16xi32> to vector<1x16xi32>
    tpu.vector_store %arg8[%swap3A_1862, %swap3A_1863], %swap3A_1866 {strides = array<i32>} : memref<4x128xi32, #tpu.memory_space<vmem>>, vector<1x16xi32>,
    %get3A_1867 = arith.constant 2 : i32
    %get3A_1868 = arith.index_cast %get3A_1867 : i32 to index
    %get3A_1869 = arith.constant 96 : index
    %get3A_1870 = tpu.vector_load %arg6[%get3A_1868, %get3A_1869] {strides = array<i32>} : memref<4x128xi32, #tpu.memory_space<vmem>>, vector<1x16xi32>,
    %get3A_1871 = vector.shape_cast %get3A_1870 : vector<1x16xi32> to vector<16xi32>
    %get3A_1872 = arith.constant 2 : i32
    %get3A_1873 = arith.index_cast %get3A_1872 : i32 to index
    %get3A_1874 = arith.constant 96 : index
    %get3A_1875 = tpu.vector_load %arg7[%get3A_1873, %get3A_1874] {strides = array<i32>} : memref<4x128xi32, #tpu.memory_space<vmem>>, vector<1x16xi32>,
    %get3A_1876 = vector.shape_cast %get3A_1875 : vector<1x16xi32> to vector<16xi32>
    %sub3A_1877 = vector.broadcast %mul3A_1145 : i32 to vector<16xi32>
    %sub3A_1878 = arith.subi %get3A_1876, %sub3A_1877 : vector<16xi32>
    %ge3A_1879 = arith.constant 0 : i32
    %ge3A_1880 = vector.broadcast %ge3A_1879 : i32 to vector<16xi32>
    %ge3A_1881 = arith.cmpi sge, %sub3A_1878, %ge3A_1880 : vector<16xi32>
    %lt3A_1882 = arith.constant 512 : i32
    %lt3A_1883 = vector.broadcast %lt3A_1882 : i32 to vector<16xi32>
    %lt3A_1884 = arith.cmpi slt, %sub3A_1878, %lt3A_1883 : vector<16xi32>
    %and3A_1885 = arith.andi %ge3A_1881, %lt3A_1884 : vector<16xi1>
    %mul3A_1886 = arith.constant 2048 : i32
    %mul3A_1887 = vector.broadcast %mul3A_1886 : i32 to vector<16xi32>
    %mul3A_1888 = arith.muli %sub3A_1878, %mul3A_1887 : vector<16xi32>
    %add3A_1889 = arith.addi %mul3A_1888, %get3A_1871 : vector<16xi32>
    %jit3A_1890 = arith.constant 1048576 : i32
    %broadcast_in_dim3A_1891 = vector.broadcast %jit3A_1890 : i32 to vector<16xi32>
    %select_n3A_1892 = arith.select %and3A_1885, %add3A_1889, %broadcast_in_dim3A_1891 : vector<16xi1>, vector<16xi32>
    %swap3A_1893 = arith.constant 2 : i32
    %swap3A_1894 = arith.index_cast %swap3A_1893 : i32 to index
    %swap3A_1895 = arith.constant 96 : index
    %swap3A_1896 = tpu.vector_load %arg8[%swap3A_1894, %swap3A_1895] {strides = array<i32>} : memref<4x128xi32, #tpu.memory_space<vmem>>, vector<1x16xi32>,
    %swap3A_1897 = vector.shape_cast %swap3A_1896 : vector<1x16xi32> to vector<16xi32>
    %swap3A_1898 = vector.shape_cast %select_n3A_1892 : vector<16xi32> to vector<1x16xi32>
    tpu.vector_store %arg8[%swap3A_1894, %swap3A_1895], %swap3A_1898 {strides = array<i32>} : memref<4x128xi32, #tpu.memory_space<vmem>>, vector<1x16xi32>,
    %get3A_1899 = arith.constant 2 : i32
    %get3A_1900 = arith.index_cast %get3A_1899 : i32 to index
    %get3A_1901 = arith.constant 112 : index
    %get3A_1902 = tpu.vector_load %arg6[%get3A_1900, %get3A_1901] {strides = array<i32>} : memref<4x128xi32, #tpu.memory_space<vmem>>, vector<1x16xi32>,
    %get3A_1903 = vector.shape_cast %get3A_1902 : vector<1x16xi32> to vector<16xi32>
    %get3A_1904 = arith.constant 2 : i32
    %get3A_1905 = arith.index_cast %get3A_1904 : i32 to index
    %get3A_1906 = arith.constant 112 : index
    %get3A_1907 = tpu.vector_load %arg7[%get3A_1905, %get3A_1906] {strides = array<i32>} : memref<4x128xi32, #tpu.memory_space<vmem>>, vector<1x16xi32>,
    %get3A_1908 = vector.shape_cast %get3A_1907 : vector<1x16xi32> to vector<16xi32>
    %sub3A_1909 = vector.broadcast %mul3A_1145 : i32 to vector<16xi32>
    %sub3A_1910 = arith.subi %get3A_1908, %sub3A_1909 : vector<16xi32>
    %ge3A_1911 = arith.constant 0 : i32
    %ge3A_1912 = vector.broadcast %ge3A_1911 : i32 to vector<16xi32>
    %ge3A_1913 = arith.cmpi sge, %sub3A_1910, %ge3A_1912 : vector<16xi32>
    %lt3A_1914 = arith.constant 512 : i32
    %lt3A_1915 = vector.broadcast %lt3A_1914 : i32 to vector<16xi32>
    %lt3A_1916 = arith.cmpi slt, %sub3A_1910, %lt3A_1915 : vector<16xi32>
    %and3A_1917 = arith.andi %ge3A_1913, %lt3A_1916 : vector<16xi1>
    %mul3A_1918 = arith.constant 2048 : i32
    %mul3A_1919 = vector.broadcast %mul3A_1918 : i32 to vector<16xi32>
    %mul3A_1920 = arith.muli %sub3A_1910, %mul3A_1919 : vector<16xi32>
    %add3A_1921 = arith.addi %mul3A_1920, %get3A_1903 : vector<16xi32>
    %jit3A_1922 = arith.constant 1048576 : i32
    %broadcast_in_dim3A_1923 = vector.broadcast %jit3A_1922 : i32 to vector<16xi32>
    %select_n3A_1924 = arith.select %and3A_1917, %add3A_1921, %broadcast_in_dim3A_1923 : vector<16xi1>, vector<16xi32>
    %swap3A_1925 = arith.constant 2 : i32
    %swap3A_1926 = arith.index_cast %swap3A_1925 : i32 to index
    %swap3A_1927 = arith.constant 112 : index
    %swap3A_1928 = tpu.vector_load %arg8[%swap3A_1926, %swap3A_1927] {strides = array<i32>} : memref<4x128xi32, #tpu.memory_space<vmem>>, vector<1x16xi32>,
    %swap3A_1929 = vector.shape_cast %swap3A_1928 : vector<1x16xi32> to vector<16xi32>
    %swap3A_1930 = vector.shape_cast %select_n3A_1924 : vector<16xi32> to vector<1x16xi32>
    tpu.vector_store %arg8[%swap3A_1926, %swap3A_1927], %swap3A_1930 {strides = array<i32>} : memref<4x128xi32, #tpu.memory_space<vmem>>, vector<1x16xi32>,
    %get3A_1931 = arith.constant 3 : i32
    %get3A_1932 = arith.index_cast %get3A_1931 : i32 to index
    %get3A_1933 = arith.constant 0 : index
    %get3A_1934 = tpu.vector_load %arg6[%get3A_1932, %get3A_1933] {strides = array<i32>} : memref<4x128xi32, #tpu.memory_space<vmem>>, vector<1x16xi32>,
    %get3A_1935 = vector.shape_cast %get3A_1934 : vector<1x16xi32> to vector<16xi32>
    %get3A_1936 = arith.constant 3 : i32
    %get3A_1937 = arith.index_cast %get3A_1936 : i32 to index
    %get3A_1938 = arith.constant 0 : index
    %get3A_1939 = tpu.vector_load %arg7[%get3A_1937, %get3A_1938] {strides = array<i32>} : memref<4x128xi32, #tpu.memory_space<vmem>>, vector<1x16xi32>,
    %get3A_1940 = vector.shape_cast %get3A_1939 : vector<1x16xi32> to vector<16xi32>
    %sub3A_1941 = vector.broadcast %mul3A_1145 : i32 to vector<16xi32>
    %sub3A_1942 = arith.subi %get3A_1940, %sub3A_1941 : vector<16xi32>
    %ge3A_1943 = arith.constant 0 : i32
    %ge3A_1944 = vector.broadcast %ge3A_1943 : i32 to vector<16xi32>
    %ge3A_1945 = arith.cmpi sge, %sub3A_1942, %ge3A_1944 : vector<16xi32>
    %lt3A_1946 = arith.constant 512 : i32
    %lt3A_1947 = vector.broadcast %lt3A_1946 : i32 to vector<16xi32>
    %lt3A_1948 = arith.cmpi slt, %sub3A_1942, %lt3A_1947 : vector<16xi32>
    %and3A_1949 = arith.andi %ge3A_1945, %lt3A_1948 : vector<16xi1>
    %mul3A_1950 = arith.constant 2048 : i32
    %mul3A_1951 = vector.broadcast %mul3A_1950 : i32 to vector<16xi32>
    %mul3A_1952 = arith.muli %sub3A_1942, %mul3A_1951 : vector<16xi32>
    %add3A_1953 = arith.addi %mul3A_1952, %get3A_1935 : vector<16xi32>
    %jit3A_1954 = arith.constant 1048576 : i32
    %broadcast_in_dim3A_1955 = vector.broadcast %jit3A_1954 : i32 to vector<16xi32>
    %select_n3A_1956 = arith.select %and3A_1949, %add3A_1953, %broadcast_in_dim3A_1955 : vector<16xi1>, vector<16xi32>
    %swap3A_1957 = arith.constant 3 : i32
    %swap3A_1958 = arith.index_cast %swap3A_1957 : i32 to index
    %swap3A_1959 = arith.constant 0 : index
    %swap3A_1960 = tpu.vector_load %arg8[%swap3A_1958, %swap3A_1959] {strides = array<i32>} : memref<4x128xi32, #tpu.memory_space<vmem>>, vector<1x16xi32>,
    %swap3A_1961 = vector.shape_cast %swap3A_1960 : vector<1x16xi32> to vector<16xi32>
    %swap3A_1962 = vector.shape_cast %select_n3A_1956 : vector<16xi32> to vector<1x16xi32>
    tpu.vector_store %arg8[%swap3A_1958, %swap3A_1959], %swap3A_1962 {strides = array<i32>} : memref<4x128xi32, #tpu.memory_space<vmem>>, vector<1x16xi32>,
    %get3A_1963 = arith.constant 3 : i32
    %get3A_1964 = arith.index_cast %get3A_1963 : i32 to index
    %get3A_1965 = arith.constant 16 : index
    %get3A_1966 = tpu.vector_load %arg6[%get3A_1964, %get3A_1965] {strides = array<i32>} : memref<4x128xi32, #tpu.memory_space<vmem>>, vector<1x16xi32>,
    %get3A_1967 = vector.shape_cast %get3A_1966 : vector<1x16xi32> to vector<16xi32>
    %get3A_1968 = arith.constant 3 : i32
    %get3A_1969 = arith.index_cast %get3A_1968 : i32 to index
    %get3A_1970 = arith.constant 16 : index
    %get3A_1971 = tpu.vector_load %arg7[%get3A_1969, %get3A_1970] {strides = array<i32>} : memref<4x128xi32, #tpu.memory_space<vmem>>, vector<1x16xi32>,
    %get3A_1972 = vector.shape_cast %get3A_1971 : vector<1x16xi32> to vector<16xi32>
    %sub3A_1973 = vector.broadcast %mul3A_1145 : i32 to vector<16xi32>
    %sub3A_1974 = arith.subi %get3A_1972, %sub3A_1973 : vector<16xi32>
    %ge3A_1975 = arith.constant 0 : i32
    %ge3A_1976 = vector.broadcast %ge3A_1975 : i32 to vector<16xi32>
    %ge3A_1977 = arith.cmpi sge, %sub3A_1974, %ge3A_1976 : vector<16xi32>
    %lt3A_1978 = arith.constant 512 : i32
    %lt3A_1979 = vector.broadcast %lt3A_1978 : i32 to vector<16xi32>
    %lt3A_1980 = arith.cmpi slt, %sub3A_1974, %lt3A_1979 : vector<16xi32>
    %and3A_1981 = arith.andi %ge3A_1977, %lt3A_1980 : vector<16xi1>
    %mul3A_1982 = arith.constant 2048 : i32
    %mul3A_1983 = vector.broadcast %mul3A_1982 : i32 to vector<16xi32>
    %mul3A_1984 = arith.muli %sub3A_1974, %mul3A_1983 : vector<16xi32>
    %add3A_1985 = arith.addi %mul3A_1984, %get3A_1967 : vector<16xi32>
    %jit3A_1986 = arith.constant 1048576 : i32
    %broadcast_in_dim3A_1987 = vector.broadcast %jit3A_1986 : i32 to vector<16xi32>
    %select_n3A_1988 = arith.select %and3A_1981, %add3A_1985, %broadcast_in_dim3A_1987 : vector<16xi1>, vector<16xi32>
    %swap3A_1989 = arith.constant 3 : i32
    %swap3A_1990 = arith.index_cast %swap3A_1989 : i32 to index
    %swap3A_1991 = arith.constant 16 : index
    %swap3A_1992 = tpu.vector_load %arg8[%swap3A_1990, %swap3A_1991] {strides = array<i32>} : memref<4x128xi32, #tpu.memory_space<vmem>>, vector<1x16xi32>,
    %swap3A_1993 = vector.shape_cast %swap3A_1992 : vector<1x16xi32> to vector<16xi32>
    %swap3A_1994 = vector.shape_cast %select_n3A_1988 : vector<16xi32> to vector<1x16xi32>
    tpu.vector_store %arg8[%swap3A_1990, %swap3A_1991], %swap3A_1994 {strides = array<i32>} : memref<4x128xi32, #tpu.memory_space<vmem>>, vector<1x16xi32>,
    %get3A_1995 = arith.constant 3 : i32
    %get3A_1996 = arith.index_cast %get3A_1995 : i32 to index
    %get3A_1997 = arith.constant 32 : index
    %get3A_1998 = tpu.vector_load %arg6[%get3A_1996, %get3A_1997] {strides = array<i32>} : memref<4x128xi32, #tpu.memory_space<vmem>>, vector<1x16xi32>,
    %get3A_1999 = vector.shape_cast %get3A_1998 : vector<1x16xi32> to vector<16xi32>
    %get3A_2000 = arith.constant 3 : i32
    %get3A_2001 = arith.index_cast %get3A_2000 : i32 to index
    %get3A_2002 = arith.constant 32 : index
    %get3A_2003 = tpu.vector_load %arg7[%get3A_2001, %get3A_2002] {strides = array<i32>} : memref<4x128xi32, #tpu.memory_space<vmem>>, vector<1x16xi32>,
    %get3A_2004 = vector.shape_cast %get3A_2003 : vector<1x16xi32> to vector<16xi32>
    %sub3A_2005 = vector.broadcast %mul3A_1145 : i32 to vector<16xi32>
    %sub3A_2006 = arith.subi %get3A_2004, %sub3A_2005 : vector<16xi32>
    %ge3A_2007 = arith.constant 0 : i32
    %ge3A_2008 = vector.broadcast %ge3A_2007 : i32 to vector<16xi32>
    %ge3A_2009 = arith.cmpi sge, %sub3A_2006, %ge3A_2008 : vector<16xi32>
    %lt3A_2010 = arith.constant 512 : i32
    %lt3A_2011 = vector.broadcast %lt3A_2010 : i32 to vector<16xi32>
    %lt3A_2012 = arith.cmpi slt, %sub3A_2006, %lt3A_2011 : vector<16xi32>
    %and3A_2013 = arith.andi %ge3A_2009, %lt3A_2012 : vector<16xi1>
    %mul3A_2014 = arith.constant 2048 : i32
    %mul3A_2015 = vector.broadcast %mul3A_2014 : i32 to vector<16xi32>
    %mul3A_2016 = arith.muli %sub3A_2006, %mul3A_2015 : vector<16xi32>
    %add3A_2017 = arith.addi %mul3A_2016, %get3A_1999 : vector<16xi32>
    %jit3A_2018 = arith.constant 1048576 : i32
    %broadcast_in_dim3A_2019 = vector.broadcast %jit3A_2018 : i32 to vector<16xi32>
    %select_n3A_2020 = arith.select %and3A_2013, %add3A_2017, %broadcast_in_dim3A_2019 : vector<16xi1>, vector<16xi32>
    %swap3A_2021 = arith.constant 3 : i32
    %swap3A_2022 = arith.index_cast %swap3A_2021 : i32 to index
    %swap3A_2023 = arith.constant 32 : index
    %swap3A_2024 = tpu.vector_load %arg8[%swap3A_2022, %swap3A_2023] {strides = array<i32>} : memref<4x128xi32, #tpu.memory_space<vmem>>, vector<1x16xi32>,
    %swap3A_2025 = vector.shape_cast %swap3A_2024 : vector<1x16xi32> to vector<16xi32>
    %swap3A_2026 = vector.shape_cast %select_n3A_2020 : vector<16xi32> to vector<1x16xi32>
    tpu.vector_store %arg8[%swap3A_2022, %swap3A_2023], %swap3A_2026 {strides = array<i32>} : memref<4x128xi32, #tpu.memory_space<vmem>>, vector<1x16xi32>,
    %get3A_2027 = arith.constant 3 : i32
    %get3A_2028 = arith.index_cast %get3A_2027 : i32 to index
    %get3A_2029 = arith.constant 48 : index
    %get3A_2030 = tpu.vector_load %arg6[%get3A_2028, %get3A_2029] {strides = array<i32>} : memref<4x128xi32, #tpu.memory_space<vmem>>, vector<1x16xi32>,
    %get3A_2031 = vector.shape_cast %get3A_2030 : vector<1x16xi32> to vector<16xi32>
    %get3A_2032 = arith.constant 3 : i32
    %get3A_2033 = arith.index_cast %get3A_2032 : i32 to index
    %get3A_2034 = arith.constant 48 : index
    %get3A_2035 = tpu.vector_load %arg7[%get3A_2033, %get3A_2034] {strides = array<i32>} : memref<4x128xi32, #tpu.memory_space<vmem>>, vector<1x16xi32>,
    %get3A_2036 = vector.shape_cast %get3A_2035 : vector<1x16xi32> to vector<16xi32>
    %sub3A_2037 = vector.broadcast %mul3A_1145 : i32 to vector<16xi32>
    %sub3A_2038 = arith.subi %get3A_2036, %sub3A_2037 : vector<16xi32>
    %ge3A_2039 = arith.constant 0 : i32
    %ge3A_2040 = vector.broadcast %ge3A_2039 : i32 to vector<16xi32>
    %ge3A_2041 = arith.cmpi sge, %sub3A_2038, %ge3A_2040 : vector<16xi32>
    %lt3A_2042 = arith.constant 512 : i32
    %lt3A_2043 = vector.broadcast %lt3A_2042 : i32 to vector<16xi32>
    %lt3A_2044 = arith.cmpi slt, %sub3A_2038, %lt3A_2043 : vector<16xi32>
    %and3A_2045 = arith.andi %ge3A_2041, %lt3A_2044 : vector<16xi1>
    %mul3A_2046 = arith.constant 2048 : i32
    %mul3A_2047 = vector.broadcast %mul3A_2046 : i32 to vector<16xi32>
    %mul3A_2048 = arith.muli %sub3A_2038, %mul3A_2047 : vector<16xi32>
    %add3A_2049 = arith.addi %mul3A_2048, %get3A_2031 : vector<16xi32>
    %jit3A_2050 = arith.constant 1048576 : i32
    %broadcast_in_dim3A_2051 = vector.broadcast %jit3A_2050 : i32 to vector<16xi32>
    %select_n3A_2052 = arith.select %and3A_2045, %add3A_2049, %broadcast_in_dim3A_2051 : vector<16xi1>, vector<16xi32>
    %swap3A_2053 = arith.constant 3 : i32
    %swap3A_2054 = arith.index_cast %swap3A_2053 : i32 to index
    %swap3A_2055 = arith.constant 48 : index
    %swap3A_2056 = tpu.vector_load %arg8[%swap3A_2054, %swap3A_2055] {strides = array<i32>} : memref<4x128xi32, #tpu.memory_space<vmem>>, vector<1x16xi32>,
    %swap3A_2057 = vector.shape_cast %swap3A_2056 : vector<1x16xi32> to vector<16xi32>
    %swap3A_2058 = vector.shape_cast %select_n3A_2052 : vector<16xi32> to vector<1x16xi32>
    tpu.vector_store %arg8[%swap3A_2054, %swap3A_2055], %swap3A_2058 {strides = array<i32>} : memref<4x128xi32, #tpu.memory_space<vmem>>, vector<1x16xi32>,
    %get3A_2059 = arith.constant 3 : i32
    %get3A_2060 = arith.index_cast %get3A_2059 : i32 to index
    %get3A_2061 = arith.constant 64 : index
    %get3A_2062 = tpu.vector_load %arg6[%get3A_2060, %get3A_2061] {strides = array<i32>} : memref<4x128xi32, #tpu.memory_space<vmem>>, vector<1x16xi32>,
    %get3A_2063 = vector.shape_cast %get3A_2062 : vector<1x16xi32> to vector<16xi32>
    %get3A_2064 = arith.constant 3 : i32
    %get3A_2065 = arith.index_cast %get3A_2064 : i32 to index
    %get3A_2066 = arith.constant 64 : index
    %get3A_2067 = tpu.vector_load %arg7[%get3A_2065, %get3A_2066] {strides = array<i32>} : memref<4x128xi32, #tpu.memory_space<vmem>>, vector<1x16xi32>,
    %get3A_2068 = vector.shape_cast %get3A_2067 : vector<1x16xi32> to vector<16xi32>
    %sub3A_2069 = vector.broadcast %mul3A_1145 : i32 to vector<16xi32>
    %sub3A_2070 = arith.subi %get3A_2068, %sub3A_2069 : vector<16xi32>
    %ge3A_2071 = arith.constant 0 : i32
    %ge3A_2072 = vector.broadcast %ge3A_2071 : i32 to vector<16xi32>
    %ge3A_2073 = arith.cmpi sge, %sub3A_2070, %ge3A_2072 : vector<16xi32>
    %lt3A_2074 = arith.constant 512 : i32
    %lt3A_2075 = vector.broadcast %lt3A_2074 : i32 to vector<16xi32>
    %lt3A_2076 = arith.cmpi slt, %sub3A_2070, %lt3A_2075 : vector<16xi32>
    %and3A_2077 = arith.andi %ge3A_2073, %lt3A_2076 : vector<16xi1>
    %mul3A_2078 = arith.constant 2048 : i32
    %mul3A_2079 = vector.broadcast %mul3A_2078 : i32 to vector<16xi32>
    %mul3A_2080 = arith.muli %sub3A_2070, %mul3A_2079 : vector<16xi32>
    %add3A_2081 = arith.addi %mul3A_2080, %get3A_2063 : vector<16xi32>
    %jit3A_2082 = arith.constant 1048576 : i32
    %broadcast_in_dim3A_2083 = vector.broadcast %jit3A_2082 : i32 to vector<16xi32>
    %select_n3A_2084 = arith.select %and3A_2077, %add3A_2081, %broadcast_in_dim3A_2083 : vector<16xi1>, vector<16xi32>
    %swap3A_2085 = arith.constant 3 : i32
    %swap3A_2086 = arith.index_cast %swap3A_2085 : i32 to index
    %swap3A_2087 = arith.constant 64 : index
    %swap3A_2088 = tpu.vector_load %arg8[%swap3A_2086, %swap3A_2087] {strides = array<i32>} : memref<4x128xi32, #tpu.memory_space<vmem>>, vector<1x16xi32>,
    %swap3A_2089 = vector.shape_cast %swap3A_2088 : vector<1x16xi32> to vector<16xi32>
    %swap3A_2090 = vector.shape_cast %select_n3A_2084 : vector<16xi32> to vector<1x16xi32>
    tpu.vector_store %arg8[%swap3A_2086, %swap3A_2087], %swap3A_2090 {strides = array<i32>} : memref<4x128xi32, #tpu.memory_space<vmem>>, vector<1x16xi32>,
    %get3A_2091 = arith.constant 3 : i32
    %get3A_2092 = arith.index_cast %get3A_2091 : i32 to index
    %get3A_2093 = arith.constant 80 : index
    %get3A_2094 = tpu.vector_load %arg6[%get3A_2092, %get3A_2093] {strides = array<i32>} : memref<4x128xi32, #tpu.memory_space<vmem>>, vector<1x16xi32>,
    %get3A_2095 = vector.shape_cast %get3A_2094 : vector<1x16xi32> to vector<16xi32>
    %get3A_2096 = arith.constant 3 : i32
    %get3A_2097 = arith.index_cast %get3A_2096 : i32 to index
    %get3A_2098 = arith.constant 80 : index
    %get3A_2099 = tpu.vector_load %arg7[%get3A_2097, %get3A_2098] {strides = array<i32>} : memref<4x128xi32, #tpu.memory_space<vmem>>, vector<1x16xi32>,
    %get3A_2100 = vector.shape_cast %get3A_2099 : vector<1x16xi32> to vector<16xi32>
    %sub3A_2101 = vector.broadcast %mul3A_1145 : i32 to vector<16xi32>
    %sub3A_2102 = arith.subi %get3A_2100, %sub3A_2101 : vector<16xi32>
    %ge3A_2103 = arith.constant 0 : i32
    %ge3A_2104 = vector.broadcast %ge3A_2103 : i32 to vector<16xi32>
    %ge3A_2105 = arith.cmpi sge, %sub3A_2102, %ge3A_2104 : vector<16xi32>
    %lt3A_2106 = arith.constant 512 : i32
    %lt3A_2107 = vector.broadcast %lt3A_2106 : i32 to vector<16xi32>
    %lt3A_2108 = arith.cmpi slt, %sub3A_2102, %lt3A_2107 : vector<16xi32>
    %and3A_2109 = arith.andi %ge3A_2105, %lt3A_2108 : vector<16xi1>
    %mul3A_2110 = arith.constant 2048 : i32
    %mul3A_2111 = vector.broadcast %mul3A_2110 : i32 to vector<16xi32>
    %mul3A_2112 = arith.muli %sub3A_2102, %mul3A_2111 : vector<16xi32>
    %add3A_2113 = arith.addi %mul3A_2112, %get3A_2095 : vector<16xi32>
    %jit3A_2114 = arith.constant 1048576 : i32
    %broadcast_in_dim3A_2115 = vector.broadcast %jit3A_2114 : i32 to vector<16xi32>
    %select_n3A_2116 = arith.select %and3A_2109, %add3A_2113, %broadcast_in_dim3A_2115 : vector<16xi1>, vector<16xi32>
    %swap3A_2117 = arith.constant 3 : i32
    %swap3A_2118 = arith.index_cast %swap3A_2117 : i32 to index
    %swap3A_2119 = arith.constant 80 : index
    %swap3A_2120 = tpu.vector_load %arg8[%swap3A_2118, %swap3A_2119] {strides = array<i32>} : memref<4x128xi32, #tpu.memory_space<vmem>>, vector<1x16xi32>,
    %swap3A_2121 = vector.shape_cast %swap3A_2120 : vector<1x16xi32> to vector<16xi32>
    %swap3A_2122 = vector.shape_cast %select_n3A_2116 : vector<16xi32> to vector<1x16xi32>
    tpu.vector_store %arg8[%swap3A_2118, %swap3A_2119], %swap3A_2122 {strides = array<i32>} : memref<4x128xi32, #tpu.memory_space<vmem>>, vector<1x16xi32>,
    %get3A_2123 = arith.constant 3 : i32
    %get3A_2124 = arith.index_cast %get3A_2123 : i32 to index
    %get3A_2125 = arith.constant 96 : index
    %get3A_2126 = tpu.vector_load %arg6[%get3A_2124, %get3A_2125] {strides = array<i32>} : memref<4x128xi32, #tpu.memory_space<vmem>>, vector<1x16xi32>,
    %get3A_2127 = vector.shape_cast %get3A_2126 : vector<1x16xi32> to vector<16xi32>
    %get3A_2128 = arith.constant 3 : i32
    %get3A_2129 = arith.index_cast %get3A_2128 : i32 to index
    %get3A_2130 = arith.constant 96 : index
    %get3A_2131 = tpu.vector_load %arg7[%get3A_2129, %get3A_2130] {strides = array<i32>} : memref<4x128xi32, #tpu.memory_space<vmem>>, vector<1x16xi32>,
    %get3A_2132 = vector.shape_cast %get3A_2131 : vector<1x16xi32> to vector<16xi32>
    %sub3A_2133 = vector.broadcast %mul3A_1145 : i32 to vector<16xi32>
    %sub3A_2134 = arith.subi %get3A_2132, %sub3A_2133 : vector<16xi32>
    %ge3A_2135 = arith.constant 0 : i32
    %ge3A_2136 = vector.broadcast %ge3A_2135 : i32 to vector<16xi32>
    %ge3A_2137 = arith.cmpi sge, %sub3A_2134, %ge3A_2136 : vector<16xi32>
    %lt3A_2138 = arith.constant 512 : i32
    %lt3A_2139 = vector.broadcast %lt3A_2138 : i32 to vector<16xi32>
    %lt3A_2140 = arith.cmpi slt, %sub3A_2134, %lt3A_2139 : vector<16xi32>
    %and3A_2141 = arith.andi %ge3A_2137, %lt3A_2140 : vector<16xi1>
    %mul3A_2142 = arith.constant 2048 : i32
    %mul3A_2143 = vector.broadcast %mul3A_2142 : i32 to vector<16xi32>
    %mul3A_2144 = arith.muli %sub3A_2134, %mul3A_2143 : vector<16xi32>
    %add3A_2145 = arith.addi %mul3A_2144, %get3A_2127 : vector<16xi32>
    %jit3A_2146 = arith.constant 1048576 : i32
    %broadcast_in_dim3A_2147 = vector.broadcast %jit3A_2146 : i32 to vector<16xi32>
    %select_n3A_2148 = arith.select %and3A_2141, %add3A_2145, %broadcast_in_dim3A_2147 : vector<16xi1>, vector<16xi32>
    %swap3A_2149 = arith.constant 3 : i32
    %swap3A_2150 = arith.index_cast %swap3A_2149 : i32 to index
    %swap3A_2151 = arith.constant 96 : index
    %swap3A_2152 = tpu.vector_load %arg8[%swap3A_2150, %swap3A_2151] {strides = array<i32>} : memref<4x128xi32, #tpu.memory_space<vmem>>, vector<1x16xi32>,
    %swap3A_2153 = vector.shape_cast %swap3A_2152 : vector<1x16xi32> to vector<16xi32>
    %swap3A_2154 = vector.shape_cast %select_n3A_2148 : vector<16xi32> to vector<1x16xi32>
    tpu.vector_store %arg8[%swap3A_2150, %swap3A_2151], %swap3A_2154 {strides = array<i32>} : memref<4x128xi32, #tpu.memory_space<vmem>>, vector<1x16xi32>,
    %get3A_2155 = arith.constant 3 : i32
    %get3A_2156 = arith.index_cast %get3A_2155 : i32 to index
    %get3A_2157 = arith.constant 112 : index
    %get3A_2158 = tpu.vector_load %arg6[%get3A_2156, %get3A_2157] {strides = array<i32>} : memref<4x128xi32, #tpu.memory_space<vmem>>, vector<1x16xi32>,
    %get3A_2159 = vector.shape_cast %get3A_2158 : vector<1x16xi32> to vector<16xi32>
    %get3A_2160 = arith.constant 3 : i32
    %get3A_2161 = arith.index_cast %get3A_2160 : i32 to index
    %get3A_2162 = arith.constant 112 : index
    %get3A_2163 = tpu.vector_load %arg7[%get3A_2161, %get3A_2162] {strides = array<i32>} : memref<4x128xi32, #tpu.memory_space<vmem>>, vector<1x16xi32>,
    %get3A_2164 = vector.shape_cast %get3A_2163 : vector<1x16xi32> to vector<16xi32>
    %sub3A_2165 = vector.broadcast %mul3A_1145 : i32 to vector<16xi32>
    %sub3A_2166 = arith.subi %get3A_2164, %sub3A_2165 : vector<16xi32>
    %ge3A_2167 = arith.constant 0 : i32
    %ge3A_2168 = vector.broadcast %ge3A_2167 : i32 to vector<16xi32>
    %ge3A_2169 = arith.cmpi sge, %sub3A_2166, %ge3A_2168 : vector<16xi32>
    %lt3A_2170 = arith.constant 512 : i32
    %lt3A_2171 = vector.broadcast %lt3A_2170 : i32 to vector<16xi32>
    %lt3A_2172 = arith.cmpi slt, %sub3A_2166, %lt3A_2171 : vector<16xi32>
    %and3A_2173 = arith.andi %ge3A_2169, %lt3A_2172 : vector<16xi1>
    %mul3A_2174 = arith.constant 2048 : i32
    %mul3A_2175 = vector.broadcast %mul3A_2174 : i32 to vector<16xi32>
    %mul3A_2176 = arith.muli %sub3A_2166, %mul3A_2175 : vector<16xi32>
    %add3A_2177 = arith.addi %mul3A_2176, %get3A_2159 : vector<16xi32>
    %jit3A_2178 = arith.constant 1048576 : i32
    %broadcast_in_dim3A_2179 = vector.broadcast %jit3A_2178 : i32 to vector<16xi32>
    %select_n3A_2180 = arith.select %and3A_2173, %add3A_2177, %broadcast_in_dim3A_2179 : vector<16xi1>, vector<16xi32>
    %swap3A_2181 = arith.constant 3 : i32
    %swap3A_2182 = arith.index_cast %swap3A_2181 : i32 to index
    %swap3A_2183 = arith.constant 112 : index
    %swap3A_2184 = tpu.vector_load %arg8[%swap3A_2182, %swap3A_2183] {strides = array<i32>} : memref<4x128xi32, #tpu.memory_space<vmem>>, vector<1x16xi32>,
    %swap3A_2185 = vector.shape_cast %swap3A_2184 : vector<1x16xi32> to vector<16xi32>
    %swap3A_2186 = vector.shape_cast %select_n3A_2180 : vector<16xi32> to vector<1x16xi32>
    tpu.vector_store %arg8[%swap3A_2182, %swap3A_2183], %swap3A_2186 {strides = array<i32>} : memref<4x128xi32, #tpu.memory_space<vmem>>, vector<1x16xi32>,
    %run_scoped3A_2187 = arith.constant 0 : i32
    "tpu.region"() ({
      %run_scoped3A_2200 = tpu.sem_alloc : memref<!tpu.dma_semaphore, #tpu.memory_space<semaphore_mem>>
      %dma_start3A = arith.constant 0 : i32
      %dma_start3A_2201 = tpu.memref_slice %arg8[%run_scoped3A_2187, %dma_start3A] : memref<4x128xi32, #tpu.memory_space<vmem>> -> memref<1x128xi32, #tpu.memory_space<vmem>>
      %dma_start3A_2202 = tpu.memref_squeeze %dma_start3A_2201 : memref<1x128xi32, #tpu.memory_space<vmem>> -> memref<128xi32, #tpu.memory_space<vmem>>
      %dma_start3A_2203 = arith.constant 0 : i32
      %dma_start3A_2204 = tpu.memref_slice %arg10[%dma_start3A_2203] : memref<1048592xf32, #tpu.memory_space<vmem_shared>> -> memref<1048592xf32, #tpu.memory_space<vmem_shared>>
      tpu.enqueue_indirect_dma source(%arg9 : memref<128xf32, #tpu.memory_space<vmem>>) target(%dma_start3A_2204 : memref<1048592xf32, #tpu.memory_space<vmem_shared>>) offsets(%dma_start3A_2202 : memref<128xi32, #tpu.memory_space<vmem>>) semaphore(%run_scoped3A_2200 : memref<!tpu.dma_semaphore, #tpu.memory_space<semaphore_mem>>) {add = true}
      %dma_wait3A = arith.constant 0 : i32
      %dma_wait3A_2205 = tpu.memref_slice %arg8[%run_scoped3A_2187, %dma_wait3A] : memref<4x128xi32, #tpu.memory_space<vmem>> -> memref<1x128xi32, #tpu.memory_space<vmem>>
      %dma_wait3A_2206 = tpu.memref_squeeze %dma_wait3A_2205 : memref<1x128xi32, #tpu.memory_space<vmem>> -> memref<128xi32, #tpu.memory_space<vmem>>
      %dma_wait3A_2207 = arith.constant 0 : i32
      %dma_wait3A_2208 = tpu.memref_slice %arg10[%dma_wait3A_2207] : memref<1048592xf32, #tpu.memory_space<vmem_shared>> -> memref<1048592xf32, #tpu.memory_space<vmem_shared>>
      tpu.wait_indirect_dma semaphore(%run_scoped3A_2200 : memref<!tpu.dma_semaphore, #tpu.memory_space<semaphore_mem>>) src(%arg9 : memref<128xf32, #tpu.memory_space<vmem>>) dst(%dma_wait3A_2208 : memref<1048592xf32, #tpu.memory_space<vmem_shared>>)
      tpu.yield
    }) : () -> ()
    %run_scoped3A_2188 = arith.constant 1 : i32
    "tpu.region"() ({
      %run_scoped3A_2200 = tpu.sem_alloc : memref<!tpu.dma_semaphore, #tpu.memory_space<semaphore_mem>>
      %dma_start3A = arith.constant 0 : i32
      %dma_start3A_2201 = tpu.memref_slice %arg8[%run_scoped3A_2188, %dma_start3A] : memref<4x128xi32, #tpu.memory_space<vmem>> -> memref<1x128xi32, #tpu.memory_space<vmem>>
      %dma_start3A_2202 = tpu.memref_squeeze %dma_start3A_2201 : memref<1x128xi32, #tpu.memory_space<vmem>> -> memref<128xi32, #tpu.memory_space<vmem>>
      %dma_start3A_2203 = arith.constant 0 : i32
      %dma_start3A_2204 = tpu.memref_slice %arg10[%dma_start3A_2203] : memref<1048592xf32, #tpu.memory_space<vmem_shared>> -> memref<1048592xf32, #tpu.memory_space<vmem_shared>>
      tpu.enqueue_indirect_dma source(%arg9 : memref<128xf32, #tpu.memory_space<vmem>>) target(%dma_start3A_2204 : memref<1048592xf32, #tpu.memory_space<vmem_shared>>) offsets(%dma_start3A_2202 : memref<128xi32, #tpu.memory_space<vmem>>) semaphore(%run_scoped3A_2200 : memref<!tpu.dma_semaphore, #tpu.memory_space<semaphore_mem>>) {add = true}
      %dma_wait3A = arith.constant 0 : i32
      %dma_wait3A_2205 = tpu.memref_slice %arg8[%run_scoped3A_2188, %dma_wait3A] : memref<4x128xi32, #tpu.memory_space<vmem>> -> memref<1x128xi32, #tpu.memory_space<vmem>>
      %dma_wait3A_2206 = tpu.memref_squeeze %dma_wait3A_2205 : memref<1x128xi32, #tpu.memory_space<vmem>> -> memref<128xi32, #tpu.memory_space<vmem>>
      %dma_wait3A_2207 = arith.constant 0 : i32
      %dma_wait3A_2208 = tpu.memref_slice %arg10[%dma_wait3A_2207] : memref<1048592xf32, #tpu.memory_space<vmem_shared>> -> memref<1048592xf32, #tpu.memory_space<vmem_shared>>
      tpu.wait_indirect_dma semaphore(%run_scoped3A_2200 : memref<!tpu.dma_semaphore, #tpu.memory_space<semaphore_mem>>) src(%arg9 : memref<128xf32, #tpu.memory_space<vmem>>) dst(%dma_wait3A_2208 : memref<1048592xf32, #tpu.memory_space<vmem_shared>>)
      tpu.yield
    }) : () -> ()
    %run_scoped3A_2189 = arith.constant 2 : i32
    "tpu.region"() ({
      %run_scoped3A_2200 = tpu.sem_alloc : memref<!tpu.dma_semaphore, #tpu.memory_space<semaphore_mem>>
      %dma_start3A = arith.constant 0 : i32
      %dma_start3A_2201 = tpu.memref_slice %arg8[%run_scoped3A_2189, %dma_start3A] : memref<4x128xi32, #tpu.memory_space<vmem>> -> memref<1x128xi32, #tpu.memory_space<vmem>>
      %dma_start3A_2202 = tpu.memref_squeeze %dma_start3A_2201 : memref<1x128xi32, #tpu.memory_space<vmem>> -> memref<128xi32, #tpu.memory_space<vmem>>
      %dma_start3A_2203 = arith.constant 0 : i32
      %dma_start3A_2204 = tpu.memref_slice %arg10[%dma_start3A_2203] : memref<1048592xf32, #tpu.memory_space<vmem_shared>> -> memref<1048592xf32, #tpu.memory_space<vmem_shared>>
      tpu.enqueue_indirect_dma source(%arg9 : memref<128xf32, #tpu.memory_space<vmem>>) target(%dma_start3A_2204 : memref<1048592xf32, #tpu.memory_space<vmem_shared>>) offsets(%dma_start3A_2202 : memref<128xi32, #tpu.memory_space<vmem>>) semaphore(%run_scoped3A_2200 : memref<!tpu.dma_semaphore, #tpu.memory_space<semaphore_mem>>) {add = true}
      %dma_wait3A = arith.constant 0 : i32
      %dma_wait3A_2205 = tpu.memref_slice %arg8[%run_scoped3A_2189, %dma_wait3A] : memref<4x128xi32, #tpu.memory_space<vmem>> -> memref<1x128xi32, #tpu.memory_space<vmem>>
      %dma_wait3A_2206 = tpu.memref_squeeze %dma_wait3A_2205 : memref<1x128xi32, #tpu.memory_space<vmem>> -> memref<128xi32, #tpu.memory_space<vmem>>
      %dma_wait3A_2207 = arith.constant 0 : i32
      %dma_wait3A_2208 = tpu.memref_slice %arg10[%dma_wait3A_2207] : memref<1048592xf32, #tpu.memory_space<vmem_shared>> -> memref<1048592xf32, #tpu.memory_space<vmem_shared>>
      tpu.wait_indirect_dma semaphore(%run_scoped3A_2200 : memref<!tpu.dma_semaphore, #tpu.memory_space<semaphore_mem>>) src(%arg9 : memref<128xf32, #tpu.memory_space<vmem>>) dst(%dma_wait3A_2208 : memref<1048592xf32, #tpu.memory_space<vmem_shared>>)
      tpu.yield
    }) : () -> ()
    %run_scoped3A_2190 = arith.constant 3 : i32
    "tpu.region"() ({
      %run_scoped3A_2200 = tpu.sem_alloc : memref<!tpu.dma_semaphore, #tpu.memory_space<semaphore_mem>>
      %dma_start3A = arith.constant 0 : i32
      %dma_start3A_2201 = tpu.memref_slice %arg8[%run_scoped3A_2190, %dma_start3A] : memref<4x128xi32, #tpu.memory_space<vmem>> -> memref<1x128xi32, #tpu.memory_space<vmem>>
      %dma_start3A_2202 = tpu.memref_squeeze %dma_start3A_2201 : memref<1x128xi32, #tpu.memory_space<vmem>> -> memref<128xi32, #tpu.memory_space<vmem>>
      %dma_start3A_2203 = arith.constant 0 : i32
      %dma_start3A_2204 = tpu.memref_slice %arg10[%dma_start3A_2203] : memref<1048592xf32, #tpu.memory_space<vmem_shared>> -> memref<1048592xf32, #tpu.memory_space<vmem_shared>>
      tpu.enqueue_indirect_dma source(%arg9 : memref<128xf32, #tpu.memory_space<vmem>>) target(%dma_start3A_2204 : memref<1048592xf32, #tpu.memory_space<vmem_shared>>) offsets(%dma_start3A_2202 : memref<128xi32, #tpu.memory_space<vmem>>) semaphore(%run_scoped3A_2200 : memref<!tpu.dma_semaphore, #tpu.memory_space<semaphore_mem>>) {add = true}
      %dma_wait3A = arith.constant 0 : i32
      %dma_wait3A_2205 = tpu.memref_slice %arg8[%run_scoped3A_2190, %dma_wait3A] : memref<4x128xi32, #tpu.memory_space<vmem>> -> memref<1x128xi32, #tpu.memory_space<vmem>>
      %dma_wait3A_2206 = tpu.memref_squeeze %dma_wait3A_2205 : memref<1x128xi32, #tpu.memory_space<vmem>> -> memref<128xi32, #tpu.memory_space<vmem>>
      %dma_wait3A_2207 = arith.constant 0 : i32
      %dma_wait3A_2208 = tpu.memref_slice %arg10[%dma_wait3A_2207] : memref<1048592xf32, #tpu.memory_space<vmem_shared>> -> memref<1048592xf32, #tpu.memory_space<vmem_shared>>
      tpu.wait_indirect_dma semaphore(%run_scoped3A_2200 : memref<!tpu.dma_semaphore, #tpu.memory_space<semaphore_mem>>) src(%arg9 : memref<128xf32, #tpu.memory_space<vmem>>) dst(%dma_wait3A_2208 : memref<1048592xf32, #tpu.memory_space<vmem_shared>>)
      tpu.yield
    }) : () -> ()
    %barrier3A_2191 = arith.constant 0 : index
    tpu.barrier barrier_id(%barrier3A_2191)
    %mul3A_2192 = arith.constant 65536 : i32
    %mul3A_2193 = arith.muli %arg1, %mul3A_2192 : i32
    %mul3A_2194 = arith.constant 1048576 : i32
    %mul3A_2195 = arith.muli %add3A_1143, %mul3A_2194 : i32
    %mul3A_2196 = arith.constant 65536 : i32
    %mul3A_2197 = arith.muli %arg1, %mul3A_2196 : i32
    %add3A_2198 = arith.addi %mul3A_2195, %mul3A_2197 : i32
    "tpu.region"() ({
      %run_scoped3A_2200 = tpu.sem_alloc : memref<!tpu.dma_semaphore, #tpu.memory_space<semaphore_mem>>
      %dma_start3A = tpu.memref_slice %arg4[%add3A_2198] : memref<4194304xf32, #tpu.memory_space<hbm>> -> memref<65536xf32, #tpu.memory_space<hbm>>
      %dma_start3A_2201 = tpu.memref_slice %arg10[%mul3A_2193] : memref<1048592xf32, #tpu.memory_space<vmem_shared>> -> memref<65536xf32, #tpu.memory_space<vmem_shared>>
      tpu.enqueue_dma source(%dma_start3A_2201 : memref<65536xf32, #tpu.memory_space<vmem_shared>>) target(%dma_start3A : memref<65536xf32, #tpu.memory_space<hbm>>) target_semaphore(%run_scoped3A_2200 : memref<!tpu.dma_semaphore, #tpu.memory_space<semaphore_mem>>)
      %dma_wait3A = tpu.memref_slice %arg4[%add3A_2198] : memref<4194304xf32, #tpu.memory_space<hbm>> -> memref<65536xf32, #tpu.memory_space<hbm>>
      %dma_wait3A_2202 = tpu.memref_slice %arg10[%mul3A_2193] : memref<1048592xf32, #tpu.memory_space<vmem_shared>> -> memref<65536xf32, #tpu.memory_space<vmem_shared>>
      tpu.wait_dma2 semaphore(%run_scoped3A_2200 : memref<!tpu.dma_semaphore, #tpu.memory_space<semaphore_mem>>) src(%dma_wait3A_2202 : memref<65536xf32, #tpu.memory_space<vmem_shared>>) dst(%dma_wait3A : memref<65536xf32, #tpu.memory_space<hbm>>)
      tpu.yield
    }) : () -> ()
    %barrier3A_2199 = arith.constant 0 : index
    tpu.barrier barrier_id(%barrier3A_2199)
    return
  }
}

module attributes {stable_mosaic.version = 14 : i64} {
  func.func @_net_body(%arg0: i32, %arg1: memref<2048x2xf32, #tpu.memory_space<vmem>>, %arg2: memref<128x2xf32, #tpu.memory_space<vmem>>, %arg3: memref<1x128xf32, #tpu.memory_space<vmem>>, %arg4: memref<2048x2048xf32, #tpu.memory_space<vmem>>, %arg5: memref<1x128x128xf32, #tpu.memory_space<vmem>>, %arg6: memref<1x1x128xf32, #tpu.memory_space<vmem>>, %arg7: memref<1x4x32x128xf32, #tpu.memory_space<vmem>>, %arg8: memref<1x4x32x128xf32, #tpu.memory_space<vmem>>, %arg9: memref<1x4x32x128xf32, #tpu.memory_space<vmem>>, %arg10: memref<1x4x1x32xf32, #tpu.memory_space<vmem>>, %arg11: memref<1x4x1x32xf32, #tpu.memory_space<vmem>>, %arg12: memref<1x4x1x32xf32, #tpu.memory_space<vmem>>, %arg13: memref<1x4x128x32xf32, #tpu.memory_space<vmem>>, %arg14: memref<1x1x128xf32, #tpu.memory_space<vmem>>, %arg15: memref<1x1x128xf32, #tpu.memory_space<vmem>>, %arg16: memref<1x1x128xf32, #tpu.memory_space<vmem>>, %arg17: memref<1x1x128xf32, #tpu.memory_space<vmem>>, %arg18: memref<1x1x128xf32, #tpu.memory_space<vmem>>, %arg19: memref<1x256x128xf32, #tpu.memory_space<vmem>>, %arg20: memref<1x1x256xf32, #tpu.memory_space<vmem>>, %arg21: memref<1x128x256xf32, #tpu.memory_space<vmem>>, %arg22: memref<1x1x128xf32, #tpu.memory_space<vmem>>, %arg23: memref<1x1x128xf32, #tpu.memory_space<vmem>>, %arg24: memref<1x1x128xf32, #tpu.memory_space<vmem>>, %arg25: memref<8x128xf32, #tpu.memory_space<vmem>>, %arg26: memref<1x8xf32, #tpu.memory_space<vmem>>, %arg27: memref<1x8xf32, #tpu.memory_space<vmem>>, %arg28: memref<2048x128xf32, #tpu.memory_space<vmem>>, %arg29: memref<2048x1xf32, #tpu.memory_space<vmem>>, %arg30: memref<2048x2048xbf16, #tpu.memory_space<vmem>>) attributes {dimension_semantics = [#tpu.dimension_semantics<arbitrary>], iteration_bounds = array<i64: 6>, scalar_prefetch = 0 : i64, scratch_operands = 3 : i64, tpu.core_type = #tpu.core_type<tc>, window_params = [{pipeline_mode = #tpu.pipeline_mode<synchronous>, transform_indices = @transform_0, window_bounds = array<i64: 2048, 2>}, {pipeline_mode = #tpu.pipeline_mode<synchronous>, transform_indices = @transform_1, window_bounds = array<i64: 128, 2>}, {pipeline_mode = #tpu.pipeline_mode<synchronous>, transform_indices = @transform_2, window_bounds = array<i64: 1, 128>}, {pipeline_mode = #tpu.pipeline_mode<synchronous>, transform_indices = @transform_3, window_bounds = array<i64: 2048, 2048>}, {transform_indices = @transform_4, window_bounds = array<i64: 1, 128, 128>}, {transform_indices = @transform_5, window_bounds = array<i64: 1, 1, 128>}, {transform_indices = @transform_6, window_bounds = array<i64: 1, 4, 32, 128>}, {transform_indices = @transform_7, window_bounds = array<i64: 1, 4, 32, 128>}, {transform_indices = @transform_8, window_bounds = array<i64: 1, 4, 32, 128>}, {transform_indices = @transform_9, window_bounds = array<i64: 1, 4, 1, 32>}, {transform_indices = @transform_10, window_bounds = array<i64: 1, 4, 1, 32>}, {transform_indices = @transform_11, window_bounds = array<i64: 1, 4, 1, 32>}, {transform_indices = @transform_12, window_bounds = array<i64: 1, 4, 128, 32>}, {transform_indices = @transform_13, window_bounds = array<i64: 1, 1, 128>}, {transform_indices = @transform_14, window_bounds = array<i64: 1, 1, 128>}, {transform_indices = @transform_15, window_bounds = array<i64: 1, 1, 128>}, {transform_indices = @transform_16, window_bounds = array<i64: 1, 1, 128>}, {transform_indices = @transform_17, window_bounds = array<i64: 1, 1, 128>}, {transform_indices = @transform_18, window_bounds = array<i64: 1, 256, 128>}, {transform_indices = @transform_19, window_bounds = array<i64: 1, 1, 256>}, {transform_indices = @transform_20, window_bounds = array<i64: 1, 128, 256>}, {transform_indices = @transform_21, window_bounds = array<i64: 1, 1, 128>}, {transform_indices = @transform_22, window_bounds = array<i64: 1, 1, 128>}, {transform_indices = @transform_23, window_bounds = array<i64: 1, 1, 128>}, {pipeline_mode = #tpu.pipeline_mode<synchronous>, transform_indices = @transform_24, window_bounds = array<i64: 8, 128>}, {pipeline_mode = #tpu.pipeline_mode<synchronous>, transform_indices = @transform_25, window_bounds = array<i64: 1, 8>}, {pipeline_mode = #tpu.pipeline_mode<synchronous>, transform_indices = @transform_26, window_bounds = array<i64: 1, 8>}]} {
    %eq3A = arith.constant 0 : i32
    %eq3A_0 = arith.cmpi eq, %arg0, %eq3A : i32
    %convert_element_type3A = arith.extui %eq3A_0 : i1 to i32
    %cond3A = arith.constant 0 : i32
    %cond3A_1 = arith.cmpi ne, %convert_element_type3A, %cond3A : i32
    scf.if %cond3A_1 {
      %get3A_442 = arith.constant 0 : index
      %get3A_443 = arith.constant 0 : index
      %get3A_444 = vector.load %arg4[%get3A_442, %get3A_443] : memref<2048x2048xf32, #tpu.memory_space<vmem>>, vector<2048x2048xf32>
      %reduce_sum3A = arith.constant dense<0.000000e+00> : vector<2048xf32>
      %reduce_sum3A_445 = vector.multi_reduction <add>, %get3A_444, %reduce_sum3A [1] : vector<2048x2048xf32> to vector<2048xf32>
      %broadcast_in_dim3A_446 = vector.shape_cast %reduce_sum3A_445 : vector<2048xf32> to vector<2048x1xf32>
      %add3A_447 = arith.constant 1.000000e+00 : f32
      %add3A_448 = vector.broadcast %add3A_447 : f32 to vector<2048x1xf32>
      %add3A_449 = arith.addf %broadcast_in_dim3A_446, %add3A_448 : vector<2048x1xf32>
      %rsqrt3A = math.rsqrt %add3A_449 : vector<2048x1xf32>
      %swap3A_450 = arith.constant 0 : index
      %swap3A_451 = arith.constant 0 : index
      %swap3A_452 = vector.load %arg29[%swap3A_450, %swap3A_451] : memref<2048x1xf32, #tpu.memory_space<vmem>>, vector<2048x1xf32>
      tpu.vector_store %arg29[%swap3A_450, %swap3A_451], %rsqrt3A {strides = array<i32>} : memref<2048x1xf32, #tpu.memory_space<vmem>>, vector<2048x1xf32>,
      %convert_element_type3A_453 = arith.truncf %get3A_444 : vector<2048x2048xf32> to vector<2048x2048xbf16>
      %swap3A_454 = arith.constant 0 : index
      %swap3A_455 = arith.constant 0 : index
      %swap3A_456 = vector.load %arg30[%swap3A_454, %swap3A_455] : memref<2048x2048xbf16, #tpu.memory_space<vmem>>, vector<2048x2048xbf16>
      tpu.vector_store %arg30[%swap3A_454, %swap3A_455], %convert_element_type3A_453 {strides = array<i32>} : memref<2048x2048xbf16, #tpu.memory_space<vmem>>, vector<2048x2048xbf16>,
      %get3A_457 = arith.constant 0 : index
      %get3A_458 = arith.constant 0 : index
      %get3A_459 = vector.load %arg1[%get3A_457, %get3A_458] : memref<2048x2xf32, #tpu.memory_space<vmem>>, vector<2048x2xf32>
      %get3A_460 = arith.constant 0 : index
      %get3A_461 = arith.constant 0 : index
      %get3A_462 = vector.load %arg2[%get3A_460, %get3A_461] : memref<128x2xf32, #tpu.memory_space<vmem>>, vector<128x2xf32>
      %transpose3A_463 = tpu.transpose %get3A_462, [1, 0] : vector<128x2xf32> -> vector<2x128xf32>
      %dot_general3A_464 = arith.constant dense<0.000000e+00> : vector<2048x128xf32>
      %dot_general3A_465 = tpu.matmul %get3A_459, %transpose3A_463, %dot_general3A_464 {dimension_numbers = #tpu.dot_dimension_numbers<[1], [0], [0], [1], [0, 0, 1, 1], [], []>, transpose_lhs_hint = false} : vector<2048x2xf32>, vector<2x128xf32>, vector<2048x128xf32> -> vector<2048x128xf32>
      %get3A_466 = arith.constant 0 : index
      %get3A_467 = arith.constant 0 : index
      %get3A_468 = vector.load %arg3[%get3A_466, %get3A_467] : memref<1x128xf32, #tpu.memory_space<vmem>>, vector<1x128xf32>
      %add3A_469 = vector.broadcast %get3A_468 : vector<1x128xf32> to vector<2048x128xf32>
      %add3A_470 = arith.addf %dot_general3A_465, %add3A_469 : vector<2048x128xf32>
      %gt3A = arith.constant 0.000000e+00 : f32
      %gt3A_471 = vector.broadcast %gt3A : f32 to vector<2048x128xf32>
      %gt3A_472 = arith.cmpf ogt, %add3A_470, %gt3A_471 : vector<2048x128xf32>
      %mul3A_473 = arith.constant 0.00999999977 : f32
      %mul3A_474 = vector.broadcast %mul3A_473 : f32 to vector<2048x128xf32>
      %mul3A_475 = arith.mulf %mul3A_474, %add3A_470 : vector<2048x128xf32>
      %select_n3A = arith.select %gt3A_472, %add3A_470, %mul3A_475 : vector<2048x128xi1>, vector<2048x128xf32>
      %swap3A_476 = arith.constant 0 : index
      %swap3A_477 = arith.constant 0 : index
      %swap3A_478 = vector.load %arg28[%swap3A_476, %swap3A_477] : memref<2048x128xf32, #tpu.memory_space<vmem>>, vector<2048x128xf32>
      tpu.vector_store %arg28[%swap3A_476, %swap3A_477], %select_n3A {strides = array<i32>} : memref<2048x128xf32, #tpu.memory_space<vmem>>, vector<2048x128xf32>,
    } else {
    }
    %get3A = arith.constant 0 : index
    %get3A_2 = arith.constant 0 : index
    %get3A_3 = vector.load %arg28[%get3A, %get3A_2] : memref<2048x128xf32, #tpu.memory_space<vmem>>, vector<2048x128xf32>
    %get3A_4 = arith.constant 0 : index
    %get3A_5 = arith.constant 0 : index
    %get3A_6 = vector.load %arg29[%get3A_4, %get3A_5] : memref<2048x1xf32, #tpu.memory_space<vmem>>, vector<2048x1xf32>
    %get3A_7 = arith.constant 0 : index
    %get3A_8 = arith.constant 0 : index
    %get3A_9 = arith.constant 0 : index
    %get3A_10 = vector.load %arg5[%get3A_7, %get3A_8, %get3A_9] : memref<1x128x128xf32, #tpu.memory_space<vmem>>, vector<1x128x128xf32>
    %get3A_11 = vector.shape_cast %get3A_10 : vector<1x128x128xf32> to vector<128x128xf32>
    %transpose3A = tpu.transpose %get3A_11, [1, 0] : vector<128x128xf32> -> vector<128x128xf32>
    %dot_general3A = arith.constant dense<0.000000e+00> : vector<2048x128xf32>
    %dot_general3A_12 = tpu.matmul %get3A_3, %transpose3A, %dot_general3A {dimension_numbers = #tpu.dot_dimension_numbers<[1], [0], [0], [1], [0, 0, 1, 1], [], []>, transpose_lhs_hint = false} : vector<2048x128xf32>, vector<128x128xf32>, vector<2048x128xf32> -> vector<2048x128xf32>
    %mul3A = vector.broadcast %get3A_6 : vector<2048x1xf32> to vector<2048x128xf32>
    %mul3A_13 = arith.mulf %mul3A, %dot_general3A_12 : vector<2048x128xf32>
    %convert_element_type3A_14 = arith.truncf %mul3A_13 : vector<2048x128xf32> to vector<2048x128xbf16>
    %get3A_15 = arith.constant 0 : index
    %get3A_16 = arith.constant 0 : index
    %get3A_17 = vector.load %arg30[%get3A_15, %get3A_16] : memref<2048x2048xbf16, #tpu.memory_space<vmem>>, vector<2048x2048xbf16>
    %dot_general3A_18 = arith.constant dense<0.000000e+00> : vector<2048x128xf32>
    %dot_general3A_19 = tpu.matmul %get3A_17, %convert_element_type3A_14, %dot_general3A_18 {dimension_numbers = #tpu.dot_dimension_numbers<[1], [0], [0], [1], [0, 0, 1, 1], [], []>, transpose_lhs_hint = false} : vector<2048x2048xbf16>, vector<2048x128xbf16>, vector<2048x128xf32> -> vector<2048x128xf32>
    %add3A = arith.addf %dot_general3A_19, %mul3A_13 : vector<2048x128xf32>
    %mul3A_20 = vector.broadcast %get3A_6 : vector<2048x1xf32> to vector<2048x128xf32>
    %mul3A_21 = arith.mulf %mul3A_20, %add3A : vector<2048x128xf32>
    %get3A_22 = arith.constant 0 : index
    %get3A_23 = arith.constant 0 : index
    %get3A_24 = arith.constant 0 : index
    %get3A_25 = vector.load %arg6[%get3A_22, %get3A_23, %get3A_24] : memref<1x1x128xf32, #tpu.memory_space<vmem>>, vector<1x1x128xf32>
    %get3A_26 = vector.shape_cast %get3A_25 : vector<1x1x128xf32> to vector<1x128xf32>
    %add3A_27 = vector.broadcast %get3A_26 : vector<1x128xf32> to vector<2048x128xf32>
    %add3A_28 = arith.addf %mul3A_21, %add3A_27 : vector<2048x128xf32>
    %add3A_29 = arith.addf %add3A_28, %get3A_3 : vector<2048x128xf32>
    %get3A_30 = arith.constant 0 : index
    %get3A_31 = arith.constant 0 : index
    %get3A_32 = arith.constant 0 : index
    %get3A_33 = vector.load %arg15[%get3A_30, %get3A_31, %get3A_32] : memref<1x1x128xf32, #tpu.memory_space<vmem>>, vector<1x1x128xf32>
    %get3A_34 = vector.shape_cast %get3A_33 : vector<1x1x128xf32> to vector<1x128xf32>
    %get3A_35 = arith.constant 0 : index
    %get3A_36 = arith.constant 0 : index
    %get3A_37 = arith.constant 0 : index
    %get3A_38 = vector.load %arg16[%get3A_35, %get3A_36, %get3A_37] : memref<1x1x128xf32, #tpu.memory_space<vmem>>, vector<1x1x128xf32>
    %get3A_39 = vector.shape_cast %get3A_38 : vector<1x1x128xf32> to vector<1x128xf32>
    %mul3A_40 = arith.constant 0.999994993 : f32
    %mul3A_41 = vector.broadcast %mul3A_40 : f32 to vector<1x128xf32>
    %mul3A_42 = arith.mulf %mul3A_41, %get3A_34 : vector<1x128xf32>
    %mul3A_43 = vector.broadcast %mul3A_42 : vector<1x128xf32> to vector<2048x128xf32>
    %mul3A_44 = arith.mulf %add3A_29, %mul3A_43 : vector<2048x128xf32>
    %add3A_45 = vector.broadcast %get3A_39 : vector<1x128xf32> to vector<2048x128xf32>
    %add3A_46 = arith.addf %mul3A_44, %add3A_45 : vector<2048x128xf32>
    %get3A_47 = arith.constant 0 : index
    %get3A_48 = arith.constant 0 : index
    %get3A_49 = arith.constant 0 : index
    %get3A_50 = vector.load %arg14[%get3A_47, %get3A_48, %get3A_49] : memref<1x1x128xf32, #tpu.memory_space<vmem>>, vector<1x1x128xf32>
    %get3A_51 = vector.shape_cast %get3A_50 : vector<1x1x128xf32> to vector<1x128xf32>
    %broadcast_in_dim3A = arith.constant 1.000000e+00 : bf16
    %broadcast_in_dim3A_52 = vector.broadcast %broadcast_in_dim3A : bf16 to vector<2048x1xbf16>
    %get3A_53 = arith.constant 0 : index
    %get3A_54 = arith.constant 0 : index
    %get3A_55 = arith.constant 0 : index
    %get3A_56 = arith.constant 0 : index
    %get3A_57 = vector.load %arg7[%get3A_53, %get3A_54, %get3A_55, %get3A_56] : memref<1x4x32x128xf32, #tpu.memory_space<vmem>>, vector<1x1x32x128xf32>
    %get3A_58 = vector.shape_cast %get3A_57 : vector<1x1x32x128xf32> to vector<32x128xf32>
    %transpose3A_59 = tpu.transpose %get3A_58, [1, 0] : vector<32x128xf32> -> vector<128x32xf32>
    %dot_general3A_60 = arith.constant dense<0.000000e+00> : vector<2048x32xf32>
    %dot_general3A_61 = tpu.matmul %get3A_3, %transpose3A_59, %dot_general3A_60 {dimension_numbers = #tpu.dot_dimension_numbers<[1], [0], [0], [1], [0, 0, 1, 1], [], []>, transpose_lhs_hint = false} : vector<2048x128xf32>, vector<128x32xf32>, vector<2048x32xf32> -> vector<2048x32xf32>
    %get3A_62 = arith.constant 0 : index
    %get3A_63 = arith.constant 0 : index
    %get3A_64 = arith.constant 0 : index
    %get3A_65 = arith.constant 0 : index
    %get3A_66 = vector.load %arg10[%get3A_62, %get3A_63, %get3A_64, %get3A_65] : memref<1x4x1x32xf32, #tpu.memory_space<vmem>>, vector<1x1x1x32xf32>
    %get3A_67 = vector.shape_cast %get3A_66 : vector<1x1x1x32xf32> to vector<1x32xf32>
    %add3A_68 = vector.broadcast %get3A_67 : vector<1x32xf32> to vector<2048x32xf32>
    %add3A_69 = arith.addf %dot_general3A_61, %add3A_68 : vector<2048x32xf32>
    %mul3A_70 = arith.constant 0.176776692 : f32
    %mul3A_71 = vector.broadcast %mul3A_70 : f32 to vector<2048x32xf32>
    %mul3A_72 = arith.mulf %add3A_69, %mul3A_71 : vector<2048x32xf32>
    %get3A_73 = arith.constant 0 : index
    %get3A_74 = arith.constant 0 : index
    %get3A_75 = arith.constant 0 : index
    %get3A_76 = arith.constant 0 : index
    %get3A_77 = vector.load %arg8[%get3A_73, %get3A_74, %get3A_75, %get3A_76] : memref<1x4x32x128xf32, #tpu.memory_space<vmem>>, vector<1x1x32x128xf32>
    %get3A_78 = vector.shape_cast %get3A_77 : vector<1x1x32x128xf32> to vector<32x128xf32>
    %transpose3A_79 = tpu.transpose %get3A_78, [1, 0] : vector<32x128xf32> -> vector<128x32xf32>
    %dot_general3A_80 = arith.constant dense<0.000000e+00> : vector<2048x32xf32>
    %dot_general3A_81 = tpu.matmul %get3A_3, %transpose3A_79, %dot_general3A_80 {dimension_numbers = #tpu.dot_dimension_numbers<[1], [0], [0], [1], [0, 0, 1, 1], [], []>, transpose_lhs_hint = false} : vector<2048x128xf32>, vector<128x32xf32>, vector<2048x32xf32> -> vector<2048x32xf32>
    %get3A_82 = arith.constant 0 : index
    %get3A_83 = arith.constant 0 : index
    %get3A_84 = arith.constant 0 : index
    %get3A_85 = arith.constant 0 : index
    %get3A_86 = vector.load %arg11[%get3A_82, %get3A_83, %get3A_84, %get3A_85] : memref<1x4x1x32xf32, #tpu.memory_space<vmem>>, vector<1x1x1x32xf32>
    %get3A_87 = vector.shape_cast %get3A_86 : vector<1x1x1x32xf32> to vector<1x32xf32>
    %add3A_88 = vector.broadcast %get3A_87 : vector<1x32xf32> to vector<2048x32xf32>
    %add3A_89 = arith.addf %dot_general3A_81, %add3A_88 : vector<2048x32xf32>
    %get3A_90 = arith.constant 0 : index
    %get3A_91 = arith.constant 0 : index
    %get3A_92 = arith.constant 0 : index
    %get3A_93 = arith.constant 0 : index
    %get3A_94 = vector.load %arg9[%get3A_90, %get3A_91, %get3A_92, %get3A_93] : memref<1x4x32x128xf32, #tpu.memory_space<vmem>>, vector<1x1x32x128xf32>
    %get3A_95 = vector.shape_cast %get3A_94 : vector<1x1x32x128xf32> to vector<32x128xf32>
    %transpose3A_96 = tpu.transpose %get3A_95, [1, 0] : vector<32x128xf32> -> vector<128x32xf32>
    %dot_general3A_97 = arith.constant dense<0.000000e+00> : vector<2048x32xf32>
    %dot_general3A_98 = tpu.matmul %get3A_3, %transpose3A_96, %dot_general3A_97 {dimension_numbers = #tpu.dot_dimension_numbers<[1], [0], [0], [1], [0, 0, 1, 1], [], []>, transpose_lhs_hint = false} : vector<2048x128xf32>, vector<128x32xf32>, vector<2048x32xf32> -> vector<2048x32xf32>
    %get3A_99 = arith.constant 0 : index
    %get3A_100 = arith.constant 0 : index
    %get3A_101 = arith.constant 0 : index
    %get3A_102 = arith.constant 0 : index
    %get3A_103 = vector.load %arg12[%get3A_99, %get3A_100, %get3A_101, %get3A_102] : memref<1x4x1x32xf32, #tpu.memory_space<vmem>>, vector<1x1x1x32xf32>
    %get3A_104 = vector.shape_cast %get3A_103 : vector<1x1x1x32xf32> to vector<1x32xf32>
    %add3A_105 = vector.broadcast %get3A_104 : vector<1x32xf32> to vector<2048x32xf32>
    %add3A_106 = arith.addf %dot_general3A_98, %add3A_105 : vector<2048x32xf32>
    %convert_element_type3A_107 = arith.truncf %mul3A_72 : vector<2048x32xf32> to vector<2048x32xbf16>
    %convert_element_type3A_108 = arith.truncf %add3A_89 : vector<2048x32xf32> to vector<2048x32xbf16>
    %transpose3A_109 = tpu.transpose %convert_element_type3A_108, [1, 0] : vector<2048x32xbf16> -> vector<32x2048xbf16>
    %dot_general3A_110 = arith.constant dense<0.000000e+00> : vector<2048x2048xf32>
    %dot_general3A_111 = tpu.matmul %convert_element_type3A_107, %transpose3A_109, %dot_general3A_110 {dimension_numbers = #tpu.dot_dimension_numbers<[1], [0], [0], [1], [0, 0, 1, 1], [], []>, transpose_lhs_hint = false} : vector<2048x32xbf16>, vector<32x2048xbf16>, vector<2048x2048xf32> -> vector<2048x2048xf32>
    %exp3A = math.exp %dot_general3A_111 : vector<2048x2048xf32>
    %convert_element_type3A_112 = arith.truncf %exp3A : vector<2048x2048xf32> to vector<2048x2048xbf16>
    %convert_element_type3A_113 = arith.truncf %add3A_106 : vector<2048x32xf32> to vector<2048x32xbf16>
    %concatenate3A = tpu.concatenate %convert_element_type3A_113, %broadcast_in_dim3A_52 in 1 : vector<2048x32xbf16>, vector<2048x1xbf16> -> vector<2048x33xbf16>
    %dot_general3A_114 = arith.constant dense<0.000000e+00> : vector<2048x33xf32>
    %dot_general3A_115 = tpu.matmul %convert_element_type3A_112, %concatenate3A, %dot_general3A_114 {dimension_numbers = #tpu.dot_dimension_numbers<[1], [0], [0], [1], [0, 0, 1, 1], [], []>, transpose_lhs_hint = false} : vector<2048x2048xbf16>, vector<2048x33xbf16>, vector<2048x33xf32> -> vector<2048x33xf32>
    %slice3A = vector.extract_strided_slice %dot_general3A_115 {offsets = [0, 0], sizes = [2048, 32], strides = [1, 1]} : vector<2048x33xf32> to vector<2048x32xf32>
    %slice3A_116 = vector.extract_strided_slice %dot_general3A_115 {offsets = [0, 32], sizes = [2048, 1], strides = [1, 1]} : vector<2048x33xf32> to vector<2048x1xf32>
    %div3A = vector.broadcast %slice3A_116 : vector<2048x1xf32> to vector<2048x32xf32>
    %div3A_117 = arith.divf %slice3A, %div3A : vector<2048x32xf32>
    %get3A_118 = arith.constant 0 : index
    %get3A_119 = arith.constant 0 : index
    %get3A_120 = arith.constant 0 : index
    %get3A_121 = arith.constant 0 : index
    %get3A_122 = vector.load %arg13[%get3A_118, %get3A_119, %get3A_120, %get3A_121] : memref<1x4x128x32xf32, #tpu.memory_space<vmem>>, vector<1x1x128x32xf32>
    %get3A_123 = vector.shape_cast %get3A_122 : vector<1x1x128x32xf32> to vector<128x32xf32>
    %transpose3A_124 = tpu.transpose %get3A_123, [1, 0] : vector<128x32xf32> -> vector<32x128xf32>
    %dot_general3A_125 = arith.constant dense<0.000000e+00> : vector<2048x128xf32>
    %dot_general3A_126 = tpu.matmul %div3A_117, %transpose3A_124, %dot_general3A_125 {dimension_numbers = #tpu.dot_dimension_numbers<[1], [0], [0], [1], [0, 0, 1, 1], [], []>, transpose_lhs_hint = false} : vector<2048x32xf32>, vector<32x128xf32>, vector<2048x128xf32> -> vector<2048x128xf32>
    %add3A_127 = vector.broadcast %get3A_51 : vector<1x128xf32> to vector<2048x128xf32>
    %add3A_128 = arith.addf %add3A_127, %dot_general3A_126 : vector<2048x128xf32>
    %get3A_129 = arith.constant 0 : index
    %get3A_130 = arith.constant 1 : index
    %get3A_131 = arith.constant 0 : index
    %get3A_132 = arith.constant 0 : index
    %get3A_133 = vector.load %arg7[%get3A_129, %get3A_130, %get3A_131, %get3A_132] : memref<1x4x32x128xf32, #tpu.memory_space<vmem>>, vector<1x1x32x128xf32>
    %get3A_134 = vector.shape_cast %get3A_133 : vector<1x1x32x128xf32> to vector<32x128xf32>
    %transpose3A_135 = tpu.transpose %get3A_134, [1, 0] : vector<32x128xf32> -> vector<128x32xf32>
    %dot_general3A_136 = arith.constant dense<0.000000e+00> : vector<2048x32xf32>
    %dot_general3A_137 = tpu.matmul %get3A_3, %transpose3A_135, %dot_general3A_136 {dimension_numbers = #tpu.dot_dimension_numbers<[1], [0], [0], [1], [0, 0, 1, 1], [], []>, transpose_lhs_hint = false} : vector<2048x128xf32>, vector<128x32xf32>, vector<2048x32xf32> -> vector<2048x32xf32>
    %get3A_138 = arith.constant 0 : index
    %get3A_139 = arith.constant 1 : index
    %get3A_140 = arith.constant 0 : index
    %get3A_141 = arith.constant 0 : index
    %get3A_142 = vector.load %arg10[%get3A_138, %get3A_139, %get3A_140, %get3A_141] : memref<1x4x1x32xf32, #tpu.memory_space<vmem>>, vector<1x1x1x32xf32>
    %get3A_143 = vector.shape_cast %get3A_142 : vector<1x1x1x32xf32> to vector<1x32xf32>
    %add3A_144 = vector.broadcast %get3A_143 : vector<1x32xf32> to vector<2048x32xf32>
    %add3A_145 = arith.addf %dot_general3A_137, %add3A_144 : vector<2048x32xf32>
    %mul3A_146 = arith.constant 0.176776692 : f32
    %mul3A_147 = vector.broadcast %mul3A_146 : f32 to vector<2048x32xf32>
    %mul3A_148 = arith.mulf %add3A_145, %mul3A_147 : vector<2048x32xf32>
    %get3A_149 = arith.constant 0 : index
    %get3A_150 = arith.constant 1 : index
    %get3A_151 = arith.constant 0 : index
    %get3A_152 = arith.constant 0 : index
    %get3A_153 = vector.load %arg8[%get3A_149, %get3A_150, %get3A_151, %get3A_152] : memref<1x4x32x128xf32, #tpu.memory_space<vmem>>, vector<1x1x32x128xf32>
    %get3A_154 = vector.shape_cast %get3A_153 : vector<1x1x32x128xf32> to vector<32x128xf32>
    %transpose3A_155 = tpu.transpose %get3A_154, [1, 0] : vector<32x128xf32> -> vector<128x32xf32>
    %dot_general3A_156 = arith.constant dense<0.000000e+00> : vector<2048x32xf32>
    %dot_general3A_157 = tpu.matmul %get3A_3, %transpose3A_155, %dot_general3A_156 {dimension_numbers = #tpu.dot_dimension_numbers<[1], [0], [0], [1], [0, 0, 1, 1], [], []>, transpose_lhs_hint = false} : vector<2048x128xf32>, vector<128x32xf32>, vector<2048x32xf32> -> vector<2048x32xf32>
    %get3A_158 = arith.constant 0 : index
    %get3A_159 = arith.constant 1 : index
    %get3A_160 = arith.constant 0 : index
    %get3A_161 = arith.constant 0 : index
    %get3A_162 = vector.load %arg11[%get3A_158, %get3A_159, %get3A_160, %get3A_161] : memref<1x4x1x32xf32, #tpu.memory_space<vmem>>, vector<1x1x1x32xf32>
    %get3A_163 = vector.shape_cast %get3A_162 : vector<1x1x1x32xf32> to vector<1x32xf32>
    %add3A_164 = vector.broadcast %get3A_163 : vector<1x32xf32> to vector<2048x32xf32>
    %add3A_165 = arith.addf %dot_general3A_157, %add3A_164 : vector<2048x32xf32>
    %get3A_166 = arith.constant 0 : index
    %get3A_167 = arith.constant 1 : index
    %get3A_168 = arith.constant 0 : index
    %get3A_169 = arith.constant 0 : index
    %get3A_170 = vector.load %arg9[%get3A_166, %get3A_167, %get3A_168, %get3A_169] : memref<1x4x32x128xf32, #tpu.memory_space<vmem>>, vector<1x1x32x128xf32>
    %get3A_171 = vector.shape_cast %get3A_170 : vector<1x1x32x128xf32> to vector<32x128xf32>
    %transpose3A_172 = tpu.transpose %get3A_171, [1, 0] : vector<32x128xf32> -> vector<128x32xf32>
    %dot_general3A_173 = arith.constant dense<0.000000e+00> : vector<2048x32xf32>
    %dot_general3A_174 = tpu.matmul %get3A_3, %transpose3A_172, %dot_general3A_173 {dimension_numbers = #tpu.dot_dimension_numbers<[1], [0], [0], [1], [0, 0, 1, 1], [], []>, transpose_lhs_hint = false} : vector<2048x128xf32>, vector<128x32xf32>, vector<2048x32xf32> -> vector<2048x32xf32>
    %get3A_175 = arith.constant 0 : index
    %get3A_176 = arith.constant 1 : index
    %get3A_177 = arith.constant 0 : index
    %get3A_178 = arith.constant 0 : index
    %get3A_179 = vector.load %arg12[%get3A_175, %get3A_176, %get3A_177, %get3A_178] : memref<1x4x1x32xf32, #tpu.memory_space<vmem>>, vector<1x1x1x32xf32>
    %get3A_180 = vector.shape_cast %get3A_179 : vector<1x1x1x32xf32> to vector<1x32xf32>
    %add3A_181 = vector.broadcast %get3A_180 : vector<1x32xf32> to vector<2048x32xf32>
    %add3A_182 = arith.addf %dot_general3A_174, %add3A_181 : vector<2048x32xf32>
    %convert_element_type3A_183 = arith.truncf %mul3A_148 : vector<2048x32xf32> to vector<2048x32xbf16>
    %convert_element_type3A_184 = arith.truncf %add3A_165 : vector<2048x32xf32> to vector<2048x32xbf16>
    %transpose3A_185 = tpu.transpose %convert_element_type3A_184, [1, 0] : vector<2048x32xbf16> -> vector<32x2048xbf16>
    %dot_general3A_186 = arith.constant dense<0.000000e+00> : vector<2048x2048xf32>
    %dot_general3A_187 = tpu.matmul %convert_element_type3A_183, %transpose3A_185, %dot_general3A_186 {dimension_numbers = #tpu.dot_dimension_numbers<[1], [0], [0], [1], [0, 0, 1, 1], [], []>, transpose_lhs_hint = false} : vector<2048x32xbf16>, vector<32x2048xbf16>, vector<2048x2048xf32> -> vector<2048x2048xf32>
    %exp3A_188 = math.exp %dot_general3A_187 : vector<2048x2048xf32>
    %convert_element_type3A_189 = arith.truncf %exp3A_188 : vector<2048x2048xf32> to vector<2048x2048xbf16>
    %convert_element_type3A_190 = arith.truncf %add3A_182 : vector<2048x32xf32> to vector<2048x32xbf16>
    %concatenate3A_191 = tpu.concatenate %convert_element_type3A_190, %broadcast_in_dim3A_52 in 1 : vector<2048x32xbf16>, vector<2048x1xbf16> -> vector<2048x33xbf16>
    %dot_general3A_192 = arith.constant dense<0.000000e+00> : vector<2048x33xf32>
    %dot_general3A_193 = tpu.matmul %convert_element_type3A_189, %concatenate3A_191, %dot_general3A_192 {dimension_numbers = #tpu.dot_dimension_numbers<[1], [0], [0], [1], [0, 0, 1, 1], [], []>, transpose_lhs_hint = false} : vector<2048x2048xbf16>, vector<2048x33xbf16>, vector<2048x33xf32> -> vector<2048x33xf32>
    %slice3A_194 = vector.extract_strided_slice %dot_general3A_193 {offsets = [0, 0], sizes = [2048, 32], strides = [1, 1]} : vector<2048x33xf32> to vector<2048x32xf32>
    %slice3A_195 = vector.extract_strided_slice %dot_general3A_193 {offsets = [0, 32], sizes = [2048, 1], strides = [1, 1]} : vector<2048x33xf32> to vector<2048x1xf32>
    %div3A_196 = vector.broadcast %slice3A_195 : vector<2048x1xf32> to vector<2048x32xf32>
    %div3A_197 = arith.divf %slice3A_194, %div3A_196 : vector<2048x32xf32>
    %get3A_198 = arith.constant 0 : index
    %get3A_199 = arith.constant 1 : index
    %get3A_200 = arith.constant 0 : index
    %get3A_201 = arith.constant 0 : index
    %get3A_202 = vector.load %arg13[%get3A_198, %get3A_199, %get3A_200, %get3A_201] : memref<1x4x128x32xf32, #tpu.memory_space<vmem>>, vector<1x1x128x32xf32>
    %get3A_203 = vector.shape_cast %get3A_202 : vector<1x1x128x32xf32> to vector<128x32xf32>
    %transpose3A_204 = tpu.transpose %get3A_203, [1, 0] : vector<128x32xf32> -> vector<32x128xf32>
    %dot_general3A_205 = arith.constant dense<0.000000e+00> : vector<2048x128xf32>
    %dot_general3A_206 = tpu.matmul %div3A_197, %transpose3A_204, %dot_general3A_205 {dimension_numbers = #tpu.dot_dimension_numbers<[1], [0], [0], [1], [0, 0, 1, 1], [], []>, transpose_lhs_hint = false} : vector<2048x32xf32>, vector<32x128xf32>, vector<2048x128xf32> -> vector<2048x128xf32>
    %add3A_207 = arith.addf %add3A_128, %dot_general3A_206 : vector<2048x128xf32>
    %get3A_208 = arith.constant 0 : index
    %get3A_209 = arith.constant 2 : index
    %get3A_210 = arith.constant 0 : index
    %get3A_211 = arith.constant 0 : index
    %get3A_212 = vector.load %arg7[%get3A_208, %get3A_209, %get3A_210, %get3A_211] : memref<1x4x32x128xf32, #tpu.memory_space<vmem>>, vector<1x1x32x128xf32>
    %get3A_213 = vector.shape_cast %get3A_212 : vector<1x1x32x128xf32> to vector<32x128xf32>
    %transpose3A_214 = tpu.transpose %get3A_213, [1, 0] : vector<32x128xf32> -> vector<128x32xf32>
    %dot_general3A_215 = arith.constant dense<0.000000e+00> : vector<2048x32xf32>
    %dot_general3A_216 = tpu.matmul %get3A_3, %transpose3A_214, %dot_general3A_215 {dimension_numbers = #tpu.dot_dimension_numbers<[1], [0], [0], [1], [0, 0, 1, 1], [], []>, transpose_lhs_hint = false} : vector<2048x128xf32>, vector<128x32xf32>, vector<2048x32xf32> -> vector<2048x32xf32>
    %get3A_217 = arith.constant 0 : index
    %get3A_218 = arith.constant 2 : index
    %get3A_219 = arith.constant 0 : index
    %get3A_220 = arith.constant 0 : index
    %get3A_221 = vector.load %arg10[%get3A_217, %get3A_218, %get3A_219, %get3A_220] : memref<1x4x1x32xf32, #tpu.memory_space<vmem>>, vector<1x1x1x32xf32>
    %get3A_222 = vector.shape_cast %get3A_221 : vector<1x1x1x32xf32> to vector<1x32xf32>
    %add3A_223 = vector.broadcast %get3A_222 : vector<1x32xf32> to vector<2048x32xf32>
    %add3A_224 = arith.addf %dot_general3A_216, %add3A_223 : vector<2048x32xf32>
    %mul3A_225 = arith.constant 0.176776692 : f32
    %mul3A_226 = vector.broadcast %mul3A_225 : f32 to vector<2048x32xf32>
    %mul3A_227 = arith.mulf %add3A_224, %mul3A_226 : vector<2048x32xf32>
    %get3A_228 = arith.constant 0 : index
    %get3A_229 = arith.constant 2 : index
    %get3A_230 = arith.constant 0 : index
    %get3A_231 = arith.constant 0 : index
    %get3A_232 = vector.load %arg8[%get3A_228, %get3A_229, %get3A_230, %get3A_231] : memref<1x4x32x128xf32, #tpu.memory_space<vmem>>, vector<1x1x32x128xf32>
    %get3A_233 = vector.shape_cast %get3A_232 : vector<1x1x32x128xf32> to vector<32x128xf32>
    %transpose3A_234 = tpu.transpose %get3A_233, [1, 0] : vector<32x128xf32> -> vector<128x32xf32>
    %dot_general3A_235 = arith.constant dense<0.000000e+00> : vector<2048x32xf32>
    %dot_general3A_236 = tpu.matmul %get3A_3, %transpose3A_234, %dot_general3A_235 {dimension_numbers = #tpu.dot_dimension_numbers<[1], [0], [0], [1], [0, 0, 1, 1], [], []>, transpose_lhs_hint = false} : vector<2048x128xf32>, vector<128x32xf32>, vector<2048x32xf32> -> vector<2048x32xf32>
    %get3A_237 = arith.constant 0 : index
    %get3A_238 = arith.constant 2 : index
    %get3A_239 = arith.constant 0 : index
    %get3A_240 = arith.constant 0 : index
    %get3A_241 = vector.load %arg11[%get3A_237, %get3A_238, %get3A_239, %get3A_240] : memref<1x4x1x32xf32, #tpu.memory_space<vmem>>, vector<1x1x1x32xf32>
    %get3A_242 = vector.shape_cast %get3A_241 : vector<1x1x1x32xf32> to vector<1x32xf32>
    %add3A_243 = vector.broadcast %get3A_242 : vector<1x32xf32> to vector<2048x32xf32>
    %add3A_244 = arith.addf %dot_general3A_236, %add3A_243 : vector<2048x32xf32>
    %get3A_245 = arith.constant 0 : index
    %get3A_246 = arith.constant 2 : index
    %get3A_247 = arith.constant 0 : index
    %get3A_248 = arith.constant 0 : index
    %get3A_249 = vector.load %arg9[%get3A_245, %get3A_246, %get3A_247, %get3A_248] : memref<1x4x32x128xf32, #tpu.memory_space<vmem>>, vector<1x1x32x128xf32>
    %get3A_250 = vector.shape_cast %get3A_249 : vector<1x1x32x128xf32> to vector<32x128xf32>
    %transpose3A_251 = tpu.transpose %get3A_250, [1, 0] : vector<32x128xf32> -> vector<128x32xf32>
    %dot_general3A_252 = arith.constant dense<0.000000e+00> : vector<2048x32xf32>
    %dot_general3A_253 = tpu.matmul %get3A_3, %transpose3A_251, %dot_general3A_252 {dimension_numbers = #tpu.dot_dimension_numbers<[1], [0], [0], [1], [0, 0, 1, 1], [], []>, transpose_lhs_hint = false} : vector<2048x128xf32>, vector<128x32xf32>, vector<2048x32xf32> -> vector<2048x32xf32>
    %get3A_254 = arith.constant 0 : index
    %get3A_255 = arith.constant 2 : index
    %get3A_256 = arith.constant 0 : index
    %get3A_257 = arith.constant 0 : index
    %get3A_258 = vector.load %arg12[%get3A_254, %get3A_255, %get3A_256, %get3A_257] : memref<1x4x1x32xf32, #tpu.memory_space<vmem>>, vector<1x1x1x32xf32>
    %get3A_259 = vector.shape_cast %get3A_258 : vector<1x1x1x32xf32> to vector<1x32xf32>
    %add3A_260 = vector.broadcast %get3A_259 : vector<1x32xf32> to vector<2048x32xf32>
    %add3A_261 = arith.addf %dot_general3A_253, %add3A_260 : vector<2048x32xf32>
    %convert_element_type3A_262 = arith.truncf %mul3A_227 : vector<2048x32xf32> to vector<2048x32xbf16>
    %convert_element_type3A_263 = arith.truncf %add3A_244 : vector<2048x32xf32> to vector<2048x32xbf16>
    %transpose3A_264 = tpu.transpose %convert_element_type3A_263, [1, 0] : vector<2048x32xbf16> -> vector<32x2048xbf16>
    %dot_general3A_265 = arith.constant dense<0.000000e+00> : vector<2048x2048xf32>
    %dot_general3A_266 = tpu.matmul %convert_element_type3A_262, %transpose3A_264, %dot_general3A_265 {dimension_numbers = #tpu.dot_dimension_numbers<[1], [0], [0], [1], [0, 0, 1, 1], [], []>, transpose_lhs_hint = false} : vector<2048x32xbf16>, vector<32x2048xbf16>, vector<2048x2048xf32> -> vector<2048x2048xf32>
    %exp3A_267 = math.exp %dot_general3A_266 : vector<2048x2048xf32>
    %convert_element_type3A_268 = arith.truncf %exp3A_267 : vector<2048x2048xf32> to vector<2048x2048xbf16>
    %convert_element_type3A_269 = arith.truncf %add3A_261 : vector<2048x32xf32> to vector<2048x32xbf16>
    %concatenate3A_270 = tpu.concatenate %convert_element_type3A_269, %broadcast_in_dim3A_52 in 1 : vector<2048x32xbf16>, vector<2048x1xbf16> -> vector<2048x33xbf16>
    %dot_general3A_271 = arith.constant dense<0.000000e+00> : vector<2048x33xf32>
    %dot_general3A_272 = tpu.matmul %convert_element_type3A_268, %concatenate3A_270, %dot_general3A_271 {dimension_numbers = #tpu.dot_dimension_numbers<[1], [0], [0], [1], [0, 0, 1, 1], [], []>, transpose_lhs_hint = false} : vector<2048x2048xbf16>, vector<2048x33xbf16>, vector<2048x33xf32> -> vector<2048x33xf32>
    %slice3A_273 = vector.extract_strided_slice %dot_general3A_272 {offsets = [0, 0], sizes = [2048, 32], strides = [1, 1]} : vector<2048x33xf32> to vector<2048x32xf32>
    %slice3A_274 = vector.extract_strided_slice %dot_general3A_272 {offsets = [0, 32], sizes = [2048, 1], strides = [1, 1]} : vector<2048x33xf32> to vector<2048x1xf32>
    %div3A_275 = vector.broadcast %slice3A_274 : vector<2048x1xf32> to vector<2048x32xf32>
    %div3A_276 = arith.divf %slice3A_273, %div3A_275 : vector<2048x32xf32>
    %get3A_277 = arith.constant 0 : index
    %get3A_278 = arith.constant 2 : index
    %get3A_279 = arith.constant 0 : index
    %get3A_280 = arith.constant 0 : index
    %get3A_281 = vector.load %arg13[%get3A_277, %get3A_278, %get3A_279, %get3A_280] : memref<1x4x128x32xf32, #tpu.memory_space<vmem>>, vector<1x1x128x32xf32>
    %get3A_282 = vector.shape_cast %get3A_281 : vector<1x1x128x32xf32> to vector<128x32xf32>
    %transpose3A_283 = tpu.transpose %get3A_282, [1, 0] : vector<128x32xf32> -> vector<32x128xf32>
    %dot_general3A_284 = arith.constant dense<0.000000e+00> : vector<2048x128xf32>
    %dot_general3A_285 = tpu.matmul %div3A_276, %transpose3A_283, %dot_general3A_284 {dimension_numbers = #tpu.dot_dimension_numbers<[1], [0], [0], [1], [0, 0, 1, 1], [], []>, transpose_lhs_hint = false} : vector<2048x32xf32>, vector<32x128xf32>, vector<2048x128xf32> -> vector<2048x128xf32>
    %add3A_286 = arith.addf %add3A_207, %dot_general3A_285 : vector<2048x128xf32>
    %get3A_287 = arith.constant 0 : index
    %get3A_288 = arith.constant 3 : index
    %get3A_289 = arith.constant 0 : index
    %get3A_290 = arith.constant 0 : index
    %get3A_291 = vector.load %arg7[%get3A_287, %get3A_288, %get3A_289, %get3A_290] : memref<1x4x32x128xf32, #tpu.memory_space<vmem>>, vector<1x1x32x128xf32>
    %get3A_292 = vector.shape_cast %get3A_291 : vector<1x1x32x128xf32> to vector<32x128xf32>
    %transpose3A_293 = tpu.transpose %get3A_292, [1, 0] : vector<32x128xf32> -> vector<128x32xf32>
    %dot_general3A_294 = arith.constant dense<0.000000e+00> : vector<2048x32xf32>
    %dot_general3A_295 = tpu.matmul %get3A_3, %transpose3A_293, %dot_general3A_294 {dimension_numbers = #tpu.dot_dimension_numbers<[1], [0], [0], [1], [0, 0, 1, 1], [], []>, transpose_lhs_hint = false} : vector<2048x128xf32>, vector<128x32xf32>, vector<2048x32xf32> -> vector<2048x32xf32>
    %get3A_296 = arith.constant 0 : index
    %get3A_297 = arith.constant 3 : index
    %get3A_298 = arith.constant 0 : index
    %get3A_299 = arith.constant 0 : index
    %get3A_300 = vector.load %arg10[%get3A_296, %get3A_297, %get3A_298, %get3A_299] : memref<1x4x1x32xf32, #tpu.memory_space<vmem>>, vector<1x1x1x32xf32>
    %get3A_301 = vector.shape_cast %get3A_300 : vector<1x1x1x32xf32> to vector<1x32xf32>
    %add3A_302 = vector.broadcast %get3A_301 : vector<1x32xf32> to vector<2048x32xf32>
    %add3A_303 = arith.addf %dot_general3A_295, %add3A_302 : vector<2048x32xf32>
    %mul3A_304 = arith.constant 0.176776692 : f32
    %mul3A_305 = vector.broadcast %mul3A_304 : f32 to vector<2048x32xf32>
    %mul3A_306 = arith.mulf %add3A_303, %mul3A_305 : vector<2048x32xf32>
    %get3A_307 = arith.constant 0 : index
    %get3A_308 = arith.constant 3 : index
    %get3A_309 = arith.constant 0 : index
    %get3A_310 = arith.constant 0 : index
    %get3A_311 = vector.load %arg8[%get3A_307, %get3A_308, %get3A_309, %get3A_310] : memref<1x4x32x128xf32, #tpu.memory_space<vmem>>, vector<1x1x32x128xf32>
    %get3A_312 = vector.shape_cast %get3A_311 : vector<1x1x32x128xf32> to vector<32x128xf32>
    %transpose3A_313 = tpu.transpose %get3A_312, [1, 0] : vector<32x128xf32> -> vector<128x32xf32>
    %dot_general3A_314 = arith.constant dense<0.000000e+00> : vector<2048x32xf32>
    %dot_general3A_315 = tpu.matmul %get3A_3, %transpose3A_313, %dot_general3A_314 {dimension_numbers = #tpu.dot_dimension_numbers<[1], [0], [0], [1], [0, 0, 1, 1], [], []>, transpose_lhs_hint = false} : vector<2048x128xf32>, vector<128x32xf32>, vector<2048x32xf32> -> vector<2048x32xf32>
    %get3A_316 = arith.constant 0 : index
    %get3A_317 = arith.constant 3 : index
    %get3A_318 = arith.constant 0 : index
    %get3A_319 = arith.constant 0 : index
    %get3A_320 = vector.load %arg11[%get3A_316, %get3A_317, %get3A_318, %get3A_319] : memref<1x4x1x32xf32, #tpu.memory_space<vmem>>, vector<1x1x1x32xf32>
    %get3A_321 = vector.shape_cast %get3A_320 : vector<1x1x1x32xf32> to vector<1x32xf32>
    %add3A_322 = vector.broadcast %get3A_321 : vector<1x32xf32> to vector<2048x32xf32>
    %add3A_323 = arith.addf %dot_general3A_315, %add3A_322 : vector<2048x32xf32>
    %get3A_324 = arith.constant 0 : index
    %get3A_325 = arith.constant 3 : index
    %get3A_326 = arith.constant 0 : index
    %get3A_327 = arith.constant 0 : index
    %get3A_328 = vector.load %arg9[%get3A_324, %get3A_325, %get3A_326, %get3A_327] : memref<1x4x32x128xf32, #tpu.memory_space<vmem>>, vector<1x1x32x128xf32>
    %get3A_329 = vector.shape_cast %get3A_328 : vector<1x1x32x128xf32> to vector<32x128xf32>
    %transpose3A_330 = tpu.transpose %get3A_329, [1, 0] : vector<32x128xf32> -> vector<128x32xf32>
    %dot_general3A_331 = arith.constant dense<0.000000e+00> : vector<2048x32xf32>
    %dot_general3A_332 = tpu.matmul %get3A_3, %transpose3A_330, %dot_general3A_331 {dimension_numbers = #tpu.dot_dimension_numbers<[1], [0], [0], [1], [0, 0, 1, 1], [], []>, transpose_lhs_hint = false} : vector<2048x128xf32>, vector<128x32xf32>, vector<2048x32xf32> -> vector<2048x32xf32>
    %get3A_333 = arith.constant 0 : index
    %get3A_334 = arith.constant 3 : index
    %get3A_335 = arith.constant 0 : index
    %get3A_336 = arith.constant 0 : index
    %get3A_337 = vector.load %arg12[%get3A_333, %get3A_334, %get3A_335, %get3A_336] : memref<1x4x1x32xf32, #tpu.memory_space<vmem>>, vector<1x1x1x32xf32>
    %get3A_338 = vector.shape_cast %get3A_337 : vector<1x1x1x32xf32> to vector<1x32xf32>
    %add3A_339 = vector.broadcast %get3A_338 : vector<1x32xf32> to vector<2048x32xf32>
    %add3A_340 = arith.addf %dot_general3A_332, %add3A_339 : vector<2048x32xf32>
    %convert_element_type3A_341 = arith.truncf %mul3A_306 : vector<2048x32xf32> to vector<2048x32xbf16>
    %convert_element_type3A_342 = arith.truncf %add3A_323 : vector<2048x32xf32> to vector<2048x32xbf16>
    %transpose3A_343 = tpu.transpose %convert_element_type3A_342, [1, 0] : vector<2048x32xbf16> -> vector<32x2048xbf16>
    %dot_general3A_344 = arith.constant dense<0.000000e+00> : vector<2048x2048xf32>
    %dot_general3A_345 = tpu.matmul %convert_element_type3A_341, %transpose3A_343, %dot_general3A_344 {dimension_numbers = #tpu.dot_dimension_numbers<[1], [0], [0], [1], [0, 0, 1, 1], [], []>, transpose_lhs_hint = false} : vector<2048x32xbf16>, vector<32x2048xbf16>, vector<2048x2048xf32> -> vector<2048x2048xf32>
    %exp3A_346 = math.exp %dot_general3A_345 : vector<2048x2048xf32>
    %convert_element_type3A_347 = arith.truncf %exp3A_346 : vector<2048x2048xf32> to vector<2048x2048xbf16>
    %convert_element_type3A_348 = arith.truncf %add3A_340 : vector<2048x32xf32> to vector<2048x32xbf16>
    %concatenate3A_349 = tpu.concatenate %convert_element_type3A_348, %broadcast_in_dim3A_52 in 1 : vector<2048x32xbf16>, vector<2048x1xbf16> -> vector<2048x33xbf16>
    %dot_general3A_350 = arith.constant dense<0.000000e+00> : vector<2048x33xf32>
    %dot_general3A_351 = tpu.matmul %convert_element_type3A_347, %concatenate3A_349, %dot_general3A_350 {dimension_numbers = #tpu.dot_dimension_numbers<[1], [0], [0], [1], [0, 0, 1, 1], [], []>, transpose_lhs_hint = false} : vector<2048x2048xbf16>, vector<2048x33xbf16>, vector<2048x33xf32> -> vector<2048x33xf32>
    %slice3A_352 = vector.extract_strided_slice %dot_general3A_351 {offsets = [0, 0], sizes = [2048, 32], strides = [1, 1]} : vector<2048x33xf32> to vector<2048x32xf32>
    %slice3A_353 = vector.extract_strided_slice %dot_general3A_351 {offsets = [0, 32], sizes = [2048, 1], strides = [1, 1]} : vector<2048x33xf32> to vector<2048x1xf32>
    %div3A_354 = vector.broadcast %slice3A_353 : vector<2048x1xf32> to vector<2048x32xf32>
    %div3A_355 = arith.divf %slice3A_352, %div3A_354 : vector<2048x32xf32>
    %get3A_356 = arith.constant 0 : index
    %get3A_357 = arith.constant 3 : index
    %get3A_358 = arith.constant 0 : index
    %get3A_359 = arith.constant 0 : index
    %get3A_360 = vector.load %arg13[%get3A_356, %get3A_357, %get3A_358, %get3A_359] : memref<1x4x128x32xf32, #tpu.memory_space<vmem>>, vector<1x1x128x32xf32>
    %get3A_361 = vector.shape_cast %get3A_360 : vector<1x1x128x32xf32> to vector<128x32xf32>
    %transpose3A_362 = tpu.transpose %get3A_361, [1, 0] : vector<128x32xf32> -> vector<32x128xf32>
    %dot_general3A_363 = arith.constant dense<0.000000e+00> : vector<2048x128xf32>
    %dot_general3A_364 = tpu.matmul %div3A_355, %transpose3A_362, %dot_general3A_363 {dimension_numbers = #tpu.dot_dimension_numbers<[1], [0], [0], [1], [0, 0, 1, 1], [], []>, transpose_lhs_hint = false} : vector<2048x32xf32>, vector<32x128xf32>, vector<2048x128xf32> -> vector<2048x128xf32>
    %add3A_365 = arith.addf %add3A_286, %dot_general3A_364 : vector<2048x128xf32>
    %add3A_366 = arith.addf %add3A_365, %get3A_3 : vector<2048x128xf32>
    %get3A_367 = arith.constant 0 : index
    %get3A_368 = arith.constant 0 : index
    %get3A_369 = arith.constant 0 : index
    %get3A_370 = vector.load %arg17[%get3A_367, %get3A_368, %get3A_369] : memref<1x1x128xf32, #tpu.memory_space<vmem>>, vector<1x1x128xf32>
    %get3A_371 = vector.shape_cast %get3A_370 : vector<1x1x128xf32> to vector<1x128xf32>
    %get3A_372 = arith.constant 0 : index
    %get3A_373 = arith.constant 0 : index
    %get3A_374 = arith.constant 0 : index
    %get3A_375 = vector.load %arg18[%get3A_372, %get3A_373, %get3A_374] : memref<1x1x128xf32, #tpu.memory_space<vmem>>, vector<1x1x128xf32>
    %get3A_376 = vector.shape_cast %get3A_375 : vector<1x1x128xf32> to vector<1x128xf32>
    %mul3A_377 = arith.constant 0.999994993 : f32
    %mul3A_378 = vector.broadcast %mul3A_377 : f32 to vector<1x128xf32>
    %mul3A_379 = arith.mulf %mul3A_378, %get3A_371 : vector<1x128xf32>
    %mul3A_380 = vector.broadcast %mul3A_379 : vector<1x128xf32> to vector<2048x128xf32>
    %mul3A_381 = arith.mulf %add3A_366, %mul3A_380 : vector<2048x128xf32>
    %add3A_382 = vector.broadcast %get3A_376 : vector<1x128xf32> to vector<2048x128xf32>
    %add3A_383 = arith.addf %mul3A_381, %add3A_382 : vector<2048x128xf32>
    %add3A_384 = arith.addf %add3A_46, %add3A_383 : vector<2048x128xf32>
    %get3A_385 = arith.constant 0 : index
    %get3A_386 = arith.constant 0 : index
    %get3A_387 = arith.constant 0 : index
    %get3A_388 = vector.load %arg19[%get3A_385, %get3A_386, %get3A_387] : memref<1x256x128xf32, #tpu.memory_space<vmem>>, vector<1x256x128xf32>
    %get3A_389 = vector.shape_cast %get3A_388 : vector<1x256x128xf32> to vector<256x128xf32>
    %transpose3A_390 = tpu.transpose %get3A_389, [1, 0] : vector<256x128xf32> -> vector<128x256xf32>
    %dot_general3A_391 = arith.constant dense<0.000000e+00> : vector<2048x256xf32>
    %dot_general3A_392 = tpu.matmul %add3A_384, %transpose3A_390, %dot_general3A_391 {dimension_numbers = #tpu.dot_dimension_numbers<[1], [0], [0], [1], [0, 0, 1, 1], [], []>, transpose_lhs_hint = false} : vector<2048x128xf32>, vector<128x256xf32>, vector<2048x256xf32> -> vector<2048x256xf32>
    %get3A_393 = arith.constant 0 : index
    %get3A_394 = arith.constant 0 : index
    %get3A_395 = arith.constant 0 : index
    %get3A_396 = vector.load %arg20[%get3A_393, %get3A_394, %get3A_395] : memref<1x1x256xf32, #tpu.memory_space<vmem>>, vector<1x1x256xf32>
    %get3A_397 = vector.shape_cast %get3A_396 : vector<1x1x256xf32> to vector<1x256xf32>
    %add3A_398 = vector.broadcast %get3A_397 : vector<1x256xf32> to vector<2048x256xf32>
    %add3A_399 = arith.addf %dot_general3A_392, %add3A_398 : vector<2048x256xf32>
    %max3A = arith.constant 0.000000e+00 : f32
    %max3A_400 = vector.broadcast %max3A : f32 to vector<2048x256xf32>
    %max3A_401 = arith.maximumf %add3A_399, %max3A_400 : vector<2048x256xf32>
    %get3A_402 = arith.constant 0 : index
    %get3A_403 = arith.constant 0 : index
    %get3A_404 = arith.constant 0 : index
    %get3A_405 = vector.load %arg21[%get3A_402, %get3A_403, %get3A_404] : memref<1x128x256xf32, #tpu.memory_space<vmem>>, vector<1x128x256xf32>
    %get3A_406 = vector.shape_cast %get3A_405 : vector<1x128x256xf32> to vector<128x256xf32>
    %transpose3A_407 = tpu.transpose %get3A_406, [1, 0] : vector<128x256xf32> -> vector<256x128xf32>
    %dot_general3A_408 = arith.constant dense<0.000000e+00> : vector<2048x128xf32>
    %dot_general3A_409 = tpu.matmul %max3A_401, %transpose3A_407, %dot_general3A_408 {dimension_numbers = #tpu.dot_dimension_numbers<[1], [0], [0], [1], [0, 0, 1, 1], [], []>, transpose_lhs_hint = false} : vector<2048x256xf32>, vector<256x128xf32>, vector<2048x128xf32> -> vector<2048x128xf32>
    %get3A_410 = arith.constant 0 : index
    %get3A_411 = arith.constant 0 : index
    %get3A_412 = arith.constant 0 : index
    %get3A_413 = vector.load %arg22[%get3A_410, %get3A_411, %get3A_412] : memref<1x1x128xf32, #tpu.memory_space<vmem>>, vector<1x1x128xf32>
    %get3A_414 = vector.shape_cast %get3A_413 : vector<1x1x128xf32> to vector<1x128xf32>
    %add3A_415 = vector.broadcast %get3A_414 : vector<1x128xf32> to vector<2048x128xf32>
    %add3A_416 = arith.addf %dot_general3A_409, %add3A_415 : vector<2048x128xf32>
    %add3A_417 = arith.addf %add3A_384, %add3A_416 : vector<2048x128xf32>
    %get3A_418 = arith.constant 0 : index
    %get3A_419 = arith.constant 0 : index
    %get3A_420 = arith.constant 0 : index
    %get3A_421 = vector.load %arg23[%get3A_418, %get3A_419, %get3A_420] : memref<1x1x128xf32, #tpu.memory_space<vmem>>, vector<1x1x128xf32>
    %get3A_422 = vector.shape_cast %get3A_421 : vector<1x1x128xf32> to vector<1x128xf32>
    %get3A_423 = arith.constant 0 : index
    %get3A_424 = arith.constant 0 : index
    %get3A_425 = arith.constant 0 : index
    %get3A_426 = vector.load %arg24[%get3A_423, %get3A_424, %get3A_425] : memref<1x1x128xf32, #tpu.memory_space<vmem>>, vector<1x1x128xf32>
    %get3A_427 = vector.shape_cast %get3A_426 : vector<1x1x128xf32> to vector<1x128xf32>
    %mul3A_428 = arith.constant 0.999994993 : f32
    %mul3A_429 = vector.broadcast %mul3A_428 : f32 to vector<1x128xf32>
    %mul3A_430 = arith.mulf %mul3A_429, %get3A_422 : vector<1x128xf32>
    %mul3A_431 = vector.broadcast %mul3A_430 : vector<1x128xf32> to vector<2048x128xf32>
    %mul3A_432 = arith.mulf %add3A_417, %mul3A_431 : vector<2048x128xf32>
    %add3A_433 = vector.broadcast %get3A_427 : vector<1x128xf32> to vector<2048x128xf32>
    %add3A_434 = arith.addf %mul3A_432, %add3A_433 : vector<2048x128xf32>
    %swap3A = arith.constant 0 : index
    %swap3A_435 = arith.constant 0 : index
    %swap3A_436 = vector.load %arg28[%swap3A, %swap3A_435] : memref<2048x128xf32, #tpu.memory_space<vmem>>, vector<2048x128xf32>
    tpu.vector_store %arg28[%swap3A, %swap3A_435], %add3A_434 {strides = array<i32>} : memref<2048x128xf32, #tpu.memory_space<vmem>>, vector<2048x128xf32>,
    %eq3A_437 = arith.constant 5 : i32
    %eq3A_438 = arith.cmpi eq, %arg0, %eq3A_437 : i32
    %convert_element_type3A_439 = arith.extui %eq3A_438 : i1 to i32
    %cond3A_440 = arith.constant 0 : i32
    %cond3A_441 = arith.cmpi ne, %convert_element_type3A_439, %cond3A_440 : i32
    scf.if %cond3A_441 {
      %reduce_sum3A = arith.constant dense<0.000000e+00> : vector<128xf32>
      %reduce_sum3A_442 = vector.multi_reduction <add>, %add3A_434, %reduce_sum3A [0] : vector<2048x128xf32> to vector<128xf32>
      %broadcast_in_dim3A_443 = vector.shape_cast %reduce_sum3A_442 : vector<128xf32> to vector<1x128xf32>
      %div3A_444 = arith.constant 2.048000e+03 : f32
      %div3A_445 = vector.broadcast %div3A_444 : f32 to vector<1x128xf32>
      %div3A_446 = arith.divf %broadcast_in_dim3A_443, %div3A_445 : vector<1x128xf32>
      %get3A_447 = arith.constant 0 : index
      %get3A_448 = arith.constant 0 : index
      %get3A_449 = vector.load %arg25[%get3A_447, %get3A_448] : memref<8x128xf32, #tpu.memory_space<vmem>>, vector<8x128xf32>
      %transpose3A_450 = tpu.transpose %get3A_449, [1, 0] : vector<8x128xf32> -> vector<128x8xf32>
      %dot_general3A_451 = arith.constant dense<0.000000e+00> : vector<1x8xf32>
      %dot_general3A_452 = tpu.matmul %div3A_446, %transpose3A_450, %dot_general3A_451 {dimension_numbers = #tpu.dot_dimension_numbers<[1], [0], [0], [1], [0, 0, 1, 1], [], []>, transpose_lhs_hint = false} : vector<1x128xf32>, vector<128x8xf32>, vector<1x8xf32> -> vector<1x8xf32>
      %get3A_453 = arith.constant 0 : index
      %get3A_454 = arith.constant 0 : index
      %get3A_455 = vector.load %arg26[%get3A_453, %get3A_454] : memref<1x8xf32, #tpu.memory_space<vmem>>, vector<1x8xf32>
      %add3A_456 = arith.addf %dot_general3A_452, %get3A_455 : vector<1x8xf32>
      %swap3A_457 = arith.constant 0 : index
      %swap3A_458 = arith.constant 0 : index
      %swap3A_459 = vector.load %arg27[%swap3A_457, %swap3A_458] : memref<1x8xf32, #tpu.memory_space<vmem>>, vector<1x8xf32>
      tpu.vector_store %arg27[%swap3A_457, %swap3A_458], %add3A_456 {strides = array<i32>} : memref<1x8xf32, #tpu.memory_space<vmem>>, vector<1x8xf32>,
    } else {
    }
    return
  }
  func.func @transform_0(%arg0: i32) -> (i32, i32) {
    %c0_i32 = arith.constant 0 : i32
    %c0_i32_0 = arith.constant 0 : i32
    %c0_i32_1 = arith.constant 0 : i32
    return %c0_i32, %c0_i32_0 : i32, i32
  }
  func.func @transform_1(%arg0: i32) -> (i32, i32) {
    %c0_i32 = arith.constant 0 : i32
    %c0_i32_0 = arith.constant 0 : i32
    %c0_i32_1 = arith.constant 0 : i32
    return %c0_i32, %c0_i32_0 : i32, i32
  }
  func.func @transform_2(%arg0: i32) -> (i32, i32) {
    %c0_i32 = arith.constant 0 : i32
    %c0_i32_0 = arith.constant 0 : i32
    %c0_i32_1 = arith.constant 0 : i32
    return %c0_i32, %c0_i32_0 : i32, i32
  }
  func.func @transform_3(%arg0: i32) -> (i32, i32) {
    %c0_i32 = arith.constant 0 : i32
    %c0_i32_0 = arith.constant 0 : i32
    %c0_i32_1 = arith.constant 0 : i32
    return %c0_i32, %c0_i32_0 : i32, i32
  }
  func.func @transform_4(%arg0: i32) -> (i32, i32, i32) {
    %c0_i32 = arith.constant 0 : i32
    %c0_i32_0 = arith.constant 0 : i32
    %c0_i32_1 = arith.constant 0 : i32
    return %arg0, %c0_i32, %c0_i32_0 : i32, i32, i32
  }
  func.func @transform_5(%arg0: i32) -> (i32, i32, i32) {
    %c0_i32 = arith.constant 0 : i32
    %c0_i32_0 = arith.constant 0 : i32
    %c0_i32_1 = arith.constant 0 : i32
    return %arg0, %c0_i32, %c0_i32_0 : i32, i32, i32
  }
  func.func @transform_6(%arg0: i32) -> (i32, i32, i32, i32) {
    %c0_i32 = arith.constant 0 : i32
    %c0_i32_0 = arith.constant 0 : i32
    %c0_i32_1 = arith.constant 0 : i32
    %c0_i32_2 = arith.constant 0 : i32
    return %arg0, %c0_i32, %c0_i32_0, %c0_i32_1 : i32, i32, i32, i32
  }
  func.func @transform_7(%arg0: i32) -> (i32, i32, i32, i32) {
    %c0_i32 = arith.constant 0 : i32
    %c0_i32_0 = arith.constant 0 : i32
    %c0_i32_1 = arith.constant 0 : i32
    %c0_i32_2 = arith.constant 0 : i32
    return %arg0, %c0_i32, %c0_i32_0, %c0_i32_1 : i32, i32, i32, i32
  }
  func.func @transform_8(%arg0: i32) -> (i32, i32, i32, i32) {
    %c0_i32 = arith.constant 0 : i32
    %c0_i32_0 = arith.constant 0 : i32
    %c0_i32_1 = arith.constant 0 : i32
    %c0_i32_2 = arith.constant 0 : i32
    return %arg0, %c0_i32, %c0_i32_0, %c0_i32_1 : i32, i32, i32, i32
  }
  func.func @transform_9(%arg0: i32) -> (i32, i32, i32, i32) {
    %c0_i32 = arith.constant 0 : i32
    %c0_i32_0 = arith.constant 0 : i32
    %c0_i32_1 = arith.constant 0 : i32
    %c0_i32_2 = arith.constant 0 : i32
    return %arg0, %c0_i32, %c0_i32_0, %c0_i32_1 : i32, i32, i32, i32
  }
  func.func @transform_10(%arg0: i32) -> (i32, i32, i32, i32) {
    %c0_i32 = arith.constant 0 : i32
    %c0_i32_0 = arith.constant 0 : i32
    %c0_i32_1 = arith.constant 0 : i32
    %c0_i32_2 = arith.constant 0 : i32
    return %arg0, %c0_i32, %c0_i32_0, %c0_i32_1 : i32, i32, i32, i32
  }
  func.func @transform_11(%arg0: i32) -> (i32, i32, i32, i32) {
    %c0_i32 = arith.constant 0 : i32
    %c0_i32_0 = arith.constant 0 : i32
    %c0_i32_1 = arith.constant 0 : i32
    %c0_i32_2 = arith.constant 0 : i32
    return %arg0, %c0_i32, %c0_i32_0, %c0_i32_1 : i32, i32, i32, i32
  }
  func.func @transform_12(%arg0: i32) -> (i32, i32, i32, i32) {
    %c0_i32 = arith.constant 0 : i32
    %c0_i32_0 = arith.constant 0 : i32
    %c0_i32_1 = arith.constant 0 : i32
    %c0_i32_2 = arith.constant 0 : i32
    return %arg0, %c0_i32, %c0_i32_0, %c0_i32_1 : i32, i32, i32, i32
  }
  func.func @transform_13(%arg0: i32) -> (i32, i32, i32) {
    %c0_i32 = arith.constant 0 : i32
    %c0_i32_0 = arith.constant 0 : i32
    %c0_i32_1 = arith.constant 0 : i32
    return %arg0, %c0_i32, %c0_i32_0 : i32, i32, i32
  }
  func.func @transform_14(%arg0: i32) -> (i32, i32, i32) {
    %c0_i32 = arith.constant 0 : i32
    %c0_i32_0 = arith.constant 0 : i32
    %c0_i32_1 = arith.constant 0 : i32
    return %arg0, %c0_i32, %c0_i32_0 : i32, i32, i32
  }
  func.func @transform_15(%arg0: i32) -> (i32, i32, i32) {
    %c0_i32 = arith.constant 0 : i32
    %c0_i32_0 = arith.constant 0 : i32
    %c0_i32_1 = arith.constant 0 : i32
    return %arg0, %c0_i32, %c0_i32_0 : i32, i32, i32
  }
  func.func @transform_16(%arg0: i32) -> (i32, i32, i32) {
    %c0_i32 = arith.constant 0 : i32
    %c0_i32_0 = arith.constant 0 : i32
    %c0_i32_1 = arith.constant 0 : i32
    return %arg0, %c0_i32, %c0_i32_0 : i32, i32, i32
  }
  func.func @transform_17(%arg0: i32) -> (i32, i32, i32) {
    %c0_i32 = arith.constant 0 : i32
    %c0_i32_0 = arith.constant 0 : i32
    %c0_i32_1 = arith.constant 0 : i32
    return %arg0, %c0_i32, %c0_i32_0 : i32, i32, i32
  }
  func.func @transform_18(%arg0: i32) -> (i32, i32, i32) {
    %c0_i32 = arith.constant 0 : i32
    %c0_i32_0 = arith.constant 0 : i32
    %c0_i32_1 = arith.constant 0 : i32
    return %arg0, %c0_i32, %c0_i32_0 : i32, i32, i32
  }
  func.func @transform_19(%arg0: i32) -> (i32, i32, i32) {
    %c0_i32 = arith.constant 0 : i32
    %c0_i32_0 = arith.constant 0 : i32
    %c0_i32_1 = arith.constant 0 : i32
    return %arg0, %c0_i32, %c0_i32_0 : i32, i32, i32
  }
  func.func @transform_20(%arg0: i32) -> (i32, i32, i32) {
    %c0_i32 = arith.constant 0 : i32
    %c0_i32_0 = arith.constant 0 : i32
    %c0_i32_1 = arith.constant 0 : i32
    return %arg0, %c0_i32, %c0_i32_0 : i32, i32, i32
  }
  func.func @transform_21(%arg0: i32) -> (i32, i32, i32) {
    %c0_i32 = arith.constant 0 : i32
    %c0_i32_0 = arith.constant 0 : i32
    %c0_i32_1 = arith.constant 0 : i32
    return %arg0, %c0_i32, %c0_i32_0 : i32, i32, i32
  }
  func.func @transform_22(%arg0: i32) -> (i32, i32, i32) {
    %c0_i32 = arith.constant 0 : i32
    %c0_i32_0 = arith.constant 0 : i32
    %c0_i32_1 = arith.constant 0 : i32
    return %arg0, %c0_i32, %c0_i32_0 : i32, i32, i32
  }
  func.func @transform_23(%arg0: i32) -> (i32, i32, i32) {
    %c0_i32 = arith.constant 0 : i32
    %c0_i32_0 = arith.constant 0 : i32
    %c0_i32_1 = arith.constant 0 : i32
    return %arg0, %c0_i32, %c0_i32_0 : i32, i32, i32
  }
  func.func @transform_24(%arg0: i32) -> (i32, i32) {
    %c0_i32 = arith.constant 0 : i32
    %c0_i32_0 = arith.constant 0 : i32
    %c0_i32_1 = arith.constant 0 : i32
    return %c0_i32, %c0_i32_0 : i32, i32
  }
  func.func @transform_25(%arg0: i32) -> (i32, i32) {
    %c0_i32 = arith.constant 0 : i32
    %c0_i32_0 = arith.constant 0 : i32
    %c0_i32_1 = arith.constant 0 : i32
    return %c0_i32, %c0_i32_0 : i32, i32
  }
  func.func @transform_26(%arg0: i32) -> (i32, i32) {
    %c0_i32 = arith.constant 0 : i32
    %c0_i32_0 = arith.constant 0 : i32
    %c0_i32_1 = arith.constant 0 : i32
    return %c0_i32, %c0_i32_0 : i32, i32
  }
}

</mosaic_0001>

<sc_bundles>
// kernel: kernel.4.cloned.1.call-start
scs
__scs_entry_jumppad:
0x0: {  	(pc) =	sbr.rel $0x88, $3  }
0x1: {  	(tag) =	ssettag $0x0;
	lr =	simm.s32 $0x1  }
0x2: {  	[smem:$0x3F8B] =	sst lr;
	_ =	strace $0xD0000000  }
0x3: {  	_ = 	snop  }
0x4: {  	_ = 	snop  }
0x5: {  	_ = 	snop  }
0x6: {  	_ = 	snop  }
0x7: {  	_ = 	snop  }
__scs_overlays_trampoline_lowered:
0x8: {  	[smem:$0x3F9A] =	sst s0  }
0x9: {  	[smem:$0x3F9B] =	sst s1  }
0xa: {  	[smem:$0x3F9C] =	sst s2  }
0xb: {  	[smem:$0x3F9D] =	sst s3  }
0xc: {  	[smem:$0x3F9E] =	sst s4  }
0xd: {  	[smem:$0x3F9F] =	sst s5  }
0xe: {  	[smem:$0x3FA0] =	sst s6  }
0xf: {  	[smem:$0x3FA1] =	sst s7  }
0x10: {  	[smem:$0x3FA2] =	sst s8  }
0x11: {  	[smem:$0x3FA3] =	sst s9;
	s0 =	simm.s32 @!p0 $0x0  }
0x12: {  	s1 =	sld [smem:$0x3F89];
	s0 =	simm.s32 @p0 $0x1  }
0x13: {  	[smem:$0x3FA4] =	sst s0;
	s0 =	simm.s32 @!p1 $0x0  }
0x14: {  	s2 =	sld [smem:$0x3F88];
	s0 =	simm.s32 @p1 $0x1  }
0x15: {  	[smem:$0x3FA5] =	sst s0;
	s0 =	simm.s32 @!p2 $0x0  }
0x16: {  	s3 =	sld [smem:$0x3FDB];
	s0 =	simm.s32 @p2 $0x1  }
0x17: {  	s4 =	simm.s32 $0x1BF5;
	[smem:$0x3FA7] =	sst s0  }
0x18: {  	s0 =	sld [smem:$0x3F8A];
	_ =	swait.ge [sflag:s4], $0x0  }
0x19: {  	s7 =	sld [smem:$0x3F8B]  }
0x1a: {  	s8 =	sadd.s32 $0xFFFFE003, lr  }
0x1b: {  	s9 =	sadd.s32 $0xFFFFFEF7, lr;
	s5 =	simm.s32 $0xFFFFFFFF;
	p2 =	slt.u32 s8, $0xFFFFF086  }
0x1c: {  	p1 =	slt.u32 s9, $0xF7A;
	s5 =	simm.s32 @!p2 $0x0  }
0x1d: {  	s5 =	simm.s32 @p1 $0x1;
	p0 =	seq.s32 s7, s2  }
0x1e: {  	s7 =	smul.u32 @!p0 $0xF7A, s2;
	p2 =	seq.s32 @!p0 s5, $0x0  }
0x1f: {  	s9 =	smul.u32 $0xF7A, s1;
	s8 =	simm.s32 @!p0 $0x1BF5;
	p2 =	por !p2, p0  }
0x20: {  	[sflag:s8] =	ssyncset.s32 @!p0 $0xFFFFF086;
	s6 =	sadd.s32 @!p0 s3, s7;
	s7 =	simm.s32 @!p0 $0x108  }
0x21: {  	s3 =	sadd.s32 s3, s9;
	s6 =	sadd.s32 @!p0 $0x88, s6;
	s7 =	simm.s32 @p2 $0x1082  }
0x22: {  	[simem:s7], [sflag:s8] =	dma.local @!p0 [hbm:s6], $0xF7A  }
0x23: {  	s9 =	sor.u32 $0xD0000000, s2;
	s6 =	simm.s32 $0x108;
	_ =	swait.ge @!p0 [sflag:s8], $0x0  }
0x24: {  	s3 =	sadd.s32 $0x88, s3;
	s6 =	simm.s32 @!p1 $0x1082;
	[sflag:s4] =	ssyncset.s32 $0xFFFFF086  }
0x25: {  	[simem:s6], [sflag:s4] =	dma.local [hbm:s3], $0xF7A  }
0x26: {  	[smem:$0x3F8B] =	sst s1;
	(tag) =	ssettag s2;
	_ =	strace s9  }
0x27: {  	s1 =	sld [smem:$0x3F9B]  }
0x28: {  	s2 =	sld [smem:$0x3F9C]  }
0x29: {  	s4 =	sld [smem:$0x3F9E]  }
0x2a: {  	p0 =	seq.s32 s5, $0x0;
	s5 =	sld [smem:$0x3F9F]  }
0x2b: {  	s6 =	sld [smem:$0x3FA0]  }
0x2c: {  	s7 =	sld [smem:$0x3FA1]  }
0x2d: {  	s3 =	simm.s32 $0x108;
	s8 =	sld [smem:$0x3FA2]  }
0x2e: {  	s3 =	simm.s32 @!p0 $0x1082;
	s9 =	sld [smem:$0x3FA3]  }
0x2f: {  	lr =	sadd.s32 s0, s3;
	s0 =	sld [smem:$0x3F9A]  }
0x30: {  	s3 =	sld [smem:$0x3F9D]  }
0x31: {  	[smem:$0x3FA6] =	sst s10  }
0x32: {  	s10 =	sld [smem:$0x3FA4];
	_ =	sdelay $0x3  }
0x33: {  	p0 =	seq.s32 s10, $0x1;
	s10 =	sld [smem:$0x3FA6];
	_ =	sdelay $0x3  }
0x34: {  	[smem:$0x3FA6] =	sst s10  }
0x35: {  	s10 =	sld [smem:$0x3FA5];
	_ =	sdelay $0x3  }
0x36: {  	p1 =	seq.s32 s10, $0x1;
	s10 =	sld [smem:$0x3FA6];
	_ =	sdelay $0x3  }
0x37: {  	[smem:$0x3FA6] =	sst s10  }
0x38: {  	s10 =	sld [smem:$0x3FA7]  }
0x39: {  	_ = 	snop;
	(pc) =	sbr.ind lr, $3  }
0x3a: {  	_ = 	snop  }
0x3b: {  	_ = 	snop  }
0x3c: {  	p2 =	seq.s32 s10, $0x1;
	s10 =	sld [smem:$0x3FA6]  }
0x3d: {  	_ =	shalt  }
0x3e: {  	_ =	shalt  }
0x3f: {  	_ =	shalt  }
0x40: {  	_ =	shalt  }
0x41: {  	_ =	shalt  }
0x42: {  	_ =	shalt  }
0x43: {  	_ =	shalt  }
0x44: {  	_ =	shalt  }
0x45: {  	_ =	shalt  }
0x46: {  	_ =	shalt  }
0x47: {  	_ =	shalt  }
0x48: {  	_ =	shalt  }
0x49: {  	_ =	shalt  }
0x4a: {  	_ =	shalt  }
0x4b: {  	_ =	shalt  }
0x4c: {  	_ =	shalt  }
0x4d: {  	_ =	shalt  }
0x4e: {  	_ =	shalt  }
0x4f: {  	_ =	shalt  }
0x50: {  	_ =	shalt  }
0x51: {  	_ =	shalt  }
0x52: {  	_ =	shalt  }
0x53: {  	_ =	shalt  }
0x54: {  	_ =	shalt  }
0x55: {  	_ =	shalt  }
0x56: {  	_ =	shalt  }
0x57: {  	_ =	shalt  }
0x58: {  	_ =	shalt  }
0x59: {  	_ =	shalt  }
0x5a: {  	_ =	shalt  }
0x5b: {  	_ =	shalt  }
0x5c: {  	_ =	shalt  }
0x5d: {  	_ =	shalt  }
0x5e: {  	_ =	shalt  }
0x5f: {  	_ =	shalt  }
0x60: {  	_ =	shalt  }
0x61: {  	_ =	shalt  }
0x62: {  	_ =	shalt  }
0x63: {  	_ =	shalt  }
0x64: {  	_ =	shalt  }
0x65: {  	_ =	shalt  }
0x66: {  	_ =	shalt  }
0x67: {  	_ =	shalt  }
0x68: {  	_ =	shalt  }
0x69: {  	_ =	shalt  }
0x6a: {  	_ =	shalt  }
0x6b: {  	_ =	shalt  }
0x6c: {  	_ =	shalt  }
0x6d: {  	_ =	shalt  }
0x6e: {  	_ =	shalt  }
0x6f: {  	_ =	shalt  }
0x70: {  	_ =	shalt  }
0x71: {  	_ =	shalt  }
0x72: {  	_ =	shalt  }
0x73: {  	_ =	shalt  }
0x74: {  	_ =	shalt  }
0x75: {  	_ =	shalt  }
0x76: {  	_ =	shalt  }
0x77: {  	_ =	shalt  }
0x78: {  	_ =	shalt  }
0x79: {  	_ =	shalt  }
0x7a: {  	_ =	shalt  }
0x7b: {  	_ =	shalt  }
0x7c: {  	_ =	shalt  }
0x7d: {  	_ =	shalt  }
0x7e: {  	_ =	shalt  }
0x7f: {  	_ =	shalt  }
0x80: {  	_ =	shalt  }
0x81: {  	_ =	shalt  }
0x82: {  	_ =	shalt  }
0x83: {  	_ =	shalt  }
0x84: {  	_ =	shalt  }
0x85: {  	_ =	shalt  }
0x86: {  	_ =	shalt  }
0x87: {  	_ =	shalt  }
.Lfunc_end0:
.L_simem_size_0:
called_computation_lowered:
.L_overlay_start_0:
0x88: {  	s2 =	sld [smem:$0x3FD9]  }
0x89: {  	s3 =	sld [smem:$0x3FFE];
	_ =	sdelay $0x1  }
0x8a: {  	s1 =	srdreg.scid  }
0x8b: {  	s0 =	sand.u32 $0x1, s1  }
0x8c: {  	s16 =	sshll.u32 s0, $0xA;
	s2 =	sadd.s32 s3, s2  }
0x8d: {  	s2 =	sadd.s32 s2, s16  }
0x8e: {  	[smem:$0x3FB2] =	sst s2  }
0x8f: {  	_ = 	snop  }
0x90: {  	(tm) =	ssettm $0x1  }
0x91: {  	s17 =	sld [smem:$0x3FFB];
	_ =	sdelay $0x3  }
0x92: {  	_ =	strace s17  }
0x93: {  	s2 =	sld [smem:$0x3FFC];
	_ =	sdelay $0x3  }
0x94: {  	_ =	strace s2  }
0x95: {  	s2 =	sld [smem:$0x3FFD];
	_ =	sdelay $0x3  }
0x96: {  	_ =	strace s2  }
0x97: {  	_ =	strace $0x8FFFFFFF  }
0x98: {  	s18 =	sld [smem:$0x3FDB];
	_ =	sdelay $0x1  }
0x99: {  	s19 =	simm.s32 $_scs_section_size  }
0x9a: {  	s4 =	simm.s32 $_size__tile_overlayer_lowered;
	s5 =	simm.s32 $_tile_overlayer_lowered  }
0x9b: {  	s22 =	simm.s32 $0x1BFF;
	s21 =	sshll.u32 s5, $0x1;
	s2 =	sadd.s32 s19, s18  }
0x9c: {  	s6 =	simm.s32 $0x0;
	s20 =	sshll.u32 s4, $0x1;
	s4 =	sadd.s32 s21, s2  }
0x9d: {  	[timem:s6], [sflag:s22] =	dma.local [hbm:s4], s20  }
0x9e: {  	_ =	swait.ge [sflag:s22], s20  }
0x9f: {  	s3 =	ssub.s32 $0x0, s20;
	[sflag:s22] =	ssyncset.done $0x0  }
0xa0: {  	[sflag:s22] =	ssyncadd.s32 s3;
	_ =	sdelay $0x1  }
0xa1: {  	s23 =	simm.s32 $0x1B8B  }
0xa2: {  	_ =	swait.ge [sflag:s23], $0x1  }
0xa3: {  	[sflag:s23] =	ssyncset.done $0x0  }
0xa4: {  	s25 =	simm.s32 $0x1B8E;
	s24 =	sld [smem:$0x3FFE];
	[sflag:s23] =	ssyncadd.s32 $0xFFFFFFFF  }
0xa5: {  	s26 =	simm.s32 $execute0_lowered;
	[smem:$0x3FD2] =	sst s25  }
0xa6: {  	s4 =	sshll.u32 s26, $0x1;
	_ =	strace $0x80000046;
	[dreg:$0x1] =	wrdreg $0xFFFFFFFF  }
0xa7: {  	s28 =	simm.s32 $_size_execute0_lowered;
	s2 =	sadd.s32 s2, s4;
	[dreg:$0x0] =	wrdreg $0x0  }
0xa8: {  	s4 =	sshll.u32 s28, $0x1;
	[dreg:$0x2] =	wrdreg s2  }
0xa9: {  	[dreg:$0x3] =	wrdreg s4  }
0xaa: {  	[dreg:$0x4] =	wrdreg $0xC0  }
0xab: {  	_ =	task [dreg:s6], $0x5FFFF  }
0xac: {  	[dreg:$0x1] =	wrdreg $0xFFFFFFFF  }
0xad: {  	[dreg:$0x0] =	wrdreg $0x60  }
0xae: {  	[dreg:$0x2] =	wrdreg s24  }
0xaf: {  	[dreg:$0x3] =	wrdreg $0x46800  }
0xb0: {  	[dreg:$0x4] =	wrdreg $0x9  }
0xb1: {  	_ =	task.clear_ibuf [dreg:s6], $0x5FFFF;
	_ =	strace $0x90000046  }
0xb2: {  	s29 =	simm.s32 $0x9;
	_ =	strace $0x80000048  }
0xb3: {  	_ =	swait.ge [sflag:s29], $0x1  }
0xb4: {  	[sflag:s29] =	ssyncadd.s32 $0xFFFFFFFF  }
0xb5: {  	_ =	strace $0x90000048  }
0xb6: {  	_ =	sfence  }
0xb7: {  	s30 =	sld [smem:$0x0];
	_ =	sdelay $0x2  }
0xb8: {  	s31 =	sshll.u32 s1, $0xD;
	s1 =	sshrl.u32 s1, $0x2  }
0xb9: {  	s3 =	sand.u32 $0x4000, s31;
	s1 =	sadd.s32 s1, s30  }
0xba: {  	s0 =	sor.u32 s3, s0;
	s1 =	sshll.u32 s1, $0x11  }
0xbb: {  	s0 =	sor.u32 s1, s0  }
0xbc: {  	s0 =	sadd.s32 $0x8F2B, s0  }
0xbd: {  	[sflag:s0] =	ssyncadd.remote.s32 $0x1  }
0xbe: {  	_ =	sfence.sel $0xFFFF  }
0xbf: {  	[dreg:$0x0] =	wrdreg $0xFFFFFFFF;
	(pc) =	sbr.abs _section_cstart, $3  }
0xc0: {  	[dreg:$0x1] =	wrdreg $0xFFFFFFFF  }
0xc1: {  	_ =	task.clear_ibuf [dreg:s6], $0x2FFFF;
	_ =	strace $0x9FFFFFFF  }
0xc2: {  	(tm) =	ssettm $0x7FFFFFFF  }
0xc3: {  	_ =	shalt  }
tec
execute0_lowered:
.L_overlay_start_1:
0x0: {  	(tag) =	ssettag $0x1  }
0x1: {  	s0 =	rddreg [dreg:$0x0]  }
0x2: {  	s1 =	rddreg [dreg:$0x1];
	s2 =	simm.s32 $0x0  }
0x3: {  	s3 =	srdreg.scid;
	s14 =	stileid.u32;
	s28 =	simm.s32 $0x4180  }
0x4: {  	s29 =	simm.s32 $0x4380;
	s30 =	simm.s32 $0x80;
	s31 =	simm.s32 $0x4400  }
0x5: {  	s23 =	simm.s32 $0x0;
	[smem:$0x7FF] =	sst s2;
	s11 =	sadd.s32 $0x2C00, s0  }
0x6: {  	s3 =	sand.u32 $0x1, s3;
	s12 =	sadd.s32 $0x2800, s0;
	s0 =	sadd.s32 $0x3000, s0  }
0x7: {  	s4 =	sshll.u32 s14, $0x6;
	s17 =	sshll.u32 s14, $0x10;
	_ =	strace $0x80000047  }
0x8: {  	s5 =	ssub.s32 $0x2, s3;
	s8 =	sor.u32 $0x10, s4;
	s10 =	sor.u32 $0x20, s4  }
0x9: {  	s13 =	sor.u32 $0x30, s4;
	s20 =	sshll.u32 s3, $0xA;
	s16 =	sshll.u32 s3, $0x15  }
0xa: {  	s3 =	sshllo.u32 s3, $0x1;
	s6 =	sshrl.u32 s5, $0x1;
	s7 =	sadd.s32 s11, s8  }
0xb: {  	s8 =	sadd.s32 s12, s8;
	s9 =	sadd.s32 s11, s10;
	s10 =	sadd.s32 s12, s10  }
0xc: {  	s18 =	sor.u32 s17, s16;
	s21 =	sshll.u32 s3, $0x14;
	s22 =	sshll.u32 s3, $0x9  }
0xd: {  	v0 =	vmov s20;
	s3 =	simm.s32 $0x4480;
	s20 =	simm.s32 $0x4500;
	s19 =	ssub.s32 s5, s6  }
0xe: {  	s5 =	sadd.s32 s11, s4;
	s6 =	sadd.s32 s12, s4;
	s11 =	sadd.s32 s11, s13  }
0xf: {  	s12 =	sadd.s32 s12, s13;
	s13 =	sadd.s32 s17, s1;
	s18 =	sshrl.u32 s18, $0x3  }
0x10: {  	s21 =	sor.u32 s17, s21;
	v1 =	vmov s22;
	s22 =	simm.s32 $0x4580;
	s14 =	sadd.s32 $0x4000, s13  }
0x11: {  	s15 =	sadd.s32 $0x8000, s13;
	s16 =	sadd.s32 $0xC000, s13;
	s17 =	sadd.s32 s0, s18  }
0x12: {  	s26 =	sshrl.u32 s21, $0x3;
	s19 =	smax.u32 s19, $0x1;
	s21 =	simm.s32 $0x1  }
0x13: {  	v2 =	vimm.f32 $1.000000000e+00;
	v3 =	vimm.f32 $0.0e+00;
	s18 =	sadd.s32 s0, s26;
	s26 =	simm.s32 $0x4300;
	s0 =	simm.s32 $0x4600  }
.LBB2_1:
0x14: {  	[tilespmem:$0x4600] =	vst v2  }
0x15: {  	[tilespmem:$0x4610] =	vst v2  }
0x16: {  	[tilespmem:$0x4620] =	vst v2  }
0x17: {  	[tilespmem:$0x4630] =	vst v2  }
0x18: {  	[tilespmem:$0x4640] =	vst v2  }
0x19: {  	[tilespmem:$0x4650] =	vst v2  }
0x1a: {  	[tilespmem:$0x4660] =	vst v2  }
0x1b: {  	[tilespmem:$0x4670] =	vst v2;
	s24 =	simm.s32 $0x40;
	s25 =	simm.s32 $0x0  }
.LBB2_2:
0x1c: {  	p0 =	sne.s32 s24, $0xFFC0;
	[tilespmem:s25+$0x0] =	vst v3;
	s25 =	smov.u32 s24;
	s24 =	sadd.s32 $0x40, s24  }
.Ltmp0:
0x1d: {  	(pc) =	sbr.rel @p0 .LBB2_2-.Ltmp0, $2  }
0x1e: {  	_ =	sdelay $0x2  }
0x1f: {  	s25 =	sshra.s32 s25, $0x2  }
0x20: {  	[tilespmem:s25+$0x0] =	vst v3;
	s24 =	simm.s32 $0x4000  }
0x21: {  	[tilespmem:s24], [sflag:$0x1] =	stream.linear.gather [hbm4b:s5+s2], $0x80, $0x38;
	[tilespmem:$0x14688] =	vst v63  }
0x22: {  	_ =	swait.ge [sflag:s21], $0x80  }
0x23: {  	[sflag:s21] =	ssyncset.done $0x0  }
0x24: {  	s25 =	simm.s32 $0x4200;
	[sflag:s21] =	ssyncadd.s32 $0xFFFFFF80  }
0x25: {  	[tilespmem:s25], [sflag:$0x1] =	stream.linear.gather [hbm4b:s6+s2], $0x80, $0x38;
	[tilespmem:$0x14688] =	vst v63  }
0x26: {  	_ =	swait.ge [sflag:s21], $0x80  }
0x27: {  	[sflag:s21] =	ssyncset.done $0x0  }
0x28: {  	s25 =	simm.s32 $0x4080;
	[sflag:s21] =	ssyncadd.s32 $0xFFFFFF80  }
0x29: {  	[tilespmem:s25], [sflag:$0x1] =	stream.linear.gather [hbm4b:s7+s2], $0x80, $0x38;
	[tilespmem:$0x14688] =	vst v63  }
0x2a: {  	_ =	swait.ge [sflag:s21], $0x80  }
0x2b: {  	[sflag:s21] =	ssyncset.done $0x0  }
0x2c: {  	s25 =	simm.s32 $0x4280;
	[sflag:s21] =	ssyncadd.s32 $0xFFFFFF80  }
0x2d: {  	[tilespmem:s25], [sflag:$0x1] =	stream.linear.gather [hbm4b:s8+s2], $0x80, $0x38;
	[tilespmem:$0x14688] =	vst v63  }
0x2e: {  	_ =	swait.ge [sflag:s21], $0x80  }
0x2f: {  	[sflag:s21] =	ssyncset.done $0x0  }
0x30: {  	s25 =	simm.s32 $0x4100;
	[sflag:s21] =	ssyncadd.s32 $0xFFFFFF80  }
0x31: {  	[tilespmem:s25], [sflag:$0x1] =	stream.linear.gather [hbm4b:s9+s2], $0x80, $0x38;
	[tilespmem:$0x14688] =	vst v63  }
0x32: {  	_ =	swait.ge [sflag:s21], $0x80  }
0x33: {  	[sflag:s21] =	ssyncset.done $0x0  }
0x34: {  	[sflag:s21] =	ssyncadd.s32 $0xFFFFFF80  }
0x35: {  	[tilespmem:s26], [sflag:$0x1] =	stream.linear.gather [hbm4b:s10+s2], $0x80, $0x38;
	[tilespmem:$0x14688] =	vst v63  }
0x36: {  	_ =	swait.ge [sflag:s21], $0x80  }
0x37: {  	[sflag:s21] =	ssyncset.done $0x0  }
0x38: {  	[sflag:s21] =	ssyncadd.s32 $0xFFFFFF80  }
0x39: {  	[tilespmem:s28], [sflag:$0x1] =	stream.linear.gather [hbm4b:s11+s2], $0x80, $0x38;
	[tilespmem:$0x14688] =	vst v63  }
0x3a: {  	_ =	swait.ge [sflag:s21], $0x80  }
0x3b: {  	[sflag:s21] =	ssyncset.done $0x0  }
0x3c: {  	[sflag:s21] =	ssyncadd.s32 $0xFFFFFF80  }
0x3d: {  	[tilespmem:s29], [sflag:$0x1] =	stream.linear.gather [hbm4b:s12+s2], $0x80, $0x38;
	[tilespmem:$0x14688] =	vst v63  }
0x3e: {  	_ =	swait.ge [sflag:s21], $0x80  }
0x3f: {  	[sflag:s21] =	ssyncset.done $0x0  }
0x40: {  	[sflag:s21] =	ssyncadd.s32 $0xFFFFFF80  }
0x41: {  	[spmem:s13] =	stream.linear.scatter [tilespmem:s2], [sflag:$0x1], $0x4000, $0x38;
	[tilespmem:$0x14688] =	vst v63  }
0x42: {  	_ =	swait.ge [sflag:s21], $0x4000  }
0x43: {  	[sflag:s21] =	ssyncset.done $0x0  }
0x44: {  	[sflag:s21] =	ssyncadd.s32 $0xFFFFC000  }
0x45: {  	[spmem:s14] =	stream.linear.scatter [tilespmem:s2], [sflag:$0x1], $0x4000, $0x38;
	[tilespmem:$0x14688] =	vst v63  }
0x46: {  	_ =	swait.ge [sflag:s21], $0x4000  }
0x47: {  	[sflag:s21] =	ssyncset.done $0x0  }
0x48: {  	[sflag:s21] =	ssyncadd.s32 $0xFFFFC000  }
0x49: {  	[spmem:s15] =	stream.linear.scatter [tilespmem:s2], [sflag:$0x1], $0x4000, $0x38;
	[tilespmem:$0x14688] =	vst v63  }
0x4a: {  	_ =	swait.ge [sflag:s21], $0x4000  }
0x4b: {  	[sflag:s21] =	ssyncset.done $0x0  }
0x4c: {  	[sflag:s21] =	ssyncadd.s32 $0xFFFFC000  }
0x4d: {  	[spmem:s16] =	stream.linear.scatter [tilespmem:s2], [sflag:$0x1], $0x4000, $0x38;
	[tilespmem:$0x14688] =	vst v63  }
0x4e: {  	_ =	swait.ge [sflag:s21], $0x4000  }
0x4f: {  	[sflag:s21] =	ssyncset.done $0x0  }
0x50: {  	[sflag:s21] =	ssyncadd.s32 $0xFFFFC000  }
0x51: {  	[bflag:$0x0] =	sbarrier.arrive $0xFFFF  }
0x52: {  	v4 =	vld [tilespmem:$0x4000]  }
0x53: {  	v5 =	vld [tilespmem:$0x4200]  }
0x54: {  	v6 =	vld [tilespmem:$0x4010]  }
0x55: {  	v7 =	vld [tilespmem:$0x4210]  }
0x56: {  	v8 =	vld [tilespmem:$0x4020]  }
0x57: {  	v9 =	vld [tilespmem:$0x4220]  }
0x58: {  	v11 =	vld [tilespmem:$0x4230]  }
0x59: {  	v13 =	vld [tilespmem:$0x4240]  }
0x5a: {  	v15 =	vld [tilespmem:$0x4250]  }
0x5b: {  	v17 =	vld [tilespmem:$0x4260]  }
0x5c: {  	v19 =	vld [tilespmem:$0x4270]  }
0x5d: {  	v53 =	vld [tilespmem:$0x4280]  }
0x5e: {  	v22 =	vld [tilespmem:$0x4290]  }
0x5f: {  	v23 =	vld [tilespmem:$0x42A0]  }
0x60: {  	v32 =	vld [tilespmem:$0x42C0]  }
0x61: {  	v26 =	vld [tilespmem:$0x42E0]  }
0x62: {  	v10 =	vld [tilespmem:$0x4030];
	v5 =	vsub.s32 v5, v0;
	v7 =	vsub.s32 v7, v0;
	v54 =	vsub.s32 v9, v0  }
0x63: {  	v12 =	vld [tilespmem:$0x4040];
	v57 =	vsub.s32 v11, v0;
	v13 =	vsub.s32 v13, v0;
	v62 =	vsub.s32 v15, v0  }
0x64: {  	v14 =	vld [tilespmem:$0x4050];
	v31 =	vsub.s32 v17, v0;
	v19 =	vsub.s32 v19, v0;
	v36 =	vsub.s32 v53, v0  }
0x65: {  	v16 =	vld [tilespmem:$0x4060];
	v39 =	vsub.s32 v22, v0;
	v23 =	vsub.s32 v23, v0;
	v45 =	vsub.s32 v32, v0  }
0x66: {  	v18 =	vld [tilespmem:$0x4070];
	v52 =	vsub.s32 v26, v0;
	v20 =	vshll.u32 v5, $0xB;
	vm0 =	vlt.u32 v5, $0x200  }
0x67: {  	v63 =	vld [tilespmem:$0x42B0];
	v5 =	vshll.u32 v7, $0xB;
	vm1 =	vlt.u32 v7, $0x200;
	v9 =	vshll.u32 v54, $0xB  }
0x68: {  	v27 =	vld [tilespmem:$0x42F0];
	vm14 =	vlt.u32 v54, $0x200;
	v11 =	vshll.u32 v57, $0xB;
	vm15 =	vlt.u32 v57, $0x200  }
0x69: {  	v46 =	vld [tilespmem:$0x4310];
	v60 =	vshll.u32 v13, $0xB;
	vm4 =	vlt.u32 v13, $0x200;
	v15 =	vshll.u32 v62, $0xB  }
0x6a: {  	v21 =	vld [tilespmem:$0x4080];
	vm5 =	vlt.u32 v62, $0x200;
	v17 =	vshll.u32 v31, $0xB;
	vm6 =	vlt.u32 v31, $0x200  }
0x6b: {  	v55 =	vld [tilespmem:$0x4090];
	v34 =	vshll.u32 v19, $0xB;
	vm7 =	vlt.u32 v19, $0x200;
	vm8 =	vlt.u32 v36, $0x200  }
0x6c: {  	v58 =	vld [tilespmem:$0x40A0];
	v22 =	vshll.u32 v39, $0xB;
	vm9 =	vlt.u32 v39, $0x200;
	v41 =	vshll.u32 v23, $0xB  }
0x6d: {  	v24 =	vld [tilespmem:$0x40C0];
	vm10 =	vlt.u32 v23, $0x200;
	v13 =	vsub.s32 v63, v0;
	v47 =	vshll.u32 v45, $0xB  }
0x6e: {  	v35 =	vld [tilespmem:$0x42D0];
	vm12 =	vlt.u32 v45, $0x200;
	v57 =	vsub.s32 v27, v0;
	v63 =	vsub.s32 v46, v0  }
0x6f: {  	v61 =	vld [tilespmem:$0x40B0];
	v4 =	vadd.s32 v4, v20;
	v5 =	vadd.s32 v6, v5;
	v56 =	vadd.s32 v8, v9  }
0x70: {  	v25 =	vld [tilespmem:$0x40D0];
	v59 =	vadd.s32 v10, v11;
	v10 =	vadd.s32 v12, v60;
	v30 =	vadd.s32 v14, v15  }
0x71: {  	v37 =	vld [tilespmem:$0x40E0];
	v33 =	vadd.s32 v16, v17;
	v16 =	vadd.s32 v18, v34;
	v20 =	vshll.u32 v36, $0xB  }
0x72: {  	v40 =	vld [tilespmem:$0x40F0];
	v7 =	vadd.s32 v55, v22;
	v9 =	vadd.s32 v58, v41;
	v44 =	vshll.u32 v13, $0xB  }
0x73: {  	v42 =	vld [tilespmem:$0x4100];
	vm11 =	vlt.u32 v13, $0x200;
	v17 =	vsub.s32 v35, v0;
	v48 =	vadd.s32 v24, v47  }
0x74: {  	v43 =	vld [tilespmem:$0x4300];
	v55 =	vshll.u32 v52, $0xB;
	v4 =	vnsel vm0, $0x100000, v4;
	v5 =	vnsel vm1, $0x100000, v5  }
0x75: {  	v28 =	vld [tilespmem:$0x4110];
	v6 =	vnsel vm14, $0x100000, v56;
	v8 =	vnsel vm15, $0x100000, v59;
	v10 =	vnsel vm4, $0x100000, v10  }
0x76: {  	v50 =	vld [tilespmem:$0x4320];
	v12 =	vnsel vm5, $0x100000, v30;
	v14 =	vnsel vm6, $0x100000, v33;
	v16 =	vnsel vm7, $0x100000, v16  }
0x77: {  	v29 =	vld [tilespmem:$0x4120];
	v38 =	vadd.s32 v21, v20;
	v7 =	vnsel vm9, $0x100000, v7;
	v9 =	vnsel vm10, $0x100000, v9  }
0x78: {  	v53 =	vld [tilespmem:$0x4130];
	v11 =	vadd.s32 v61, v44;
	v49 =	vshll.u32 v17, $0xB;
	vm13 =	vlt.u32 v17, $0x200  }
0x79: {  	v62 =	vld [tilespmem:$0x4150];
	vm14 =	vlt.u32 v52, $0x200;
	v59 =	vshll.u32 v57, $0xB;
	v20 =	vsub.s32 v43, v0;
	[tilespmem:$0x4400] =	vst v4  }
0x7a: {  	v27 =	vld [tilespmem:$0x4350];
	vm15 =	vlt.u32 v57, $0x200;
	v30 =	vshll.u32 v63, $0xB;
	vm5 =	vlt.u32 v63, $0x200;
	[tilespmem:$0x4410] =	vst v5  }
0x7b: {  	v46 =	vld [tilespmem:$0x4380];
	v33 =	vsub.s32 v50, v0;
	v18 =	vnsel vm8, $0x100000, v38;
	v11 =	vnsel vm11, $0x100000, v11;
	[tilespmem:$0x4420] =	vst v6  }
0x7c: {  	v60 =	vld [tilespmem:$0x4340];
	v51 =	vadd.s32 v25, v49;
	v4 =	vnsel vm12, $0x100000, v48;
	v5 =	vadd.s32 v37, v55;
	[tilespmem:$0x4430] =	vst v8  }
0x7d: {  	v34 =	vld [tilespmem:$0x4360];
	v6 =	vadd.s32 v40, v59;
	v61 =	vshll.u32 v20, $0xB;
	[tilespmem:$0x4440] =	vst v10;
	vm4 =	vlt.u32 v20, $0x200  }
0x7e: {  	v56 =	vld [tilespmem:$0x4330];
	[tilespmem:$0x4450] =	vst v12;
	v32 =	vadd.s32 v28, v30;
	v35 =	vshll.u32 v33, $0xB;
	vm6 =	vlt.u32 v33, $0x200  }
0x7f: {  	v31 =	vld [tilespmem:$0x4160];
	[tilespmem:$0x4460] =	vst v14;
	v54 =	vnsel vm13, $0x100000, v51;
	v5 =	vnsel vm14, $0x100000, v5;
	v8 =	vadd.s32 v42, v61  }
0x80: {  	v58 =	vld [tilespmem:$0x4140];
	[tilespmem:$0x4470] =	vst v16;
	v6 =	vnsel vm15, $0x100000, v6;
	v10 =	vnsel vm5, $0x100000, v32;
	v38 =	vadd.s32 v29, v35  }
0x81: {  	v63 =	vld [tilespmem:$0x43C0];
	[tilespmem:$0x4490] =	vst v7;
	v8 =	vnsel vm4, $0x100000, v8;
	v44 =	vnsel vm6, $0x100000, v38;
	v48 =	vsub.s32 v27, v0  }
0x82: {  	v43 =	vld [tilespmem:$0x4180];
	[tilespmem:$0x44A0] =	vst v9;
	v42 =	vsub.s32 v60, v0;
	v50 =	vshll.u32 v48, $0xB;
	v14 =	vsub.s32 v34, v0  }
0x83: {  	v40 =	vld [tilespmem:$0x4370];
	[tilespmem:$0x4480] =	vst v18;
	vm9 =	vlt.u32 v48, $0x200;
	v60 =	vsub.s32 v46, v0;
	v36 =	vsub.s32 v56, v0  }
0x84: {  	v55 =	vld [tilespmem:$0x43A0];
	[tilespmem:$0x44B0] =	vst v11;
	v45 =	vshll.u32 v42, $0xB;
	vm8 =	vlt.u32 v42, $0x200;
	v11 =	vadd.s32 v62, v50  }
0x85: {  	v37 =	vld [tilespmem:$0x4170];
	[tilespmem:$0x44C0] =	vst v4;
	v52 =	vshll.u32 v14, $0xB;
	vm10 =	vlt.u32 v14, $0x200;
	v62 =	vshll.u32 v60, $0xB  }
0x86: {  	v51 =	vld [tilespmem:$0x4390];
	[tilespmem:$0x44D0] =	vst v54;
	vm12 =	vlt.u32 v60, $0x200;
	v34 =	vsub.s32 v63, v0;
	v39 =	vshll.u32 v36, $0xB  }
0x87: {  	v61 =	vld [tilespmem:$0x43B0];
	[tilespmem:$0x44E0] =	vst v5;
	vm7 =	vlt.u32 v36, $0x200;
	v47 =	vadd.s32 v58, v45;
	v5 =	vadd.s32 v31, v52  }
0x88: {  	v35 =	vld [tilespmem:$0x43F0];
	[tilespmem:$0x44F0] =	vst v6;
	v54 =	vsub.s32 v40, v0;
	v56 =	vnsel vm9, $0x100000, v11;
	v22 =	vadd.s32 v43, v62  }
0x89: {  	v49 =	vld [tilespmem:$0x4190];
	[tilespmem:$0x4510] =	vst v10;
	v26 =	vsub.s32 v55, v0;
	v36 =	vshll.u32 v34, $0xB;
	vm4 =	vlt.u32 v34, $0x200  }
0x8a: {  	v27 =	vld [tilespmem:$0x43D0];
	[tilespmem:$0x4500] =	vst v8;
	v41 =	vadd.s32 v53, v39;
	v4 =	vnsel vm8, $0x100000, v47;
	v5 =	vnsel vm10, $0x100000, v5  }
0x8b: {  	v32 =	vld [tilespmem:$0x43E0];
	[tilespmem:$0x4520] =	vst v44;
	v57 =	vshll.u32 v54, $0xB;
	vm11 =	vlt.u32 v54, $0x200;
	v16 =	vsub.s32 v51, v0  }
0x8c: {  	v24 =	vld [tilespmem:$0x41C0];
	v28 =	vshll.u32 v26, $0xB;
	[tilespmem:$0x4550] =	vst v56;
	vm14 =	vlt.u32 v26, $0x200;
	v31 =	vsub.s32 v61, v0  }
0x8d: {  	v53 =	vld [tilespmem:$0x41A0];
	v43 =	vsub.s32 v35, v0;
	v7 =	vnsel vm7, $0x100000, v41;
	v59 =	vadd.s32 v37, v57;
	[tilespmem:$0x4540] =	vst v4  }
0x8e: {  	v58 =	vld [tilespmem:$0x41B0];
	v23 =	vshll.u32 v16, $0xB;
	vm13 =	vlt.u32 v16, $0x200;
	v4 =	vnsel vm12, $0x100000, v22;
	[tilespmem:$0x4560] =	vst v5  }
0x8f: {  	v29 =	vld [tilespmem:$0x41D0];
	v33 =	vshll.u32 v31, $0xB;
	vm15 =	vlt.u32 v31, $0x200;
	v38 =	vsub.s32 v27, v0;
	[tilespmem:$0x4530] =	vst v7  }
0x90: {  	v37 =	vld [tilespmem:$0x41E0];
	v41 =	vsub.s32 v32, v0;
	v8 =	vnsel vm11, $0x100000, v59;
	v25 =	vadd.s32 v49, v23;
	[tilespmem:$0x4580] =	vst v4  }
0x91: {  	v39 =	vld [tilespmem:$0x41F0];
	v44 =	vshll.u32 v43, $0xB;
	v4 =	vadd.s32 v24, v36;
	v7 =	vnsel vm13, $0x100000, v25;
	[tilespmem:$0x4570] =	vst v8  }
0x92: {  	v40 =	vshll.u32 v38, $0xB;
	v4 =	vnsel vm4, $0x100000, v4;
	[tilespmem:$0x4590] =	vst v7;
	v30 =	vadd.s32 v53, v28  }
0x93: {  	vm5 =	vlt.u32 v38, $0x200;
	v6 =	vadd.s32 v58, v33;
	[tilespmem:$0x45C0] =	vst v4;
	v5 =	vnsel vm14, $0x100000, v30  }
0x94: {  	v42 =	vshll.u32 v41, $0xB;
	v6 =	vnsel vm15, $0x100000, v6;
	[tilespmem:$0x45A0] =	vst v5;
	v5 =	vadd.s32 v29, v40  }
0x95: {  	vm6 =	vlt.u32 v41, $0x200;
	[tilespmem:$0x45B0] =	vst v6;
	v4 =	vadd.s32 v37, v42;
	v5 =	vnsel vm5, $0x100000, v5  }
0x96: {  	vm7 =	vlt.u32 v43, $0x200;
	v4 =	vnsel vm6, $0x100000, v4;
	[tilespmem:$0x45D0] =	vst v5;
	v5 =	vadd.s32 v39, v44  }
0x97: {  	[tilespmem:$0x45E0] =	vst v4;
	v4 =	vnsel vm7, $0x100000, v5  }
0x98: {  	[tilespmem:$0x45F0] =	vst v4  }
0x99: {  	[spmem:s1] =	stream.indirect.scatter.add.f32 [tilespmem:s0], [sflag:$0x1], $0x1, s31, s30, $0xb8;
	[tilespmem:$0x14688] =	vst v63  }
0x9a: {  	_ =	swait.ge [sflag:s21], $0x80  }
0x9b: {  	[sflag:s21] =	ssyncset.done $0x0  }
0x9c: {  	[sflag:s21] =	ssyncadd.s32 $0xFFFFFF80  }
0x9d: {  	[spmem:s1] =	stream.indirect.scatter.add.f32 [tilespmem:s0], [sflag:$0x1], $0x1, s3, s30, $0xb8;
	[tilespmem:$0x14688] =	vst v63  }
0x9e: {  	_ =	swait.ge [sflag:s21], $0x80  }
0x9f: {  	[sflag:s21] =	ssyncset.done $0x0  }
0xa0: {  	[sflag:s21] =	ssyncadd.s32 $0xFFFFFF80  }
0xa1: {  	[spmem:s1] =	stream.indirect.scatter.add.f32 [tilespmem:s0], [sflag:$0x1], $0x1, s20, s30, $0xb8;
	[tilespmem:$0x14688] =	vst v63  }
0xa2: {  	_ =	swait.ge [sflag:s21], $0x80  }
0xa3: {  	[sflag:s21] =	ssyncset.done $0x0  }
0xa4: {  	[sflag:s21] =	ssyncadd.s32 $0xFFFFFF80  }
0xa5: {  	[spmem:s1] =	stream.indirect.scatter.add.f32 [tilespmem:s0], [sflag:$0x1], $0x1, s22, s30, $0xb8;
	[tilespmem:$0x14688] =	vst v63  }
0xa6: {  	_ =	swait.ge [sflag:s21], $0x80  }
0xa7: {  	[sflag:s21] =	ssyncset.done $0x0  }
0xa8: {  	[sflag:s21] =	ssyncadd.s32 $0xFFFFFF80  }
0xa9: {  	s24 =	sor.u32 $0x1C01, s4;
	s25 =	sshrl.u32 s13, $0x3;
	[bflag:$0x0] =	sbarrier.arrive $0xFFFF  }
0xaa: {  	[hbm:s17], [sflag:s24] =	dma.local [spmem:s25], $0x2000  }
0xab: {  	_ =	swait.ge [sflag:s21], $0x2000  }
0xac: {  	[sflag:s21] =	ssyncset.done $0x0  }
0xad: {  	[sflag:s21] =	ssyncadd.s32 $0xFFFFE000  }
0xae: {  	[bflag:$0x0] =	sbarrier.arrive $0xFFFF  }
0xaf: {  	[spmem:s13] =	stream.linear.scatter [tilespmem:s2], [sflag:$0x1], $0x4000, $0x38;
	[tilespmem:$0x14688] =	vst v63  }
0xb0: {  	_ =	swait.ge [sflag:s21], $0x4000  }
0xb1: {  	[sflag:s21] =	ssyncset.done $0x0  }
0xb2: {  	[sflag:s21] =	ssyncadd.s32 $0xFFFFC000  }
0xb3: {  	[spmem:s14] =	stream.linear.scatter [tilespmem:s2], [sflag:$0x1], $0x4000, $0x38;
	[tilespmem:$0x14688] =	vst v63  }
0xb4: {  	_ =	swait.ge [sflag:s21], $0x4000  }
0xb5: {  	[sflag:s21] =	ssyncset.done $0x0  }
0xb6: {  	[sflag:s21] =	ssyncadd.s32 $0xFFFFC000  }
0xb7: {  	[spmem:s15] =	stream.linear.scatter [tilespmem:s2], [sflag:$0x1], $0x4000, $0x38;
	[tilespmem:$0x14688] =	vst v63  }
0xb8: {  	_ =	swait.ge [sflag:s21], $0x4000  }
0xb9: {  	[sflag:s21] =	ssyncset.done $0x0  }
0xba: {  	[sflag:s21] =	ssyncadd.s32 $0xFFFFC000  }
0xbb: {  	[spmem:s16] =	stream.linear.scatter [tilespmem:s2], [sflag:$0x1], $0x4000, $0x38;
	[tilespmem:$0x14688] =	vst v63  }
0xbc: {  	_ =	swait.ge [sflag:s21], $0x4000  }
0xbd: {  	[sflag:s21] =	ssyncset.done $0x0  }
0xbe: {  	[sflag:s21] =	ssyncadd.s32 $0xFFFFC000  }
0xbf: {  	[bflag:$0x0] =	sbarrier.arrive $0xFFFF  }
0xc0: {  	v4 =	vld [tilespmem:$0x4000]  }
0xc1: {  	v5 =	vld [tilespmem:$0x4200]  }
0xc2: {  	v45 =	vld [tilespmem:$0x4010]  }
0xc3: {  	v46 =	vld [tilespmem:$0x4210]  }
0xc4: {  	v47 =	vld [tilespmem:$0x4020]  }
0xc5: {  	v48 =	vld [tilespmem:$0x4220]  }
0xc6: {  	v49 =	vld [tilespmem:$0x4030]  }
0xc7: {  	v50 =	vld [tilespmem:$0x4230]  }
0xc8: {  	v51 =	vld [tilespmem:$0x4040]  }
0xc9: {  	v52 =	vld [tilespmem:$0x4240]  }
0xca: {  	v54 =	vld [tilespmem:$0x4250]  }
0xcb: {  	v56 =	vld [tilespmem:$0x4260]  }
0xcc: {  	v58 =	vld [tilespmem:$0x4270]  }
0xcd: {  	v61 =	vld [tilespmem:$0x4280]  }
0xce: {  	v30 =	vld [tilespmem:$0x4290]  }
0xcf: {  	v34 =	vld [tilespmem:$0x42A0]  }
0xd0: {  	v53 =	vld [tilespmem:$0x4050]  }
0xd1: {  	v55 =	vld [tilespmem:$0x4060];
	v5 =	vsub.s32 v5, v1;
	v7 =	vsub.s32 v46, v1;
	v62 =	vsub.s32 v48, v1  }
0xd2: {  	v57 =	vld [tilespmem:$0x4070];
	v32 =	vsub.s32 v50, v1;
	v13 =	vsub.s32 v52, v1;
	v38 =	vsub.s32 v54, v1  }
0xd3: {  	v60 =	vld [tilespmem:$0x4080];
	v42 =	vsub.s32 v56, v1;
	v19 =	vsub.s32 v58, v1;
	v48 =	vsub.s32 v61, v1  }
0xd4: {  	v63 =	vld [tilespmem:$0x4090];
	v52 =	vsub.s32 v30, v1;
	v23 =	vsub.s32 v34, v1;
	v59 =	vshll.u32 v5, $0xB  }
0xd5: {  	v33 =	vld [tilespmem:$0x40A0];
	vm8 =	vlt.u32 v5, $0x200;
	v5 =	vshll.u32 v7, $0xB;
	vm9 =	vlt.u32 v7, $0x200  }
0xd6: {  	v39 =	vld [tilespmem:$0x42B0];
	v9 =	vshll.u32 v62, $0xB;
	vm10 =	vlt.u32 v62, $0x200;
	v11 =	vshll.u32 v32, $0xB  }
0xd7: {  	v37 =	vld [tilespmem:$0x40B0];
	vm11 =	vlt.u32 v32, $0x200;
	v36 =	vshll.u32 v13, $0xB;
	vm12 =	vlt.u32 v13, $0x200  }
0xd8: {  	v40 =	vld [tilespmem:$0x40C0];
	v15 =	vshll.u32 v38, $0xB;
	vm13 =	vlt.u32 v38, $0x200;
	v17 =	vshll.u32 v42, $0xB  }
0xd9: {  	v43 =	vld [tilespmem:$0x42C0];
	vm14 =	vlt.u32 v42, $0x200;
	v46 =	vshll.u32 v19, $0xB;
	vm15 =	vlt.u32 v19, $0x200  }
0xda: {  	v44 =	vld [tilespmem:$0x40D0];
	v20 =	vshll.u32 v48, $0xB;
	vm4 =	vlt.u32 v48, $0x200;
	v22 =	vshll.u32 v52, $0xB  }
0xdb: {  	v26 =	vld [tilespmem:$0x4190];
	vm5 =	vlt.u32 v52, $0x200;
	vm6 =	vlt.u32 v23, $0x200;
	v13 =	vsub.s32 v39, v1  }
0xdc: {  	v28 =	vld [tilespmem:$0x4390];
	v4 =	vadd.s32 v4, v59;
	v5 =	vadd.s32 v45, v5;
	v31 =	vadd.s32 v47, v9  }
0xdd: {  	v50 =	vld [tilespmem:$0x42E0];
	v35 =	vadd.s32 v49, v11;
	v10 =	vadd.s32 v51, v36;
	v41 =	vadd.s32 v53, v15  }
0xde: {  	v54 =	vld [tilespmem:$0x42F0];
	v45 =	vadd.s32 v55, v17;
	v16 =	vadd.s32 v57, v46;
	v51 =	vadd.s32 v60, v20  }
0xdf: {  	v56 =	vld [tilespmem:$0x4100];
	v7 =	vadd.s32 v63, v22;
	v55 =	vshll.u32 v23, $0xB;
	v58 =	vshll.u32 v13, $0xB  }
0xe0: {  	v61 =	vld [tilespmem:$0x4310];
	vm7 =	vlt.u32 v13, $0x200;
	v60 =	vsub.s32 v43, v1;
	v4 =	vnsel vm8, $0x100000, v4  }
0xe1: {  	v32 =	vld [tilespmem:$0x4320];
	v5 =	vnsel vm9, $0x100000, v5;
	v6 =	vnsel vm10, $0x100000, v31;
	v8 =	vnsel vm11, $0x100000, v35  }
0xe2: {  	v38 =	vld [tilespmem:$0x4330];
	v10 =	vnsel vm12, $0x100000, v10;
	v12 =	vnsel vm13, $0x100000, v41;
	v14 =	vnsel vm14, $0x100000, v45  }
0xe3: {  	v47 =	vld [tilespmem:$0x42D0];
	v16 =	vnsel vm15, $0x100000, v16;
	v18 =	vnsel vm4, $0x100000, v51;
	v9 =	vadd.s32 v33, v55  }
0xe4: {  	v49 =	vld [tilespmem:$0x40E0];
	v7 =	vnsel vm5, $0x100000, v7;
	v11 =	vadd.s32 v37, v58;
	v62 =	vshll.u32 v60, $0xB  }
0xe5: {  	v57 =	vld [tilespmem:$0x4300];
	vm8 =	vlt.u32 v60, $0x200;
	v9 =	vnsel vm6, $0x100000, v9;
	v11 =	vnsel vm7, $0x100000, v11  }
0xe6: {  	v53 =	vld [tilespmem:$0x40F0];
	v30 =	vadd.s32 v40, v62;
	[tilespmem:$0x4470] =	vst v16;
	v16 =	vsub.s32 v28, v1;
	v34 =	vsub.s32 v50, v1  }
0xe7: {  	v46 =	vld [tilespmem:$0x4350];
	[tilespmem:$0x4400] =	vst v4;
	v4 =	vnsel vm8, $0x100000, v30;
	v39 =	vsub.s32 v54, v1;
	v45 =	vsub.s32 v61, v1  }
0xe8: {  	v42 =	vld [tilespmem:$0x4340];
	v37 =	vshll.u32 v34, $0xB;
	vm10 =	vlt.u32 v34, $0x200;
	v41 =	vshll.u32 v39, $0xB  }
0xe9: {  	v59 =	vld [tilespmem:$0x4110];
	vm11 =	vlt.u32 v39, $0x200;
	vm13 =	vlt.u32 v45, $0x200;
	v50 =	vsub.s32 v32, v1  }
0xea: {  	v63 =	vld [tilespmem:$0x4120];
	[tilespmem:$0x4410] =	vst v5;
	v17 =	vsub.s32 v47, v1;
	v5 =	vadd.s32 v49, v37;
	v20 =	vsub.s32 v57, v1  }
0xeb: {  	v51 =	vld [tilespmem:$0x4360];
	[tilespmem:$0x4420] =	vst v6;
	v6 =	vadd.s32 v53, v41;
	v47 =	vshll.u32 v45, $0xB;
	v52 =	vshll.u32 v50, $0xB  }
0xec: {  	v48 =	vld [tilespmem:$0x4160];
	[tilespmem:$0x4430] =	vst v8;
	v53 =	vsub.s32 v38, v1;
	vm14 =	vlt.u32 v50, $0x200;
	v25 =	vsub.s32 v46, v1  }
0xed: {  	v35 =	vld [tilespmem:$0x4130];
	[tilespmem:$0x4440] =	vst v10;
	v31 =	vshll.u32 v17, $0xB;
	vm9 =	vlt.u32 v17, $0x200;
	v5 =	vnsel vm10, $0x100000, v5  }
0xee: {  	v60 =	vld [tilespmem:$0x4180];
	[tilespmem:$0x4450] =	vst v12;
	v43 =	vshll.u32 v20, $0xB;
	vm12 =	vlt.u32 v20, $0x200;
	v6 =	vnsel vm11, $0x100000, v6  }
0xef: {  	v40 =	vld [tilespmem:$0x4140];
	[tilespmem:$0x4460] =	vst v14;
	v49 =	vadd.s32 v59, v47;
	v55 =	vadd.s32 v63, v52;
	vm15 =	vlt.u32 v53, $0x200  }
0xf0: {  	[tilespmem:$0x4480] =	vst v18;
	v30 =	vld [tilespmem:$0x41A0];
	v59 =	vsub.s32 v42, v1;
	v27 =	vshll.u32 v25, $0xB;
	v14 =	vsub.s32 v51, v1  }
0xf1: {  	[tilespmem:$0x4490] =	vst v7;
	v32 =	vld [tilespmem:$0x43A0];
	vm5 =	vlt.u32 v25, $0x200;
	v42 =	vshll.u32 v16, $0xB;
	v33 =	vadd.s32 v44, v31  }
0xf2: {  	[tilespmem:$0x44A0] =	vst v9;
	v57 =	vld [tilespmem:$0x4370];
	v8 =	vadd.s32 v56, v43;
	v10 =	vnsel vm13, $0x100000, v49;
	v56 =	vshll.u32 v53, $0xB  }
0xf3: {  	[tilespmem:$0x44B0] =	vst v11;
	v38 =	vld [tilespmem:$0x43B0];
	v61 =	vnsel vm14, $0x100000, v55;
	v62 =	vshll.u32 v59, $0xB;
	vm4 =	vlt.u32 v59, $0x200  }
0xf4: {  	[tilespmem:$0x44C0] =	vst v4;
	v46 =	vld [tilespmem:$0x43D0];
	v29 =	vshll.u32 v14, $0xB;
	vm6 =	vlt.u32 v14, $0x200;
	v36 =	vnsel vm9, $0x100000, v33  }
0xf5: {  	v63 =	vld [tilespmem:$0x4380];
	[tilespmem:$0x44E0] =	vst v5;
	v8 =	vnsel vm12, $0x100000, v8;
	v58 =	vadd.s32 v35, v56;
	v24 =	vadd.s32 v40, v62  }
0xf6: {  	v54 =	vld [tilespmem:$0x4170];
	[tilespmem:$0x44F0] =	vst v6;
	v5 =	vadd.s32 v48, v29;
	vm9 =	vlt.u32 v16, $0x200;
	v7 =	vnsel vm15, $0x100000, v58  }
0xf7: {  	v44 =	vld [tilespmem:$0x4150];
	[tilespmem:$0x4510] =	vst v10;
	v4 =	vnsel vm4, $0x100000, v24;
	v5 =	vnsel vm6, $0x100000, v5;
	v45 =	vsub.s32 v32, v1  }
0xf8: {  	v51 =	vld [tilespmem:$0x43E0];
	[tilespmem:$0x4520] =	vst v61;
	v31 =	vsub.s32 v57, v1;
	v47 =	vshll.u32 v45, $0xB;
	vm10 =	vlt.u32 v45, $0x200  }
0xf9: {  	v35 =	vld [tilespmem:$0x41B0];
	[tilespmem:$0x44D0] =	vst v36;
	v50 =	vsub.s32 v38, v1;
	v57 =	vsub.s32 v46, v1;
	v34 =	vshll.u32 v31, $0xB  }
0xfa: {  	v40 =	vld [tilespmem:$0x43C0];
	[tilespmem:$0x4500] =	vst v8;
	vm7 =	vlt.u32 v31, $0x200;
	v37 =	vsub.s32 v63, v1;
	v49 =	vadd.s32 v30, v47  }
0xfb: {  	v48 =	vld [tilespmem:$0x41D0];
	[tilespmem:$0x4530] =	vst v7;
	v52 =	vshll.u32 v50, $0xB;
	vm11 =	vlt.u32 v50, $0x200;
	v59 =	vshll.u32 v57, $0xB  }
0xfc: {  	[tilespmem:$0x4540] =	vst v4;
	vm13 =	vlt.u32 v57, $0x200;
	v11 =	vadd.s32 v44, v27;
	v36 =	vadd.s32 v54, v34  }
0xfd: {  	v43 =	vld [tilespmem:$0x41C0];
	[tilespmem:$0x4560] =	vst v5;
	v39 =	vshll.u32 v37, $0xB;
	vm8 =	vlt.u32 v37, $0x200;
	v5 =	vnsel vm10, $0x100000, v49  }
0xfe: {  	v44 =	vadd.s32 v26, v42;
	v54 =	vld [tilespmem:$0x43F0];
	v33 =	vnsel vm5, $0x100000, v11;
	v8 =	vnsel vm7, $0x100000, v36;
	[tilespmem:$0x45A0] =	vst v5  }
0xff: {  	v56 =	vld [tilespmem:$0x41E0];
	v41 =	vadd.s32 v60, v39;
	v7 =	vnsel vm9, $0x100000, v44;
	v53 =	vsub.s32 v40, v1;
	[tilespmem:$0x4550] =	vst v33  }
0x100: {  	v58 =	vld [tilespmem:$0x41F0];
	v6 =	vadd.s32 v35, v52;
	v5 =	vadd.s32 v48, v59;
	v60 =	vsub.s32 v51, v1;
	[tilespmem:$0x4570] =	vst v8  }
0x101: {  	v4 =	vnsel vm8, $0x100000, v41;
	v55 =	vshll.u32 v53, $0xB;
	vm12 =	vlt.u32 v53, $0x200;
	[tilespmem:$0x4590] =	vst v7  }
0x102: {  	v6 =	vnsel vm11, $0x100000, v6;
	v5 =	vnsel vm13, $0x100000, v5;
	[tilespmem:$0x4580] =	vst v4;
	v4 =	vadd.s32 v43, v55  }
0x103: {  	v61 =	vshll.u32 v60, $0xB;
	[tilespmem:$0x45B0] =	vst v6;
	v4 =	vnsel vm12, $0x100000, v4;
	v62 =	vsub.s32 v54, v1  }
0x104: {  	vm14 =	vlt.u32 v60, $0x200;
	[tilespmem:$0x45C0] =	vst v4;
	v4 =	vadd.s32 v56, v61;
	v63 =	vshll.u32 v62, $0xB  }
0x105: {  	[tilespmem:$0x45D0] =	vst v5;
	v4 =	vnsel vm14, $0x100000, v4;
	vm15 =	vlt.u32 v62, $0x200;
	v5 =	vadd.s32 v58, v63  }
0x106: {  	[tilespmem:$0x45E0] =	vst v4;
	v4 =	vnsel vm15, $0x100000, v5  }
0x107: {  	[tilespmem:$0x45F0] =	vst v4  }
0x108: {  	[spmem:s1] =	stream.indirect.scatter.add.f32 [tilespmem:s0], [sflag:$0x1], $0x1, s31, s30, $0xb8;
	[tilespmem:$0x14688] =	vst v63  }
0x109: {  	_ =	swait.ge [sflag:s21], $0x80  }
0x10a: {  	[sflag:s21] =	ssyncset.done $0x0  }
0x10b: {  	[sflag:s21] =	ssyncadd.s32 $0xFFFFFF80  }
0x10c: {  	[spmem:s1] =	stream.indirect.scatter.add.f32 [tilespmem:s0], [sflag:$0x1], $0x1, s3, s30, $0xb8;
	[tilespmem:$0x14688] =	vst v63  }
0x10d: {  	_ =	swait.ge [sflag:s21], $0x80  }
0x10e: {  	[sflag:s21] =	ssyncset.done $0x0  }
0x10f: {  	[sflag:s21] =	ssyncadd.s32 $0xFFFFFF80  }
0x110: {  	[spmem:s1] =	stream.indirect.scatter.add.f32 [tilespmem:s0], [sflag:$0x1], $0x1, s20, s30, $0xb8;
	[tilespmem:$0x14688] =	vst v63  }
0x111: {  	_ =	swait.ge [sflag:s21], $0x80  }
0x112: {  	[sflag:s21] =	ssyncset.done $0x0  }
0x113: {  	[sflag:s21] =	ssyncadd.s32 $0xFFFFFF80  }
0x114: {  	[spmem:s1] =	stream.indirect.scatter.add.f32 [tilespmem:s0], [sflag:$0x1], $0x1, s22, s30, $0xb8;
	[tilespmem:$0x14688] =	vst v63  }
0x115: {  	_ =	swait.ge [sflag:s21], $0x80  }
0x116: {  	[sflag:s21] =	ssyncset.done $0x0  }
0x117: {  	s23 =	sadd.s32 $0x1, s23;
	[sflag:s21] =	ssyncadd.s32 $0xFFFFFF80  }
0x118: {  	p0 =	sne.s32 s23, s19;
	[bflag:$0x0] =	sbarrier.arrive $0xFFFF  }
0x119: {  	[hbm:s18], [sflag:s24] =	dma.local [spmem:s25], $0x2000  }
.Ltmp1:
0x11a: {  	_ =	swait.ge [sflag:s21], $0x2000;
	(pc) =	sbr.rel @p0 .LBB2_1-.Ltmp1, $3  }
0x11b: {  	[sflag:s21] =	ssyncset.done $0x0  }
0x11c: {  	[sflag:s21] =	ssyncadd.s32 $0xFFFFE000  }
0x11d: {  	[bflag:$0x0] =	sbarrier.arrive $0xFFFF;
	_ =	sdelay $0x1  }
0x11e: {  	_ =	sfence.sel $0x180000  }
0x11f: {  	[bflag:$0x0] =	sbarrier.arrive $0xFFFF  }
0x120: {  	_ =	strace $0x90000047  }
0x121: {  	s0 =	stileid.u32;
	[bflag:$0x2] =	sbarrier.arrive $0xFFFF  }
0x122: {  	p0 =	sne.s32 s0, $0x0;
	s0 =	rddreg [dreg:$0x2]  }
0x123: {  	s0 =	sadd.s32 @!p0 $0x100000, s0  }
0x124: {  	[sflag:s0] =	ssyncadd.tile.s32 @!p0 $0x1;
	_ =	shalt  }
.Lfunc_end2:
_tile_overlayer_lowered:
.L_overlay_start_2:
0x125: {  	(tag) =	ssettag $0x2  }
0x126: {  	s0 =	rddreg [dreg:$0x0];
	s2 =	stileid.u32  }
0x127: {  	s1 =	rddreg [dreg:$0x1];
	p0 =	sne.s32 s2, $0x0  }
0x128: {  	s3 =	rddreg [dreg:$0x2];
	[bflag:$0x3] =	sbarrier.arrive $0xFFFF;
	s2 =	simm.s32 @!p0 $0x1C01  }
0x129: {  	[timem:s3], [sflag:s2] =	dma.local @!p0 [hbm:s0], s1  }
0x12a: {  	s0 =	simm.s32 @!p0 $0x1  }
0x12b: {  	_ =	swait.ge @!p0 [sflag:s0], s1  }
0x12c: {  	s1 =	ssub.s32 @!p0 $0x0, s1;
	[sflag:s0] =	ssyncset.done @!p0 $0x0  }
0x12d: {  	[sflag:s0] =	ssyncadd.s32 @!p0 s1  }
0x12e: {  	[bflag:$0x3] =	sbarrier.arrive $0xFFFF  }
0x12f: {  	_ =	shalt  }

</sc_bundles>
